<compile_context>
chip_gen: v7x
topology: tpu7x:2x2x1
jax: 0.10.2.dev20260603
libtpu: 0.0.44.dev20260713+nightly
codegen_flags: <defaults>
</compile_context>

<pallas_src>
import functools

import jax
import jax.numpy as jnp
from jax import lax
from jax.experimental import pallas as pl
from jax.experimental.pallas import tpu as pltpu
from jax.experimental.pallas import tpu_sc as plsc

N = 10000
E = 320000
D_IN = 128
H = 64
G = 16
OUT = 2

NC = 2
NS = 16
NW = NC * NS
HH = H // NC

C = 128
CHUNKS = 80
EPW = C * CHUNKS
E_PAD = NW * EPW
CH2 = 160
NG = CH2 // 2
CPG = 2
NQ = 4

ROWS = 10240
RPT = ROWS // NS
ROWS2 = 10112
RPT2 = ROWS2 // NS
OPT = 624
TAIL = N - NS * OPT
DW = 16



@functools.cache
def _sc_kernels():
    mesh = plsc.VectorSubcoreMesh(core_axis_name="c", subcore_axis_name="s",
                                  num_cores=NC, num_subcores=NS)

    @functools.partial(
        pl.kernel,
        out_type=jax.ShapeDtypeStruct((NC, N, DW), jnp.float32),
        mesh=mesh,
        scratch_types=[
            pltpu.VMEM((CHUNKS, C), jnp.int32),
            pltpu.VMEM((C, DW), jnp.float32),
            pltpu.VMEM_SHARED((ROWS, DW), jnp.float32),
            pltpu.SemaphoreType.DMA,
        ],
        compiler_params=pltpu.CompilerParams(use_tc_tiling_on_sc=False),
    )
    def sc_deg(dst_hbm, ones_hbm, zeros_hbm, out_hbm, dst_v, ones_v, acc, sem):
        cid = lax.axis_index("c")
        sid = lax.axis_index("s")
        wid = sid * NC + cid
        pltpu.sync_copy(zeros_hbm, acc.at[pl.ds(sid * RPT, RPT)])
        pltpu.sync_copy(ones_hbm, ones_v)
        pltpu.sync_copy(dst_hbm.at[pl.ds(wid * CHUNKS, CHUNKS)], dst_v)
        plsc.subcore_barrier()

        def body(t, carry):
            for k in range(4):
                pltpu.async_copy(ones_v, acc.at[dst_v.at[t * 4 + k]], sem,
                                 add=True)
            for k in range(4):
                pltpu.make_async_copy(
                    ones_v, acc.at[dst_v.at[t * 4 + k]], sem).wait()
            return carry

        lax.fori_loop(0, CHUNKS // 4, body, 0)
        plsc.subcore_barrier()
        pltpu.sync_copy(acc.at[pl.ds(sid * OPT, OPT)],
                        out_hbm.at[cid, pl.ds(sid * OPT, OPT)])

        @pl.when(sid == NS - 1)
        def _():
            pltpu.sync_copy(acc.at[pl.ds(NS * OPT, TAIL)],
                            out_hbm.at[cid, pl.ds(NS * OPT, TAIL)])

    @functools.partial(
        pl.kernel,
        out_type=jax.ShapeDtypeStruct((NC, N, HH), jnp.float32),
        mesh=mesh,
        scratch_types=(
            [pltpu.VMEM((CH2, C), jnp.int32),
             pltpu.VMEM((CH2, C), jnp.int32)]
            + [pltpu.VMEM((C, HH), jnp.float32) for _ in range(NQ * CPG)]
            + [pltpu.VMEM_SHARED((ROWS2, HH), jnp.float32),
               pltpu.VMEM_SHARED((N, HH), jnp.float32)]
            + [pltpu.SemaphoreType.DMA for _ in range(2 * NQ)]
        ),
        compiler_params=pltpu.CompilerParams(use_tc_tiling_on_sc=False),
    )
    def sc_edge(u_hbm, src_hbm, dst_hbm, zeros_hbm, out_hbm,
                src_v, dst_v, b0, b1, b2, b3, b4, b5, b6, b7, acc, u_spm,
                sg0, sg1, sg2, sg3, ss0, ss1, ss2, ss3):
        bufs = ((b0, b1), (b2, b3), (b4, b5), (b6, b7))
        sgs = (sg0, sg1, sg2, sg3)
        sss = (ss0, ss1, ss2, ss3)
        cid = lax.axis_index("c")
        sid = lax.axis_index("s")
        pltpu.sync_copy(zeros_hbm, acc.at[pl.ds(sid * RPT2, RPT2)])
        pltpu.sync_copy(src_hbm.at[pl.ds(sid * CH2, CH2)], src_v)
        pltpu.sync_copy(dst_hbm.at[pl.ds(sid * CH2, CH2)], dst_v)
        pltpu.sync_copy(u_hbm.at[cid, pl.ds(sid * OPT, OPT)],
                        u_spm.at[pl.ds(sid * OPT, OPT)])

        @pl.when(sid == NS - 1)
        def _():
            pltpu.sync_copy(u_hbm.at[cid, pl.ds(NS * OPT, TAIL)],
                            u_spm.at[pl.ds(NS * OPT, TAIL)])

        plsc.subcore_barrier()

        def fire_gather(g, q):
            for k in range(CPG):
                pltpu.async_copy(u_spm.at[src_v.at[g * CPG + k]],
                                 bufs[q][k], sgs[q])

        def drain_gather(g, q):
            for k in range(CPG):
                pltpu.make_async_copy(u_spm.at[src_v.at[g * CPG + k]],
                                      bufs[q][k], sgs[q]).wait()

        def fire_scatter(g, q):
            for k in range(CPG):
                pltpu.async_copy(bufs[q][k], acc.at[dst_v.at[g * CPG + k]],
                                 sss[q], add=True)

        def drain_scatter(g, q):
            for k in range(CPG):
                pltpu.make_async_copy(bufs[q][k],
                                      acc.at[dst_v.at[g * CPG + k]],
                                      sss[q]).wait()

        fire_gather(0, 0)
        fire_gather(1, 1)

        def step(g, q):
            @pl.when(g >= 2)
            def _():
                drain_scatter(g - 2, (q + 2) % NQ)

            @pl.when(g + 2 < NG)
            def _():
                fire_gather(g + 2, (q + 2) % NQ)

            drain_gather(g, q)
            fire_scatter(g, q)

        def body(t, carry):
            for k in range(NQ):
                step(t * NQ + k, k)
            return carry

        lax.fori_loop(0, NG // NQ, body, 0)
        drain_scatter(NG - 2, (NG - 2) % NQ)
        drain_scatter(NG - 1, (NG - 1) % NQ)
        plsc.subcore_barrier()
        pltpu.sync_copy(acc.at[pl.ds(sid * OPT, OPT)],
                        out_hbm.at[cid, pl.ds(sid * OPT, OPT)])

        @pl.when(sid == NS - 1)
        def _():
            pltpu.sync_copy(acc.at[pl.ds(NS * OPT, TAIL)],
                            out_hbm.at[cid, pl.ds(NS * OPT, TAIL)])

    return sc_deg, sc_edge



BLK = 1000


def _tc1_body(x_ref, w_ref, degp_ref, u_ref, dinv_ref):
    d = degp_ref[...]
    deg = d[0, :, :1] + d[1, :, :1] + 1.0
    dinv = lax.rsqrt(deg)
    h = jnp.dot(x_ref[...], w_ref[...],
                preferred_element_type=jnp.float32) * dinv
    u_ref[0] = h[:, :HH]
    u_ref[1] = h[:, HH:]
    dinv_ref[...] = jnp.broadcast_to(dinv, (BLK, H))


_tc1 = pl.pallas_call(
    _tc1_body,
    grid=(N // BLK,),
    in_specs=[
        pl.BlockSpec((BLK, D_IN), lambda i: (i, 0)),
        pl.BlockSpec((D_IN, H), lambda i: (0, 0)),
        pl.BlockSpec((NC, BLK, DW), lambda i: (0, i, 0)),
    ],
    out_specs=[
        pl.BlockSpec((NC, BLK, HH), lambda i: (0, i, 0)),
        pl.BlockSpec((BLK, H), lambda i: (i, 0)),
    ],
    out_shape=[
        jax.ShapeDtypeStruct((NC, N, HH), jnp.float32),
        jax.ShapeDtypeStruct((N, H), jnp.float32),
    ],
)


def _tc_mid_body(sp_ref, u_ref, dinv_ref, b_ref, w_ref, out_ref):
    sp = sp_ref[...]
    up = u_ref[...]
    s = jnp.concatenate([sp[0] + up[0], sp[1] + up[1]], axis=1)
    dinv = dinv_ref[...]
    h = jnp.maximum(s * dinv + b_ref[...], 0.0)
    m = jnp.dot(h, w_ref[...], preferred_element_type=jnp.float32) * dinv
    out_ref[0] = m[:, :HH]
    out_ref[1] = m[:, HH:]


_tc_mid = pl.pallas_call(
    _tc_mid_body,
    grid=(N // BLK,),
    in_specs=[
        pl.BlockSpec((NC, BLK, HH), lambda i: (0, i, 0)),
        pl.BlockSpec((NC, BLK, HH), lambda i: (0, i, 0)),
        pl.BlockSpec((BLK, H), lambda i: (i, 0)),
        pl.BlockSpec((1, H), lambda i: (0, 0)),
        pl.BlockSpec((H, H), lambda i: (0, 0)),
    ],
    out_specs=pl.BlockSpec((NC, BLK, HH), lambda i: (0, i, 0)),
    out_shape=jax.ShapeDtypeStruct((NC, N, HH), jnp.float32),
)


def _tc4_body(sp_ref, u_ref, dinv_ref, b_ref, batch_ref,
              wc1_ref, bc1_ref, wc2_ref, bc2_ref, out_ref):
    sp = sp_ref[...]
    up = u_ref[...]
    s = jnp.concatenate([sp[0] + up[0], sp[1] + up[1]], axis=1)
    h3 = s * dinv_ref[...] + b_ref[...]
    bt = batch_ref[...]
    neg_inf = jnp.float32(-jnp.inf)
    oneh = (bt == lax.broadcasted_iota(jnp.int32, (1, G), 1)
            ).astype(jnp.float32)
    dn = (((0,), (0,)), ((), ()))
    seg_sum = lax.dot_general(oneh, h3, dn,
                              preferred_element_type=jnp.float32)
    counts = lax.dot_general(oneh, jnp.ones((N, 1), jnp.float32),
                             dn, preferred_element_type=jnp.float32)
    maxs = []
    for g in range(G):
        m = bt == g
        maxs.append(jnp.max(jnp.where(m, h3, neg_inf), axis=0, keepdims=True))
    seg_max = jnp.concatenate(maxs, axis=0)
    mean = seg_sum / jnp.maximum(counts, 1.0)
    feat = jnp.concatenate([mean, seg_max], axis=1)
    z = jnp.maximum(
        jnp.dot(feat, wc1_ref[...], preferred_element_type=jnp.float32)
        + bc1_ref[...], 0.0)
    out_ref[...] = jnp.dot(
        z, wc2_ref[...], preferred_element_type=jnp.float32) + bc2_ref[...]


_tc4 = pl.pallas_call(
    _tc4_body,
    out_shape=jax.ShapeDtypeStruct((G, OUT), jnp.float32),
    compiler_params=pltpu.CompilerParams(
        vmem_limit_bytes=100 * 1024 * 1024),
)



def kernel(x, edge_index, batch, W1, b1, W2, b2, W3, b3, Wc1, bc1, Wc2, bc2):
    src = edge_index[0]
    dst = edge_index[1]
    pad = E_PAD - E
    src_p = jnp.concatenate(
        [src, jnp.zeros((pad,), jnp.int32)]).reshape(NW * CHUNKS, C)
    dst_p = jnp.concatenate(
        [dst, jnp.full((pad,), N, jnp.int32)]).reshape(NW * CHUNKS, C)
    zeros_h = jnp.zeros((RPT2, HH), jnp.float32)
    zeros_d = jnp.zeros((RPT, DW), jnp.float32)
    ones_d = jnp.ones((C, DW), jnp.float32)

    sc_deg, sc_edge = _sc_kernels()
    degp = sc_deg(dst_p, ones_d, zeros_d)
    u1, dinv = _tc1(x, W1, degp)
    s1 = sc_edge(u1, src_p, dst_p, zeros_h)
    u2 = _tc_mid(s1, u1, dinv, b1.reshape(1, H), W2)
    s2 = sc_edge(u2, src_p, dst_p, zeros_h)
    u3 = _tc_mid(s2, u2, dinv, b2.reshape(1, H), W3)
    s3 = sc_edge(u3, src_p, dst_p, zeros_h)
    logits = _tc4(s3, u3, dinv, b3.reshape(1, H), batch.reshape(N, 1),
                  Wc1, bc1.reshape(1, H), Wc2, bc2.reshape(1, OUT))
    return logits

# --- scband reference (transcript-rebuilt; emitter-appended) ---
"""Pipeline reference for scband-gnnvulnerability-detector-84550726189262 (READ-ONLY COPY).

The authoritative reference and input builder live on the scoring server;
editing this copy changes nothing except your own understanding.
"""

import jax, jax.numpy as jnp
import numpy as np
import jax.ops

N = 10000
E = 320000
D_IN = 128
H = 64
G = 16
OUT = 2


def _gcn_conv(x, W, b, src, dst, num_nodes):
    # x' = D^{-1/2} (A + I) D^{-1/2} (x W) + b  (PyG GCNConv with self-loops)
    h = x @ W
    loop = jnp.arange(num_nodes, dtype=src.dtype)
    src_f = jnp.concatenate([src, loop])
    dst_f = jnp.concatenate([dst, loop])
    deg = jnp.zeros((num_nodes,), dtype=h.dtype).at[dst_f].add(1.0)
    dinv = jnp.where(deg > 0, deg ** -0.5, 0.0)
    norm = dinv[src_f] * dinv[dst_f]
    msg = h[src_f] * norm[:, None]
    out = jnp.zeros_like(h).at[dst_f].add(msg)
    return out + b


def setup_inputs(seed: int = 0) -> dict:
    key = jax.random.key(seed)
    ks = jax.random.split(key, 12)
    x = jax.random.normal(ks[0], (N, D_IN), dtype=jnp.float32)
    edge_index = jax.random.randint(ks[1], (2, E), 0, N, dtype=jnp.int32)
    batch = jnp.sort(jax.random.randint(ks[2], (N,), 0, G, dtype=jnp.int32))
    def xavier(k, shape):
        fan_in, fan_out = shape[0], shape[1]
        a = float(np.sqrt(6.0 / (fan_in + fan_out)))
        return jax.random.uniform(k, shape, dtype=jnp.float32, minval=-a, maxval=a)
    return {
        "x": x,
        "edge_index": edge_index,
        "batch": batch,
        "W1": xavier(ks[3], (D_IN, H)), "b1": jnp.zeros((H,), jnp.float32),
        "W2": xavier(ks[4], (H, H)),   "b2": jnp.zeros((H,), jnp.float32),
        "W3": xavier(ks[5], (H, H)),   "b3": jnp.zeros((H,), jnp.float32),
        "Wc1": xavier(ks[6], (2 * H, H)), "bc1": jnp.zeros((H,), jnp.float32),
        "Wc2": xavier(ks[7], (H, OUT)),   "bc2": jnp.zeros((OUT,), jnp.float32),
    }


def reference(x, edge_index, batch, W1, b1, W2, b2, W3, b3, Wc1, bc1, Wc2, bc2):
    src = edge_index[0]
    dst = edge_index[1]
    # layer 1 + relu (dropout is identity in eval mode)
    h = _gcn_conv(x, W1, b1, src, dst, N)
    h = jax.nn.relu(h)
    # layer 2 + relu
    h = _gcn_conv(h, W2, b2, src, dst, N)
    h = jax.nn.relu(h)
    # layer 3 (no activation)
    h = _gcn_conv(h, W3, b3, src, dst, N)
    # global mean pool
    seg_sum = jax.ops.segment_sum(h, batch, num_segments=G)
    counts = jax.ops.segment_sum(jnp.ones((N,), h.dtype), batch, num_segments=G)
    x_mean = seg_sum / jnp.maximum(counts, 1.0)[:, None]
    # global max pool
    x_max = jax.ops.segment_max(h, batch, num_segments=G)
    feat = jnp.concatenate([x_mean, x_max], axis=1)
    # classifier: Linear -> ReLU -> (Dropout=id) -> Linear
    z = jax.nn.relu(feat @ Wc1 + bc1)
    logits = z @ Wc2 + bc2
    return logits

if __name__ == "__main__":
    import jax
    _d = setup_inputs()
    print(jax.jit(kernel)(*tuple(_d.values())))

</pallas_src>

<mosaic_0001>
#map = affine_map<(d0, d1) -> (0, 0)>
#map1 = affine_map<(d0, d1) -> (0, 0, 0)>
module attributes {stable_mosaic.version = 14 : i64} {
  func.func @sc_deg(%arg0: i32, %arg1: i32, %arg2: memref<2560x128xi32, #tpu.memory_space<hbm>>, %arg3: memref<128x16xf32, #tpu.memory_space<hbm>>, %arg4: memref<640x16xf32, #tpu.memory_space<hbm>>, %arg5: memref<2x10000x16xf32, #tpu.memory_space<hbm>>, %arg6: memref<80x128xi32, #tpu.memory_space<vmem>>, %arg7: memref<128x16xf32, #tpu.memory_space<vmem>>, %arg8: memref<10240x16xf32, #tpu.memory_space<vmem_shared>>, %arg9: memref<!tpu.dma_semaphore, #tpu.memory_space<semaphore_mem>>) attributes {dimension_semantics = [#tpu.dimension_semantics<core_parallel>, #tpu.dimension_semantics<subcore_parallel>], iteration_bounds = array<i64: 2, 16>, scalar_prefetch = 0 : i64, scratch_operands = 4 : i64, tpu.core_type = #tpu.core_type<sc_vector_subcore>, window_params = [{transform_indices = #map}, {transform_indices = #map}, {transform_indices = #map}, {transform_indices = #map1}]} {
    %mul3A = arith.constant 2 : i32
    %mul3A_0 = arith.muli %arg1, %mul3A : i32
    %add3A = arith.addi %mul3A_0, %arg0 : i32
    %mul3A_1 = arith.constant 640 : i32
    %mul3A_2 = arith.muli %arg1, %mul3A_1 : i32
    "tpu.region"() ({
      %run_scoped3A = tpu.sem_alloc : memref<!tpu.dma_semaphore, #tpu.memory_space<semaphore_mem>>
      %dma_start3A = arith.constant 0 : i32
      %dma_start3A_17 = tpu.memref_slice %arg8[%mul3A_2, %dma_start3A] : memref<10240x16xf32, #tpu.memory_space<vmem_shared>> -> memref<640x16xf32, #tpu.memory_space<vmem_shared>>
      tpu.enqueue_dma source(%arg4 : memref<640x16xf32, #tpu.memory_space<hbm>>) target(%dma_start3A_17 : memref<640x16xf32, #tpu.memory_space<vmem_shared>>) target_semaphore(%run_scoped3A : memref<!tpu.dma_semaphore, #tpu.memory_space<semaphore_mem>>)
      %dma_wait3A = arith.constant 0 : i32
      %dma_wait3A_18 = tpu.memref_slice %arg8[%mul3A_2, %dma_wait3A] : memref<10240x16xf32, #tpu.memory_space<vmem_shared>> -> memref<640x16xf32, #tpu.memory_space<vmem_shared>>
      tpu.wait_dma2 semaphore(%run_scoped3A : memref<!tpu.dma_semaphore, #tpu.memory_space<semaphore_mem>>) src(%arg4 : memref<640x16xf32, #tpu.memory_space<hbm>>) dst(%dma_wait3A_18 : memref<640x16xf32, #tpu.memory_space<vmem_shared>>)
      tpu.yield
    }) : () -> ()
    "tpu.region"() ({
      %run_scoped3A = tpu.sem_alloc : memref<!tpu.dma_semaphore, #tpu.memory_space<semaphore_mem>>
      tpu.enqueue_dma source(%arg3 : memref<128x16xf32, #tpu.memory_space<hbm>>) target(%arg7 : memref<128x16xf32, #tpu.memory_space<vmem>>) target_semaphore(%run_scoped3A : memref<!tpu.dma_semaphore, #tpu.memory_space<semaphore_mem>>)
      tpu.wait_dma2 semaphore(%run_scoped3A : memref<!tpu.dma_semaphore, #tpu.memory_space<semaphore_mem>>) src(%arg3 : memref<128x16xf32, #tpu.memory_space<hbm>>) dst(%arg7 : memref<128x16xf32, #tpu.memory_space<vmem>>)
      tpu.yield
    }) : () -> ()
    %mul3A_3 = arith.constant 80 : i32
    %mul3A_4 = arith.muli %add3A, %mul3A_3 : i32
    "tpu.region"() ({
      %run_scoped3A = tpu.sem_alloc : memref<!tpu.dma_semaphore, #tpu.memory_space<semaphore_mem>>
      %dma_start3A = arith.constant 0 : i32
      %dma_start3A_17 = tpu.memref_slice %arg2[%mul3A_4, %dma_start3A] : memref<2560x128xi32, #tpu.memory_space<hbm>> -> memref<80x128xi32, #tpu.memory_space<hbm>>
      %dma_start3A_18 = arith.constant 0 : i32
      %dma_start3A_19 = tpu.memref_slice %arg2[%mul3A_4, %dma_start3A_18] : memref<2560x128xi32, #tpu.memory_space<hbm>> -> memref<80x128xi32, #tpu.memory_space<hbm>>
      tpu.enqueue_dma source(%dma_start3A_19 : memref<80x128xi32, #tpu.memory_space<hbm>>) target(%arg6 : memref<80x128xi32, #tpu.memory_space<vmem>>) target_semaphore(%run_scoped3A : memref<!tpu.dma_semaphore, #tpu.memory_space<semaphore_mem>>)
      %dma_wait3A = arith.constant 0 : i32
      %dma_wait3A_20 = tpu.memref_slice %arg2[%mul3A_4, %dma_wait3A] : memref<2560x128xi32, #tpu.memory_space<hbm>> -> memref<80x128xi32, #tpu.memory_space<hbm>>
      %dma_wait3A_21 = arith.constant 0 : i32
      %dma_wait3A_22 = tpu.memref_slice %arg2[%mul3A_4, %dma_wait3A_21] : memref<2560x128xi32, #tpu.memory_space<hbm>> -> memref<80x128xi32, #tpu.memory_space<hbm>>
      tpu.wait_dma2 semaphore(%run_scoped3A : memref<!tpu.dma_semaphore, #tpu.memory_space<semaphore_mem>>) src(%dma_wait3A_22 : memref<80x128xi32, #tpu.memory_space<hbm>>) dst(%arg6 : memref<80x128xi32, #tpu.memory_space<vmem>>)
      tpu.yield
    }) : () -> ()
    %barrier3A = arith.constant 0 : index
    tpu.barrier barrier_id(%barrier3A)
    %scan3A = arith.constant 0 : i32
    %scan3A_5 = arith.constant 0 : i32
    %scan3A_6 = arith.constant 20 : i32
    %scan3A_7 = arith.addi %scan3A_5, %scan3A_6 : i32
    %scan3A_8 = arith.constant 1 : i32
    scf.for %scan3A_17 = %scan3A_5 to %scan3A_7 step %scan3A_8  : i32 {
      %mul3A_18 = arith.constant 4 : i32
      %mul3A_19 = arith.muli %scan3A_17, %mul3A_18 : i32
      %add3A_20 = arith.constant 0 : i32
      %add3A_21 = arith.addi %mul3A_19, %add3A_20 : i32
      %dma_start3A = arith.constant 0 : i32
      %dma_start3A_22 = tpu.memref_slice %arg6[%add3A_21, %dma_start3A] : memref<80x128xi32, #tpu.memory_space<vmem>> -> memref<1x128xi32, #tpu.memory_space<vmem>>
      %dma_start3A_23 = tpu.memref_squeeze %dma_start3A_22 : memref<1x128xi32, #tpu.memory_space<vmem>> -> memref<128xi32, #tpu.memory_space<vmem>>
      %dma_start3A_24 = arith.constant 0 : i32
      %dma_start3A_25 = arith.constant 0 : i32
      %dma_start3A_26 = tpu.memref_slice %arg8[%dma_start3A_24, %dma_start3A_25] : memref<10240x16xf32, #tpu.memory_space<vmem_shared>> -> memref<10240x16xf32, #tpu.memory_space<vmem_shared>>
      tpu.enqueue_indirect_dma source(%arg7 : memref<128x16xf32, #tpu.memory_space<vmem>>) target(%dma_start3A_26 : memref<10240x16xf32, #tpu.memory_space<vmem_shared>>) offsets(%dma_start3A_23 : memref<128xi32, #tpu.memory_space<vmem>>) semaphore(%arg9 : memref<!tpu.dma_semaphore, #tpu.memory_space<semaphore_mem>>) {add = true}
      %mul3A_27 = arith.constant 4 : i32
      %mul3A_28 = arith.muli %scan3A_17, %mul3A_27 : i32
      %add3A_29 = arith.constant 1 : i32
      %add3A_30 = arith.addi %mul3A_28, %add3A_29 : i32
      %dma_start3A_31 = arith.constant 0 : i32
      %dma_start3A_32 = tpu.memref_slice %arg6[%add3A_30, %dma_start3A_31] : memref<80x128xi32, #tpu.memory_space<vmem>> -> memref<1x128xi32, #tpu.memory_space<vmem>>
      %dma_start3A_33 = tpu.memref_squeeze %dma_start3A_32 : memref<1x128xi32, #tpu.memory_space<vmem>> -> memref<128xi32, #tpu.memory_space<vmem>>
      %dma_start3A_34 = arith.constant 0 : i32
      %dma_start3A_35 = arith.constant 0 : i32
      %dma_start3A_36 = tpu.memref_slice %arg8[%dma_start3A_34, %dma_start3A_35] : memref<10240x16xf32, #tpu.memory_space<vmem_shared>> -> memref<10240x16xf32, #tpu.memory_space<vmem_shared>>
      tpu.enqueue_indirect_dma source(%arg7 : memref<128x16xf32, #tpu.memory_space<vmem>>) target(%dma_start3A_36 : memref<10240x16xf32, #tpu.memory_space<vmem_shared>>) offsets(%dma_start3A_33 : memref<128xi32, #tpu.memory_space<vmem>>) semaphore(%arg9 : memref<!tpu.dma_semaphore, #tpu.memory_space<semaphore_mem>>) {add = true}
      %mul3A_37 = arith.constant 4 : i32
      %mul3A_38 = arith.muli %scan3A_17, %mul3A_37 : i32
      %add3A_39 = arith.constant 2 : i32
      %add3A_40 = arith.addi %mul3A_38, %add3A_39 : i32
      %dma_start3A_41 = arith.constant 0 : i32
      %dma_start3A_42 = tpu.memref_slice %arg6[%add3A_40, %dma_start3A_41] : memref<80x128xi32, #tpu.memory_space<vmem>> -> memref<1x128xi32, #tpu.memory_space<vmem>>
      %dma_start3A_43 = tpu.memref_squeeze %dma_start3A_42 : memref<1x128xi32, #tpu.memory_space<vmem>> -> memref<128xi32, #tpu.memory_space<vmem>>
      %dma_start3A_44 = arith.constant 0 : i32
      %dma_start3A_45 = arith.constant 0 : i32
      %dma_start3A_46 = tpu.memref_slice %arg8[%dma_start3A_44, %dma_start3A_45] : memref<10240x16xf32, #tpu.memory_space<vmem_shared>> -> memref<10240x16xf32, #tpu.memory_space<vmem_shared>>
      tpu.enqueue_indirect_dma source(%arg7 : memref<128x16xf32, #tpu.memory_space<vmem>>) target(%dma_start3A_46 : memref<10240x16xf32, #tpu.memory_space<vmem_shared>>) offsets(%dma_start3A_43 : memref<128xi32, #tpu.memory_space<vmem>>) semaphore(%arg9 : memref<!tpu.dma_semaphore, #tpu.memory_space<semaphore_mem>>) {add = true}
      %mul3A_47 = arith.constant 4 : i32
      %mul3A_48 = arith.muli %scan3A_17, %mul3A_47 : i32
      %add3A_49 = arith.constant 3 : i32
      %add3A_50 = arith.addi %mul3A_48, %add3A_49 : i32
      %dma_start3A_51 = arith.constant 0 : i32
      %dma_start3A_52 = tpu.memref_slice %arg6[%add3A_50, %dma_start3A_51] : memref<80x128xi32, #tpu.memory_space<vmem>> -> memref<1x128xi32, #tpu.memory_space<vmem>>
      %dma_start3A_53 = tpu.memref_squeeze %dma_start3A_52 : memref<1x128xi32, #tpu.memory_space<vmem>> -> memref<128xi32, #tpu.memory_space<vmem>>
      %dma_start3A_54 = arith.constant 0 : i32
      %dma_start3A_55 = arith.constant 0 : i32
      %dma_start3A_56 = tpu.memref_slice %arg8[%dma_start3A_54, %dma_start3A_55] : memref<10240x16xf32, #tpu.memory_space<vmem_shared>> -> memref<10240x16xf32, #tpu.memory_space<vmem_shared>>
      tpu.enqueue_indirect_dma source(%arg7 : memref<128x16xf32, #tpu.memory_space<vmem>>) target(%dma_start3A_56 : memref<10240x16xf32, #tpu.memory_space<vmem_shared>>) offsets(%dma_start3A_53 : memref<128xi32, #tpu.memory_space<vmem>>) semaphore(%arg9 : memref<!tpu.dma_semaphore, #tpu.memory_space<semaphore_mem>>) {add = true}
      %mul3A_57 = arith.constant 4 : i32
      %mul3A_58 = arith.muli %scan3A_17, %mul3A_57 : i32
      %add3A_59 = arith.constant 0 : i32
      %add3A_60 = arith.addi %mul3A_58, %add3A_59 : i32
      %dma_wait3A = arith.constant 0 : i32
      %dma_wait3A_61 = tpu.memref_slice %arg6[%add3A_60, %dma_wait3A] : memref<80x128xi32, #tpu.memory_space<vmem>> -> memref<1x128xi32, #tpu.memory_space<vmem>>
      %dma_wait3A_62 = tpu.memref_squeeze %dma_wait3A_61 : memref<1x128xi32, #tpu.memory_space<vmem>> -> memref<128xi32, #tpu.memory_space<vmem>>
      %dma_wait3A_63 = arith.constant 0 : i32
      %dma_wait3A_64 = arith.constant 0 : i32
      %dma_wait3A_65 = tpu.memref_slice %arg8[%dma_wait3A_63, %dma_wait3A_64] : memref<10240x16xf32, #tpu.memory_space<vmem_shared>> -> memref<10240x16xf32, #tpu.memory_space<vmem_shared>>
      tpu.wait_indirect_dma semaphore(%arg9 : memref<!tpu.dma_semaphore, #tpu.memory_space<semaphore_mem>>) src(%arg7 : memref<128x16xf32, #tpu.memory_space<vmem>>) dst(%dma_wait3A_65 : memref<10240x16xf32, #tpu.memory_space<vmem_shared>>)
      %mul3A_66 = arith.constant 4 : i32
      %mul3A_67 = arith.muli %scan3A_17, %mul3A_66 : i32
      %add3A_68 = arith.constant 1 : i32
      %add3A_69 = arith.addi %mul3A_67, %add3A_68 : i32
      %dma_wait3A_70 = arith.constant 0 : i32
      %dma_wait3A_71 = tpu.memref_slice %arg6[%add3A_69, %dma_wait3A_70] : memref<80x128xi32, #tpu.memory_space<vmem>> -> memref<1x128xi32, #tpu.memory_space<vmem>>
      %dma_wait3A_72 = tpu.memref_squeeze %dma_wait3A_71 : memref<1x128xi32, #tpu.memory_space<vmem>> -> memref<128xi32, #tpu.memory_space<vmem>>
      %dma_wait3A_73 = arith.constant 0 : i32
      %dma_wait3A_74 = arith.constant 0 : i32
      %dma_wait3A_75 = tpu.memref_slice %arg8[%dma_wait3A_73, %dma_wait3A_74] : memref<10240x16xf32, #tpu.memory_space<vmem_shared>> -> memref<10240x16xf32, #tpu.memory_space<vmem_shared>>
      tpu.wait_indirect_dma semaphore(%arg9 : memref<!tpu.dma_semaphore, #tpu.memory_space<semaphore_mem>>) src(%arg7 : memref<128x16xf32, #tpu.memory_space<vmem>>) dst(%dma_wait3A_75 : memref<10240x16xf32, #tpu.memory_space<vmem_shared>>)
      %mul3A_76 = arith.constant 4 : i32
      %mul3A_77 = arith.muli %scan3A_17, %mul3A_76 : i32
      %add3A_78 = arith.constant 2 : i32
      %add3A_79 = arith.addi %mul3A_77, %add3A_78 : i32
      %dma_wait3A_80 = arith.constant 0 : i32
      %dma_wait3A_81 = tpu.memref_slice %arg6[%add3A_79, %dma_wait3A_80] : memref<80x128xi32, #tpu.memory_space<vmem>> -> memref<1x128xi32, #tpu.memory_space<vmem>>
      %dma_wait3A_82 = tpu.memref_squeeze %dma_wait3A_81 : memref<1x128xi32, #tpu.memory_space<vmem>> -> memref<128xi32, #tpu.memory_space<vmem>>
      %dma_wait3A_83 = arith.constant 0 : i32
      %dma_wait3A_84 = arith.constant 0 : i32
      %dma_wait3A_85 = tpu.memref_slice %arg8[%dma_wait3A_83, %dma_wait3A_84] : memref<10240x16xf32, #tpu.memory_space<vmem_shared>> -> memref<10240x16xf32, #tpu.memory_space<vmem_shared>>
      tpu.wait_indirect_dma semaphore(%arg9 : memref<!tpu.dma_semaphore, #tpu.memory_space<semaphore_mem>>) src(%arg7 : memref<128x16xf32, #tpu.memory_space<vmem>>) dst(%dma_wait3A_85 : memref<10240x16xf32, #tpu.memory_space<vmem_shared>>)
      %mul3A_86 = arith.constant 4 : i32
      %mul3A_87 = arith.muli %scan3A_17, %mul3A_86 : i32
      %add3A_88 = arith.constant 3 : i32
      %add3A_89 = arith.addi %mul3A_87, %add3A_88 : i32
      %dma_wait3A_90 = arith.constant 0 : i32
      %dma_wait3A_91 = tpu.memref_slice %arg6[%add3A_89, %dma_wait3A_90] : memref<80x128xi32, #tpu.memory_space<vmem>> -> memref<1x128xi32, #tpu.memory_space<vmem>>
      %dma_wait3A_92 = tpu.memref_squeeze %dma_wait3A_91 : memref<1x128xi32, #tpu.memory_space<vmem>> -> memref<128xi32, #tpu.memory_space<vmem>>
      %dma_wait3A_93 = arith.constant 0 : i32
      %dma_wait3A_94 = arith.constant 0 : i32
      %dma_wait3A_95 = tpu.memref_slice %arg8[%dma_wait3A_93, %dma_wait3A_94] : memref<10240x16xf32, #tpu.memory_space<vmem_shared>> -> memref<10240x16xf32, #tpu.memory_space<vmem_shared>>
      tpu.wait_indirect_dma semaphore(%arg9 : memref<!tpu.dma_semaphore, #tpu.memory_space<semaphore_mem>>) src(%arg7 : memref<128x16xf32, #tpu.memory_space<vmem>>) dst(%dma_wait3A_95 : memref<10240x16xf32, #tpu.memory_space<vmem_shared>>)
    }
    %scan3A_9 = arith.constant 20 : i32
    %barrier3A_10 = arith.constant 0 : index
    tpu.barrier barrier_id(%barrier3A_10)
    %mul3A_11 = arith.constant 624 : i32
    %mul3A_12 = arith.muli %arg1, %mul3A_11 : i32
    %mul3A_13 = arith.constant 624 : i32
    %mul3A_14 = arith.muli %arg1, %mul3A_13 : i32
    "tpu.region"() ({
      %run_scoped3A = tpu.sem_alloc : memref<!tpu.dma_semaphore, #tpu.memory_space<semaphore_mem>>
      %dma_start3A = arith.constant 0 : i32
      %dma_start3A_17 = tpu.memref_slice %arg5[%arg0, %mul3A_14, %dma_start3A] : memref<2x10000x16xf32, #tpu.memory_space<hbm>> -> memref<1x624x16xf32, #tpu.memory_space<hbm>>
      %dma_start3A_18 = tpu.memref_squeeze %dma_start3A_17 : memref<1x624x16xf32, #tpu.memory_space<hbm>> -> memref<624x16xf32, #tpu.memory_space<hbm>>
      %dma_start3A_19 = arith.constant 0 : i32
      %dma_start3A_20 = tpu.memref_slice %arg8[%mul3A_12, %dma_start3A_19] : memref<10240x16xf32, #tpu.memory_space<vmem_shared>> -> memref<624x16xf32, #tpu.memory_space<vmem_shared>>
      tpu.enqueue_dma source(%dma_start3A_20 : memref<624x16xf32, #tpu.memory_space<vmem_shared>>) target(%dma_start3A_18 : memref<624x16xf32, #tpu.memory_space<hbm>>) target_semaphore(%run_scoped3A : memref<!tpu.dma_semaphore, #tpu.memory_space<semaphore_mem>>)
      %dma_wait3A = arith.constant 0 : i32
      %dma_wait3A_21 = tpu.memref_slice %arg5[%arg0, %mul3A_14, %dma_wait3A] : memref<2x10000x16xf32, #tpu.memory_space<hbm>> -> memref<1x624x16xf32, #tpu.memory_space<hbm>>
      %dma_wait3A_22 = tpu.memref_squeeze %dma_wait3A_21 : memref<1x624x16xf32, #tpu.memory_space<hbm>> -> memref<624x16xf32, #tpu.memory_space<hbm>>
      %dma_wait3A_23 = arith.constant 0 : i32
      %dma_wait3A_24 = tpu.memref_slice %arg8[%mul3A_12, %dma_wait3A_23] : memref<10240x16xf32, #tpu.memory_space<vmem_shared>> -> memref<624x16xf32, #tpu.memory_space<vmem_shared>>
      tpu.wait_dma2 semaphore(%run_scoped3A : memref<!tpu.dma_semaphore, #tpu.memory_space<semaphore_mem>>) src(%dma_wait3A_24 : memref<624x16xf32, #tpu.memory_space<vmem_shared>>) dst(%dma_wait3A_22 : memref<624x16xf32, #tpu.memory_space<hbm>>)
      tpu.yield
    }) : () -> ()
    %eq3A = arith.constant 15 : i32
    %eq3A_15 = arith.cmpi eq, %arg1, %eq3A : i32
    %convert_element_type3A = arith.extui %eq3A_15 : i1 to i32
    %cond3A = arith.constant 0 : i32
    %cond3A_16 = arith.cmpi ne, %convert_element_type3A, %cond3A : i32
    scf.if %cond3A_16 {
      "tpu.region"() ({
        %run_scoped3A = tpu.sem_alloc : memref<!tpu.dma_semaphore, #tpu.memory_space<semaphore_mem>>
        %dma_start3A = arith.constant 9984 : i32
        %dma_start3A_17 = arith.constant 0 : i32
        %dma_start3A_18 = tpu.memref_slice %arg5[%arg0, %dma_start3A, %dma_start3A_17] : memref<2x10000x16xf32, #tpu.memory_space<hbm>> -> memref<1x16x16xf32, #tpu.memory_space<hbm>>
        %dma_start3A_19 = tpu.memref_squeeze %dma_start3A_18 : memref<1x16x16xf32, #tpu.memory_space<hbm>> -> memref<16x16xf32, #tpu.memory_space<hbm>>
        %dma_start3A_20 = arith.constant 9984 : i32
        %dma_start3A_21 = arith.constant 0 : i32
        %dma_start3A_22 = tpu.memref_slice %arg8[%dma_start3A_20, %dma_start3A_21] : memref<10240x16xf32, #tpu.memory_space<vmem_shared>> -> memref<16x16xf32, #tpu.memory_space<vmem_shared>>
        tpu.enqueue_dma source(%dma_start3A_22 : memref<16x16xf32, #tpu.memory_space<vmem_shared>>) target(%dma_start3A_19 : memref<16x16xf32, #tpu.memory_space<hbm>>) target_semaphore(%run_scoped3A : memref<!tpu.dma_semaphore, #tpu.memory_space<semaphore_mem>>)
        %dma_wait3A = arith.constant 9984 : i32
        %dma_wait3A_23 = arith.constant 0 : i32
        %dma_wait3A_24 = tpu.memref_slice %arg5[%arg0, %dma_wait3A, %dma_wait3A_23] : memref<2x10000x16xf32, #tpu.memory_space<hbm>> -> memref<1x16x16xf32, #tpu.memory_space<hbm>>
        %dma_wait3A_25 = tpu.memref_squeeze %dma_wait3A_24 : memref<1x16x16xf32, #tpu.memory_space<hbm>> -> memref<16x16xf32, #tpu.memory_space<hbm>>
        %dma_wait3A_26 = arith.constant 9984 : i32
        %dma_wait3A_27 = arith.constant 0 : i32
        %dma_wait3A_28 = tpu.memref_slice %arg8[%dma_wait3A_26, %dma_wait3A_27] : memref<10240x16xf32, #tpu.memory_space<vmem_shared>> -> memref<16x16xf32, #tpu.memory_space<vmem_shared>>
        tpu.wait_dma2 semaphore(%run_scoped3A : memref<!tpu.dma_semaphore, #tpu.memory_space<semaphore_mem>>) src(%dma_wait3A_28 : memref<16x16xf32, #tpu.memory_space<vmem_shared>>) dst(%dma_wait3A_25 : memref<16x16xf32, #tpu.memory_space<hbm>>)
        tpu.yield
      }) : () -> ()
    } else {
    }
    return
  }
}

#map = affine_map<(d0, d1) -> (0, 0, 0)>
#map1 = affine_map<(d0, d1) -> (0, 0)>
module attributes {stable_mosaic.version = 14 : i64} {
  func.func @sc_edge(%arg0: i32, %arg1: i32, %arg2: memref<2x10000x32xf32, #tpu.memory_space<hbm>>, %arg3: memref<2560x128xi32, #tpu.memory_space<hbm>>, %arg4: memref<2560x128xi32, #tpu.memory_space<hbm>>, %arg5: memref<632x32xf32, #tpu.memory_space<hbm>>, %arg6: memref<2x10000x32xf32, #tpu.memory_space<hbm>>, %arg7: memref<160x128xi32, #tpu.memory_space<vmem>>, %arg8: memref<160x128xi32, #tpu.memory_space<vmem>>, %arg9: memref<128x32xf32, #tpu.memory_space<vmem>>, %arg10: memref<128x32xf32, #tpu.memory_space<vmem>>, %arg11: memref<128x32xf32, #tpu.memory_space<vmem>>, %arg12: memref<128x32xf32, #tpu.memory_space<vmem>>, %arg13: memref<128x32xf32, #tpu.memory_space<vmem>>, %arg14: memref<128x32xf32, #tpu.memory_space<vmem>>, %arg15: memref<128x32xf32, #tpu.memory_space<vmem>>, %arg16: memref<128x32xf32, #tpu.memory_space<vmem>>, %arg17: memref<10112x32xf32, #tpu.memory_space<vmem_shared>>, %arg18: memref<10000x32xf32, #tpu.memory_space<vmem_shared>>, %arg19: memref<!tpu.dma_semaphore, #tpu.memory_space<semaphore_mem>>, %arg20: memref<!tpu.dma_semaphore, #tpu.memory_space<semaphore_mem>>, %arg21: memref<!tpu.dma_semaphore, #tpu.memory_space<semaphore_mem>>, %arg22: memref<!tpu.dma_semaphore, #tpu.memory_space<semaphore_mem>>, %arg23: memref<!tpu.dma_semaphore, #tpu.memory_space<semaphore_mem>>, %arg24: memref<!tpu.dma_semaphore, #tpu.memory_space<semaphore_mem>>, %arg25: memref<!tpu.dma_semaphore, #tpu.memory_space<semaphore_mem>>, %arg26: memref<!tpu.dma_semaphore, #tpu.memory_space<semaphore_mem>>) attributes {dimension_semantics = [#tpu.dimension_semantics<core_parallel>, #tpu.dimension_semantics<subcore_parallel>], iteration_bounds = array<i64: 2, 16>, scalar_prefetch = 0 : i64, scratch_operands = 20 : i64, tpu.core_type = #tpu.core_type<sc_vector_subcore>, window_params = [{transform_indices = #map}, {transform_indices = #map1}, {transform_indices = #map1}, {transform_indices = #map1}, {transform_indices = #map}]} {
    %mul3A = arith.constant 632 : i32
    %mul3A_0 = arith.muli %arg1, %mul3A : i32
    "tpu.region"() ({
      %run_scoped3A = tpu.sem_alloc : memref<!tpu.dma_semaphore, #tpu.memory_space<semaphore_mem>>
      %dma_start3A_80 = arith.constant 0 : i32
      %dma_start3A_81 = tpu.memref_slice %arg17[%mul3A_0, %dma_start3A_80] : memref<10112x32xf32, #tpu.memory_space<vmem_shared>> -> memref<632x32xf32, #tpu.memory_space<vmem_shared>>
      tpu.enqueue_dma source(%arg5 : memref<632x32xf32, #tpu.memory_space<hbm>>) target(%dma_start3A_81 : memref<632x32xf32, #tpu.memory_space<vmem_shared>>) target_semaphore(%run_scoped3A : memref<!tpu.dma_semaphore, #tpu.memory_space<semaphore_mem>>)
      %dma_wait3A_82 = arith.constant 0 : i32
      %dma_wait3A_83 = tpu.memref_slice %arg17[%mul3A_0, %dma_wait3A_82] : memref<10112x32xf32, #tpu.memory_space<vmem_shared>> -> memref<632x32xf32, #tpu.memory_space<vmem_shared>>
      tpu.wait_dma2 semaphore(%run_scoped3A : memref<!tpu.dma_semaphore, #tpu.memory_space<semaphore_mem>>) src(%arg5 : memref<632x32xf32, #tpu.memory_space<hbm>>) dst(%dma_wait3A_83 : memref<632x32xf32, #tpu.memory_space<vmem_shared>>)
      tpu.yield
    }) : () -> ()
    %mul3A_1 = arith.constant 160 : i32
    %mul3A_2 = arith.muli %arg1, %mul3A_1 : i32
    "tpu.region"() ({
      %run_scoped3A = tpu.sem_alloc : memref<!tpu.dma_semaphore, #tpu.memory_space<semaphore_mem>>
      %dma_start3A_80 = arith.constant 0 : i32
      %dma_start3A_81 = tpu.memref_slice %arg3[%mul3A_2, %dma_start3A_80] : memref<2560x128xi32, #tpu.memory_space<hbm>> -> memref<160x128xi32, #tpu.memory_space<hbm>>
      %dma_start3A_82 = arith.constant 0 : i32
      %dma_start3A_83 = tpu.memref_slice %arg3[%mul3A_2, %dma_start3A_82] : memref<2560x128xi32, #tpu.memory_space<hbm>> -> memref<160x128xi32, #tpu.memory_space<hbm>>
      tpu.enqueue_dma source(%dma_start3A_83 : memref<160x128xi32, #tpu.memory_space<hbm>>) target(%arg7 : memref<160x128xi32, #tpu.memory_space<vmem>>) target_semaphore(%run_scoped3A : memref<!tpu.dma_semaphore, #tpu.memory_space<semaphore_mem>>)
      %dma_wait3A_84 = arith.constant 0 : i32
      %dma_wait3A_85 = tpu.memref_slice %arg3[%mul3A_2, %dma_wait3A_84] : memref<2560x128xi32, #tpu.memory_space<hbm>> -> memref<160x128xi32, #tpu.memory_space<hbm>>
      %dma_wait3A_86 = arith.constant 0 : i32
      %dma_wait3A_87 = tpu.memref_slice %arg3[%mul3A_2, %dma_wait3A_86] : memref<2560x128xi32, #tpu.memory_space<hbm>> -> memref<160x128xi32, #tpu.memory_space<hbm>>
      tpu.wait_dma2 semaphore(%run_scoped3A : memref<!tpu.dma_semaphore, #tpu.memory_space<semaphore_mem>>) src(%dma_wait3A_87 : memref<160x128xi32, #tpu.memory_space<hbm>>) dst(%arg7 : memref<160x128xi32, #tpu.memory_space<vmem>>)
      tpu.yield
    }) : () -> ()
    %mul3A_3 = arith.constant 160 : i32
    %mul3A_4 = arith.muli %arg1, %mul3A_3 : i32
    "tpu.region"() ({
      %run_scoped3A = tpu.sem_alloc : memref<!tpu.dma_semaphore, #tpu.memory_space<semaphore_mem>>
      %dma_start3A_80 = arith.constant 0 : i32
      %dma_start3A_81 = tpu.memref_slice %arg4[%mul3A_4, %dma_start3A_80] : memref<2560x128xi32, #tpu.memory_space<hbm>> -> memref<160x128xi32, #tpu.memory_space<hbm>>
      %dma_start3A_82 = arith.constant 0 : i32
      %dma_start3A_83 = tpu.memref_slice %arg4[%mul3A_4, %dma_start3A_82] : memref<2560x128xi32, #tpu.memory_space<hbm>> -> memref<160x128xi32, #tpu.memory_space<hbm>>
      tpu.enqueue_dma source(%dma_start3A_83 : memref<160x128xi32, #tpu.memory_space<hbm>>) target(%arg8 : memref<160x128xi32, #tpu.memory_space<vmem>>) target_semaphore(%run_scoped3A : memref<!tpu.dma_semaphore, #tpu.memory_space<semaphore_mem>>)
      %dma_wait3A_84 = arith.constant 0 : i32
      %dma_wait3A_85 = tpu.memref_slice %arg4[%mul3A_4, %dma_wait3A_84] : memref<2560x128xi32, #tpu.memory_space<hbm>> -> memref<160x128xi32, #tpu.memory_space<hbm>>
      %dma_wait3A_86 = arith.constant 0 : i32
      %dma_wait3A_87 = tpu.memref_slice %arg4[%mul3A_4, %dma_wait3A_86] : memref<2560x128xi32, #tpu.memory_space<hbm>> -> memref<160x128xi32, #tpu.memory_space<hbm>>
      tpu.wait_dma2 semaphore(%run_scoped3A : memref<!tpu.dma_semaphore, #tpu.memory_space<semaphore_mem>>) src(%dma_wait3A_87 : memref<160x128xi32, #tpu.memory_space<hbm>>) dst(%arg8 : memref<160x128xi32, #tpu.memory_space<vmem>>)
      tpu.yield
    }) : () -> ()
    %mul3A_5 = arith.constant 624 : i32
    %mul3A_6 = arith.muli %arg1, %mul3A_5 : i32
    %mul3A_7 = arith.constant 624 : i32
    %mul3A_8 = arith.muli %arg1, %mul3A_7 : i32
    "tpu.region"() ({
      %run_scoped3A = tpu.sem_alloc : memref<!tpu.dma_semaphore, #tpu.memory_space<semaphore_mem>>
      %dma_start3A_80 = arith.constant 0 : i32
      %dma_start3A_81 = tpu.memref_slice %arg18[%mul3A_8, %dma_start3A_80] : memref<10000x32xf32, #tpu.memory_space<vmem_shared>> -> memref<624x32xf32, #tpu.memory_space<vmem_shared>>
      %dma_start3A_82 = arith.constant 0 : i32
      %dma_start3A_83 = tpu.memref_slice %arg2[%arg0, %mul3A_6, %dma_start3A_82] : memref<2x10000x32xf32, #tpu.memory_space<hbm>> -> memref<1x624x32xf32, #tpu.memory_space<hbm>>
      %dma_start3A_84 = tpu.memref_squeeze %dma_start3A_83 : memref<1x624x32xf32, #tpu.memory_space<hbm>> -> memref<624x32xf32, #tpu.memory_space<hbm>>
      tpu.enqueue_dma source(%dma_start3A_84 : memref<624x32xf32, #tpu.memory_space<hbm>>) target(%dma_start3A_81 : memref<624x32xf32, #tpu.memory_space<vmem_shared>>) target_semaphore(%run_scoped3A : memref<!tpu.dma_semaphore, #tpu.memory_space<semaphore_mem>>)
      %dma_wait3A_85 = arith.constant 0 : i32
      %dma_wait3A_86 = tpu.memref_slice %arg18[%mul3A_8, %dma_wait3A_85] : memref<10000x32xf32, #tpu.memory_space<vmem_shared>> -> memref<624x32xf32, #tpu.memory_space<vmem_shared>>
      %dma_wait3A_87 = arith.constant 0 : i32
      %dma_wait3A_88 = tpu.memref_slice %arg2[%arg0, %mul3A_6, %dma_wait3A_87] : memref<2x10000x32xf32, #tpu.memory_space<hbm>> -> memref<1x624x32xf32, #tpu.memory_space<hbm>>
      %dma_wait3A_89 = tpu.memref_squeeze %dma_wait3A_88 : memref<1x624x32xf32, #tpu.memory_space<hbm>> -> memref<624x32xf32, #tpu.memory_space<hbm>>
      tpu.wait_dma2 semaphore(%run_scoped3A : memref<!tpu.dma_semaphore, #tpu.memory_space<semaphore_mem>>) src(%dma_wait3A_89 : memref<624x32xf32, #tpu.memory_space<hbm>>) dst(%dma_wait3A_86 : memref<624x32xf32, #tpu.memory_space<vmem_shared>>)
      tpu.yield
    }) : () -> ()
    %eq3A = arith.constant 15 : i32
    %eq3A_9 = arith.cmpi eq, %arg1, %eq3A : i32
    %convert_element_type3A = arith.extui %eq3A_9 : i1 to i32
    %cond3A = arith.constant 0 : i32
    %cond3A_10 = arith.cmpi ne, %convert_element_type3A, %cond3A : i32
    scf.if %cond3A_10 {
      "tpu.region"() ({
        %run_scoped3A = tpu.sem_alloc : memref<!tpu.dma_semaphore, #tpu.memory_space<semaphore_mem>>
        %dma_start3A_80 = arith.constant 9984 : i32
        %dma_start3A_81 = arith.constant 0 : i32
        %dma_start3A_82 = tpu.memref_slice %arg18[%dma_start3A_80, %dma_start3A_81] : memref<10000x32xf32, #tpu.memory_space<vmem_shared>> -> memref<16x32xf32, #tpu.memory_space<vmem_shared>>
        %dma_start3A_83 = arith.constant 9984 : i32
        %dma_start3A_84 = arith.constant 0 : i32
        %dma_start3A_85 = tpu.memref_slice %arg2[%arg0, %dma_start3A_83, %dma_start3A_84] : memref<2x10000x32xf32, #tpu.memory_space<hbm>> -> memref<1x16x32xf32, #tpu.memory_space<hbm>>
        %dma_start3A_86 = tpu.memref_squeeze %dma_start3A_85 : memref<1x16x32xf32, #tpu.memory_space<hbm>> -> memref<16x32xf32, #tpu.memory_space<hbm>>
        tpu.enqueue_dma source(%dma_start3A_86 : memref<16x32xf32, #tpu.memory_space<hbm>>) target(%dma_start3A_82 : memref<16x32xf32, #tpu.memory_space<vmem_shared>>) target_semaphore(%run_scoped3A : memref<!tpu.dma_semaphore, #tpu.memory_space<semaphore_mem>>)
        %dma_wait3A_87 = arith.constant 9984 : i32
        %dma_wait3A_88 = arith.constant 0 : i32
        %dma_wait3A_89 = tpu.memref_slice %arg18[%dma_wait3A_87, %dma_wait3A_88] : memref<10000x32xf32, #tpu.memory_space<vmem_shared>> -> memref<16x32xf32, #tpu.memory_space<vmem_shared>>
        %dma_wait3A_90 = arith.constant 9984 : i32
        %dma_wait3A_91 = arith.constant 0 : i32
        %dma_wait3A_92 = tpu.memref_slice %arg2[%arg0, %dma_wait3A_90, %dma_wait3A_91] : memref<2x10000x32xf32, #tpu.memory_space<hbm>> -> memref<1x16x32xf32, #tpu.memory_space<hbm>>
        %dma_wait3A_93 = tpu.memref_squeeze %dma_wait3A_92 : memref<1x16x32xf32, #tpu.memory_space<hbm>> -> memref<16x32xf32, #tpu.memory_space<hbm>>
        tpu.wait_dma2 semaphore(%run_scoped3A : memref<!tpu.dma_semaphore, #tpu.memory_space<semaphore_mem>>) src(%dma_wait3A_93 : memref<16x32xf32, #tpu.memory_space<hbm>>) dst(%dma_wait3A_89 : memref<16x32xf32, #tpu.memory_space<vmem_shared>>)
        tpu.yield
      }) : () -> ()
    } else {
    }
    %barrier3A = arith.constant 0 : index
    tpu.barrier barrier_id(%barrier3A)
    %dma_start3A = arith.constant 0 : i32
    %dma_start3A_11 = arith.constant 0 : i32
    %dma_start3A_12 = tpu.memref_slice %arg7[%dma_start3A, %dma_start3A_11] : memref<160x128xi32, #tpu.memory_space<vmem>> -> memref<1x128xi32, #tpu.memory_space<vmem>>
    %dma_start3A_13 = tpu.memref_squeeze %dma_start3A_12 : memref<1x128xi32, #tpu.memory_space<vmem>> -> memref<128xi32, #tpu.memory_space<vmem>>
    %dma_start3A_14 = arith.constant 0 : i32
    %dma_start3A_15 = arith.constant 0 : i32
    %dma_start3A_16 = tpu.memref_slice %arg18[%dma_start3A_14, %dma_start3A_15] : memref<10000x32xf32, #tpu.memory_space<vmem_shared>> -> memref<10000x32xf32, #tpu.memory_space<vmem_shared>>
    tpu.enqueue_indirect_dma source(%dma_start3A_16 : memref<10000x32xf32, #tpu.memory_space<vmem_shared>>) target(%arg9 : memref<128x32xf32, #tpu.memory_space<vmem>>) offsets(%dma_start3A_13 : memref<128xi32, #tpu.memory_space<vmem>>) semaphore(%arg19 : memref<!tpu.dma_semaphore, #tpu.memory_space<semaphore_mem>>)
    %dma_start3A_17 = arith.constant 1 : i32
    %dma_start3A_18 = arith.constant 0 : i32
    %dma_start3A_19 = tpu.memref_slice %arg7[%dma_start3A_17, %dma_start3A_18] : memref<160x128xi32, #tpu.memory_space<vmem>> -> memref<1x128xi32, #tpu.memory_space<vmem>>
    %dma_start3A_20 = tpu.memref_squeeze %dma_start3A_19 : memref<1x128xi32, #tpu.memory_space<vmem>> -> memref<128xi32, #tpu.memory_space<vmem>>
    %dma_start3A_21 = arith.constant 0 : i32
    %dma_start3A_22 = arith.constant 0 : i32
    %dma_start3A_23 = tpu.memref_slice %arg18[%dma_start3A_21, %dma_start3A_22] : memref<10000x32xf32, #tpu.memory_space<vmem_shared>> -> memref<10000x32xf32, #tpu.memory_space<vmem_shared>>
    tpu.enqueue_indirect_dma source(%dma_start3A_23 : memref<10000x32xf32, #tpu.memory_space<vmem_shared>>) target(%arg10 : memref<128x32xf32, #tpu.memory_space<vmem>>) offsets(%dma_start3A_20 : memref<128xi32, #tpu.memory_space<vmem>>) semaphore(%arg19 : memref<!tpu.dma_semaphore, #tpu.memory_space<semaphore_mem>>)
    %dma_start3A_24 = arith.constant 2 : i32
    %dma_start3A_25 = arith.constant 0 : i32
    %dma_start3A_26 = tpu.memref_slice %arg7[%dma_start3A_24, %dma_start3A_25] : memref<160x128xi32, #tpu.memory_space<vmem>> -> memref<1x128xi32, #tpu.memory_space<vmem>>
    %dma_start3A_27 = tpu.memref_squeeze %dma_start3A_26 : memref<1x128xi32, #tpu.memory_space<vmem>> -> memref<128xi32, #tpu.memory_space<vmem>>
    %dma_start3A_28 = arith.constant 0 : i32
    %dma_start3A_29 = arith.constant 0 : i32
    %dma_start3A_30 = tpu.memref_slice %arg18[%dma_start3A_28, %dma_start3A_29] : memref<10000x32xf32, #tpu.memory_space<vmem_shared>> -> memref<10000x32xf32, #tpu.memory_space<vmem_shared>>
    tpu.enqueue_indirect_dma source(%dma_start3A_30 : memref<10000x32xf32, #tpu.memory_space<vmem_shared>>) target(%arg11 : memref<128x32xf32, #tpu.memory_space<vmem>>) offsets(%dma_start3A_27 : memref<128xi32, #tpu.memory_space<vmem>>) semaphore(%arg20 : memref<!tpu.dma_semaphore, #tpu.memory_space<semaphore_mem>>)
    %dma_start3A_31 = arith.constant 3 : i32
    %dma_start3A_32 = arith.constant 0 : i32
    %dma_start3A_33 = tpu.memref_slice %arg7[%dma_start3A_31, %dma_start3A_32] : memref<160x128xi32, #tpu.memory_space<vmem>> -> memref<1x128xi32, #tpu.memory_space<vmem>>
    %dma_start3A_34 = tpu.memref_squeeze %dma_start3A_33 : memref<1x128xi32, #tpu.memory_space<vmem>> -> memref<128xi32, #tpu.memory_space<vmem>>
    %dma_start3A_35 = arith.constant 0 : i32
    %dma_start3A_36 = arith.constant 0 : i32
    %dma_start3A_37 = tpu.memref_slice %arg18[%dma_start3A_35, %dma_start3A_36] : memref<10000x32xf32, #tpu.memory_space<vmem_shared>> -> memref<10000x32xf32, #tpu.memory_space<vmem_shared>>
    tpu.enqueue_indirect_dma source(%dma_start3A_37 : memref<10000x32xf32, #tpu.memory_space<vmem_shared>>) target(%arg12 : memref<128x32xf32, #tpu.memory_space<vmem>>) offsets(%dma_start3A_34 : memref<128xi32, #tpu.memory_space<vmem>>) semaphore(%arg20 : memref<!tpu.dma_semaphore, #tpu.memory_space<semaphore_mem>>)
    %scan3A = arith.constant 0 : i32
    %scan3A_38 = arith.constant 0 : i32
    %scan3A_39 = arith.constant 20 : i32
    %scan3A_40 = arith.addi %scan3A_38, %scan3A_39 : i32
    %scan3A_41 = arith.constant 1 : i32
    scf.for %scan3A_80 = %scan3A_38 to %scan3A_40 step %scan3A_41  : i32 {
      %mul3A_81 = arith.constant 4 : i32
      %mul3A_82 = arith.muli %scan3A_80, %mul3A_81 : i32
      %add3A = arith.constant 0 : i32
      %add3A_83 = arith.addi %mul3A_82, %add3A : i32
      %ge3A = arith.constant 2 : i32
      %ge3A_84 = arith.cmpi sge, %add3A_83, %ge3A : i32
      %convert_element_type3A_85 = arith.extui %ge3A_84 : i1 to i32
      %cond3A_86 = arith.constant 0 : i32
      %cond3A_87 = arith.cmpi ne, %convert_element_type3A_85, %cond3A_86 : i32
      scf.if %cond3A_87 {
        %sub3A = arith.constant 2 : i32
        %sub3A_302 = arith.subi %add3A_83, %sub3A : i32
        %mul3A_303 = arith.constant 2 : i32
        %mul3A_304 = arith.muli %sub3A_302, %mul3A_303 : i32
        %add3A_305 = arith.constant 0 : i32
        %add3A_306 = arith.addi %mul3A_304, %add3A_305 : i32
        %dma_wait3A_307 = arith.constant 0 : i32
        %dma_wait3A_308 = tpu.memref_slice %arg8[%add3A_306, %dma_wait3A_307] : memref<160x128xi32, #tpu.memory_space<vmem>> -> memref<1x128xi32, #tpu.memory_space<vmem>>
        %dma_wait3A_309 = tpu.memref_squeeze %dma_wait3A_308 : memref<1x128xi32, #tpu.memory_space<vmem>> -> memref<128xi32, #tpu.memory_space<vmem>>
        %dma_wait3A_310 = arith.constant 0 : i32
        %dma_wait3A_311 = arith.constant 0 : i32
        %dma_wait3A_312 = tpu.memref_slice %arg17[%dma_wait3A_310, %dma_wait3A_311] : memref<10112x32xf32, #tpu.memory_space<vmem_shared>> -> memref<10112x32xf32, #tpu.memory_space<vmem_shared>>
        tpu.wait_indirect_dma semaphore(%arg25 : memref<!tpu.dma_semaphore, #tpu.memory_space<semaphore_mem>>) src(%arg13 : memref<128x32xf32, #tpu.memory_space<vmem>>) dst(%dma_wait3A_312 : memref<10112x32xf32, #tpu.memory_space<vmem_shared>>)
        %mul3A_313 = arith.constant 2 : i32
        %mul3A_314 = arith.muli %sub3A_302, %mul3A_313 : i32
        %add3A_315 = arith.constant 1 : i32
        %add3A_316 = arith.addi %mul3A_314, %add3A_315 : i32
        %dma_wait3A_317 = arith.constant 0 : i32
        %dma_wait3A_318 = tpu.memref_slice %arg8[%add3A_316, %dma_wait3A_317] : memref<160x128xi32, #tpu.memory_space<vmem>> -> memref<1x128xi32, #tpu.memory_space<vmem>>
        %dma_wait3A_319 = tpu.memref_squeeze %dma_wait3A_318 : memref<1x128xi32, #tpu.memory_space<vmem>> -> memref<128xi32, #tpu.memory_space<vmem>>
        %dma_wait3A_320 = arith.constant 0 : i32
        %dma_wait3A_321 = arith.constant 0 : i32
        %dma_wait3A_322 = tpu.memref_slice %arg17[%dma_wait3A_320, %dma_wait3A_321] : memref<10112x32xf32, #tpu.memory_space<vmem_shared>> -> memref<10112x32xf32, #tpu.memory_space<vmem_shared>>
        tpu.wait_indirect_dma semaphore(%arg25 : memref<!tpu.dma_semaphore, #tpu.memory_space<semaphore_mem>>) src(%arg14 : memref<128x32xf32, #tpu.memory_space<vmem>>) dst(%dma_wait3A_322 : memref<10112x32xf32, #tpu.memory_space<vmem_shared>>)
      } else {
      }
      %add3A_88 = arith.constant 2 : i32
      %add3A_89 = arith.addi %add3A_83, %add3A_88 : i32
      %lt3A = arith.constant 80 : i32
      %lt3A_90 = arith.cmpi slt, %add3A_89, %lt3A : i32
      %convert_element_type3A_91 = arith.extui %lt3A_90 : i1 to i32
      %cond3A_92 = arith.constant 0 : i32
      %cond3A_93 = arith.cmpi ne, %convert_element_type3A_91, %cond3A_92 : i32
      scf.if %cond3A_93 {
        %add3A_302 = arith.constant 2 : i32
        %add3A_303 = arith.addi %add3A_83, %add3A_302 : i32
        %mul3A_304 = arith.constant 2 : i32
        %mul3A_305 = arith.muli %add3A_303, %mul3A_304 : i32
        %add3A_306 = arith.constant 0 : i32
        %add3A_307 = arith.addi %mul3A_305, %add3A_306 : i32
        %dma_start3A_308 = arith.constant 0 : i32
        %dma_start3A_309 = tpu.memref_slice %arg7[%add3A_307, %dma_start3A_308] : memref<160x128xi32, #tpu.memory_space<vmem>> -> memref<1x128xi32, #tpu.memory_space<vmem>>
        %dma_start3A_310 = tpu.memref_squeeze %dma_start3A_309 : memref<1x128xi32, #tpu.memory_space<vmem>> -> memref<128xi32, #tpu.memory_space<vmem>>
        %dma_start3A_311 = arith.constant 0 : i32
        %dma_start3A_312 = arith.constant 0 : i32
        %dma_start3A_313 = tpu.memref_slice %arg18[%dma_start3A_311, %dma_start3A_312] : memref<10000x32xf32, #tpu.memory_space<vmem_shared>> -> memref<10000x32xf32, #tpu.memory_space<vmem_shared>>
        tpu.enqueue_indirect_dma source(%dma_start3A_313 : memref<10000x32xf32, #tpu.memory_space<vmem_shared>>) target(%arg13 : memref<128x32xf32, #tpu.memory_space<vmem>>) offsets(%dma_start3A_310 : memref<128xi32, #tpu.memory_space<vmem>>) semaphore(%arg21 : memref<!tpu.dma_semaphore, #tpu.memory_space<semaphore_mem>>)
        %mul3A_314 = arith.constant 2 : i32
        %mul3A_315 = arith.muli %add3A_303, %mul3A_314 : i32
        %add3A_316 = arith.constant 1 : i32
        %add3A_317 = arith.addi %mul3A_315, %add3A_316 : i32
        %dma_start3A_318 = arith.constant 0 : i32
        %dma_start3A_319 = tpu.memref_slice %arg7[%add3A_317, %dma_start3A_318] : memref<160x128xi32, #tpu.memory_space<vmem>> -> memref<1x128xi32, #tpu.memory_space<vmem>>
        %dma_start3A_320 = tpu.memref_squeeze %dma_start3A_319 : memref<1x128xi32, #tpu.memory_space<vmem>> -> memref<128xi32, #tpu.memory_space<vmem>>
        %dma_start3A_321 = arith.constant 0 : i32
        %dma_start3A_322 = arith.constant 0 : i32
        %dma_start3A_323 = tpu.memref_slice %arg18[%dma_start3A_321, %dma_start3A_322] : memref<10000x32xf32, #tpu.memory_space<vmem_shared>> -> memref<10000x32xf32, #tpu.memory_space<vmem_shared>>
        tpu.enqueue_indirect_dma source(%dma_start3A_323 : memref<10000x32xf32, #tpu.memory_space<vmem_shared>>) target(%arg14 : memref<128x32xf32, #tpu.memory_space<vmem>>) offsets(%dma_start3A_320 : memref<128xi32, #tpu.memory_space<vmem>>) semaphore(%arg21 : memref<!tpu.dma_semaphore, #tpu.memory_space<semaphore_mem>>)
      } else {
      }
      %mul3A_94 = arith.constant 2 : i32
      %mul3A_95 = arith.muli %add3A_83, %mul3A_94 : i32
      %add3A_96 = arith.constant 0 : i32
      %add3A_97 = arith.addi %mul3A_95, %add3A_96 : i32
      %dma_wait3A_98 = arith.constant 0 : i32
      %dma_wait3A_99 = tpu.memref_slice %arg7[%add3A_97, %dma_wait3A_98] : memref<160x128xi32, #tpu.memory_space<vmem>> -> memref<1x128xi32, #tpu.memory_space<vmem>>
      %dma_wait3A_100 = tpu.memref_squeeze %dma_wait3A_99 : memref<1x128xi32, #tpu.memory_space<vmem>> -> memref<128xi32, #tpu.memory_space<vmem>>
      %dma_wait3A_101 = arith.constant 0 : i32
      %dma_wait3A_102 = arith.constant 0 : i32
      %dma_wait3A_103 = tpu.memref_slice %arg18[%dma_wait3A_101, %dma_wait3A_102] : memref<10000x32xf32, #tpu.memory_space<vmem_shared>> -> memref<10000x32xf32, #tpu.memory_space<vmem_shared>>
      tpu.wait_indirect_dma semaphore(%arg19 : memref<!tpu.dma_semaphore, #tpu.memory_space<semaphore_mem>>) src(%dma_wait3A_103 : memref<10000x32xf32, #tpu.memory_space<vmem_shared>>) dst(%arg9 : memref<128x32xf32, #tpu.memory_space<vmem>>)
      %mul3A_104 = arith.constant 2 : i32
      %mul3A_105 = arith.muli %add3A_83, %mul3A_104 : i32
      %add3A_106 = arith.constant 1 : i32
      %add3A_107 = arith.addi %mul3A_105, %add3A_106 : i32
      %dma_wait3A_108 = arith.constant 0 : i32
      %dma_wait3A_109 = tpu.memref_slice %arg7[%add3A_107, %dma_wait3A_108] : memref<160x128xi32, #tpu.memory_space<vmem>> -> memref<1x128xi32, #tpu.memory_space<vmem>>
      %dma_wait3A_110 = tpu.memref_squeeze %dma_wait3A_109 : memref<1x128xi32, #tpu.memory_space<vmem>> -> memref<128xi32, #tpu.memory_space<vmem>>
      %dma_wait3A_111 = arith.constant 0 : i32
      %dma_wait3A_112 = arith.constant 0 : i32
      %dma_wait3A_113 = tpu.memref_slice %arg18[%dma_wait3A_111, %dma_wait3A_112] : memref<10000x32xf32, #tpu.memory_space<vmem_shared>> -> memref<10000x32xf32, #tpu.memory_space<vmem_shared>>
      tpu.wait_indirect_dma semaphore(%arg19 : memref<!tpu.dma_semaphore, #tpu.memory_space<semaphore_mem>>) src(%dma_wait3A_113 : memref<10000x32xf32, #tpu.memory_space<vmem_shared>>) dst(%arg10 : memref<128x32xf32, #tpu.memory_space<vmem>>)
      %mul3A_114 = arith.constant 2 : i32
      %mul3A_115 = arith.muli %add3A_83, %mul3A_114 : i32
      %add3A_116 = arith.constant 0 : i32
      %add3A_117 = arith.addi %mul3A_115, %add3A_116 : i32
      %dma_start3A_118 = arith.constant 0 : i32
      %dma_start3A_119 = tpu.memref_slice %arg8[%add3A_117, %dma_start3A_118] : memref<160x128xi32, #tpu.memory_space<vmem>> -> memref<1x128xi32, #tpu.memory_space<vmem>>
      %dma_start3A_120 = tpu.memref_squeeze %dma_start3A_119 : memref<1x128xi32, #tpu.memory_space<vmem>> -> memref<128xi32, #tpu.memory_space<vmem>>
      %dma_start3A_121 = arith.constant 0 : i32
      %dma_start3A_122 = arith.constant 0 : i32
      %dma_start3A_123 = tpu.memref_slice %arg17[%dma_start3A_121, %dma_start3A_122] : memref<10112x32xf32, #tpu.memory_space<vmem_shared>> -> memref<10112x32xf32, #tpu.memory_space<vmem_shared>>
      tpu.enqueue_indirect_dma source(%arg9 : memref<128x32xf32, #tpu.memory_space<vmem>>) target(%dma_start3A_123 : memref<10112x32xf32, #tpu.memory_space<vmem_shared>>) offsets(%dma_start3A_120 : memref<128xi32, #tpu.memory_space<vmem>>) semaphore(%arg23 : memref<!tpu.dma_semaphore, #tpu.memory_space<semaphore_mem>>) {add = true}
      %mul3A_124 = arith.constant 2 : i32
      %mul3A_125 = arith.muli %add3A_83, %mul3A_124 : i32
      %add3A_126 = arith.constant 1 : i32
      %add3A_127 = arith.addi %mul3A_125, %add3A_126 : i32
      %dma_start3A_128 = arith.constant 0 : i32
      %dma_start3A_129 = tpu.memref_slice %arg8[%add3A_127, %dma_start3A_128] : memref<160x128xi32, #tpu.memory_space<vmem>> -> memref<1x128xi32, #tpu.memory_space<vmem>>
      %dma_start3A_130 = tpu.memref_squeeze %dma_start3A_129 : memref<1x128xi32, #tpu.memory_space<vmem>> -> memref<128xi32, #tpu.memory_space<vmem>>
      %dma_start3A_131 = arith.constant 0 : i32
      %dma_start3A_132 = arith.constant 0 : i32
      %dma_start3A_133 = tpu.memref_slice %arg17[%dma_start3A_131, %dma_start3A_132] : memref<10112x32xf32, #tpu.memory_space<vmem_shared>> -> memref<10112x32xf32, #tpu.memory_space<vmem_shared>>
      tpu.enqueue_indirect_dma source(%arg10 : memref<128x32xf32, #tpu.memory_space<vmem>>) target(%dma_start3A_133 : memref<10112x32xf32, #tpu.memory_space<vmem_shared>>) offsets(%dma_start3A_130 : memref<128xi32, #tpu.memory_space<vmem>>) semaphore(%arg23 : memref<!tpu.dma_semaphore, #tpu.memory_space<semaphore_mem>>) {add = true}
      %mul3A_134 = arith.constant 4 : i32
      %mul3A_135 = arith.muli %scan3A_80, %mul3A_134 : i32
      %add3A_136 = arith.constant 1 : i32
      %add3A_137 = arith.addi %mul3A_135, %add3A_136 : i32
      %ge3A_138 = arith.constant 2 : i32
      %ge3A_139 = arith.cmpi sge, %add3A_137, %ge3A_138 : i32
      %convert_element_type3A_140 = arith.extui %ge3A_139 : i1 to i32
      %cond3A_141 = arith.constant 0 : i32
      %cond3A_142 = arith.cmpi ne, %convert_element_type3A_140, %cond3A_141 : i32
      scf.if %cond3A_142 {
        %sub3A = arith.constant 2 : i32
        %sub3A_302 = arith.subi %add3A_137, %sub3A : i32
        %mul3A_303 = arith.constant 2 : i32
        %mul3A_304 = arith.muli %sub3A_302, %mul3A_303 : i32
        %add3A_305 = arith.constant 0 : i32
        %add3A_306 = arith.addi %mul3A_304, %add3A_305 : i32
        %dma_wait3A_307 = arith.constant 0 : i32
        %dma_wait3A_308 = tpu.memref_slice %arg8[%add3A_306, %dma_wait3A_307] : memref<160x128xi32, #tpu.memory_space<vmem>> -> memref<1x128xi32, #tpu.memory_space<vmem>>
        %dma_wait3A_309 = tpu.memref_squeeze %dma_wait3A_308 : memref<1x128xi32, #tpu.memory_space<vmem>> -> memref<128xi32, #tpu.memory_space<vmem>>
        %dma_wait3A_310 = arith.constant 0 : i32
        %dma_wait3A_311 = arith.constant 0 : i32
        %dma_wait3A_312 = tpu.memref_slice %arg17[%dma_wait3A_310, %dma_wait3A_311] : memref<10112x32xf32, #tpu.memory_space<vmem_shared>> -> memref<10112x32xf32, #tpu.memory_space<vmem_shared>>
        tpu.wait_indirect_dma semaphore(%arg26 : memref<!tpu.dma_semaphore, #tpu.memory_space<semaphore_mem>>) src(%arg15 : memref<128x32xf32, #tpu.memory_space<vmem>>) dst(%dma_wait3A_312 : memref<10112x32xf32, #tpu.memory_space<vmem_shared>>)
        %mul3A_313 = arith.constant 2 : i32
        %mul3A_314 = arith.muli %sub3A_302, %mul3A_313 : i32
        %add3A_315 = arith.constant 1 : i32
        %add3A_316 = arith.addi %mul3A_314, %add3A_315 : i32
        %dma_wait3A_317 = arith.constant 0 : i32
        %dma_wait3A_318 = tpu.memref_slice %arg8[%add3A_316, %dma_wait3A_317] : memref<160x128xi32, #tpu.memory_space<vmem>> -> memref<1x128xi32, #tpu.memory_space<vmem>>
        %dma_wait3A_319 = tpu.memref_squeeze %dma_wait3A_318 : memref<1x128xi32, #tpu.memory_space<vmem>> -> memref<128xi32, #tpu.memory_space<vmem>>
        %dma_wait3A_320 = arith.constant 0 : i32
        %dma_wait3A_321 = arith.constant 0 : i32
        %dma_wait3A_322 = tpu.memref_slice %arg17[%dma_wait3A_320, %dma_wait3A_321] : memref<10112x32xf32, #tpu.memory_space<vmem_shared>> -> memref<10112x32xf32, #tpu.memory_space<vmem_shared>>
        tpu.wait_indirect_dma semaphore(%arg26 : memref<!tpu.dma_semaphore, #tpu.memory_space<semaphore_mem>>) src(%arg16 : memref<128x32xf32, #tpu.memory_space<vmem>>) dst(%dma_wait3A_322 : memref<10112x32xf32, #tpu.memory_space<vmem_shared>>)
      } else {
      }
      %add3A_143 = arith.constant 2 : i32
      %add3A_144 = arith.addi %add3A_137, %add3A_143 : i32
      %lt3A_145 = arith.constant 80 : i32
      %lt3A_146 = arith.cmpi slt, %add3A_144, %lt3A_145 : i32
      %convert_element_type3A_147 = arith.extui %lt3A_146 : i1 to i32
      %cond3A_148 = arith.constant 0 : i32
      %cond3A_149 = arith.cmpi ne, %convert_element_type3A_147, %cond3A_148 : i32
      scf.if %cond3A_149 {
        %add3A_302 = arith.constant 2 : i32
        %add3A_303 = arith.addi %add3A_137, %add3A_302 : i32
        %mul3A_304 = arith.constant 2 : i32
        %mul3A_305 = arith.muli %add3A_303, %mul3A_304 : i32
        %add3A_306 = arith.constant 0 : i32
        %add3A_307 = arith.addi %mul3A_305, %add3A_306 : i32
        %dma_start3A_308 = arith.constant 0 : i32
        %dma_start3A_309 = tpu.memref_slice %arg7[%add3A_307, %dma_start3A_308] : memref<160x128xi32, #tpu.memory_space<vmem>> -> memref<1x128xi32, #tpu.memory_space<vmem>>
        %dma_start3A_310 = tpu.memref_squeeze %dma_start3A_309 : memref<1x128xi32, #tpu.memory_space<vmem>> -> memref<128xi32, #tpu.memory_space<vmem>>
        %dma_start3A_311 = arith.constant 0 : i32
        %dma_start3A_312 = arith.constant 0 : i32
        %dma_start3A_313 = tpu.memref_slice %arg18[%dma_start3A_311, %dma_start3A_312] : memref<10000x32xf32, #tpu.memory_space<vmem_shared>> -> memref<10000x32xf32, #tpu.memory_space<vmem_shared>>
        tpu.enqueue_indirect_dma source(%dma_start3A_313 : memref<10000x32xf32, #tpu.memory_space<vmem_shared>>) target(%arg15 : memref<128x32xf32, #tpu.memory_space<vmem>>) offsets(%dma_start3A_310 : memref<128xi32, #tpu.memory_space<vmem>>) semaphore(%arg22 : memref<!tpu.dma_semaphore, #tpu.memory_space<semaphore_mem>>)
        %mul3A_314 = arith.constant 2 : i32
        %mul3A_315 = arith.muli %add3A_303, %mul3A_314 : i32
        %add3A_316 = arith.constant 1 : i32
        %add3A_317 = arith.addi %mul3A_315, %add3A_316 : i32
        %dma_start3A_318 = arith.constant 0 : i32
        %dma_start3A_319 = tpu.memref_slice %arg7[%add3A_317, %dma_start3A_318] : memref<160x128xi32, #tpu.memory_space<vmem>> -> memref<1x128xi32, #tpu.memory_space<vmem>>
        %dma_start3A_320 = tpu.memref_squeeze %dma_start3A_319 : memref<1x128xi32, #tpu.memory_space<vmem>> -> memref<128xi32, #tpu.memory_space<vmem>>
        %dma_start3A_321 = arith.constant 0 : i32
        %dma_start3A_322 = arith.constant 0 : i32
        %dma_start3A_323 = tpu.memref_slice %arg18[%dma_start3A_321, %dma_start3A_322] : memref<10000x32xf32, #tpu.memory_space<vmem_shared>> -> memref<10000x32xf32, #tpu.memory_space<vmem_shared>>
        tpu.enqueue_indirect_dma source(%dma_start3A_323 : memref<10000x32xf32, #tpu.memory_space<vmem_shared>>) target(%arg16 : memref<128x32xf32, #tpu.memory_space<vmem>>) offsets(%dma_start3A_320 : memref<128xi32, #tpu.memory_space<vmem>>) semaphore(%arg22 : memref<!tpu.dma_semaphore, #tpu.memory_space<semaphore_mem>>)
      } else {
      }
      %mul3A_150 = arith.constant 2 : i32
      %mul3A_151 = arith.muli %add3A_137, %mul3A_150 : i32
      %add3A_152 = arith.constant 0 : i32
      %add3A_153 = arith.addi %mul3A_151, %add3A_152 : i32
      %dma_wait3A_154 = arith.constant 0 : i32
      %dma_wait3A_155 = tpu.memref_slice %arg7[%add3A_153, %dma_wait3A_154] : memref<160x128xi32, #tpu.memory_space<vmem>> -> memref<1x128xi32, #tpu.memory_space<vmem>>
      %dma_wait3A_156 = tpu.memref_squeeze %dma_wait3A_155 : memref<1x128xi32, #tpu.memory_space<vmem>> -> memref<128xi32, #tpu.memory_space<vmem>>
      %dma_wait3A_157 = arith.constant 0 : i32
      %dma_wait3A_158 = arith.constant 0 : i32
      %dma_wait3A_159 = tpu.memref_slice %arg18[%dma_wait3A_157, %dma_wait3A_158] : memref<10000x32xf32, #tpu.memory_space<vmem_shared>> -> memref<10000x32xf32, #tpu.memory_space<vmem_shared>>
      tpu.wait_indirect_dma semaphore(%arg20 : memref<!tpu.dma_semaphore, #tpu.memory_space<semaphore_mem>>) src(%dma_wait3A_159 : memref<10000x32xf32, #tpu.memory_space<vmem_shared>>) dst(%arg11 : memref<128x32xf32, #tpu.memory_space<vmem>>)
      %mul3A_160 = arith.constant 2 : i32
      %mul3A_161 = arith.muli %add3A_137, %mul3A_160 : i32
      %add3A_162 = arith.constant 1 : i32
      %add3A_163 = arith.addi %mul3A_161, %add3A_162 : i32
      %dma_wait3A_164 = arith.constant 0 : i32
      %dma_wait3A_165 = tpu.memref_slice %arg7[%add3A_163, %dma_wait3A_164] : memref<160x128xi32, #tpu.memory_space<vmem>> -> memref<1x128xi32, #tpu.memory_space<vmem>>
      %dma_wait3A_166 = tpu.memref_squeeze %dma_wait3A_165 : memref<1x128xi32, #tpu.memory_space<vmem>> -> memref<128xi32, #tpu.memory_space<vmem>>
      %dma_wait3A_167 = arith.constant 0 : i32
      %dma_wait3A_168 = arith.constant 0 : i32
      %dma_wait3A_169 = tpu.memref_slice %arg18[%dma_wait3A_167, %dma_wait3A_168] : memref<10000x32xf32, #tpu.memory_space<vmem_shared>> -> memref<10000x32xf32, #tpu.memory_space<vmem_shared>>
      tpu.wait_indirect_dma semaphore(%arg20 : memref<!tpu.dma_semaphore, #tpu.memory_space<semaphore_mem>>) src(%dma_wait3A_169 : memref<10000x32xf32, #tpu.memory_space<vmem_shared>>) dst(%arg12 : memref<128x32xf32, #tpu.memory_space<vmem>>)
      %mul3A_170 = arith.constant 2 : i32
      %mul3A_171 = arith.muli %add3A_137, %mul3A_170 : i32
      %add3A_172 = arith.constant 0 : i32
      %add3A_173 = arith.addi %mul3A_171, %add3A_172 : i32
      %dma_start3A_174 = arith.constant 0 : i32
      %dma_start3A_175 = tpu.memref_slice %arg8[%add3A_173, %dma_start3A_174] : memref<160x128xi32, #tpu.memory_space<vmem>> -> memref<1x128xi32, #tpu.memory_space<vmem>>
      %dma_start3A_176 = tpu.memref_squeeze %dma_start3A_175 : memref<1x128xi32, #tpu.memory_space<vmem>> -> memref<128xi32, #tpu.memory_space<vmem>>
      %dma_start3A_177 = arith.constant 0 : i32
      %dma_start3A_178 = arith.constant 0 : i32
      %dma_start3A_179 = tpu.memref_slice %arg17[%dma_start3A_177, %dma_start3A_178] : memref<10112x32xf32, #tpu.memory_space<vmem_shared>> -> memref<10112x32xf32, #tpu.memory_space<vmem_shared>>
      tpu.enqueue_indirect_dma source(%arg11 : memref<128x32xf32, #tpu.memory_space<vmem>>) target(%dma_start3A_179 : memref<10112x32xf32, #tpu.memory_space<vmem_shared>>) offsets(%dma_start3A_176 : memref<128xi32, #tpu.memory_space<vmem>>) semaphore(%arg24 : memref<!tpu.dma_semaphore, #tpu.memory_space<semaphore_mem>>) {add = true}
      %mul3A_180 = arith.constant 2 : i32
      %mul3A_181 = arith.muli %add3A_137, %mul3A_180 : i32
      %add3A_182 = arith.constant 1 : i32
      %add3A_183 = arith.addi %mul3A_181, %add3A_182 : i32
      %dma_start3A_184 = arith.constant 0 : i32
      %dma_start3A_185 = tpu.memref_slice %arg8[%add3A_183, %dma_start3A_184] : memref<160x128xi32, #tpu.memory_space<vmem>> -> memref<1x128xi32, #tpu.memory_space<vmem>>
      %dma_start3A_186 = tpu.memref_squeeze %dma_start3A_185 : memref<1x128xi32, #tpu.memory_space<vmem>> -> memref<128xi32, #tpu.memory_space<vmem>>
      %dma_start3A_187 = arith.constant 0 : i32
      %dma_start3A_188 = arith.constant 0 : i32
      %dma_start3A_189 = tpu.memref_slice %arg17[%dma_start3A_187, %dma_start3A_188] : memref<10112x32xf32, #tpu.memory_space<vmem_shared>> -> memref<10112x32xf32, #tpu.memory_space<vmem_shared>>
      tpu.enqueue_indirect_dma source(%arg12 : memref<128x32xf32, #tpu.memory_space<vmem>>) target(%dma_start3A_189 : memref<10112x32xf32, #tpu.memory_space<vmem_shared>>) offsets(%dma_start3A_186 : memref<128xi32, #tpu.memory_space<vmem>>) semaphore(%arg24 : memref<!tpu.dma_semaphore, #tpu.memory_space<semaphore_mem>>) {add = true}
      %mul3A_190 = arith.constant 4 : i32
      %mul3A_191 = arith.muli %scan3A_80, %mul3A_190 : i32
      %add3A_192 = arith.constant 2 : i32
      %add3A_193 = arith.addi %mul3A_191, %add3A_192 : i32
      %ge3A_194 = arith.constant 2 : i32
      %ge3A_195 = arith.cmpi sge, %add3A_193, %ge3A_194 : i32
      %convert_element_type3A_196 = arith.extui %ge3A_195 : i1 to i32
      %cond3A_197 = arith.constant 0 : i32
      %cond3A_198 = arith.cmpi ne, %convert_element_type3A_196, %cond3A_197 : i32
      scf.if %cond3A_198 {
        %sub3A = arith.constant 2 : i32
        %sub3A_302 = arith.subi %add3A_193, %sub3A : i32
        %mul3A_303 = arith.constant 2 : i32
        %mul3A_304 = arith.muli %sub3A_302, %mul3A_303 : i32
        %add3A_305 = arith.constant 0 : i32
        %add3A_306 = arith.addi %mul3A_304, %add3A_305 : i32
        %dma_wait3A_307 = arith.constant 0 : i32
        %dma_wait3A_308 = tpu.memref_slice %arg8[%add3A_306, %dma_wait3A_307] : memref<160x128xi32, #tpu.memory_space<vmem>> -> memref<1x128xi32, #tpu.memory_space<vmem>>
        %dma_wait3A_309 = tpu.memref_squeeze %dma_wait3A_308 : memref<1x128xi32, #tpu.memory_space<vmem>> -> memref<128xi32, #tpu.memory_space<vmem>>
        %dma_wait3A_310 = arith.constant 0 : i32
        %dma_wait3A_311 = arith.constant 0 : i32
        %dma_wait3A_312 = tpu.memref_slice %arg17[%dma_wait3A_310, %dma_wait3A_311] : memref<10112x32xf32, #tpu.memory_space<vmem_shared>> -> memref<10112x32xf32, #tpu.memory_space<vmem_shared>>
        tpu.wait_indirect_dma semaphore(%arg23 : memref<!tpu.dma_semaphore, #tpu.memory_space<semaphore_mem>>) src(%arg9 : memref<128x32xf32, #tpu.memory_space<vmem>>) dst(%dma_wait3A_312 : memref<10112x32xf32, #tpu.memory_space<vmem_shared>>)
        %mul3A_313 = arith.constant 2 : i32
        %mul3A_314 = arith.muli %sub3A_302, %mul3A_313 : i32
        %add3A_315 = arith.constant 1 : i32
        %add3A_316 = arith.addi %mul3A_314, %add3A_315 : i32
        %dma_wait3A_317 = arith.constant 0 : i32
        %dma_wait3A_318 = tpu.memref_slice %arg8[%add3A_316, %dma_wait3A_317] : memref<160x128xi32, #tpu.memory_space<vmem>> -> memref<1x128xi32, #tpu.memory_space<vmem>>
        %dma_wait3A_319 = tpu.memref_squeeze %dma_wait3A_318 : memref<1x128xi32, #tpu.memory_space<vmem>> -> memref<128xi32, #tpu.memory_space<vmem>>
        %dma_wait3A_320 = arith.constant 0 : i32
        %dma_wait3A_321 = arith.constant 0 : i32
        %dma_wait3A_322 = tpu.memref_slice %arg17[%dma_wait3A_320, %dma_wait3A_321] : memref<10112x32xf32, #tpu.memory_space<vmem_shared>> -> memref<10112x32xf32, #tpu.memory_space<vmem_shared>>
        tpu.wait_indirect_dma semaphore(%arg23 : memref<!tpu.dma_semaphore, #tpu.memory_space<semaphore_mem>>) src(%arg10 : memref<128x32xf32, #tpu.memory_space<vmem>>) dst(%dma_wait3A_322 : memref<10112x32xf32, #tpu.memory_space<vmem_shared>>)
      } else {
      }
      %add3A_199 = arith.constant 2 : i32
      %add3A_200 = arith.addi %add3A_193, %add3A_199 : i32
      %lt3A_201 = arith.constant 80 : i32
      %lt3A_202 = arith.cmpi slt, %add3A_200, %lt3A_201 : i32
      %convert_element_type3A_203 = arith.extui %lt3A_202 : i1 to i32
      %cond3A_204 = arith.constant 0 : i32
      %cond3A_205 = arith.cmpi ne, %convert_element_type3A_203, %cond3A_204 : i32
      scf.if %cond3A_205 {
        %add3A_302 = arith.constant 2 : i32
        %add3A_303 = arith.addi %add3A_193, %add3A_302 : i32
        %mul3A_304 = arith.constant 2 : i32
        %mul3A_305 = arith.muli %add3A_303, %mul3A_304 : i32
        %add3A_306 = arith.constant 0 : i32
        %add3A_307 = arith.addi %mul3A_305, %add3A_306 : i32
        %dma_start3A_308 = arith.constant 0 : i32
        %dma_start3A_309 = tpu.memref_slice %arg7[%add3A_307, %dma_start3A_308] : memref<160x128xi32, #tpu.memory_space<vmem>> -> memref<1x128xi32, #tpu.memory_space<vmem>>
        %dma_start3A_310 = tpu.memref_squeeze %dma_start3A_309 : memref<1x128xi32, #tpu.memory_space<vmem>> -> memref<128xi32, #tpu.memory_space<vmem>>
        %dma_start3A_311 = arith.constant 0 : i32
        %dma_start3A_312 = arith.constant 0 : i32
        %dma_start3A_313 = tpu.memref_slice %arg18[%dma_start3A_311, %dma_start3A_312] : memref<10000x32xf32, #tpu.memory_space<vmem_shared>> -> memref<10000x32xf32, #tpu.memory_space<vmem_shared>>
        tpu.enqueue_indirect_dma source(%dma_start3A_313 : memref<10000x32xf32, #tpu.memory_space<vmem_shared>>) target(%arg9 : memref<128x32xf32, #tpu.memory_space<vmem>>) offsets(%dma_start3A_310 : memref<128xi32, #tpu.memory_space<vmem>>) semaphore(%arg19 : memref<!tpu.dma_semaphore, #tpu.memory_space<semaphore_mem>>)
        %mul3A_314 = arith.constant 2 : i32
        %mul3A_315 = arith.muli %add3A_303, %mul3A_314 : i32
        %add3A_316 = arith.constant 1 : i32
        %add3A_317 = arith.addi %mul3A_315, %add3A_316 : i32
        %dma_start3A_318 = arith.constant 0 : i32
        %dma_start3A_319 = tpu.memref_slice %arg7[%add3A_317, %dma_start3A_318] : memref<160x128xi32, #tpu.memory_space<vmem>> -> memref<1x128xi32, #tpu.memory_space<vmem>>
        %dma_start3A_320 = tpu.memref_squeeze %dma_start3A_319 : memref<1x128xi32, #tpu.memory_space<vmem>> -> memref<128xi32, #tpu.memory_space<vmem>>
        %dma_start3A_321 = arith.constant 0 : i32
        %dma_start3A_322 = arith.constant 0 : i32
        %dma_start3A_323 = tpu.memref_slice %arg18[%dma_start3A_321, %dma_start3A_322] : memref<10000x32xf32, #tpu.memory_space<vmem_shared>> -> memref<10000x32xf32, #tpu.memory_space<vmem_shared>>
        tpu.enqueue_indirect_dma source(%dma_start3A_323 : memref<10000x32xf32, #tpu.memory_space<vmem_shared>>) target(%arg10 : memref<128x32xf32, #tpu.memory_space<vmem>>) offsets(%dma_start3A_320 : memref<128xi32, #tpu.memory_space<vmem>>) semaphore(%arg19 : memref<!tpu.dma_semaphore, #tpu.memory_space<semaphore_mem>>)
      } else {
      }
      %mul3A_206 = arith.constant 2 : i32
      %mul3A_207 = arith.muli %add3A_193, %mul3A_206 : i32
      %add3A_208 = arith.constant 0 : i32
      %add3A_209 = arith.addi %mul3A_207, %add3A_208 : i32
      %dma_wait3A_210 = arith.constant 0 : i32
      %dma_wait3A_211 = tpu.memref_slice %arg7[%add3A_209, %dma_wait3A_210] : memref<160x128xi32, #tpu.memory_space<vmem>> -> memref<1x128xi32, #tpu.memory_space<vmem>>
      %dma_wait3A_212 = tpu.memref_squeeze %dma_wait3A_211 : memref<1x128xi32, #tpu.memory_space<vmem>> -> memref<128xi32, #tpu.memory_space<vmem>>
      %dma_wait3A_213 = arith.constant 0 : i32
      %dma_wait3A_214 = arith.constant 0 : i32
      %dma_wait3A_215 = tpu.memref_slice %arg18[%dma_wait3A_213, %dma_wait3A_214] : memref<10000x32xf32, #tpu.memory_space<vmem_shared>> -> memref<10000x32xf32, #tpu.memory_space<vmem_shared>>
      tpu.wait_indirect_dma semaphore(%arg21 : memref<!tpu.dma_semaphore, #tpu.memory_space<semaphore_mem>>) src(%dma_wait3A_215 : memref<10000x32xf32, #tpu.memory_space<vmem_shared>>) dst(%arg13 : memref<128x32xf32, #tpu.memory_space<vmem>>)
      %mul3A_216 = arith.constant 2 : i32
      %mul3A_217 = arith.muli %add3A_193, %mul3A_216 : i32
      %add3A_218 = arith.constant 1 : i32
      %add3A_219 = arith.addi %mul3A_217, %add3A_218 : i32
      %dma_wait3A_220 = arith.constant 0 : i32
      %dma_wait3A_221 = tpu.memref_slice %arg7[%add3A_219, %dma_wait3A_220] : memref<160x128xi32, #tpu.memory_space<vmem>> -> memref<1x128xi32, #tpu.memory_space<vmem>>
      %dma_wait3A_222 = tpu.memref_squeeze %dma_wait3A_221 : memref<1x128xi32, #tpu.memory_space<vmem>> -> memref<128xi32, #tpu.memory_space<vmem>>
      %dma_wait3A_223 = arith.constant 0 : i32
      %dma_wait3A_224 = arith.constant 0 : i32
      %dma_wait3A_225 = tpu.memref_slice %arg18[%dma_wait3A_223, %dma_wait3A_224] : memref<10000x32xf32, #tpu.memory_space<vmem_shared>> -> memref<10000x32xf32, #tpu.memory_space<vmem_shared>>
      tpu.wait_indirect_dma semaphore(%arg21 : memref<!tpu.dma_semaphore, #tpu.memory_space<semaphore_mem>>) src(%dma_wait3A_225 : memref<10000x32xf32, #tpu.memory_space<vmem_shared>>) dst(%arg14 : memref<128x32xf32, #tpu.memory_space<vmem>>)
      %mul3A_226 = arith.constant 2 : i32
      %mul3A_227 = arith.muli %add3A_193, %mul3A_226 : i32
      %add3A_228 = arith.constant 0 : i32
      %add3A_229 = arith.addi %mul3A_227, %add3A_228 : i32
      %dma_start3A_230 = arith.constant 0 : i32
      %dma_start3A_231 = tpu.memref_slice %arg8[%add3A_229, %dma_start3A_230] : memref<160x128xi32, #tpu.memory_space<vmem>> -> memref<1x128xi32, #tpu.memory_space<vmem>>
      %dma_start3A_232 = tpu.memref_squeeze %dma_start3A_231 : memref<1x128xi32, #tpu.memory_space<vmem>> -> memref<128xi32, #tpu.memory_space<vmem>>
      %dma_start3A_233 = arith.constant 0 : i32
      %dma_start3A_234 = arith.constant 0 : i32
      %dma_start3A_235 = tpu.memref_slice %arg17[%dma_start3A_233, %dma_start3A_234] : memref<10112x32xf32, #tpu.memory_space<vmem_shared>> -> memref<10112x32xf32, #tpu.memory_space<vmem_shared>>
      tpu.enqueue_indirect_dma source(%arg13 : memref<128x32xf32, #tpu.memory_space<vmem>>) target(%dma_start3A_235 : memref<10112x32xf32, #tpu.memory_space<vmem_shared>>) offsets(%dma_start3A_232 : memref<128xi32, #tpu.memory_space<vmem>>) semaphore(%arg25 : memref<!tpu.dma_semaphore, #tpu.memory_space<semaphore_mem>>) {add = true}
      %mul3A_236 = arith.constant 2 : i32
      %mul3A_237 = arith.muli %add3A_193, %mul3A_236 : i32
      %add3A_238 = arith.constant 1 : i32
      %add3A_239 = arith.addi %mul3A_237, %add3A_238 : i32
      %dma_start3A_240 = arith.constant 0 : i32
      %dma_start3A_241 = tpu.memref_slice %arg8[%add3A_239, %dma_start3A_240] : memref<160x128xi32, #tpu.memory_space<vmem>> -> memref<1x128xi32, #tpu.memory_space<vmem>>
      %dma_start3A_242 = tpu.memref_squeeze %dma_start3A_241 : memref<1x128xi32, #tpu.memory_space<vmem>> -> memref<128xi32, #tpu.memory_space<vmem>>
      %dma_start3A_243 = arith.constant 0 : i32
      %dma_start3A_244 = arith.constant 0 : i32
      %dma_start3A_245 = tpu.memref_slice %arg17[%dma_start3A_243, %dma_start3A_244] : memref<10112x32xf32, #tpu.memory_space<vmem_shared>> -> memref<10112x32xf32, #tpu.memory_space<vmem_shared>>
      tpu.enqueue_indirect_dma source(%arg14 : memref<128x32xf32, #tpu.memory_space<vmem>>) target(%dma_start3A_245 : memref<10112x32xf32, #tpu.memory_space<vmem_shared>>) offsets(%dma_start3A_242 : memref<128xi32, #tpu.memory_space<vmem>>) semaphore(%arg25 : memref<!tpu.dma_semaphore, #tpu.memory_space<semaphore_mem>>) {add = true}
      %mul3A_246 = arith.constant 4 : i32
      %mul3A_247 = arith.muli %scan3A_80, %mul3A_246 : i32
      %add3A_248 = arith.constant 3 : i32
      %add3A_249 = arith.addi %mul3A_247, %add3A_248 : i32
      %ge3A_250 = arith.constant 2 : i32
      %ge3A_251 = arith.cmpi sge, %add3A_249, %ge3A_250 : i32
      %convert_element_type3A_252 = arith.extui %ge3A_251 : i1 to i32
      %cond3A_253 = arith.constant 0 : i32
      %cond3A_254 = arith.cmpi ne, %convert_element_type3A_252, %cond3A_253 : i32
      scf.if %cond3A_254 {
        %sub3A = arith.constant 2 : i32
        %sub3A_302 = arith.subi %add3A_249, %sub3A : i32
        %mul3A_303 = arith.constant 2 : i32
        %mul3A_304 = arith.muli %sub3A_302, %mul3A_303 : i32
        %add3A_305 = arith.constant 0 : i32
        %add3A_306 = arith.addi %mul3A_304, %add3A_305 : i32
        %dma_wait3A_307 = arith.constant 0 : i32
        %dma_wait3A_308 = tpu.memref_slice %arg8[%add3A_306, %dma_wait3A_307] : memref<160x128xi32, #tpu.memory_space<vmem>> -> memref<1x128xi32, #tpu.memory_space<vmem>>
        %dma_wait3A_309 = tpu.memref_squeeze %dma_wait3A_308 : memref<1x128xi32, #tpu.memory_space<vmem>> -> memref<128xi32, #tpu.memory_space<vmem>>
        %dma_wait3A_310 = arith.constant 0 : i32
        %dma_wait3A_311 = arith.constant 0 : i32
        %dma_wait3A_312 = tpu.memref_slice %arg17[%dma_wait3A_310, %dma_wait3A_311] : memref<10112x32xf32, #tpu.memory_space<vmem_shared>> -> memref<10112x32xf32, #tpu.memory_space<vmem_shared>>
        tpu.wait_indirect_dma semaphore(%arg24 : memref<!tpu.dma_semaphore, #tpu.memory_space<semaphore_mem>>) src(%arg11 : memref<128x32xf32, #tpu.memory_space<vmem>>) dst(%dma_wait3A_312 : memref<10112x32xf32, #tpu.memory_space<vmem_shared>>)
        %mul3A_313 = arith.constant 2 : i32
        %mul3A_314 = arith.muli %sub3A_302, %mul3A_313 : i32
        %add3A_315 = arith.constant 1 : i32
        %add3A_316 = arith.addi %mul3A_314, %add3A_315 : i32
        %dma_wait3A_317 = arith.constant 0 : i32
        %dma_wait3A_318 = tpu.memref_slice %arg8[%add3A_316, %dma_wait3A_317] : memref<160x128xi32, #tpu.memory_space<vmem>> -> memref<1x128xi32, #tpu.memory_space<vmem>>
        %dma_wait3A_319 = tpu.memref_squeeze %dma_wait3A_318 : memref<1x128xi32, #tpu.memory_space<vmem>> -> memref<128xi32, #tpu.memory_space<vmem>>
        %dma_wait3A_320 = arith.constant 0 : i32
        %dma_wait3A_321 = arith.constant 0 : i32
        %dma_wait3A_322 = tpu.memref_slice %arg17[%dma_wait3A_320, %dma_wait3A_321] : memref<10112x32xf32, #tpu.memory_space<vmem_shared>> -> memref<10112x32xf32, #tpu.memory_space<vmem_shared>>
        tpu.wait_indirect_dma semaphore(%arg24 : memref<!tpu.dma_semaphore, #tpu.memory_space<semaphore_mem>>) src(%arg12 : memref<128x32xf32, #tpu.memory_space<vmem>>) dst(%dma_wait3A_322 : memref<10112x32xf32, #tpu.memory_space<vmem_shared>>)
      } else {
      }
      %add3A_255 = arith.constant 2 : i32
      %add3A_256 = arith.addi %add3A_249, %add3A_255 : i32
      %lt3A_257 = arith.constant 80 : i32
      %lt3A_258 = arith.cmpi slt, %add3A_256, %lt3A_257 : i32
      %convert_element_type3A_259 = arith.extui %lt3A_258 : i1 to i32
      %cond3A_260 = arith.constant 0 : i32
      %cond3A_261 = arith.cmpi ne, %convert_element_type3A_259, %cond3A_260 : i32
      scf.if %cond3A_261 {
        %add3A_302 = arith.constant 2 : i32
        %add3A_303 = arith.addi %add3A_249, %add3A_302 : i32
        %mul3A_304 = arith.constant 2 : i32
        %mul3A_305 = arith.muli %add3A_303, %mul3A_304 : i32
        %add3A_306 = arith.constant 0 : i32
        %add3A_307 = arith.addi %mul3A_305, %add3A_306 : i32
        %dma_start3A_308 = arith.constant 0 : i32
        %dma_start3A_309 = tpu.memref_slice %arg7[%add3A_307, %dma_start3A_308] : memref<160x128xi32, #tpu.memory_space<vmem>> -> memref<1x128xi32, #tpu.memory_space<vmem>>
        %dma_start3A_310 = tpu.memref_squeeze %dma_start3A_309 : memref<1x128xi32, #tpu.memory_space<vmem>> -> memref<128xi32, #tpu.memory_space<vmem>>
        %dma_start3A_311 = arith.constant 0 : i32
        %dma_start3A_312 = arith.constant 0 : i32
        %dma_start3A_313 = tpu.memref_slice %arg18[%dma_start3A_311, %dma_start3A_312] : memref<10000x32xf32, #tpu.memory_space<vmem_shared>> -> memref<10000x32xf32, #tpu.memory_space<vmem_shared>>
        tpu.enqueue_indirect_dma source(%dma_start3A_313 : memref<10000x32xf32, #tpu.memory_space<vmem_shared>>) target(%arg11 : memref<128x32xf32, #tpu.memory_space<vmem>>) offsets(%dma_start3A_310 : memref<128xi32, #tpu.memory_space<vmem>>) semaphore(%arg20 : memref<!tpu.dma_semaphore, #tpu.memory_space<semaphore_mem>>)
        %mul3A_314 = arith.constant 2 : i32
        %mul3A_315 = arith.muli %add3A_303, %mul3A_314 : i32
        %add3A_316 = arith.constant 1 : i32
        %add3A_317 = arith.addi %mul3A_315, %add3A_316 : i32
        %dma_start3A_318 = arith.constant 0 : i32
        %dma_start3A_319 = tpu.memref_slice %arg7[%add3A_317, %dma_start3A_318] : memref<160x128xi32, #tpu.memory_space<vmem>> -> memref<1x128xi32, #tpu.memory_space<vmem>>
        %dma_start3A_320 = tpu.memref_squeeze %dma_start3A_319 : memref<1x128xi32, #tpu.memory_space<vmem>> -> memref<128xi32, #tpu.memory_space<vmem>>
        %dma_start3A_321 = arith.constant 0 : i32
        %dma_start3A_322 = arith.constant 0 : i32
        %dma_start3A_323 = tpu.memref_slice %arg18[%dma_start3A_321, %dma_start3A_322] : memref<10000x32xf32, #tpu.memory_space<vmem_shared>> -> memref<10000x32xf32, #tpu.memory_space<vmem_shared>>
        tpu.enqueue_indirect_dma source(%dma_start3A_323 : memref<10000x32xf32, #tpu.memory_space<vmem_shared>>) target(%arg12 : memref<128x32xf32, #tpu.memory_space<vmem>>) offsets(%dma_start3A_320 : memref<128xi32, #tpu.memory_space<vmem>>) semaphore(%arg20 : memref<!tpu.dma_semaphore, #tpu.memory_space<semaphore_mem>>)
      } else {
      }
      %mul3A_262 = arith.constant 2 : i32
      %mul3A_263 = arith.muli %add3A_249, %mul3A_262 : i32
      %add3A_264 = arith.constant 0 : i32
      %add3A_265 = arith.addi %mul3A_263, %add3A_264 : i32
      %dma_wait3A_266 = arith.constant 0 : i32
      %dma_wait3A_267 = tpu.memref_slice %arg7[%add3A_265, %dma_wait3A_266] : memref<160x128xi32, #tpu.memory_space<vmem>> -> memref<1x128xi32, #tpu.memory_space<vmem>>
      %dma_wait3A_268 = tpu.memref_squeeze %dma_wait3A_267 : memref<1x128xi32, #tpu.memory_space<vmem>> -> memref<128xi32, #tpu.memory_space<vmem>>
      %dma_wait3A_269 = arith.constant 0 : i32
      %dma_wait3A_270 = arith.constant 0 : i32
      %dma_wait3A_271 = tpu.memref_slice %arg18[%dma_wait3A_269, %dma_wait3A_270] : memref<10000x32xf32, #tpu.memory_space<vmem_shared>> -> memref<10000x32xf32, #tpu.memory_space<vmem_shared>>
      tpu.wait_indirect_dma semaphore(%arg22 : memref<!tpu.dma_semaphore, #tpu.memory_space<semaphore_mem>>) src(%dma_wait3A_271 : memref<10000x32xf32, #tpu.memory_space<vmem_shared>>) dst(%arg15 : memref<128x32xf32, #tpu.memory_space<vmem>>)
      %mul3A_272 = arith.constant 2 : i32
      %mul3A_273 = arith.muli %add3A_249, %mul3A_272 : i32
      %add3A_274 = arith.constant 1 : i32
      %add3A_275 = arith.addi %mul3A_273, %add3A_274 : i32
      %dma_wait3A_276 = arith.constant 0 : i32
      %dma_wait3A_277 = tpu.memref_slice %arg7[%add3A_275, %dma_wait3A_276] : memref<160x128xi32, #tpu.memory_space<vmem>> -> memref<1x128xi32, #tpu.memory_space<vmem>>
      %dma_wait3A_278 = tpu.memref_squeeze %dma_wait3A_277 : memref<1x128xi32, #tpu.memory_space<vmem>> -> memref<128xi32, #tpu.memory_space<vmem>>
      %dma_wait3A_279 = arith.constant 0 : i32
      %dma_wait3A_280 = arith.constant 0 : i32
      %dma_wait3A_281 = tpu.memref_slice %arg18[%dma_wait3A_279, %dma_wait3A_280] : memref<10000x32xf32, #tpu.memory_space<vmem_shared>> -> memref<10000x32xf32, #tpu.memory_space<vmem_shared>>
      tpu.wait_indirect_dma semaphore(%arg22 : memref<!tpu.dma_semaphore, #tpu.memory_space<semaphore_mem>>) src(%dma_wait3A_281 : memref<10000x32xf32, #tpu.memory_space<vmem_shared>>) dst(%arg16 : memref<128x32xf32, #tpu.memory_space<vmem>>)
      %mul3A_282 = arith.constant 2 : i32
      %mul3A_283 = arith.muli %add3A_249, %mul3A_282 : i32
      %add3A_284 = arith.constant 0 : i32
      %add3A_285 = arith.addi %mul3A_283, %add3A_284 : i32
      %dma_start3A_286 = arith.constant 0 : i32
      %dma_start3A_287 = tpu.memref_slice %arg8[%add3A_285, %dma_start3A_286] : memref<160x128xi32, #tpu.memory_space<vmem>> -> memref<1x128xi32, #tpu.memory_space<vmem>>
      %dma_start3A_288 = tpu.memref_squeeze %dma_start3A_287 : memref<1x128xi32, #tpu.memory_space<vmem>> -> memref<128xi32, #tpu.memory_space<vmem>>
      %dma_start3A_289 = arith.constant 0 : i32
      %dma_start3A_290 = arith.constant 0 : i32
      %dma_start3A_291 = tpu.memref_slice %arg17[%dma_start3A_289, %dma_start3A_290] : memref<10112x32xf32, #tpu.memory_space<vmem_shared>> -> memref<10112x32xf32, #tpu.memory_space<vmem_shared>>
      tpu.enqueue_indirect_dma source(%arg15 : memref<128x32xf32, #tpu.memory_space<vmem>>) target(%dma_start3A_291 : memref<10112x32xf32, #tpu.memory_space<vmem_shared>>) offsets(%dma_start3A_288 : memref<128xi32, #tpu.memory_space<vmem>>) semaphore(%arg26 : memref<!tpu.dma_semaphore, #tpu.memory_space<semaphore_mem>>) {add = true}
      %mul3A_292 = arith.constant 2 : i32
      %mul3A_293 = arith.muli %add3A_249, %mul3A_292 : i32
      %add3A_294 = arith.constant 1 : i32
      %add3A_295 = arith.addi %mul3A_293, %add3A_294 : i32
      %dma_start3A_296 = arith.constant 0 : i32
      %dma_start3A_297 = tpu.memref_slice %arg8[%add3A_295, %dma_start3A_296] : memref<160x128xi32, #tpu.memory_space<vmem>> -> memref<1x128xi32, #tpu.memory_space<vmem>>
      %dma_start3A_298 = tpu.memref_squeeze %dma_start3A_297 : memref<1x128xi32, #tpu.memory_space<vmem>> -> memref<128xi32, #tpu.memory_space<vmem>>
      %dma_start3A_299 = arith.constant 0 : i32
      %dma_start3A_300 = arith.constant 0 : i32
      %dma_start3A_301 = tpu.memref_slice %arg17[%dma_start3A_299, %dma_start3A_300] : memref<10112x32xf32, #tpu.memory_space<vmem_shared>> -> memref<10112x32xf32, #tpu.memory_space<vmem_shared>>
      tpu.enqueue_indirect_dma source(%arg16 : memref<128x32xf32, #tpu.memory_space<vmem>>) target(%dma_start3A_301 : memref<10112x32xf32, #tpu.memory_space<vmem_shared>>) offsets(%dma_start3A_298 : memref<128xi32, #tpu.memory_space<vmem>>) semaphore(%arg26 : memref<!tpu.dma_semaphore, #tpu.memory_space<semaphore_mem>>) {add = true}
    }
    %scan3A_42 = arith.constant 20 : i32
    %dma_wait3A = arith.constant 156 : i32
    %dma_wait3A_43 = arith.constant 0 : i32
    %dma_wait3A_44 = tpu.memref_slice %arg8[%dma_wait3A, %dma_wait3A_43] : memref<160x128xi32, #tpu.memory_space<vmem>> -> memref<1x128xi32, #tpu.memory_space<vmem>>
    %dma_wait3A_45 = tpu.memref_squeeze %dma_wait3A_44 : memref<1x128xi32, #tpu.memory_space<vmem>> -> memref<128xi32, #tpu.memory_space<vmem>>
    %dma_wait3A_46 = arith.constant 0 : i32
    %dma_wait3A_47 = arith.constant 0 : i32
    %dma_wait3A_48 = tpu.memref_slice %arg17[%dma_wait3A_46, %dma_wait3A_47] : memref<10112x32xf32, #tpu.memory_space<vmem_shared>> -> memref<10112x32xf32, #tpu.memory_space<vmem_shared>>
    tpu.wait_indirect_dma semaphore(%arg25 : memref<!tpu.dma_semaphore, #tpu.memory_space<semaphore_mem>>) src(%arg13 : memref<128x32xf32, #tpu.memory_space<vmem>>) dst(%dma_wait3A_48 : memref<10112x32xf32, #tpu.memory_space<vmem_shared>>)
    %dma_wait3A_49 = arith.constant 157 : i32
    %dma_wait3A_50 = arith.constant 0 : i32
    %dma_wait3A_51 = tpu.memref_slice %arg8[%dma_wait3A_49, %dma_wait3A_50] : memref<160x128xi32, #tpu.memory_space<vmem>> -> memref<1x128xi32, #tpu.memory_space<vmem>>
    %dma_wait3A_52 = tpu.memref_squeeze %dma_wait3A_51 : memref<1x128xi32, #tpu.memory_space<vmem>> -> memref<128xi32, #tpu.memory_space<vmem>>
    %dma_wait3A_53 = arith.constant 0 : i32
    %dma_wait3A_54 = arith.constant 0 : i32
    %dma_wait3A_55 = tpu.memref_slice %arg17[%dma_wait3A_53, %dma_wait3A_54] : memref<10112x32xf32, #tpu.memory_space<vmem_shared>> -> memref<10112x32xf32, #tpu.memory_space<vmem_shared>>
    tpu.wait_indirect_dma semaphore(%arg25 : memref<!tpu.dma_semaphore, #tpu.memory_space<semaphore_mem>>) src(%arg14 : memref<128x32xf32, #tpu.memory_space<vmem>>) dst(%dma_wait3A_55 : memref<10112x32xf32, #tpu.memory_space<vmem_shared>>)
    %dma_wait3A_56 = arith.constant 158 : i32
    %dma_wait3A_57 = arith.constant 0 : i32
    %dma_wait3A_58 = tpu.memref_slice %arg8[%dma_wait3A_56, %dma_wait3A_57] : memref<160x128xi32, #tpu.memory_space<vmem>> -> memref<1x128xi32, #tpu.memory_space<vmem>>
    %dma_wait3A_59 = tpu.memref_squeeze %dma_wait3A_58 : memref<1x128xi32, #tpu.memory_space<vmem>> -> memref<128xi32, #tpu.memory_space<vmem>>
    %dma_wait3A_60 = arith.constant 0 : i32
    %dma_wait3A_61 = arith.constant 0 : i32
    %dma_wait3A_62 = tpu.memref_slice %arg17[%dma_wait3A_60, %dma_wait3A_61] : memref<10112x32xf32, #tpu.memory_space<vmem_shared>> -> memref<10112x32xf32, #tpu.memory_space<vmem_shared>>
    tpu.wait_indirect_dma semaphore(%arg26 : memref<!tpu.dma_semaphore, #tpu.memory_space<semaphore_mem>>) src(%arg15 : memref<128x32xf32, #tpu.memory_space<vmem>>) dst(%dma_wait3A_62 : memref<10112x32xf32, #tpu.memory_space<vmem_shared>>)
    %dma_wait3A_63 = arith.constant 159 : i32
    %dma_wait3A_64 = arith.constant 0 : i32
    %dma_wait3A_65 = tpu.memref_slice %arg8[%dma_wait3A_63, %dma_wait3A_64] : memref<160x128xi32, #tpu.memory_space<vmem>> -> memref<1x128xi32, #tpu.memory_space<vmem>>
    %dma_wait3A_66 = tpu.memref_squeeze %dma_wait3A_65 : memref<1x128xi32, #tpu.memory_space<vmem>> -> memref<128xi32, #tpu.memory_space<vmem>>
    %dma_wait3A_67 = arith.constant 0 : i32
    %dma_wait3A_68 = arith.constant 0 : i32
    %dma_wait3A_69 = tpu.memref_slice %arg17[%dma_wait3A_67, %dma_wait3A_68] : memref<10112x32xf32, #tpu.memory_space<vmem_shared>> -> memref<10112x32xf32, #tpu.memory_space<vmem_shared>>
    tpu.wait_indirect_dma semaphore(%arg26 : memref<!tpu.dma_semaphore, #tpu.memory_space<semaphore_mem>>) src(%arg16 : memref<128x32xf32, #tpu.memory_space<vmem>>) dst(%dma_wait3A_69 : memref<10112x32xf32, #tpu.memory_space<vmem_shared>>)
    %barrier3A_70 = arith.constant 0 : index
    tpu.barrier barrier_id(%barrier3A_70)
    %mul3A_71 = arith.constant 624 : i32
    %mul3A_72 = arith.muli %arg1, %mul3A_71 : i32
    %mul3A_73 = arith.constant 624 : i32
    %mul3A_74 = arith.muli %arg1, %mul3A_73 : i32
    "tpu.region"() ({
      %run_scoped3A = tpu.sem_alloc : memref<!tpu.dma_semaphore, #tpu.memory_space<semaphore_mem>>
      %dma_start3A_80 = arith.constant 0 : i32
      %dma_start3A_81 = tpu.memref_slice %arg6[%arg0, %mul3A_74, %dma_start3A_80] : memref<2x10000x32xf32, #tpu.memory_space<hbm>> -> memref<1x624x32xf32, #tpu.memory_space<hbm>>
      %dma_start3A_82 = tpu.memref_squeeze %dma_start3A_81 : memref<1x624x32xf32, #tpu.memory_space<hbm>> -> memref<624x32xf32, #tpu.memory_space<hbm>>
      %dma_start3A_83 = arith.constant 0 : i32
      %dma_start3A_84 = tpu.memref_slice %arg17[%mul3A_72, %dma_start3A_83] : memref<10112x32xf32, #tpu.memory_space<vmem_shared>> -> memref<624x32xf32, #tpu.memory_space<vmem_shared>>
      tpu.enqueue_dma source(%dma_start3A_84 : memref<624x32xf32, #tpu.memory_space<vmem_shared>>) target(%dma_start3A_82 : memref<624x32xf32, #tpu.memory_space<hbm>>) target_semaphore(%run_scoped3A : memref<!tpu.dma_semaphore, #tpu.memory_space<semaphore_mem>>)
      %dma_wait3A_85 = arith.constant 0 : i32
      %dma_wait3A_86 = tpu.memref_slice %arg6[%arg0, %mul3A_74, %dma_wait3A_85] : memref<2x10000x32xf32, #tpu.memory_space<hbm>> -> memref<1x624x32xf32, #tpu.memory_space<hbm>>
      %dma_wait3A_87 = tpu.memref_squeeze %dma_wait3A_86 : memref<1x624x32xf32, #tpu.memory_space<hbm>> -> memref<624x32xf32, #tpu.memory_space<hbm>>
      %dma_wait3A_88 = arith.constant 0 : i32
      %dma_wait3A_89 = tpu.memref_slice %arg17[%mul3A_72, %dma_wait3A_88] : memref<10112x32xf32, #tpu.memory_space<vmem_shared>> -> memref<624x32xf32, #tpu.memory_space<vmem_shared>>
      tpu.wait_dma2 semaphore(%run_scoped3A : memref<!tpu.dma_semaphore, #tpu.memory_space<semaphore_mem>>) src(%dma_wait3A_89 : memref<624x32xf32, #tpu.memory_space<vmem_shared>>) dst(%dma_wait3A_87 : memref<624x32xf32, #tpu.memory_space<hbm>>)
      tpu.yield
    }) : () -> ()
    %eq3A_75 = arith.constant 15 : i32
    %eq3A_76 = arith.cmpi eq, %arg1, %eq3A_75 : i32
    %convert_element_type3A_77 = arith.extui %eq3A_76 : i1 to i32
    %cond3A_78 = arith.constant 0 : i32
    %cond3A_79 = arith.cmpi ne, %convert_element_type3A_77, %cond3A_78 : i32
    scf.if %cond3A_79 {
      "tpu.region"() ({
        %run_scoped3A = tpu.sem_alloc : memref<!tpu.dma_semaphore, #tpu.memory_space<semaphore_mem>>
        %dma_start3A_80 = arith.constant 9984 : i32
        %dma_start3A_81 = arith.constant 0 : i32
        %dma_start3A_82 = tpu.memref_slice %arg6[%arg0, %dma_start3A_80, %dma_start3A_81] : memref<2x10000x32xf32, #tpu.memory_space<hbm>> -> memref<1x16x32xf32, #tpu.memory_space<hbm>>
        %dma_start3A_83 = tpu.memref_squeeze %dma_start3A_82 : memref<1x16x32xf32, #tpu.memory_space<hbm>> -> memref<16x32xf32, #tpu.memory_space<hbm>>
        %dma_start3A_84 = arith.constant 9984 : i32
        %dma_start3A_85 = arith.constant 0 : i32
        %dma_start3A_86 = tpu.memref_slice %arg17[%dma_start3A_84, %dma_start3A_85] : memref<10112x32xf32, #tpu.memory_space<vmem_shared>> -> memref<16x32xf32, #tpu.memory_space<vmem_shared>>
        tpu.enqueue_dma source(%dma_start3A_86 : memref<16x32xf32, #tpu.memory_space<vmem_shared>>) target(%dma_start3A_83 : memref<16x32xf32, #tpu.memory_space<hbm>>) target_semaphore(%run_scoped3A : memref<!tpu.dma_semaphore, #tpu.memory_space<semaphore_mem>>)
        %dma_wait3A_87 = arith.constant 9984 : i32
        %dma_wait3A_88 = arith.constant 0 : i32
        %dma_wait3A_89 = tpu.memref_slice %arg6[%arg0, %dma_wait3A_87, %dma_wait3A_88] : memref<2x10000x32xf32, #tpu.memory_space<hbm>> -> memref<1x16x32xf32, #tpu.memory_space<hbm>>
        %dma_wait3A_90 = tpu.memref_squeeze %dma_wait3A_89 : memref<1x16x32xf32, #tpu.memory_space<hbm>> -> memref<16x32xf32, #tpu.memory_space<hbm>>
        %dma_wait3A_91 = arith.constant 9984 : i32
        %dma_wait3A_92 = arith.constant 0 : i32
        %dma_wait3A_93 = tpu.memref_slice %arg17[%dma_wait3A_91, %dma_wait3A_92] : memref<10112x32xf32, #tpu.memory_space<vmem_shared>> -> memref<16x32xf32, #tpu.memory_space<vmem_shared>>
        tpu.wait_dma2 semaphore(%run_scoped3A : memref<!tpu.dma_semaphore, #tpu.memory_space<semaphore_mem>>) src(%dma_wait3A_93 : memref<16x32xf32, #tpu.memory_space<vmem_shared>>) dst(%dma_wait3A_90 : memref<16x32xf32, #tpu.memory_space<hbm>>)
        tpu.yield
      }) : () -> ()
    } else {
    }
    return
  }
}

#map = affine_map<(d0, d1) -> (0, 0, 0)>
#map1 = affine_map<(d0, d1) -> (0, 0)>
module attributes {stable_mosaic.version = 14 : i64} {
  func.func @sc_edge(%arg0: i32, %arg1: i32, %arg2: memref<2x10000x32xf32, #tpu.memory_space<hbm>>, %arg3: memref<2560x128xi32, #tpu.memory_space<hbm>>, %arg4: memref<2560x128xi32, #tpu.memory_space<hbm>>, %arg5: memref<632x32xf32, #tpu.memory_space<hbm>>, %arg6: memref<2x10000x32xf32, #tpu.memory_space<hbm>>, %arg7: memref<160x128xi32, #tpu.memory_space<vmem>>, %arg8: memref<160x128xi32, #tpu.memory_space<vmem>>, %arg9: memref<128x32xf32, #tpu.memory_space<vmem>>, %arg10: memref<128x32xf32, #tpu.memory_space<vmem>>, %arg11: memref<128x32xf32, #tpu.memory_space<vmem>>, %arg12: memref<128x32xf32, #tpu.memory_space<vmem>>, %arg13: memref<128x32xf32, #tpu.memory_space<vmem>>, %arg14: memref<128x32xf32, #tpu.memory_space<vmem>>, %arg15: memref<128x32xf32, #tpu.memory_space<vmem>>, %arg16: memref<128x32xf32, #tpu.memory_space<vmem>>, %arg17: memref<10112x32xf32, #tpu.memory_space<vmem_shared>>, %arg18: memref<10000x32xf32, #tpu.memory_space<vmem_shared>>, %arg19: memref<!tpu.dma_semaphore, #tpu.memory_space<semaphore_mem>>, %arg20: memref<!tpu.dma_semaphore, #tpu.memory_space<semaphore_mem>>, %arg21: memref<!tpu.dma_semaphore, #tpu.memory_space<semaphore_mem>>, %arg22: memref<!tpu.dma_semaphore, #tpu.memory_space<semaphore_mem>>, %arg23: memref<!tpu.dma_semaphore, #tpu.memory_space<semaphore_mem>>, %arg24: memref<!tpu.dma_semaphore, #tpu.memory_space<semaphore_mem>>, %arg25: memref<!tpu.dma_semaphore, #tpu.memory_space<semaphore_mem>>, %arg26: memref<!tpu.dma_semaphore, #tpu.memory_space<semaphore_mem>>) attributes {dimension_semantics = [#tpu.dimension_semantics<core_parallel>, #tpu.dimension_semantics<subcore_parallel>], iteration_bounds = array<i64: 2, 16>, scalar_prefetch = 0 : i64, scratch_operands = 20 : i64, tpu.core_type = #tpu.core_type<sc_vector_subcore>, window_params = [{transform_indices = #map}, {transform_indices = #map1}, {transform_indices = #map1}, {transform_indices = #map1}, {transform_indices = #map}]} {
    %mul3A = arith.constant 632 : i32
    %mul3A_0 = arith.muli %arg1, %mul3A : i32
    "tpu.region"() ({
      %run_scoped3A = tpu.sem_alloc : memref<!tpu.dma_semaphore, #tpu.memory_space<semaphore_mem>>
      %dma_start3A_80 = arith.constant 0 : i32
      %dma_start3A_81 = tpu.memref_slice %arg17[%mul3A_0, %dma_start3A_80] : memref<10112x32xf32, #tpu.memory_space<vmem_shared>> -> memref<632x32xf32, #tpu.memory_space<vmem_shared>>
      tpu.enqueue_dma source(%arg5 : memref<632x32xf32, #tpu.memory_space<hbm>>) target(%dma_start3A_81 : memref<632x32xf32, #tpu.memory_space<vmem_shared>>) target_semaphore(%run_scoped3A : memref<!tpu.dma_semaphore, #tpu.memory_space<semaphore_mem>>)
      %dma_wait3A_82 = arith.constant 0 : i32
      %dma_wait3A_83 = tpu.memref_slice %arg17[%mul3A_0, %dma_wait3A_82] : memref<10112x32xf32, #tpu.memory_space<vmem_shared>> -> memref<632x32xf32, #tpu.memory_space<vmem_shared>>
      tpu.wait_dma2 semaphore(%run_scoped3A : memref<!tpu.dma_semaphore, #tpu.memory_space<semaphore_mem>>) src(%arg5 : memref<632x32xf32, #tpu.memory_space<hbm>>) dst(%dma_wait3A_83 : memref<632x32xf32, #tpu.memory_space<vmem_shared>>)
      tpu.yield
    }) : () -> ()
    %mul3A_1 = arith.constant 160 : i32
    %mul3A_2 = arith.muli %arg1, %mul3A_1 : i32
    "tpu.region"() ({
      %run_scoped3A = tpu.sem_alloc : memref<!tpu.dma_semaphore, #tpu.memory_space<semaphore_mem>>
      %dma_start3A_80 = arith.constant 0 : i32
      %dma_start3A_81 = tpu.memref_slice %arg3[%mul3A_2, %dma_start3A_80] : memref<2560x128xi32, #tpu.memory_space<hbm>> -> memref<160x128xi32, #tpu.memory_space<hbm>>
      %dma_start3A_82 = arith.constant 0 : i32
      %dma_start3A_83 = tpu.memref_slice %arg3[%mul3A_2, %dma_start3A_82] : memref<2560x128xi32, #tpu.memory_space<hbm>> -> memref<160x128xi32, #tpu.memory_space<hbm>>
      tpu.enqueue_dma source(%dma_start3A_83 : memref<160x128xi32, #tpu.memory_space<hbm>>) target(%arg7 : memref<160x128xi32, #tpu.memory_space<vmem>>) target_semaphore(%run_scoped3A : memref<!tpu.dma_semaphore, #tpu.memory_space<semaphore_mem>>)
      %dma_wait3A_84 = arith.constant 0 : i32
      %dma_wait3A_85 = tpu.memref_slice %arg3[%mul3A_2, %dma_wait3A_84] : memref<2560x128xi32, #tpu.memory_space<hbm>> -> memref<160x128xi32, #tpu.memory_space<hbm>>
      %dma_wait3A_86 = arith.constant 0 : i32
      %dma_wait3A_87 = tpu.memref_slice %arg3[%mul3A_2, %dma_wait3A_86] : memref<2560x128xi32, #tpu.memory_space<hbm>> -> memref<160x128xi32, #tpu.memory_space<hbm>>
      tpu.wait_dma2 semaphore(%run_scoped3A : memref<!tpu.dma_semaphore, #tpu.memory_space<semaphore_mem>>) src(%dma_wait3A_87 : memref<160x128xi32, #tpu.memory_space<hbm>>) dst(%arg7 : memref<160x128xi32, #tpu.memory_space<vmem>>)
      tpu.yield
    }) : () -> ()
    %mul3A_3 = arith.constant 160 : i32
    %mul3A_4 = arith.muli %arg1, %mul3A_3 : i32
    "tpu.region"() ({
      %run_scoped3A = tpu.sem_alloc : memref<!tpu.dma_semaphore, #tpu.memory_space<semaphore_mem>>
      %dma_start3A_80 = arith.constant 0 : i32
      %dma_start3A_81 = tpu.memref_slice %arg4[%mul3A_4, %dma_start3A_80] : memref<2560x128xi32, #tpu.memory_space<hbm>> -> memref<160x128xi32, #tpu.memory_space<hbm>>
      %dma_start3A_82 = arith.constant 0 : i32
      %dma_start3A_83 = tpu.memref_slice %arg4[%mul3A_4, %dma_start3A_82] : memref<2560x128xi32, #tpu.memory_space<hbm>> -> memref<160x128xi32, #tpu.memory_space<hbm>>
      tpu.enqueue_dma source(%dma_start3A_83 : memref<160x128xi32, #tpu.memory_space<hbm>>) target(%arg8 : memref<160x128xi32, #tpu.memory_space<vmem>>) target_semaphore(%run_scoped3A : memref<!tpu.dma_semaphore, #tpu.memory_space<semaphore_mem>>)
      %dma_wait3A_84 = arith.constant 0 : i32
      %dma_wait3A_85 = tpu.memref_slice %arg4[%mul3A_4, %dma_wait3A_84] : memref<2560x128xi32, #tpu.memory_space<hbm>> -> memref<160x128xi32, #tpu.memory_space<hbm>>
      %dma_wait3A_86 = arith.constant 0 : i32
      %dma_wait3A_87 = tpu.memref_slice %arg4[%mul3A_4, %dma_wait3A_86] : memref<2560x128xi32, #tpu.memory_space<hbm>> -> memref<160x128xi32, #tpu.memory_space<hbm>>
      tpu.wait_dma2 semaphore(%run_scoped3A : memref<!tpu.dma_semaphore, #tpu.memory_space<semaphore_mem>>) src(%dma_wait3A_87 : memref<160x128xi32, #tpu.memory_space<hbm>>) dst(%arg8 : memref<160x128xi32, #tpu.memory_space<vmem>>)
      tpu.yield
    }) : () -> ()
    %mul3A_5 = arith.constant 624 : i32
    %mul3A_6 = arith.muli %arg1, %mul3A_5 : i32
    %mul3A_7 = arith.constant 624 : i32
    %mul3A_8 = arith.muli %arg1, %mul3A_7 : i32
    "tpu.region"() ({
      %run_scoped3A = tpu.sem_alloc : memref<!tpu.dma_semaphore, #tpu.memory_space<semaphore_mem>>
      %dma_start3A_80 = arith.constant 0 : i32
      %dma_start3A_81 = tpu.memref_slice %arg18[%mul3A_8, %dma_start3A_80] : memref<10000x32xf32, #tpu.memory_space<vmem_shared>> -> memref<624x32xf32, #tpu.memory_space<vmem_shared>>
      %dma_start3A_82 = arith.constant 0 : i32
      %dma_start3A_83 = tpu.memref_slice %arg2[%arg0, %mul3A_6, %dma_start3A_82] : memref<2x10000x32xf32, #tpu.memory_space<hbm>> -> memref<1x624x32xf32, #tpu.memory_space<hbm>>
      %dma_start3A_84 = tpu.memref_squeeze %dma_start3A_83 : memref<1x624x32xf32, #tpu.memory_space<hbm>> -> memref<624x32xf32, #tpu.memory_space<hbm>>
      tpu.enqueue_dma source(%dma_start3A_84 : memref<624x32xf32, #tpu.memory_space<hbm>>) target(%dma_start3A_81 : memref<624x32xf32, #tpu.memory_space<vmem_shared>>) target_semaphore(%run_scoped3A : memref<!tpu.dma_semaphore, #tpu.memory_space<semaphore_mem>>)
      %dma_wait3A_85 = arith.constant 0 : i32
      %dma_wait3A_86 = tpu.memref_slice %arg18[%mul3A_8, %dma_wait3A_85] : memref<10000x32xf32, #tpu.memory_space<vmem_shared>> -> memref<624x32xf32, #tpu.memory_space<vmem_shared>>
      %dma_wait3A_87 = arith.constant 0 : i32
      %dma_wait3A_88 = tpu.memref_slice %arg2[%arg0, %mul3A_6, %dma_wait3A_87] : memref<2x10000x32xf32, #tpu.memory_space<hbm>> -> memref<1x624x32xf32, #tpu.memory_space<hbm>>
      %dma_wait3A_89 = tpu.memref_squeeze %dma_wait3A_88 : memref<1x624x32xf32, #tpu.memory_space<hbm>> -> memref<624x32xf32, #tpu.memory_space<hbm>>
      tpu.wait_dma2 semaphore(%run_scoped3A : memref<!tpu.dma_semaphore, #tpu.memory_space<semaphore_mem>>) src(%dma_wait3A_89 : memref<624x32xf32, #tpu.memory_space<hbm>>) dst(%dma_wait3A_86 : memref<624x32xf32, #tpu.memory_space<vmem_shared>>)
      tpu.yield
    }) : () -> ()
    %eq3A = arith.constant 15 : i32
    %eq3A_9 = arith.cmpi eq, %arg1, %eq3A : i32
    %convert_element_type3A = arith.extui %eq3A_9 : i1 to i32
    %cond3A = arith.constant 0 : i32
    %cond3A_10 = arith.cmpi ne, %convert_element_type3A, %cond3A : i32
    scf.if %cond3A_10 {
      "tpu.region"() ({
        %run_scoped3A = tpu.sem_alloc : memref<!tpu.dma_semaphore, #tpu.memory_space<semaphore_mem>>
        %dma_start3A_80 = arith.constant 9984 : i32
        %dma_start3A_81 = arith.constant 0 : i32
        %dma_start3A_82 = tpu.memref_slice %arg18[%dma_start3A_80, %dma_start3A_81] : memref<10000x32xf32, #tpu.memory_space<vmem_shared>> -> memref<16x32xf32, #tpu.memory_space<vmem_shared>>
        %dma_start3A_83 = arith.constant 9984 : i32
        %dma_start3A_84 = arith.constant 0 : i32
        %dma_start3A_85 = tpu.memref_slice %arg2[%arg0, %dma_start3A_83, %dma_start3A_84] : memref<2x10000x32xf32, #tpu.memory_space<hbm>> -> memref<1x16x32xf32, #tpu.memory_space<hbm>>
        %dma_start3A_86 = tpu.memref_squeeze %dma_start3A_85 : memref<1x16x32xf32, #tpu.memory_space<hbm>> -> memref<16x32xf32, #tpu.memory_space<hbm>>
        tpu.enqueue_dma source(%dma_start3A_86 : memref<16x32xf32, #tpu.memory_space<hbm>>) target(%dma_start3A_82 : memref<16x32xf32, #tpu.memory_space<vmem_shared>>) target_semaphore(%run_scoped3A : memref<!tpu.dma_semaphore, #tpu.memory_space<semaphore_mem>>)
        %dma_wait3A_87 = arith.constant 9984 : i32
        %dma_wait3A_88 = arith.constant 0 : i32
        %dma_wait3A_89 = tpu.memref_slice %arg18[%dma_wait3A_87, %dma_wait3A_88] : memref<10000x32xf32, #tpu.memory_space<vmem_shared>> -> memref<16x32xf32, #tpu.memory_space<vmem_shared>>
        %dma_wait3A_90 = arith.constant 9984 : i32
        %dma_wait3A_91 = arith.constant 0 : i32
        %dma_wait3A_92 = tpu.memref_slice %arg2[%arg0, %dma_wait3A_90, %dma_wait3A_91] : memref<2x10000x32xf32, #tpu.memory_space<hbm>> -> memref<1x16x32xf32, #tpu.memory_space<hbm>>
        %dma_wait3A_93 = tpu.memref_squeeze %dma_wait3A_92 : memref<1x16x32xf32, #tpu.memory_space<hbm>> -> memref<16x32xf32, #tpu.memory_space<hbm>>
        tpu.wait_dma2 semaphore(%run_scoped3A : memref<!tpu.dma_semaphore, #tpu.memory_space<semaphore_mem>>) src(%dma_wait3A_93 : memref<16x32xf32, #tpu.memory_space<hbm>>) dst(%dma_wait3A_89 : memref<16x32xf32, #tpu.memory_space<vmem_shared>>)
        tpu.yield
      }) : () -> ()
    } else {
    }
    %barrier3A = arith.constant 0 : index
    tpu.barrier barrier_id(%barrier3A)
    %dma_start3A = arith.constant 0 : i32
    %dma_start3A_11 = arith.constant 0 : i32
    %dma_start3A_12 = tpu.memref_slice %arg7[%dma_start3A, %dma_start3A_11] : memref<160x128xi32, #tpu.memory_space<vmem>> -> memref<1x128xi32, #tpu.memory_space<vmem>>
    %dma_start3A_13 = tpu.memref_squeeze %dma_start3A_12 : memref<1x128xi32, #tpu.memory_space<vmem>> -> memref<128xi32, #tpu.memory_space<vmem>>
    %dma_start3A_14 = arith.constant 0 : i32
    %dma_start3A_15 = arith.constant 0 : i32
    %dma_start3A_16 = tpu.memref_slice %arg18[%dma_start3A_14, %dma_start3A_15] : memref<10000x32xf32, #tpu.memory_space<vmem_shared>> -> memref<10000x32xf32, #tpu.memory_space<vmem_shared>>
    tpu.enqueue_indirect_dma source(%dma_start3A_16 : memref<10000x32xf32, #tpu.memory_space<vmem_shared>>) target(%arg9 : memref<128x32xf32, #tpu.memory_space<vmem>>) offsets(%dma_start3A_13 : memref<128xi32, #tpu.memory_space<vmem>>) semaphore(%arg19 : memref<!tpu.dma_semaphore, #tpu.memory_space<semaphore_mem>>)
    %dma_start3A_17 = arith.constant 1 : i32
    %dma_start3A_18 = arith.constant 0 : i32
    %dma_start3A_19 = tpu.memref_slice %arg7[%dma_start3A_17, %dma_start3A_18] : memref<160x128xi32, #tpu.memory_space<vmem>> -> memref<1x128xi32, #tpu.memory_space<vmem>>
    %dma_start3A_20 = tpu.memref_squeeze %dma_start3A_19 : memref<1x128xi32, #tpu.memory_space<vmem>> -> memref<128xi32, #tpu.memory_space<vmem>>
    %dma_start3A_21 = arith.constant 0 : i32
    %dma_start3A_22 = arith.constant 0 : i32
    %dma_start3A_23 = tpu.memref_slice %arg18[%dma_start3A_21, %dma_start3A_22] : memref<10000x32xf32, #tpu.memory_space<vmem_shared>> -> memref<10000x32xf32, #tpu.memory_space<vmem_shared>>
    tpu.enqueue_indirect_dma source(%dma_start3A_23 : memref<10000x32xf32, #tpu.memory_space<vmem_shared>>) target(%arg10 : memref<128x32xf32, #tpu.memory_space<vmem>>) offsets(%dma_start3A_20 : memref<128xi32, #tpu.memory_space<vmem>>) semaphore(%arg19 : memref<!tpu.dma_semaphore, #tpu.memory_space<semaphore_mem>>)
    %dma_start3A_24 = arith.constant 2 : i32
    %dma_start3A_25 = arith.constant 0 : i32
    %dma_start3A_26 = tpu.memref_slice %arg7[%dma_start3A_24, %dma_start3A_25] : memref<160x128xi32, #tpu.memory_space<vmem>> -> memref<1x128xi32, #tpu.memory_space<vmem>>
    %dma_start3A_27 = tpu.memref_squeeze %dma_start3A_26 : memref<1x128xi32, #tpu.memory_space<vmem>> -> memref<128xi32, #tpu.memory_space<vmem>>
    %dma_start3A_28 = arith.constant 0 : i32
    %dma_start3A_29 = arith.constant 0 : i32
    %dma_start3A_30 = tpu.memref_slice %arg18[%dma_start3A_28, %dma_start3A_29] : memref<10000x32xf32, #tpu.memory_space<vmem_shared>> -> memref<10000x32xf32, #tpu.memory_space<vmem_shared>>
    tpu.enqueue_indirect_dma source(%dma_start3A_30 : memref<10000x32xf32, #tpu.memory_space<vmem_shared>>) target(%arg11 : memref<128x32xf32, #tpu.memory_space<vmem>>) offsets(%dma_start3A_27 : memref<128xi32, #tpu.memory_space<vmem>>) semaphore(%arg20 : memref<!tpu.dma_semaphore, #tpu.memory_space<semaphore_mem>>)
    %dma_start3A_31 = arith.constant 3 : i32
    %dma_start3A_32 = arith.constant 0 : i32
    %dma_start3A_33 = tpu.memref_slice %arg7[%dma_start3A_31, %dma_start3A_32] : memref<160x128xi32, #tpu.memory_space<vmem>> -> memref<1x128xi32, #tpu.memory_space<vmem>>
    %dma_start3A_34 = tpu.memref_squeeze %dma_start3A_33 : memref<1x128xi32, #tpu.memory_space<vmem>> -> memref<128xi32, #tpu.memory_space<vmem>>
    %dma_start3A_35 = arith.constant 0 : i32
    %dma_start3A_36 = arith.constant 0 : i32
    %dma_start3A_37 = tpu.memref_slice %arg18[%dma_start3A_35, %dma_start3A_36] : memref<10000x32xf32, #tpu.memory_space<vmem_shared>> -> memref<10000x32xf32, #tpu.memory_space<vmem_shared>>
    tpu.enqueue_indirect_dma source(%dma_start3A_37 : memref<10000x32xf32, #tpu.memory_space<vmem_shared>>) target(%arg12 : memref<128x32xf32, #tpu.memory_space<vmem>>) offsets(%dma_start3A_34 : memref<128xi32, #tpu.memory_space<vmem>>) semaphore(%arg20 : memref<!tpu.dma_semaphore, #tpu.memory_space<semaphore_mem>>)
    %scan3A = arith.constant 0 : i32
    %scan3A_38 = arith.constant 0 : i32
    %scan3A_39 = arith.constant 20 : i32
    %scan3A_40 = arith.addi %scan3A_38, %scan3A_39 : i32
    %scan3A_41 = arith.constant 1 : i32
    scf.for %scan3A_80 = %scan3A_38 to %scan3A_40 step %scan3A_41  : i32 {
      %mul3A_81 = arith.constant 4 : i32
      %mul3A_82 = arith.muli %scan3A_80, %mul3A_81 : i32
      %add3A = arith.constant 0 : i32
      %add3A_83 = arith.addi %mul3A_82, %add3A : i32
      %ge3A = arith.constant 2 : i32
      %ge3A_84 = arith.cmpi sge, %add3A_83, %ge3A : i32
      %convert_element_type3A_85 = arith.extui %ge3A_84 : i1 to i32
      %cond3A_86 = arith.constant 0 : i32
      %cond3A_87 = arith.cmpi ne, %convert_element_type3A_85, %cond3A_86 : i32
      scf.if %cond3A_87 {
        %sub3A = arith.constant 2 : i32
        %sub3A_302 = arith.subi %add3A_83, %sub3A : i32
        %mul3A_303 = arith.constant 2 : i32
        %mul3A_304 = arith.muli %sub3A_302, %mul3A_303 : i32
        %add3A_305 = arith.constant 0 : i32
        %add3A_306 = arith.addi %mul3A_304, %add3A_305 : i32
        %dma_wait3A_307 = arith.constant 0 : i32
        %dma_wait3A_308 = tpu.memref_slice %arg8[%add3A_306, %dma_wait3A_307] : memref<160x128xi32, #tpu.memory_space<vmem>> -> memref<1x128xi32, #tpu.memory_space<vmem>>
        %dma_wait3A_309 = tpu.memref_squeeze %dma_wait3A_308 : memref<1x128xi32, #tpu.memory_space<vmem>> -> memref<128xi32, #tpu.memory_space<vmem>>
        %dma_wait3A_310 = arith.constant 0 : i32
        %dma_wait3A_311 = arith.constant 0 : i32
        %dma_wait3A_312 = tpu.memref_slice %arg17[%dma_wait3A_310, %dma_wait3A_311] : memref<10112x32xf32, #tpu.memory_space<vmem_shared>> -> memref<10112x32xf32, #tpu.memory_space<vmem_shared>>
        tpu.wait_indirect_dma semaphore(%arg25 : memref<!tpu.dma_semaphore, #tpu.memory_space<semaphore_mem>>) src(%arg13 : memref<128x32xf32, #tpu.memory_space<vmem>>) dst(%dma_wait3A_312 : memref<10112x32xf32, #tpu.memory_space<vmem_shared>>)
        %mul3A_313 = arith.constant 2 : i32
        %mul3A_314 = arith.muli %sub3A_302, %mul3A_313 : i32
        %add3A_315 = arith.constant 1 : i32
        %add3A_316 = arith.addi %mul3A_314, %add3A_315 : i32
        %dma_wait3A_317 = arith.constant 0 : i32
        %dma_wait3A_318 = tpu.memref_slice %arg8[%add3A_316, %dma_wait3A_317] : memref<160x128xi32, #tpu.memory_space<vmem>> -> memref<1x128xi32, #tpu.memory_space<vmem>>
        %dma_wait3A_319 = tpu.memref_squeeze %dma_wait3A_318 : memref<1x128xi32, #tpu.memory_space<vmem>> -> memref<128xi32, #tpu.memory_space<vmem>>
        %dma_wait3A_320 = arith.constant 0 : i32
        %dma_wait3A_321 = arith.constant 0 : i32
        %dma_wait3A_322 = tpu.memref_slice %arg17[%dma_wait3A_320, %dma_wait3A_321] : memref<10112x32xf32, #tpu.memory_space<vmem_shared>> -> memref<10112x32xf32, #tpu.memory_space<vmem_shared>>
        tpu.wait_indirect_dma semaphore(%arg25 : memref<!tpu.dma_semaphore, #tpu.memory_space<semaphore_mem>>) src(%arg14 : memref<128x32xf32, #tpu.memory_space<vmem>>) dst(%dma_wait3A_322 : memref<10112x32xf32, #tpu.memory_space<vmem_shared>>)
      } else {
      }
      %add3A_88 = arith.constant 2 : i32
      %add3A_89 = arith.addi %add3A_83, %add3A_88 : i32
      %lt3A = arith.constant 80 : i32
      %lt3A_90 = arith.cmpi slt, %add3A_89, %lt3A : i32
      %convert_element_type3A_91 = arith.extui %lt3A_90 : i1 to i32
      %cond3A_92 = arith.constant 0 : i32
      %cond3A_93 = arith.cmpi ne, %convert_element_type3A_91, %cond3A_92 : i32
      scf.if %cond3A_93 {
        %add3A_302 = arith.constant 2 : i32
        %add3A_303 = arith.addi %add3A_83, %add3A_302 : i32
        %mul3A_304 = arith.constant 2 : i32
        %mul3A_305 = arith.muli %add3A_303, %mul3A_304 : i32
        %add3A_306 = arith.constant 0 : i32
        %add3A_307 = arith.addi %mul3A_305, %add3A_306 : i32
        %dma_start3A_308 = arith.constant 0 : i32
        %dma_start3A_309 = tpu.memref_slice %arg7[%add3A_307, %dma_start3A_308] : memref<160x128xi32, #tpu.memory_space<vmem>> -> memref<1x128xi32, #tpu.memory_space<vmem>>
        %dma_start3A_310 = tpu.memref_squeeze %dma_start3A_309 : memref<1x128xi32, #tpu.memory_space<vmem>> -> memref<128xi32, #tpu.memory_space<vmem>>
        %dma_start3A_311 = arith.constant 0 : i32
        %dma_start3A_312 = arith.constant 0 : i32
        %dma_start3A_313 = tpu.memref_slice %arg18[%dma_start3A_311, %dma_start3A_312] : memref<10000x32xf32, #tpu.memory_space<vmem_shared>> -> memref<10000x32xf32, #tpu.memory_space<vmem_shared>>
        tpu.enqueue_indirect_dma source(%dma_start3A_313 : memref<10000x32xf32, #tpu.memory_space<vmem_shared>>) target(%arg13 : memref<128x32xf32, #tpu.memory_space<vmem>>) offsets(%dma_start3A_310 : memref<128xi32, #tpu.memory_space<vmem>>) semaphore(%arg21 : memref<!tpu.dma_semaphore, #tpu.memory_space<semaphore_mem>>)
        %mul3A_314 = arith.constant 2 : i32
        %mul3A_315 = arith.muli %add3A_303, %mul3A_314 : i32
        %add3A_316 = arith.constant 1 : i32
        %add3A_317 = arith.addi %mul3A_315, %add3A_316 : i32
        %dma_start3A_318 = arith.constant 0 : i32
        %dma_start3A_319 = tpu.memref_slice %arg7[%add3A_317, %dma_start3A_318] : memref<160x128xi32, #tpu.memory_space<vmem>> -> memref<1x128xi32, #tpu.memory_space<vmem>>
        %dma_start3A_320 = tpu.memref_squeeze %dma_start3A_319 : memref<1x128xi32, #tpu.memory_space<vmem>> -> memref<128xi32, #tpu.memory_space<vmem>>
        %dma_start3A_321 = arith.constant 0 : i32
        %dma_start3A_322 = arith.constant 0 : i32
        %dma_start3A_323 = tpu.memref_slice %arg18[%dma_start3A_321, %dma_start3A_322] : memref<10000x32xf32, #tpu.memory_space<vmem_shared>> -> memref<10000x32xf32, #tpu.memory_space<vmem_shared>>
        tpu.enqueue_indirect_dma source(%dma_start3A_323 : memref<10000x32xf32, #tpu.memory_space<vmem_shared>>) target(%arg14 : memref<128x32xf32, #tpu.memory_space<vmem>>) offsets(%dma_start3A_320 : memref<128xi32, #tpu.memory_space<vmem>>) semaphore(%arg21 : memref<!tpu.dma_semaphore, #tpu.memory_space<semaphore_mem>>)
      } else {
      }
      %mul3A_94 = arith.constant 2 : i32
      %mul3A_95 = arith.muli %add3A_83, %mul3A_94 : i32
      %add3A_96 = arith.constant 0 : i32
      %add3A_97 = arith.addi %mul3A_95, %add3A_96 : i32
      %dma_wait3A_98 = arith.constant 0 : i32
      %dma_wait3A_99 = tpu.memref_slice %arg7[%add3A_97, %dma_wait3A_98] : memref<160x128xi32, #tpu.memory_space<vmem>> -> memref<1x128xi32, #tpu.memory_space<vmem>>
      %dma_wait3A_100 = tpu.memref_squeeze %dma_wait3A_99 : memref<1x128xi32, #tpu.memory_space<vmem>> -> memref<128xi32, #tpu.memory_space<vmem>>
      %dma_wait3A_101 = arith.constant 0 : i32
      %dma_wait3A_102 = arith.constant 0 : i32
      %dma_wait3A_103 = tpu.memref_slice %arg18[%dma_wait3A_101, %dma_wait3A_102] : memref<10000x32xf32, #tpu.memory_space<vmem_shared>> -> memref<10000x32xf32, #tpu.memory_space<vmem_shared>>
      tpu.wait_indirect_dma semaphore(%arg19 : memref<!tpu.dma_semaphore, #tpu.memory_space<semaphore_mem>>) src(%dma_wait3A_103 : memref<10000x32xf32, #tpu.memory_space<vmem_shared>>) dst(%arg9 : memref<128x32xf32, #tpu.memory_space<vmem>>)
      %mul3A_104 = arith.constant 2 : i32
      %mul3A_105 = arith.muli %add3A_83, %mul3A_104 : i32
      %add3A_106 = arith.constant 1 : i32
      %add3A_107 = arith.addi %mul3A_105, %add3A_106 : i32
      %dma_wait3A_108 = arith.constant 0 : i32
      %dma_wait3A_109 = tpu.memref_slice %arg7[%add3A_107, %dma_wait3A_108] : memref<160x128xi32, #tpu.memory_space<vmem>> -> memref<1x128xi32, #tpu.memory_space<vmem>>
      %dma_wait3A_110 = tpu.memref_squeeze %dma_wait3A_109 : memref<1x128xi32, #tpu.memory_space<vmem>> -> memref<128xi32, #tpu.memory_space<vmem>>
      %dma_wait3A_111 = arith.constant 0 : i32
      %dma_wait3A_112 = arith.constant 0 : i32
      %dma_wait3A_113 = tpu.memref_slice %arg18[%dma_wait3A_111, %dma_wait3A_112] : memref<10000x32xf32, #tpu.memory_space<vmem_shared>> -> memref<10000x32xf32, #tpu.memory_space<vmem_shared>>
      tpu.wait_indirect_dma semaphore(%arg19 : memref<!tpu.dma_semaphore, #tpu.memory_space<semaphore_mem>>) src(%dma_wait3A_113 : memref<10000x32xf32, #tpu.memory_space<vmem_shared>>) dst(%arg10 : memref<128x32xf32, #tpu.memory_space<vmem>>)
      %mul3A_114 = arith.constant 2 : i32
      %mul3A_115 = arith.muli %add3A_83, %mul3A_114 : i32
      %add3A_116 = arith.constant 0 : i32
      %add3A_117 = arith.addi %mul3A_115, %add3A_116 : i32
      %dma_start3A_118 = arith.constant 0 : i32
      %dma_start3A_119 = tpu.memref_slice %arg8[%add3A_117, %dma_start3A_118] : memref<160x128xi32, #tpu.memory_space<vmem>> -> memref<1x128xi32, #tpu.memory_space<vmem>>
      %dma_start3A_120 = tpu.memref_squeeze %dma_start3A_119 : memref<1x128xi32, #tpu.memory_space<vmem>> -> memref<128xi32, #tpu.memory_space<vmem>>
      %dma_start3A_121 = arith.constant 0 : i32
      %dma_start3A_122 = arith.constant 0 : i32
      %dma_start3A_123 = tpu.memref_slice %arg17[%dma_start3A_121, %dma_start3A_122] : memref<10112x32xf32, #tpu.memory_space<vmem_shared>> -> memref<10112x32xf32, #tpu.memory_space<vmem_shared>>
      tpu.enqueue_indirect_dma source(%arg9 : memref<128x32xf32, #tpu.memory_space<vmem>>) target(%dma_start3A_123 : memref<10112x32xf32, #tpu.memory_space<vmem_shared>>) offsets(%dma_start3A_120 : memref<128xi32, #tpu.memory_space<vmem>>) semaphore(%arg23 : memref<!tpu.dma_semaphore, #tpu.memory_space<semaphore_mem>>) {add = true}
      %mul3A_124 = arith.constant 2 : i32
      %mul3A_125 = arith.muli %add3A_83, %mul3A_124 : i32
      %add3A_126 = arith.constant 1 : i32
      %add3A_127 = arith.addi %mul3A_125, %add3A_126 : i32
      %dma_start3A_128 = arith.constant 0 : i32
      %dma_start3A_129 = tpu.memref_slice %arg8[%add3A_127, %dma_start3A_128] : memref<160x128xi32, #tpu.memory_space<vmem>> -> memref<1x128xi32, #tpu.memory_space<vmem>>
      %dma_start3A_130 = tpu.memref_squeeze %dma_start3A_129 : memref<1x128xi32, #tpu.memory_space<vmem>> -> memref<128xi32, #tpu.memory_space<vmem>>
      %dma_start3A_131 = arith.constant 0 : i32
      %dma_start3A_132 = arith.constant 0 : i32
      %dma_start3A_133 = tpu.memref_slice %arg17[%dma_start3A_131, %dma_start3A_132] : memref<10112x32xf32, #tpu.memory_space<vmem_shared>> -> memref<10112x32xf32, #tpu.memory_space<vmem_shared>>
      tpu.enqueue_indirect_dma source(%arg10 : memref<128x32xf32, #tpu.memory_space<vmem>>) target(%dma_start3A_133 : memref<10112x32xf32, #tpu.memory_space<vmem_shared>>) offsets(%dma_start3A_130 : memref<128xi32, #tpu.memory_space<vmem>>) semaphore(%arg23 : memref<!tpu.dma_semaphore, #tpu.memory_space<semaphore_mem>>) {add = true}
      %mul3A_134 = arith.constant 4 : i32
      %mul3A_135 = arith.muli %scan3A_80, %mul3A_134 : i32
      %add3A_136 = arith.constant 1 : i32
      %add3A_137 = arith.addi %mul3A_135, %add3A_136 : i32
      %ge3A_138 = arith.constant 2 : i32
      %ge3A_139 = arith.cmpi sge, %add3A_137, %ge3A_138 : i32
      %convert_element_type3A_140 = arith.extui %ge3A_139 : i1 to i32
      %cond3A_141 = arith.constant 0 : i32
      %cond3A_142 = arith.cmpi ne, %convert_element_type3A_140, %cond3A_141 : i32
      scf.if %cond3A_142 {
        %sub3A = arith.constant 2 : i32
        %sub3A_302 = arith.subi %add3A_137, %sub3A : i32
        %mul3A_303 = arith.constant 2 : i32
        %mul3A_304 = arith.muli %sub3A_302, %mul3A_303 : i32
        %add3A_305 = arith.constant 0 : i32
        %add3A_306 = arith.addi %mul3A_304, %add3A_305 : i32
        %dma_wait3A_307 = arith.constant 0 : i32
        %dma_wait3A_308 = tpu.memref_slice %arg8[%add3A_306, %dma_wait3A_307] : memref<160x128xi32, #tpu.memory_space<vmem>> -> memref<1x128xi32, #tpu.memory_space<vmem>>
        %dma_wait3A_309 = tpu.memref_squeeze %dma_wait3A_308 : memref<1x128xi32, #tpu.memory_space<vmem>> -> memref<128xi32, #tpu.memory_space<vmem>>
        %dma_wait3A_310 = arith.constant 0 : i32
        %dma_wait3A_311 = arith.constant 0 : i32
        %dma_wait3A_312 = tpu.memref_slice %arg17[%dma_wait3A_310, %dma_wait3A_311] : memref<10112x32xf32, #tpu.memory_space<vmem_shared>> -> memref<10112x32xf32, #tpu.memory_space<vmem_shared>>
        tpu.wait_indirect_dma semaphore(%arg26 : memref<!tpu.dma_semaphore, #tpu.memory_space<semaphore_mem>>) src(%arg15 : memref<128x32xf32, #tpu.memory_space<vmem>>) dst(%dma_wait3A_312 : memref<10112x32xf32, #tpu.memory_space<vmem_shared>>)
        %mul3A_313 = arith.constant 2 : i32
        %mul3A_314 = arith.muli %sub3A_302, %mul3A_313 : i32
        %add3A_315 = arith.constant 1 : i32
        %add3A_316 = arith.addi %mul3A_314, %add3A_315 : i32
        %dma_wait3A_317 = arith.constant 0 : i32
        %dma_wait3A_318 = tpu.memref_slice %arg8[%add3A_316, %dma_wait3A_317] : memref<160x128xi32, #tpu.memory_space<vmem>> -> memref<1x128xi32, #tpu.memory_space<vmem>>
        %dma_wait3A_319 = tpu.memref_squeeze %dma_wait3A_318 : memref<1x128xi32, #tpu.memory_space<vmem>> -> memref<128xi32, #tpu.memory_space<vmem>>
        %dma_wait3A_320 = arith.constant 0 : i32
        %dma_wait3A_321 = arith.constant 0 : i32
        %dma_wait3A_322 = tpu.memref_slice %arg17[%dma_wait3A_320, %dma_wait3A_321] : memref<10112x32xf32, #tpu.memory_space<vmem_shared>> -> memref<10112x32xf32, #tpu.memory_space<vmem_shared>>
        tpu.wait_indirect_dma semaphore(%arg26 : memref<!tpu.dma_semaphore, #tpu.memory_space<semaphore_mem>>) src(%arg16 : memref<128x32xf32, #tpu.memory_space<vmem>>) dst(%dma_wait3A_322 : memref<10112x32xf32, #tpu.memory_space<vmem_shared>>)
      } else {
      }
      %add3A_143 = arith.constant 2 : i32
      %add3A_144 = arith.addi %add3A_137, %add3A_143 : i32
      %lt3A_145 = arith.constant 80 : i32
      %lt3A_146 = arith.cmpi slt, %add3A_144, %lt3A_145 : i32
      %convert_element_type3A_147 = arith.extui %lt3A_146 : i1 to i32
      %cond3A_148 = arith.constant 0 : i32
      %cond3A_149 = arith.cmpi ne, %convert_element_type3A_147, %cond3A_148 : i32
      scf.if %cond3A_149 {
        %add3A_302 = arith.constant 2 : i32
        %add3A_303 = arith.addi %add3A_137, %add3A_302 : i32
        %mul3A_304 = arith.constant 2 : i32
        %mul3A_305 = arith.muli %add3A_303, %mul3A_304 : i32
        %add3A_306 = arith.constant 0 : i32
        %add3A_307 = arith.addi %mul3A_305, %add3A_306 : i32
        %dma_start3A_308 = arith.constant 0 : i32
        %dma_start3A_309 = tpu.memref_slice %arg7[%add3A_307, %dma_start3A_308] : memref<160x128xi32, #tpu.memory_space<vmem>> -> memref<1x128xi32, #tpu.memory_space<vmem>>
        %dma_start3A_310 = tpu.memref_squeeze %dma_start3A_309 : memref<1x128xi32, #tpu.memory_space<vmem>> -> memref<128xi32, #tpu.memory_space<vmem>>
        %dma_start3A_311 = arith.constant 0 : i32
        %dma_start3A_312 = arith.constant 0 : i32
        %dma_start3A_313 = tpu.memref_slice %arg18[%dma_start3A_311, %dma_start3A_312] : memref<10000x32xf32, #tpu.memory_space<vmem_shared>> -> memref<10000x32xf32, #tpu.memory_space<vmem_shared>>
        tpu.enqueue_indirect_dma source(%dma_start3A_313 : memref<10000x32xf32, #tpu.memory_space<vmem_shared>>) target(%arg15 : memref<128x32xf32, #tpu.memory_space<vmem>>) offsets(%dma_start3A_310 : memref<128xi32, #tpu.memory_space<vmem>>) semaphore(%arg22 : memref<!tpu.dma_semaphore, #tpu.memory_space<semaphore_mem>>)
        %mul3A_314 = arith.constant 2 : i32
        %mul3A_315 = arith.muli %add3A_303, %mul3A_314 : i32
        %add3A_316 = arith.constant 1 : i32
        %add3A_317 = arith.addi %mul3A_315, %add3A_316 : i32
        %dma_start3A_318 = arith.constant 0 : i32
        %dma_start3A_319 = tpu.memref_slice %arg7[%add3A_317, %dma_start3A_318] : memref<160x128xi32, #tpu.memory_space<vmem>> -> memref<1x128xi32, #tpu.memory_space<vmem>>
        %dma_start3A_320 = tpu.memref_squeeze %dma_start3A_319 : memref<1x128xi32, #tpu.memory_space<vmem>> -> memref<128xi32, #tpu.memory_space<vmem>>
        %dma_start3A_321 = arith.constant 0 : i32
        %dma_start3A_322 = arith.constant 0 : i32
        %dma_start3A_323 = tpu.memref_slice %arg18[%dma_start3A_321, %dma_start3A_322] : memref<10000x32xf32, #tpu.memory_space<vmem_shared>> -> memref<10000x32xf32, #tpu.memory_space<vmem_shared>>
        tpu.enqueue_indirect_dma source(%dma_start3A_323 : memref<10000x32xf32, #tpu.memory_space<vmem_shared>>) target(%arg16 : memref<128x32xf32, #tpu.memory_space<vmem>>) offsets(%dma_start3A_320 : memref<128xi32, #tpu.memory_space<vmem>>) semaphore(%arg22 : memref<!tpu.dma_semaphore, #tpu.memory_space<semaphore_mem>>)
      } else {
      }
      %mul3A_150 = arith.constant 2 : i32
      %mul3A_151 = arith.muli %add3A_137, %mul3A_150 : i32
      %add3A_152 = arith.constant 0 : i32
      %add3A_153 = arith.addi %mul3A_151, %add3A_152 : i32
      %dma_wait3A_154 = arith.constant 0 : i32
      %dma_wait3A_155 = tpu.memref_slice %arg7[%add3A_153, %dma_wait3A_154] : memref<160x128xi32, #tpu.memory_space<vmem>> -> memref<1x128xi32, #tpu.memory_space<vmem>>
      %dma_wait3A_156 = tpu.memref_squeeze %dma_wait3A_155 : memref<1x128xi32, #tpu.memory_space<vmem>> -> memref<128xi32, #tpu.memory_space<vmem>>
      %dma_wait3A_157 = arith.constant 0 : i32
      %dma_wait3A_158 = arith.constant 0 : i32
      %dma_wait3A_159 = tpu.memref_slice %arg18[%dma_wait3A_157, %dma_wait3A_158] : memref<10000x32xf32, #tpu.memory_space<vmem_shared>> -> memref<10000x32xf32, #tpu.memory_space<vmem_shared>>
      tpu.wait_indirect_dma semaphore(%arg20 : memref<!tpu.dma_semaphore, #tpu.memory_space<semaphore_mem>>) src(%dma_wait3A_159 : memref<10000x32xf32, #tpu.memory_space<vmem_shared>>) dst(%arg11 : memref<128x32xf32, #tpu.memory_space<vmem>>)
      %mul3A_160 = arith.constant 2 : i32
      %mul3A_161 = arith.muli %add3A_137, %mul3A_160 : i32
      %add3A_162 = arith.constant 1 : i32
      %add3A_163 = arith.addi %mul3A_161, %add3A_162 : i32
      %dma_wait3A_164 = arith.constant 0 : i32
      %dma_wait3A_165 = tpu.memref_slice %arg7[%add3A_163, %dma_wait3A_164] : memref<160x128xi32, #tpu.memory_space<vmem>> -> memref<1x128xi32, #tpu.memory_space<vmem>>
      %dma_wait3A_166 = tpu.memref_squeeze %dma_wait3A_165 : memref<1x128xi32, #tpu.memory_space<vmem>> -> memref<128xi32, #tpu.memory_space<vmem>>
      %dma_wait3A_167 = arith.constant 0 : i32
      %dma_wait3A_168 = arith.constant 0 : i32
      %dma_wait3A_169 = tpu.memref_slice %arg18[%dma_wait3A_167, %dma_wait3A_168] : memref<10000x32xf32, #tpu.memory_space<vmem_shared>> -> memref<10000x32xf32, #tpu.memory_space<vmem_shared>>
      tpu.wait_indirect_dma semaphore(%arg20 : memref<!tpu.dma_semaphore, #tpu.memory_space<semaphore_mem>>) src(%dma_wait3A_169 : memref<10000x32xf32, #tpu.memory_space<vmem_shared>>) dst(%arg12 : memref<128x32xf32, #tpu.memory_space<vmem>>)
      %mul3A_170 = arith.constant 2 : i32
      %mul3A_171 = arith.muli %add3A_137, %mul3A_170 : i32
      %add3A_172 = arith.constant 0 : i32
      %add3A_173 = arith.addi %mul3A_171, %add3A_172 : i32
      %dma_start3A_174 = arith.constant 0 : i32
      %dma_start3A_175 = tpu.memref_slice %arg8[%add3A_173, %dma_start3A_174] : memref<160x128xi32, #tpu.memory_space<vmem>> -> memref<1x128xi32, #tpu.memory_space<vmem>>
      %dma_start3A_176 = tpu.memref_squeeze %dma_start3A_175 : memref<1x128xi32, #tpu.memory_space<vmem>> -> memref<128xi32, #tpu.memory_space<vmem>>
      %dma_start3A_177 = arith.constant 0 : i32
      %dma_start3A_178 = arith.constant 0 : i32
      %dma_start3A_179 = tpu.memref_slice %arg17[%dma_start3A_177, %dma_start3A_178] : memref<10112x32xf32, #tpu.memory_space<vmem_shared>> -> memref<10112x32xf32, #tpu.memory_space<vmem_shared>>
      tpu.enqueue_indirect_dma source(%arg11 : memref<128x32xf32, #tpu.memory_space<vmem>>) target(%dma_start3A_179 : memref<10112x32xf32, #tpu.memory_space<vmem_shared>>) offsets(%dma_start3A_176 : memref<128xi32, #tpu.memory_space<vmem>>) semaphore(%arg24 : memref<!tpu.dma_semaphore, #tpu.memory_space<semaphore_mem>>) {add = true}
      %mul3A_180 = arith.constant 2 : i32
      %mul3A_181 = arith.muli %add3A_137, %mul3A_180 : i32
      %add3A_182 = arith.constant 1 : i32
      %add3A_183 = arith.addi %mul3A_181, %add3A_182 : i32
      %dma_start3A_184 = arith.constant 0 : i32
      %dma_start3A_185 = tpu.memref_slice %arg8[%add3A_183, %dma_start3A_184] : memref<160x128xi32, #tpu.memory_space<vmem>> -> memref<1x128xi32, #tpu.memory_space<vmem>>
      %dma_start3A_186 = tpu.memref_squeeze %dma_start3A_185 : memref<1x128xi32, #tpu.memory_space<vmem>> -> memref<128xi32, #tpu.memory_space<vmem>>
      %dma_start3A_187 = arith.constant 0 : i32
      %dma_start3A_188 = arith.constant 0 : i32
      %dma_start3A_189 = tpu.memref_slice %arg17[%dma_start3A_187, %dma_start3A_188] : memref<10112x32xf32, #tpu.memory_space<vmem_shared>> -> memref<10112x32xf32, #tpu.memory_space<vmem_shared>>
      tpu.enqueue_indirect_dma source(%arg12 : memref<128x32xf32, #tpu.memory_space<vmem>>) target(%dma_start3A_189 : memref<10112x32xf32, #tpu.memory_space<vmem_shared>>) offsets(%dma_start3A_186 : memref<128xi32, #tpu.memory_space<vmem>>) semaphore(%arg24 : memref<!tpu.dma_semaphore, #tpu.memory_space<semaphore_mem>>) {add = true}
      %mul3A_190 = arith.constant 4 : i32
      %mul3A_191 = arith.muli %scan3A_80, %mul3A_190 : i32
      %add3A_192 = arith.constant 2 : i32
      %add3A_193 = arith.addi %mul3A_191, %add3A_192 : i32
      %ge3A_194 = arith.constant 2 : i32
      %ge3A_195 = arith.cmpi sge, %add3A_193, %ge3A_194 : i32
      %convert_element_type3A_196 = arith.extui %ge3A_195 : i1 to i32
      %cond3A_197 = arith.constant 0 : i32
      %cond3A_198 = arith.cmpi ne, %convert_element_type3A_196, %cond3A_197 : i32
      scf.if %cond3A_198 {
        %sub3A = arith.constant 2 : i32
        %sub3A_302 = arith.subi %add3A_193, %sub3A : i32
        %mul3A_303 = arith.constant 2 : i32
        %mul3A_304 = arith.muli %sub3A_302, %mul3A_303 : i32
        %add3A_305 = arith.constant 0 : i32
        %add3A_306 = arith.addi %mul3A_304, %add3A_305 : i32
        %dma_wait3A_307 = arith.constant 0 : i32
        %dma_wait3A_308 = tpu.memref_slice %arg8[%add3A_306, %dma_wait3A_307] : memref<160x128xi32, #tpu.memory_space<vmem>> -> memref<1x128xi32, #tpu.memory_space<vmem>>
        %dma_wait3A_309 = tpu.memref_squeeze %dma_wait3A_308 : memref<1x128xi32, #tpu.memory_space<vmem>> -> memref<128xi32, #tpu.memory_space<vmem>>
        %dma_wait3A_310 = arith.constant 0 : i32
        %dma_wait3A_311 = arith.constant 0 : i32
        %dma_wait3A_312 = tpu.memref_slice %arg17[%dma_wait3A_310, %dma_wait3A_311] : memref<10112x32xf32, #tpu.memory_space<vmem_shared>> -> memref<10112x32xf32, #tpu.memory_space<vmem_shared>>
        tpu.wait_indirect_dma semaphore(%arg23 : memref<!tpu.dma_semaphore, #tpu.memory_space<semaphore_mem>>) src(%arg9 : memref<128x32xf32, #tpu.memory_space<vmem>>) dst(%dma_wait3A_312 : memref<10112x32xf32, #tpu.memory_space<vmem_shared>>)
        %mul3A_313 = arith.constant 2 : i32
        %mul3A_314 = arith.muli %sub3A_302, %mul3A_313 : i32
        %add3A_315 = arith.constant 1 : i32
        %add3A_316 = arith.addi %mul3A_314, %add3A_315 : i32
        %dma_wait3A_317 = arith.constant 0 : i32
        %dma_wait3A_318 = tpu.memref_slice %arg8[%add3A_316, %dma_wait3A_317] : memref<160x128xi32, #tpu.memory_space<vmem>> -> memref<1x128xi32, #tpu.memory_space<vmem>>
        %dma_wait3A_319 = tpu.memref_squeeze %dma_wait3A_318 : memref<1x128xi32, #tpu.memory_space<vmem>> -> memref<128xi32, #tpu.memory_space<vmem>>
        %dma_wait3A_320 = arith.constant 0 : i32
        %dma_wait3A_321 = arith.constant 0 : i32
        %dma_wait3A_322 = tpu.memref_slice %arg17[%dma_wait3A_320, %dma_wait3A_321] : memref<10112x32xf32, #tpu.memory_space<vmem_shared>> -> memref<10112x32xf32, #tpu.memory_space<vmem_shared>>
        tpu.wait_indirect_dma semaphore(%arg23 : memref<!tpu.dma_semaphore, #tpu.memory_space<semaphore_mem>>) src(%arg10 : memref<128x32xf32, #tpu.memory_space<vmem>>) dst(%dma_wait3A_322 : memref<10112x32xf32, #tpu.memory_space<vmem_shared>>)
      } else {
      }
      %add3A_199 = arith.constant 2 : i32
      %add3A_200 = arith.addi %add3A_193, %add3A_199 : i32
      %lt3A_201 = arith.constant 80 : i32
      %lt3A_202 = arith.cmpi slt, %add3A_200, %lt3A_201 : i32
      %convert_element_type3A_203 = arith.extui %lt3A_202 : i1 to i32
      %cond3A_204 = arith.constant 0 : i32
      %cond3A_205 = arith.cmpi ne, %convert_element_type3A_203, %cond3A_204 : i32
      scf.if %cond3A_205 {
        %add3A_302 = arith.constant 2 : i32
        %add3A_303 = arith.addi %add3A_193, %add3A_302 : i32
        %mul3A_304 = arith.constant 2 : i32
        %mul3A_305 = arith.muli %add3A_303, %mul3A_304 : i32
        %add3A_306 = arith.constant 0 : i32
        %add3A_307 = arith.addi %mul3A_305, %add3A_306 : i32
        %dma_start3A_308 = arith.constant 0 : i32
        %dma_start3A_309 = tpu.memref_slice %arg7[%add3A_307, %dma_start3A_308] : memref<160x128xi32, #tpu.memory_space<vmem>> -> memref<1x128xi32, #tpu.memory_space<vmem>>
        %dma_start3A_310 = tpu.memref_squeeze %dma_start3A_309 : memref<1x128xi32, #tpu.memory_space<vmem>> -> memref<128xi32, #tpu.memory_space<vmem>>
        %dma_start3A_311 = arith.constant 0 : i32
        %dma_start3A_312 = arith.constant 0 : i32
        %dma_start3A_313 = tpu.memref_slice %arg18[%dma_start3A_311, %dma_start3A_312] : memref<10000x32xf32, #tpu.memory_space<vmem_shared>> -> memref<10000x32xf32, #tpu.memory_space<vmem_shared>>
        tpu.enqueue_indirect_dma source(%dma_start3A_313 : memref<10000x32xf32, #tpu.memory_space<vmem_shared>>) target(%arg9 : memref<128x32xf32, #tpu.memory_space<vmem>>) offsets(%dma_start3A_310 : memref<128xi32, #tpu.memory_space<vmem>>) semaphore(%arg19 : memref<!tpu.dma_semaphore, #tpu.memory_space<semaphore_mem>>)
        %mul3A_314 = arith.constant 2 : i32
        %mul3A_315 = arith.muli %add3A_303, %mul3A_314 : i32
        %add3A_316 = arith.constant 1 : i32
        %add3A_317 = arith.addi %mul3A_315, %add3A_316 : i32
        %dma_start3A_318 = arith.constant 0 : i32
        %dma_start3A_319 = tpu.memref_slice %arg7[%add3A_317, %dma_start3A_318] : memref<160x128xi32, #tpu.memory_space<vmem>> -> memref<1x128xi32, #tpu.memory_space<vmem>>
        %dma_start3A_320 = tpu.memref_squeeze %dma_start3A_319 : memref<1x128xi32, #tpu.memory_space<vmem>> -> memref<128xi32, #tpu.memory_space<vmem>>
        %dma_start3A_321 = arith.constant 0 : i32
        %dma_start3A_322 = arith.constant 0 : i32
        %dma_start3A_323 = tpu.memref_slice %arg18[%dma_start3A_321, %dma_start3A_322] : memref<10000x32xf32, #tpu.memory_space<vmem_shared>> -> memref<10000x32xf32, #tpu.memory_space<vmem_shared>>
        tpu.enqueue_indirect_dma source(%dma_start3A_323 : memref<10000x32xf32, #tpu.memory_space<vmem_shared>>) target(%arg10 : memref<128x32xf32, #tpu.memory_space<vmem>>) offsets(%dma_start3A_320 : memref<128xi32, #tpu.memory_space<vmem>>) semaphore(%arg19 : memref<!tpu.dma_semaphore, #tpu.memory_space<semaphore_mem>>)
      } else {
      }
      %mul3A_206 = arith.constant 2 : i32
      %mul3A_207 = arith.muli %add3A_193, %mul3A_206 : i32
      %add3A_208 = arith.constant 0 : i32
      %add3A_209 = arith.addi %mul3A_207, %add3A_208 : i32
      %dma_wait3A_210 = arith.constant 0 : i32
      %dma_wait3A_211 = tpu.memref_slice %arg7[%add3A_209, %dma_wait3A_210] : memref<160x128xi32, #tpu.memory_space<vmem>> -> memref<1x128xi32, #tpu.memory_space<vmem>>
      %dma_wait3A_212 = tpu.memref_squeeze %dma_wait3A_211 : memref<1x128xi32, #tpu.memory_space<vmem>> -> memref<128xi32, #tpu.memory_space<vmem>>
      %dma_wait3A_213 = arith.constant 0 : i32
      %dma_wait3A_214 = arith.constant 0 : i32
      %dma_wait3A_215 = tpu.memref_slice %arg18[%dma_wait3A_213, %dma_wait3A_214] : memref<10000x32xf32, #tpu.memory_space<vmem_shared>> -> memref<10000x32xf32, #tpu.memory_space<vmem_shared>>
      tpu.wait_indirect_dma semaphore(%arg21 : memref<!tpu.dma_semaphore, #tpu.memory_space<semaphore_mem>>) src(%dma_wait3A_215 : memref<10000x32xf32, #tpu.memory_space<vmem_shared>>) dst(%arg13 : memref<128x32xf32, #tpu.memory_space<vmem>>)
      %mul3A_216 = arith.constant 2 : i32
      %mul3A_217 = arith.muli %add3A_193, %mul3A_216 : i32
      %add3A_218 = arith.constant 1 : i32
      %add3A_219 = arith.addi %mul3A_217, %add3A_218 : i32
      %dma_wait3A_220 = arith.constant 0 : i32
      %dma_wait3A_221 = tpu.memref_slice %arg7[%add3A_219, %dma_wait3A_220] : memref<160x128xi32, #tpu.memory_space<vmem>> -> memref<1x128xi32, #tpu.memory_space<vmem>>
      %dma_wait3A_222 = tpu.memref_squeeze %dma_wait3A_221 : memref<1x128xi32, #tpu.memory_space<vmem>> -> memref<128xi32, #tpu.memory_space<vmem>>
      %dma_wait3A_223 = arith.constant 0 : i32
      %dma_wait3A_224 = arith.constant 0 : i32
      %dma_wait3A_225 = tpu.memref_slice %arg18[%dma_wait3A_223, %dma_wait3A_224] : memref<10000x32xf32, #tpu.memory_space<vmem_shared>> -> memref<10000x32xf32, #tpu.memory_space<vmem_shared>>
      tpu.wait_indirect_dma semaphore(%arg21 : memref<!tpu.dma_semaphore, #tpu.memory_space<semaphore_mem>>) src(%dma_wait3A_225 : memref<10000x32xf32, #tpu.memory_space<vmem_shared>>) dst(%arg14 : memref<128x32xf32, #tpu.memory_space<vmem>>)
      %mul3A_226 = arith.constant 2 : i32
      %mul3A_227 = arith.muli %add3A_193, %mul3A_226 : i32
      %add3A_228 = arith.constant 0 : i32
      %add3A_229 = arith.addi %mul3A_227, %add3A_228 : i32
      %dma_start3A_230 = arith.constant 0 : i32
      %dma_start3A_231 = tpu.memref_slice %arg8[%add3A_229, %dma_start3A_230] : memref<160x128xi32, #tpu.memory_space<vmem>> -> memref<1x128xi32, #tpu.memory_space<vmem>>
      %dma_start3A_232 = tpu.memref_squeeze %dma_start3A_231 : memref<1x128xi32, #tpu.memory_space<vmem>> -> memref<128xi32, #tpu.memory_space<vmem>>
      %dma_start3A_233 = arith.constant 0 : i32
      %dma_start3A_234 = arith.constant 0 : i32
      %dma_start3A_235 = tpu.memref_slice %arg17[%dma_start3A_233, %dma_start3A_234] : memref<10112x32xf32, #tpu.memory_space<vmem_shared>> -> memref<10112x32xf32, #tpu.memory_space<vmem_shared>>
      tpu.enqueue_indirect_dma source(%arg13 : memref<128x32xf32, #tpu.memory_space<vmem>>) target(%dma_start3A_235 : memref<10112x32xf32, #tpu.memory_space<vmem_shared>>) offsets(%dma_start3A_232 : memref<128xi32, #tpu.memory_space<vmem>>) semaphore(%arg25 : memref<!tpu.dma_semaphore, #tpu.memory_space<semaphore_mem>>) {add = true}
      %mul3A_236 = arith.constant 2 : i32
      %mul3A_237 = arith.muli %add3A_193, %mul3A_236 : i32
      %add3A_238 = arith.constant 1 : i32
      %add3A_239 = arith.addi %mul3A_237, %add3A_238 : i32
      %dma_start3A_240 = arith.constant 0 : i32
      %dma_start3A_241 = tpu.memref_slice %arg8[%add3A_239, %dma_start3A_240] : memref<160x128xi32, #tpu.memory_space<vmem>> -> memref<1x128xi32, #tpu.memory_space<vmem>>
      %dma_start3A_242 = tpu.memref_squeeze %dma_start3A_241 : memref<1x128xi32, #tpu.memory_space<vmem>> -> memref<128xi32, #tpu.memory_space<vmem>>
      %dma_start3A_243 = arith.constant 0 : i32
      %dma_start3A_244 = arith.constant 0 : i32
      %dma_start3A_245 = tpu.memref_slice %arg17[%dma_start3A_243, %dma_start3A_244] : memref<10112x32xf32, #tpu.memory_space<vmem_shared>> -> memref<10112x32xf32, #tpu.memory_space<vmem_shared>>
      tpu.enqueue_indirect_dma source(%arg14 : memref<128x32xf32, #tpu.memory_space<vmem>>) target(%dma_start3A_245 : memref<10112x32xf32, #tpu.memory_space<vmem_shared>>) offsets(%dma_start3A_242 : memref<128xi32, #tpu.memory_space<vmem>>) semaphore(%arg25 : memref<!tpu.dma_semaphore, #tpu.memory_space<semaphore_mem>>) {add = true}
      %mul3A_246 = arith.constant 4 : i32
      %mul3A_247 = arith.muli %scan3A_80, %mul3A_246 : i32
      %add3A_248 = arith.constant 3 : i32
      %add3A_249 = arith.addi %mul3A_247, %add3A_248 : i32
      %ge3A_250 = arith.constant 2 : i32
      %ge3A_251 = arith.cmpi sge, %add3A_249, %ge3A_250 : i32
      %convert_element_type3A_252 = arith.extui %ge3A_251 : i1 to i32
      %cond3A_253 = arith.constant 0 : i32
      %cond3A_254 = arith.cmpi ne, %convert_element_type3A_252, %cond3A_253 : i32
      scf.if %cond3A_254 {
        %sub3A = arith.constant 2 : i32
        %sub3A_302 = arith.subi %add3A_249, %sub3A : i32
        %mul3A_303 = arith.constant 2 : i32
        %mul3A_304 = arith.muli %sub3A_302, %mul3A_303 : i32
        %add3A_305 = arith.constant 0 : i32
        %add3A_306 = arith.addi %mul3A_304, %add3A_305 : i32
        %dma_wait3A_307 = arith.constant 0 : i32
        %dma_wait3A_308 = tpu.memref_slice %arg8[%add3A_306, %dma_wait3A_307] : memref<160x128xi32, #tpu.memory_space<vmem>> -> memref<1x128xi32, #tpu.memory_space<vmem>>
        %dma_wait3A_309 = tpu.memref_squeeze %dma_wait3A_308 : memref<1x128xi32, #tpu.memory_space<vmem>> -> memref<128xi32, #tpu.memory_space<vmem>>
        %dma_wait3A_310 = arith.constant 0 : i32
        %dma_wait3A_311 = arith.constant 0 : i32
        %dma_wait3A_312 = tpu.memref_slice %arg17[%dma_wait3A_310, %dma_wait3A_311] : memref<10112x32xf32, #tpu.memory_space<vmem_shared>> -> memref<10112x32xf32, #tpu.memory_space<vmem_shared>>
        tpu.wait_indirect_dma semaphore(%arg24 : memref<!tpu.dma_semaphore, #tpu.memory_space<semaphore_mem>>) src(%arg11 : memref<128x32xf32, #tpu.memory_space<vmem>>) dst(%dma_wait3A_312 : memref<10112x32xf32, #tpu.memory_space<vmem_shared>>)
        %mul3A_313 = arith.constant 2 : i32
        %mul3A_314 = arith.muli %sub3A_302, %mul3A_313 : i32
        %add3A_315 = arith.constant 1 : i32
        %add3A_316 = arith.addi %mul3A_314, %add3A_315 : i32
        %dma_wait3A_317 = arith.constant 0 : i32
        %dma_wait3A_318 = tpu.memref_slice %arg8[%add3A_316, %dma_wait3A_317] : memref<160x128xi32, #tpu.memory_space<vmem>> -> memref<1x128xi32, #tpu.memory_space<vmem>>
        %dma_wait3A_319 = tpu.memref_squeeze %dma_wait3A_318 : memref<1x128xi32, #tpu.memory_space<vmem>> -> memref<128xi32, #tpu.memory_space<vmem>>
        %dma_wait3A_320 = arith.constant 0 : i32
        %dma_wait3A_321 = arith.constant 0 : i32
        %dma_wait3A_322 = tpu.memref_slice %arg17[%dma_wait3A_320, %dma_wait3A_321] : memref<10112x32xf32, #tpu.memory_space<vmem_shared>> -> memref<10112x32xf32, #tpu.memory_space<vmem_shared>>
        tpu.wait_indirect_dma semaphore(%arg24 : memref<!tpu.dma_semaphore, #tpu.memory_space<semaphore_mem>>) src(%arg12 : memref<128x32xf32, #tpu.memory_space<vmem>>) dst(%dma_wait3A_322 : memref<10112x32xf32, #tpu.memory_space<vmem_shared>>)
      } else {
      }
      %add3A_255 = arith.constant 2 : i32
      %add3A_256 = arith.addi %add3A_249, %add3A_255 : i32
      %lt3A_257 = arith.constant 80 : i32
      %lt3A_258 = arith.cmpi slt, %add3A_256, %lt3A_257 : i32
      %convert_element_type3A_259 = arith.extui %lt3A_258 : i1 to i32
      %cond3A_260 = arith.constant 0 : i32
      %cond3A_261 = arith.cmpi ne, %convert_element_type3A_259, %cond3A_260 : i32
      scf.if %cond3A_261 {
        %add3A_302 = arith.constant 2 : i32
        %add3A_303 = arith.addi %add3A_249, %add3A_302 : i32
        %mul3A_304 = arith.constant 2 : i32
        %mul3A_305 = arith.muli %add3A_303, %mul3A_304 : i32
        %add3A_306 = arith.constant 0 : i32
        %add3A_307 = arith.addi %mul3A_305, %add3A_306 : i32
        %dma_start3A_308 = arith.constant 0 : i32
        %dma_start3A_309 = tpu.memref_slice %arg7[%add3A_307, %dma_start3A_308] : memref<160x128xi32, #tpu.memory_space<vmem>> -> memref<1x128xi32, #tpu.memory_space<vmem>>
        %dma_start3A_310 = tpu.memref_squeeze %dma_start3A_309 : memref<1x128xi32, #tpu.memory_space<vmem>> -> memref<128xi32, #tpu.memory_space<vmem>>
        %dma_start3A_311 = arith.constant 0 : i32
        %dma_start3A_312 = arith.constant 0 : i32
        %dma_start3A_313 = tpu.memref_slice %arg18[%dma_start3A_311, %dma_start3A_312] : memref<10000x32xf32, #tpu.memory_space<vmem_shared>> -> memref<10000x32xf32, #tpu.memory_space<vmem_shared>>
        tpu.enqueue_indirect_dma source(%dma_start3A_313 : memref<10000x32xf32, #tpu.memory_space<vmem_shared>>) target(%arg11 : memref<128x32xf32, #tpu.memory_space<vmem>>) offsets(%dma_start3A_310 : memref<128xi32, #tpu.memory_space<vmem>>) semaphore(%arg20 : memref<!tpu.dma_semaphore, #tpu.memory_space<semaphore_mem>>)
        %mul3A_314 = arith.constant 2 : i32
        %mul3A_315 = arith.muli %add3A_303, %mul3A_314 : i32
        %add3A_316 = arith.constant 1 : i32
        %add3A_317 = arith.addi %mul3A_315, %add3A_316 : i32
        %dma_start3A_318 = arith.constant 0 : i32
        %dma_start3A_319 = tpu.memref_slice %arg7[%add3A_317, %dma_start3A_318] : memref<160x128xi32, #tpu.memory_space<vmem>> -> memref<1x128xi32, #tpu.memory_space<vmem>>
        %dma_start3A_320 = tpu.memref_squeeze %dma_start3A_319 : memref<1x128xi32, #tpu.memory_space<vmem>> -> memref<128xi32, #tpu.memory_space<vmem>>
        %dma_start3A_321 = arith.constant 0 : i32
        %dma_start3A_322 = arith.constant 0 : i32
        %dma_start3A_323 = tpu.memref_slice %arg18[%dma_start3A_321, %dma_start3A_322] : memref<10000x32xf32, #tpu.memory_space<vmem_shared>> -> memref<10000x32xf32, #tpu.memory_space<vmem_shared>>
        tpu.enqueue_indirect_dma source(%dma_start3A_323 : memref<10000x32xf32, #tpu.memory_space<vmem_shared>>) target(%arg12 : memref<128x32xf32, #tpu.memory_space<vmem>>) offsets(%dma_start3A_320 : memref<128xi32, #tpu.memory_space<vmem>>) semaphore(%arg20 : memref<!tpu.dma_semaphore, #tpu.memory_space<semaphore_mem>>)
      } else {
      }
      %mul3A_262 = arith.constant 2 : i32
      %mul3A_263 = arith.muli %add3A_249, %mul3A_262 : i32
      %add3A_264 = arith.constant 0 : i32
      %add3A_265 = arith.addi %mul3A_263, %add3A_264 : i32
      %dma_wait3A_266 = arith.constant 0 : i32
      %dma_wait3A_267 = tpu.memref_slice %arg7[%add3A_265, %dma_wait3A_266] : memref<160x128xi32, #tpu.memory_space<vmem>> -> memref<1x128xi32, #tpu.memory_space<vmem>>
      %dma_wait3A_268 = tpu.memref_squeeze %dma_wait3A_267 : memref<1x128xi32, #tpu.memory_space<vmem>> -> memref<128xi32, #tpu.memory_space<vmem>>
      %dma_wait3A_269 = arith.constant 0 : i32
      %dma_wait3A_270 = arith.constant 0 : i32
      %dma_wait3A_271 = tpu.memref_slice %arg18[%dma_wait3A_269, %dma_wait3A_270] : memref<10000x32xf32, #tpu.memory_space<vmem_shared>> -> memref<10000x32xf32, #tpu.memory_space<vmem_shared>>
      tpu.wait_indirect_dma semaphore(%arg22 : memref<!tpu.dma_semaphore, #tpu.memory_space<semaphore_mem>>) src(%dma_wait3A_271 : memref<10000x32xf32, #tpu.memory_space<vmem_shared>>) dst(%arg15 : memref<128x32xf32, #tpu.memory_space<vmem>>)
      %mul3A_272 = arith.constant 2 : i32
      %mul3A_273 = arith.muli %add3A_249, %mul3A_272 : i32
      %add3A_274 = arith.constant 1 : i32
      %add3A_275 = arith.addi %mul3A_273, %add3A_274 : i32
      %dma_wait3A_276 = arith.constant 0 : i32
      %dma_wait3A_277 = tpu.memref_slice %arg7[%add3A_275, %dma_wait3A_276] : memref<160x128xi32, #tpu.memory_space<vmem>> -> memref<1x128xi32, #tpu.memory_space<vmem>>
      %dma_wait3A_278 = tpu.memref_squeeze %dma_wait3A_277 : memref<1x128xi32, #tpu.memory_space<vmem>> -> memref<128xi32, #tpu.memory_space<vmem>>
      %dma_wait3A_279 = arith.constant 0 : i32
      %dma_wait3A_280 = arith.constant 0 : i32
      %dma_wait3A_281 = tpu.memref_slice %arg18[%dma_wait3A_279, %dma_wait3A_280] : memref<10000x32xf32, #tpu.memory_space<vmem_shared>> -> memref<10000x32xf32, #tpu.memory_space<vmem_shared>>
      tpu.wait_indirect_dma semaphore(%arg22 : memref<!tpu.dma_semaphore, #tpu.memory_space<semaphore_mem>>) src(%dma_wait3A_281 : memref<10000x32xf32, #tpu.memory_space<vmem_shared>>) dst(%arg16 : memref<128x32xf32, #tpu.memory_space<vmem>>)
      %mul3A_282 = arith.constant 2 : i32
      %mul3A_283 = arith.muli %add3A_249, %mul3A_282 : i32
      %add3A_284 = arith.constant 0 : i32
      %add3A_285 = arith.addi %mul3A_283, %add3A_284 : i32
      %dma_start3A_286 = arith.constant 0 : i32
      %dma_start3A_287 = tpu.memref_slice %arg8[%add3A_285, %dma_start3A_286] : memref<160x128xi32, #tpu.memory_space<vmem>> -> memref<1x128xi32, #tpu.memory_space<vmem>>
      %dma_start3A_288 = tpu.memref_squeeze %dma_start3A_287 : memref<1x128xi32, #tpu.memory_space<vmem>> -> memref<128xi32, #tpu.memory_space<vmem>>
      %dma_start3A_289 = arith.constant 0 : i32
      %dma_start3A_290 = arith.constant 0 : i32
      %dma_start3A_291 = tpu.memref_slice %arg17[%dma_start3A_289, %dma_start3A_290] : memref<10112x32xf32, #tpu.memory_space<vmem_shared>> -> memref<10112x32xf32, #tpu.memory_space<vmem_shared>>
      tpu.enqueue_indirect_dma source(%arg15 : memref<128x32xf32, #tpu.memory_space<vmem>>) target(%dma_start3A_291 : memref<10112x32xf32, #tpu.memory_space<vmem_shared>>) offsets(%dma_start3A_288 : memref<128xi32, #tpu.memory_space<vmem>>) semaphore(%arg26 : memref<!tpu.dma_semaphore, #tpu.memory_space<semaphore_mem>>) {add = true}
      %mul3A_292 = arith.constant 2 : i32
      %mul3A_293 = arith.muli %add3A_249, %mul3A_292 : i32
      %add3A_294 = arith.constant 1 : i32
      %add3A_295 = arith.addi %mul3A_293, %add3A_294 : i32
      %dma_start3A_296 = arith.constant 0 : i32
      %dma_start3A_297 = tpu.memref_slice %arg8[%add3A_295, %dma_start3A_296] : memref<160x128xi32, #tpu.memory_space<vmem>> -> memref<1x128xi32, #tpu.memory_space<vmem>>
      %dma_start3A_298 = tpu.memref_squeeze %dma_start3A_297 : memref<1x128xi32, #tpu.memory_space<vmem>> -> memref<128xi32, #tpu.memory_space<vmem>>
      %dma_start3A_299 = arith.constant 0 : i32
      %dma_start3A_300 = arith.constant 0 : i32
      %dma_start3A_301 = tpu.memref_slice %arg17[%dma_start3A_299, %dma_start3A_300] : memref<10112x32xf32, #tpu.memory_space<vmem_shared>> -> memref<10112x32xf32, #tpu.memory_space<vmem_shared>>
      tpu.enqueue_indirect_dma source(%arg16 : memref<128x32xf32, #tpu.memory_space<vmem>>) target(%dma_start3A_301 : memref<10112x32xf32, #tpu.memory_space<vmem_shared>>) offsets(%dma_start3A_298 : memref<128xi32, #tpu.memory_space<vmem>>) semaphore(%arg26 : memref<!tpu.dma_semaphore, #tpu.memory_space<semaphore_mem>>) {add = true}
    }
    %scan3A_42 = arith.constant 20 : i32
    %dma_wait3A = arith.constant 156 : i32
    %dma_wait3A_43 = arith.constant 0 : i32
    %dma_wait3A_44 = tpu.memref_slice %arg8[%dma_wait3A, %dma_wait3A_43] : memref<160x128xi32, #tpu.memory_space<vmem>> -> memref<1x128xi32, #tpu.memory_space<vmem>>
    %dma_wait3A_45 = tpu.memref_squeeze %dma_wait3A_44 : memref<1x128xi32, #tpu.memory_space<vmem>> -> memref<128xi32, #tpu.memory_space<vmem>>
    %dma_wait3A_46 = arith.constant 0 : i32
    %dma_wait3A_47 = arith.constant 0 : i32
    %dma_wait3A_48 = tpu.memref_slice %arg17[%dma_wait3A_46, %dma_wait3A_47] : memref<10112x32xf32, #tpu.memory_space<vmem_shared>> -> memref<10112x32xf32, #tpu.memory_space<vmem_shared>>
    tpu.wait_indirect_dma semaphore(%arg25 : memref<!tpu.dma_semaphore, #tpu.memory_space<semaphore_mem>>) src(%arg13 : memref<128x32xf32, #tpu.memory_space<vmem>>) dst(%dma_wait3A_48 : memref<10112x32xf32, #tpu.memory_space<vmem_shared>>)
    %dma_wait3A_49 = arith.constant 157 : i32
    %dma_wait3A_50 = arith.constant 0 : i32
    %dma_wait3A_51 = tpu.memref_slice %arg8[%dma_wait3A_49, %dma_wait3A_50] : memref<160x128xi32, #tpu.memory_space<vmem>> -> memref<1x128xi32, #tpu.memory_space<vmem>>
    %dma_wait3A_52 = tpu.memref_squeeze %dma_wait3A_51 : memref<1x128xi32, #tpu.memory_space<vmem>> -> memref<128xi32, #tpu.memory_space<vmem>>
    %dma_wait3A_53 = arith.constant 0 : i32
    %dma_wait3A_54 = arith.constant 0 : i32
    %dma_wait3A_55 = tpu.memref_slice %arg17[%dma_wait3A_53, %dma_wait3A_54] : memref<10112x32xf32, #tpu.memory_space<vmem_shared>> -> memref<10112x32xf32, #tpu.memory_space<vmem_shared>>
    tpu.wait_indirect_dma semaphore(%arg25 : memref<!tpu.dma_semaphore, #tpu.memory_space<semaphore_mem>>) src(%arg14 : memref<128x32xf32, #tpu.memory_space<vmem>>) dst(%dma_wait3A_55 : memref<10112x32xf32, #tpu.memory_space<vmem_shared>>)
    %dma_wait3A_56 = arith.constant 158 : i32
    %dma_wait3A_57 = arith.constant 0 : i32
    %dma_wait3A_58 = tpu.memref_slice %arg8[%dma_wait3A_56, %dma_wait3A_57] : memref<160x128xi32, #tpu.memory_space<vmem>> -> memref<1x128xi32, #tpu.memory_space<vmem>>
    %dma_wait3A_59 = tpu.memref_squeeze %dma_wait3A_58 : memref<1x128xi32, #tpu.memory_space<vmem>> -> memref<128xi32, #tpu.memory_space<vmem>>
    %dma_wait3A_60 = arith.constant 0 : i32
    %dma_wait3A_61 = arith.constant 0 : i32
    %dma_wait3A_62 = tpu.memref_slice %arg17[%dma_wait3A_60, %dma_wait3A_61] : memref<10112x32xf32, #tpu.memory_space<vmem_shared>> -> memref<10112x32xf32, #tpu.memory_space<vmem_shared>>
    tpu.wait_indirect_dma semaphore(%arg26 : memref<!tpu.dma_semaphore, #tpu.memory_space<semaphore_mem>>) src(%arg15 : memref<128x32xf32, #tpu.memory_space<vmem>>) dst(%dma_wait3A_62 : memref<10112x32xf32, #tpu.memory_space<vmem_shared>>)
    %dma_wait3A_63 = arith.constant 159 : i32
    %dma_wait3A_64 = arith.constant 0 : i32
    %dma_wait3A_65 = tpu.memref_slice %arg8[%dma_wait3A_63, %dma_wait3A_64] : memref<160x128xi32, #tpu.memory_space<vmem>> -> memref<1x128xi32, #tpu.memory_space<vmem>>
    %dma_wait3A_66 = tpu.memref_squeeze %dma_wait3A_65 : memref<1x128xi32, #tpu.memory_space<vmem>> -> memref<128xi32, #tpu.memory_space<vmem>>
    %dma_wait3A_67 = arith.constant 0 : i32
    %dma_wait3A_68 = arith.constant 0 : i32
    %dma_wait3A_69 = tpu.memref_slice %arg17[%dma_wait3A_67, %dma_wait3A_68] : memref<10112x32xf32, #tpu.memory_space<vmem_shared>> -> memref<10112x32xf32, #tpu.memory_space<vmem_shared>>
    tpu.wait_indirect_dma semaphore(%arg26 : memref<!tpu.dma_semaphore, #tpu.memory_space<semaphore_mem>>) src(%arg16 : memref<128x32xf32, #tpu.memory_space<vmem>>) dst(%dma_wait3A_69 : memref<10112x32xf32, #tpu.memory_space<vmem_shared>>)
    %barrier3A_70 = arith.constant 0 : index
    tpu.barrier barrier_id(%barrier3A_70)
    %mul3A_71 = arith.constant 624 : i32
    %mul3A_72 = arith.muli %arg1, %mul3A_71 : i32
    %mul3A_73 = arith.constant 624 : i32
    %mul3A_74 = arith.muli %arg1, %mul3A_73 : i32
    "tpu.region"() ({
      %run_scoped3A = tpu.sem_alloc : memref<!tpu.dma_semaphore, #tpu.memory_space<semaphore_mem>>
      %dma_start3A_80 = arith.constant 0 : i32
      %dma_start3A_81 = tpu.memref_slice %arg6[%arg0, %mul3A_74, %dma_start3A_80] : memref<2x10000x32xf32, #tpu.memory_space<hbm>> -> memref<1x624x32xf32, #tpu.memory_space<hbm>>
      %dma_start3A_82 = tpu.memref_squeeze %dma_start3A_81 : memref<1x624x32xf32, #tpu.memory_space<hbm>> -> memref<624x32xf32, #tpu.memory_space<hbm>>
      %dma_start3A_83 = arith.constant 0 : i32
      %dma_start3A_84 = tpu.memref_slice %arg17[%mul3A_72, %dma_start3A_83] : memref<10112x32xf32, #tpu.memory_space<vmem_shared>> -> memref<624x32xf32, #tpu.memory_space<vmem_shared>>
      tpu.enqueue_dma source(%dma_start3A_84 : memref<624x32xf32, #tpu.memory_space<vmem_shared>>) target(%dma_start3A_82 : memref<624x32xf32, #tpu.memory_space<hbm>>) target_semaphore(%run_scoped3A : memref<!tpu.dma_semaphore, #tpu.memory_space<semaphore_mem>>)
      %dma_wait3A_85 = arith.constant 0 : i32
      %dma_wait3A_86 = tpu.memref_slice %arg6[%arg0, %mul3A_74, %dma_wait3A_85] : memref<2x10000x32xf32, #tpu.memory_space<hbm>> -> memref<1x624x32xf32, #tpu.memory_space<hbm>>
      %dma_wait3A_87 = tpu.memref_squeeze %dma_wait3A_86 : memref<1x624x32xf32, #tpu.memory_space<hbm>> -> memref<624x32xf32, #tpu.memory_space<hbm>>
      %dma_wait3A_88 = arith.constant 0 : i32
      %dma_wait3A_89 = tpu.memref_slice %arg17[%mul3A_72, %dma_wait3A_88] : memref<10112x32xf32, #tpu.memory_space<vmem_shared>> -> memref<624x32xf32, #tpu.memory_space<vmem_shared>>
      tpu.wait_dma2 semaphore(%run_scoped3A : memref<!tpu.dma_semaphore, #tpu.memory_space<semaphore_mem>>) src(%dma_wait3A_89 : memref<624x32xf32, #tpu.memory_space<vmem_shared>>) dst(%dma_wait3A_87 : memref<624x32xf32, #tpu.memory_space<hbm>>)
      tpu.yield
    }) : () -> ()
    %eq3A_75 = arith.constant 15 : i32
    %eq3A_76 = arith.cmpi eq, %arg1, %eq3A_75 : i32
    %convert_element_type3A_77 = arith.extui %eq3A_76 : i1 to i32
    %cond3A_78 = arith.constant 0 : i32
    %cond3A_79 = arith.cmpi ne, %convert_element_type3A_77, %cond3A_78 : i32
    scf.if %cond3A_79 {
      "tpu.region"() ({
        %run_scoped3A = tpu.sem_alloc : memref<!tpu.dma_semaphore, #tpu.memory_space<semaphore_mem>>
        %dma_start3A_80 = arith.constant 9984 : i32
        %dma_start3A_81 = arith.constant 0 : i32
        %dma_start3A_82 = tpu.memref_slice %arg6[%arg0, %dma_start3A_80, %dma_start3A_81] : memref<2x10000x32xf32, #tpu.memory_space<hbm>> -> memref<1x16x32xf32, #tpu.memory_space<hbm>>
        %dma_start3A_83 = tpu.memref_squeeze %dma_start3A_82 : memref<1x16x32xf32, #tpu.memory_space<hbm>> -> memref<16x32xf32, #tpu.memory_space<hbm>>
        %dma_start3A_84 = arith.constant 9984 : i32
        %dma_start3A_85 = arith.constant 0 : i32
        %dma_start3A_86 = tpu.memref_slice %arg17[%dma_start3A_84, %dma_start3A_85] : memref<10112x32xf32, #tpu.memory_space<vmem_shared>> -> memref<16x32xf32, #tpu.memory_space<vmem_shared>>
        tpu.enqueue_dma source(%dma_start3A_86 : memref<16x32xf32, #tpu.memory_space<vmem_shared>>) target(%dma_start3A_83 : memref<16x32xf32, #tpu.memory_space<hbm>>) target_semaphore(%run_scoped3A : memref<!tpu.dma_semaphore, #tpu.memory_space<semaphore_mem>>)
        %dma_wait3A_87 = arith.constant 9984 : i32
        %dma_wait3A_88 = arith.constant 0 : i32
        %dma_wait3A_89 = tpu.memref_slice %arg6[%arg0, %dma_wait3A_87, %dma_wait3A_88] : memref<2x10000x32xf32, #tpu.memory_space<hbm>> -> memref<1x16x32xf32, #tpu.memory_space<hbm>>
        %dma_wait3A_90 = tpu.memref_squeeze %dma_wait3A_89 : memref<1x16x32xf32, #tpu.memory_space<hbm>> -> memref<16x32xf32, #tpu.memory_space<hbm>>
        %dma_wait3A_91 = arith.constant 9984 : i32
        %dma_wait3A_92 = arith.constant 0 : i32
        %dma_wait3A_93 = tpu.memref_slice %arg17[%dma_wait3A_91, %dma_wait3A_92] : memref<10112x32xf32, #tpu.memory_space<vmem_shared>> -> memref<16x32xf32, #tpu.memory_space<vmem_shared>>
        tpu.wait_dma2 semaphore(%run_scoped3A : memref<!tpu.dma_semaphore, #tpu.memory_space<semaphore_mem>>) src(%dma_wait3A_93 : memref<16x32xf32, #tpu.memory_space<vmem_shared>>) dst(%dma_wait3A_90 : memref<16x32xf32, #tpu.memory_space<hbm>>)
        tpu.yield
      }) : () -> ()
    } else {
    }
    return
  }
}

#map = affine_map<(d0, d1) -> (0, 0, 0)>
#map1 = affine_map<(d0, d1) -> (0, 0)>
module attributes {stable_mosaic.version = 14 : i64} {
  func.func @sc_edge(%arg0: i32, %arg1: i32, %arg2: memref<2x10000x32xf32, #tpu.memory_space<hbm>>, %arg3: memref<2560x128xi32, #tpu.memory_space<hbm>>, %arg4: memref<2560x128xi32, #tpu.memory_space<hbm>>, %arg5: memref<632x32xf32, #tpu.memory_space<hbm>>, %arg6: memref<2x10000x32xf32, #tpu.memory_space<hbm>>, %arg7: memref<160x128xi32, #tpu.memory_space<vmem>>, %arg8: memref<160x128xi32, #tpu.memory_space<vmem>>, %arg9: memref<128x32xf32, #tpu.memory_space<vmem>>, %arg10: memref<128x32xf32, #tpu.memory_space<vmem>>, %arg11: memref<128x32xf32, #tpu.memory_space<vmem>>, %arg12: memref<128x32xf32, #tpu.memory_space<vmem>>, %arg13: memref<128x32xf32, #tpu.memory_space<vmem>>, %arg14: memref<128x32xf32, #tpu.memory_space<vmem>>, %arg15: memref<128x32xf32, #tpu.memory_space<vmem>>, %arg16: memref<128x32xf32, #tpu.memory_space<vmem>>, %arg17: memref<10112x32xf32, #tpu.memory_space<vmem_shared>>, %arg18: memref<10000x32xf32, #tpu.memory_space<vmem_shared>>, %arg19: memref<!tpu.dma_semaphore, #tpu.memory_space<semaphore_mem>>, %arg20: memref<!tpu.dma_semaphore, #tpu.memory_space<semaphore_mem>>, %arg21: memref<!tpu.dma_semaphore, #tpu.memory_space<semaphore_mem>>, %arg22: memref<!tpu.dma_semaphore, #tpu.memory_space<semaphore_mem>>, %arg23: memref<!tpu.dma_semaphore, #tpu.memory_space<semaphore_mem>>, %arg24: memref<!tpu.dma_semaphore, #tpu.memory_space<semaphore_mem>>, %arg25: memref<!tpu.dma_semaphore, #tpu.memory_space<semaphore_mem>>, %arg26: memref<!tpu.dma_semaphore, #tpu.memory_space<semaphore_mem>>) attributes {dimension_semantics = [#tpu.dimension_semantics<core_parallel>, #tpu.dimension_semantics<subcore_parallel>], iteration_bounds = array<i64: 2, 16>, scalar_prefetch = 0 : i64, scratch_operands = 20 : i64, tpu.core_type = #tpu.core_type<sc_vector_subcore>, window_params = [{transform_indices = #map}, {transform_indices = #map1}, {transform_indices = #map1}, {transform_indices = #map1}, {transform_indices = #map}]} {
    %mul3A = arith.constant 632 : i32
    %mul3A_0 = arith.muli %arg1, %mul3A : i32
    "tpu.region"() ({
      %run_scoped3A = tpu.sem_alloc : memref<!tpu.dma_semaphore, #tpu.memory_space<semaphore_mem>>
      %dma_start3A_80 = arith.constant 0 : i32
      %dma_start3A_81 = tpu.memref_slice %arg17[%mul3A_0, %dma_start3A_80] : memref<10112x32xf32, #tpu.memory_space<vmem_shared>> -> memref<632x32xf32, #tpu.memory_space<vmem_shared>>
      tpu.enqueue_dma source(%arg5 : memref<632x32xf32, #tpu.memory_space<hbm>>) target(%dma_start3A_81 : memref<632x32xf32, #tpu.memory_space<vmem_shared>>) target_semaphore(%run_scoped3A : memref<!tpu.dma_semaphore, #tpu.memory_space<semaphore_mem>>)
      %dma_wait3A_82 = arith.constant 0 : i32
      %dma_wait3A_83 = tpu.memref_slice %arg17[%mul3A_0, %dma_wait3A_82] : memref<10112x32xf32, #tpu.memory_space<vmem_shared>> -> memref<632x32xf32, #tpu.memory_space<vmem_shared>>
      tpu.wait_dma2 semaphore(%run_scoped3A : memref<!tpu.dma_semaphore, #tpu.memory_space<semaphore_mem>>) src(%arg5 : memref<632x32xf32, #tpu.memory_space<hbm>>) dst(%dma_wait3A_83 : memref<632x32xf32, #tpu.memory_space<vmem_shared>>)
      tpu.yield
    }) : () -> ()
    %mul3A_1 = arith.constant 160 : i32
    %mul3A_2 = arith.muli %arg1, %mul3A_1 : i32
    "tpu.region"() ({
      %run_scoped3A = tpu.sem_alloc : memref<!tpu.dma_semaphore, #tpu.memory_space<semaphore_mem>>
      %dma_start3A_80 = arith.constant 0 : i32
      %dma_start3A_81 = tpu.memref_slice %arg3[%mul3A_2, %dma_start3A_80] : memref<2560x128xi32, #tpu.memory_space<hbm>> -> memref<160x128xi32, #tpu.memory_space<hbm>>
      %dma_start3A_82 = arith.constant 0 : i32
      %dma_start3A_83 = tpu.memref_slice %arg3[%mul3A_2, %dma_start3A_82] : memref<2560x128xi32, #tpu.memory_space<hbm>> -> memref<160x128xi32, #tpu.memory_space<hbm>>
      tpu.enqueue_dma source(%dma_start3A_83 : memref<160x128xi32, #tpu.memory_space<hbm>>) target(%arg7 : memref<160x128xi32, #tpu.memory_space<vmem>>) target_semaphore(%run_scoped3A : memref<!tpu.dma_semaphore, #tpu.memory_space<semaphore_mem>>)
      %dma_wait3A_84 = arith.constant 0 : i32
      %dma_wait3A_85 = tpu.memref_slice %arg3[%mul3A_2, %dma_wait3A_84] : memref<2560x128xi32, #tpu.memory_space<hbm>> -> memref<160x128xi32, #tpu.memory_space<hbm>>
      %dma_wait3A_86 = arith.constant 0 : i32
      %dma_wait3A_87 = tpu.memref_slice %arg3[%mul3A_2, %dma_wait3A_86] : memref<2560x128xi32, #tpu.memory_space<hbm>> -> memref<160x128xi32, #tpu.memory_space<hbm>>
      tpu.wait_dma2 semaphore(%run_scoped3A : memref<!tpu.dma_semaphore, #tpu.memory_space<semaphore_mem>>) src(%dma_wait3A_87 : memref<160x128xi32, #tpu.memory_space<hbm>>) dst(%arg7 : memref<160x128xi32, #tpu.memory_space<vmem>>)
      tpu.yield
    }) : () -> ()
    %mul3A_3 = arith.constant 160 : i32
    %mul3A_4 = arith.muli %arg1, %mul3A_3 : i32
    "tpu.region"() ({
      %run_scoped3A = tpu.sem_alloc : memref<!tpu.dma_semaphore, #tpu.memory_space<semaphore_mem>>
      %dma_start3A_80 = arith.constant 0 : i32
      %dma_start3A_81 = tpu.memref_slice %arg4[%mul3A_4, %dma_start3A_80] : memref<2560x128xi32, #tpu.memory_space<hbm>> -> memref<160x128xi32, #tpu.memory_space<hbm>>
      %dma_start3A_82 = arith.constant 0 : i32
      %dma_start3A_83 = tpu.memref_slice %arg4[%mul3A_4, %dma_start3A_82] : memref<2560x128xi32, #tpu.memory_space<hbm>> -> memref<160x128xi32, #tpu.memory_space<hbm>>
      tpu.enqueue_dma source(%dma_start3A_83 : memref<160x128xi32, #tpu.memory_space<hbm>>) target(%arg8 : memref<160x128xi32, #tpu.memory_space<vmem>>) target_semaphore(%run_scoped3A : memref<!tpu.dma_semaphore, #tpu.memory_space<semaphore_mem>>)
      %dma_wait3A_84 = arith.constant 0 : i32
      %dma_wait3A_85 = tpu.memref_slice %arg4[%mul3A_4, %dma_wait3A_84] : memref<2560x128xi32, #tpu.memory_space<hbm>> -> memref<160x128xi32, #tpu.memory_space<hbm>>
      %dma_wait3A_86 = arith.constant 0 : i32
      %dma_wait3A_87 = tpu.memref_slice %arg4[%mul3A_4, %dma_wait3A_86] : memref<2560x128xi32, #tpu.memory_space<hbm>> -> memref<160x128xi32, #tpu.memory_space<hbm>>
      tpu.wait_dma2 semaphore(%run_scoped3A : memref<!tpu.dma_semaphore, #tpu.memory_space<semaphore_mem>>) src(%dma_wait3A_87 : memref<160x128xi32, #tpu.memory_space<hbm>>) dst(%arg8 : memref<160x128xi32, #tpu.memory_space<vmem>>)
      tpu.yield
    }) : () -> ()
    %mul3A_5 = arith.constant 624 : i32
    %mul3A_6 = arith.muli %arg1, %mul3A_5 : i32
    %mul3A_7 = arith.constant 624 : i32
    %mul3A_8 = arith.muli %arg1, %mul3A_7 : i32
    "tpu.region"() ({
      %run_scoped3A = tpu.sem_alloc : memref<!tpu.dma_semaphore, #tpu.memory_space<semaphore_mem>>
      %dma_start3A_80 = arith.constant 0 : i32
      %dma_start3A_81 = tpu.memref_slice %arg18[%mul3A_8, %dma_start3A_80] : memref<10000x32xf32, #tpu.memory_space<vmem_shared>> -> memref<624x32xf32, #tpu.memory_space<vmem_shared>>
      %dma_start3A_82 = arith.constant 0 : i32
      %dma_start3A_83 = tpu.memref_slice %arg2[%arg0, %mul3A_6, %dma_start3A_82] : memref<2x10000x32xf32, #tpu.memory_space<hbm>> -> memref<1x624x32xf32, #tpu.memory_space<hbm>>
      %dma_start3A_84 = tpu.memref_squeeze %dma_start3A_83 : memref<1x624x32xf32, #tpu.memory_space<hbm>> -> memref<624x32xf32, #tpu.memory_space<hbm>>
      tpu.enqueue_dma source(%dma_start3A_84 : memref<624x32xf32, #tpu.memory_space<hbm>>) target(%dma_start3A_81 : memref<624x32xf32, #tpu.memory_space<vmem_shared>>) target_semaphore(%run_scoped3A : memref<!tpu.dma_semaphore, #tpu.memory_space<semaphore_mem>>)
      %dma_wait3A_85 = arith.constant 0 : i32
      %dma_wait3A_86 = tpu.memref_slice %arg18[%mul3A_8, %dma_wait3A_85] : memref<10000x32xf32, #tpu.memory_space<vmem_shared>> -> memref<624x32xf32, #tpu.memory_space<vmem_shared>>
      %dma_wait3A_87 = arith.constant 0 : i32
      %dma_wait3A_88 = tpu.memref_slice %arg2[%arg0, %mul3A_6, %dma_wait3A_87] : memref<2x10000x32xf32, #tpu.memory_space<hbm>> -> memref<1x624x32xf32, #tpu.memory_space<hbm>>
      %dma_wait3A_89 = tpu.memref_squeeze %dma_wait3A_88 : memref<1x624x32xf32, #tpu.memory_space<hbm>> -> memref<624x32xf32, #tpu.memory_space<hbm>>
      tpu.wait_dma2 semaphore(%run_scoped3A : memref<!tpu.dma_semaphore, #tpu.memory_space<semaphore_mem>>) src(%dma_wait3A_89 : memref<624x32xf32, #tpu.memory_space<hbm>>) dst(%dma_wait3A_86 : memref<624x32xf32, #tpu.memory_space<vmem_shared>>)
      tpu.yield
    }) : () -> ()
    %eq3A = arith.constant 15 : i32
    %eq3A_9 = arith.cmpi eq, %arg1, %eq3A : i32
    %convert_element_type3A = arith.extui %eq3A_9 : i1 to i32
    %cond3A = arith.constant 0 : i32
    %cond3A_10 = arith.cmpi ne, %convert_element_type3A, %cond3A : i32
    scf.if %cond3A_10 {
      "tpu.region"() ({
        %run_scoped3A = tpu.sem_alloc : memref<!tpu.dma_semaphore, #tpu.memory_space<semaphore_mem>>
        %dma_start3A_80 = arith.constant 9984 : i32
        %dma_start3A_81 = arith.constant 0 : i32
        %dma_start3A_82 = tpu.memref_slice %arg18[%dma_start3A_80, %dma_start3A_81] : memref<10000x32xf32, #tpu.memory_space<vmem_shared>> -> memref<16x32xf32, #tpu.memory_space<vmem_shared>>
        %dma_start3A_83 = arith.constant 9984 : i32
        %dma_start3A_84 = arith.constant 0 : i32
        %dma_start3A_85 = tpu.memref_slice %arg2[%arg0, %dma_start3A_83, %dma_start3A_84] : memref<2x10000x32xf32, #tpu.memory_space<hbm>> -> memref<1x16x32xf32, #tpu.memory_space<hbm>>
        %dma_start3A_86 = tpu.memref_squeeze %dma_start3A_85 : memref<1x16x32xf32, #tpu.memory_space<hbm>> -> memref<16x32xf32, #tpu.memory_space<hbm>>
        tpu.enqueue_dma source(%dma_start3A_86 : memref<16x32xf32, #tpu.memory_space<hbm>>) target(%dma_start3A_82 : memref<16x32xf32, #tpu.memory_space<vmem_shared>>) target_semaphore(%run_scoped3A : memref<!tpu.dma_semaphore, #tpu.memory_space<semaphore_mem>>)
        %dma_wait3A_87 = arith.constant 9984 : i32
        %dma_wait3A_88 = arith.constant 0 : i32
        %dma_wait3A_89 = tpu.memref_slice %arg18[%dma_wait3A_87, %dma_wait3A_88] : memref<10000x32xf32, #tpu.memory_space<vmem_shared>> -> memref<16x32xf32, #tpu.memory_space<vmem_shared>>
        %dma_wait3A_90 = arith.constant 9984 : i32
        %dma_wait3A_91 = arith.constant 0 : i32
        %dma_wait3A_92 = tpu.memref_slice %arg2[%arg0, %dma_wait3A_90, %dma_wait3A_91] : memref<2x10000x32xf32, #tpu.memory_space<hbm>> -> memref<1x16x32xf32, #tpu.memory_space<hbm>>
        %dma_wait3A_93 = tpu.memref_squeeze %dma_wait3A_92 : memref<1x16x32xf32, #tpu.memory_space<hbm>> -> memref<16x32xf32, #tpu.memory_space<hbm>>
        tpu.wait_dma2 semaphore(%run_scoped3A : memref<!tpu.dma_semaphore, #tpu.memory_space<semaphore_mem>>) src(%dma_wait3A_93 : memref<16x32xf32, #tpu.memory_space<hbm>>) dst(%dma_wait3A_89 : memref<16x32xf32, #tpu.memory_space<vmem_shared>>)
        tpu.yield
      }) : () -> ()
    } else {
    }
    %barrier3A = arith.constant 0 : index
    tpu.barrier barrier_id(%barrier3A)
    %dma_start3A = arith.constant 0 : i32
    %dma_start3A_11 = arith.constant 0 : i32
    %dma_start3A_12 = tpu.memref_slice %arg7[%dma_start3A, %dma_start3A_11] : memref<160x128xi32, #tpu.memory_space<vmem>> -> memref<1x128xi32, #tpu.memory_space<vmem>>
    %dma_start3A_13 = tpu.memref_squeeze %dma_start3A_12 : memref<1x128xi32, #tpu.memory_space<vmem>> -> memref<128xi32, #tpu.memory_space<vmem>>
    %dma_start3A_14 = arith.constant 0 : i32
    %dma_start3A_15 = arith.constant 0 : i32
    %dma_start3A_16 = tpu.memref_slice %arg18[%dma_start3A_14, %dma_start3A_15] : memref<10000x32xf32, #tpu.memory_space<vmem_shared>> -> memref<10000x32xf32, #tpu.memory_space<vmem_shared>>
    tpu.enqueue_indirect_dma source(%dma_start3A_16 : memref<10000x32xf32, #tpu.memory_space<vmem_shared>>) target(%arg9 : memref<128x32xf32, #tpu.memory_space<vmem>>) offsets(%dma_start3A_13 : memref<128xi32, #tpu.memory_space<vmem>>) semaphore(%arg19 : memref<!tpu.dma_semaphore, #tpu.memory_space<semaphore_mem>>)
    %dma_start3A_17 = arith.constant 1 : i32
    %dma_start3A_18 = arith.constant 0 : i32
    %dma_start3A_19 = tpu.memref_slice %arg7[%dma_start3A_17, %dma_start3A_18] : memref<160x128xi32, #tpu.memory_space<vmem>> -> memref<1x128xi32, #tpu.memory_space<vmem>>
    %dma_start3A_20 = tpu.memref_squeeze %dma_start3A_19 : memref<1x128xi32, #tpu.memory_space<vmem>> -> memref<128xi32, #tpu.memory_space<vmem>>
    %dma_start3A_21 = arith.constant 0 : i32
    %dma_start3A_22 = arith.constant 0 : i32
    %dma_start3A_23 = tpu.memref_slice %arg18[%dma_start3A_21, %dma_start3A_22] : memref<10000x32xf32, #tpu.memory_space<vmem_shared>> -> memref<10000x32xf32, #tpu.memory_space<vmem_shared>>
    tpu.enqueue_indirect_dma source(%dma_start3A_23 : memref<10000x32xf32, #tpu.memory_space<vmem_shared>>) target(%arg10 : memref<128x32xf32, #tpu.memory_space<vmem>>) offsets(%dma_start3A_20 : memref<128xi32, #tpu.memory_space<vmem>>) semaphore(%arg19 : memref<!tpu.dma_semaphore, #tpu.memory_space<semaphore_mem>>)
    %dma_start3A_24 = arith.constant 2 : i32
    %dma_start3A_25 = arith.constant 0 : i32
    %dma_start3A_26 = tpu.memref_slice %arg7[%dma_start3A_24, %dma_start3A_25] : memref<160x128xi32, #tpu.memory_space<vmem>> -> memref<1x128xi32, #tpu.memory_space<vmem>>
    %dma_start3A_27 = tpu.memref_squeeze %dma_start3A_26 : memref<1x128xi32, #tpu.memory_space<vmem>> -> memref<128xi32, #tpu.memory_space<vmem>>
    %dma_start3A_28 = arith.constant 0 : i32
    %dma_start3A_29 = arith.constant 0 : i32
    %dma_start3A_30 = tpu.memref_slice %arg18[%dma_start3A_28, %dma_start3A_29] : memref<10000x32xf32, #tpu.memory_space<vmem_shared>> -> memref<10000x32xf32, #tpu.memory_space<vmem_shared>>
    tpu.enqueue_indirect_dma source(%dma_start3A_30 : memref<10000x32xf32, #tpu.memory_space<vmem_shared>>) target(%arg11 : memref<128x32xf32, #tpu.memory_space<vmem>>) offsets(%dma_start3A_27 : memref<128xi32, #tpu.memory_space<vmem>>) semaphore(%arg20 : memref<!tpu.dma_semaphore, #tpu.memory_space<semaphore_mem>>)
    %dma_start3A_31 = arith.constant 3 : i32
    %dma_start3A_32 = arith.constant 0 : i32
    %dma_start3A_33 = tpu.memref_slice %arg7[%dma_start3A_31, %dma_start3A_32] : memref<160x128xi32, #tpu.memory_space<vmem>> -> memref<1x128xi32, #tpu.memory_space<vmem>>
    %dma_start3A_34 = tpu.memref_squeeze %dma_start3A_33 : memref<1x128xi32, #tpu.memory_space<vmem>> -> memref<128xi32, #tpu.memory_space<vmem>>
    %dma_start3A_35 = arith.constant 0 : i32
    %dma_start3A_36 = arith.constant 0 : i32
    %dma_start3A_37 = tpu.memref_slice %arg18[%dma_start3A_35, %dma_start3A_36] : memref<10000x32xf32, #tpu.memory_space<vmem_shared>> -> memref<10000x32xf32, #tpu.memory_space<vmem_shared>>
    tpu.enqueue_indirect_dma source(%dma_start3A_37 : memref<10000x32xf32, #tpu.memory_space<vmem_shared>>) target(%arg12 : memref<128x32xf32, #tpu.memory_space<vmem>>) offsets(%dma_start3A_34 : memref<128xi32, #tpu.memory_space<vmem>>) semaphore(%arg20 : memref<!tpu.dma_semaphore, #tpu.memory_space<semaphore_mem>>)
    %scan3A = arith.constant 0 : i32
    %scan3A_38 = arith.constant 0 : i32
    %scan3A_39 = arith.constant 20 : i32
    %scan3A_40 = arith.addi %scan3A_38, %scan3A_39 : i32
    %scan3A_41 = arith.constant 1 : i32
    scf.for %scan3A_80 = %scan3A_38 to %scan3A_40 step %scan3A_41  : i32 {
      %mul3A_81 = arith.constant 4 : i32
      %mul3A_82 = arith.muli %scan3A_80, %mul3A_81 : i32
      %add3A = arith.constant 0 : i32
      %add3A_83 = arith.addi %mul3A_82, %add3A : i32
      %ge3A = arith.constant 2 : i32
      %ge3A_84 = arith.cmpi sge, %add3A_83, %ge3A : i32
      %convert_element_type3A_85 = arith.extui %ge3A_84 : i1 to i32
      %cond3A_86 = arith.constant 0 : i32
      %cond3A_87 = arith.cmpi ne, %convert_element_type3A_85, %cond3A_86 : i32
      scf.if %cond3A_87 {
        %sub3A = arith.constant 2 : i32
        %sub3A_302 = arith.subi %add3A_83, %sub3A : i32
        %mul3A_303 = arith.constant 2 : i32
        %mul3A_304 = arith.muli %sub3A_302, %mul3A_303 : i32
        %add3A_305 = arith.constant 0 : i32
        %add3A_306 = arith.addi %mul3A_304, %add3A_305 : i32
        %dma_wait3A_307 = arith.constant 0 : i32
        %dma_wait3A_308 = tpu.memref_slice %arg8[%add3A_306, %dma_wait3A_307] : memref<160x128xi32, #tpu.memory_space<vmem>> -> memref<1x128xi32, #tpu.memory_space<vmem>>
        %dma_wait3A_309 = tpu.memref_squeeze %dma_wait3A_308 : memref<1x128xi32, #tpu.memory_space<vmem>> -> memref<128xi32, #tpu.memory_space<vmem>>
        %dma_wait3A_310 = arith.constant 0 : i32
        %dma_wait3A_311 = arith.constant 0 : i32
        %dma_wait3A_312 = tpu.memref_slice %arg17[%dma_wait3A_310, %dma_wait3A_311] : memref<10112x32xf32, #tpu.memory_space<vmem_shared>> -> memref<10112x32xf32, #tpu.memory_space<vmem_shared>>
        tpu.wait_indirect_dma semaphore(%arg25 : memref<!tpu.dma_semaphore, #tpu.memory_space<semaphore_mem>>) src(%arg13 : memref<128x32xf32, #tpu.memory_space<vmem>>) dst(%dma_wait3A_312 : memref<10112x32xf32, #tpu.memory_space<vmem_shared>>)
        %mul3A_313 = arith.constant 2 : i32
        %mul3A_314 = arith.muli %sub3A_302, %mul3A_313 : i32
        %add3A_315 = arith.constant 1 : i32
        %add3A_316 = arith.addi %mul3A_314, %add3A_315 : i32
        %dma_wait3A_317 = arith.constant 0 : i32
        %dma_wait3A_318 = tpu.memref_slice %arg8[%add3A_316, %dma_wait3A_317] : memref<160x128xi32, #tpu.memory_space<vmem>> -> memref<1x128xi32, #tpu.memory_space<vmem>>
        %dma_wait3A_319 = tpu.memref_squeeze %dma_wait3A_318 : memref<1x128xi32, #tpu.memory_space<vmem>> -> memref<128xi32, #tpu.memory_space<vmem>>
        %dma_wait3A_320 = arith.constant 0 : i32
        %dma_wait3A_321 = arith.constant 0 : i32
        %dma_wait3A_322 = tpu.memref_slice %arg17[%dma_wait3A_320, %dma_wait3A_321] : memref<10112x32xf32, #tpu.memory_space<vmem_shared>> -> memref<10112x32xf32, #tpu.memory_space<vmem_shared>>
        tpu.wait_indirect_dma semaphore(%arg25 : memref<!tpu.dma_semaphore, #tpu.memory_space<semaphore_mem>>) src(%arg14 : memref<128x32xf32, #tpu.memory_space<vmem>>) dst(%dma_wait3A_322 : memref<10112x32xf32, #tpu.memory_space<vmem_shared>>)
      } else {
      }
      %add3A_88 = arith.constant 2 : i32
      %add3A_89 = arith.addi %add3A_83, %add3A_88 : i32
      %lt3A = arith.constant 80 : i32
      %lt3A_90 = arith.cmpi slt, %add3A_89, %lt3A : i32
      %convert_element_type3A_91 = arith.extui %lt3A_90 : i1 to i32
      %cond3A_92 = arith.constant 0 : i32
      %cond3A_93 = arith.cmpi ne, %convert_element_type3A_91, %cond3A_92 : i32
      scf.if %cond3A_93 {
        %add3A_302 = arith.constant 2 : i32
        %add3A_303 = arith.addi %add3A_83, %add3A_302 : i32
        %mul3A_304 = arith.constant 2 : i32
        %mul3A_305 = arith.muli %add3A_303, %mul3A_304 : i32
        %add3A_306 = arith.constant 0 : i32
        %add3A_307 = arith.addi %mul3A_305, %add3A_306 : i32
        %dma_start3A_308 = arith.constant 0 : i32
        %dma_start3A_309 = tpu.memref_slice %arg7[%add3A_307, %dma_start3A_308] : memref<160x128xi32, #tpu.memory_space<vmem>> -> memref<1x128xi32, #tpu.memory_space<vmem>>
        %dma_start3A_310 = tpu.memref_squeeze %dma_start3A_309 : memref<1x128xi32, #tpu.memory_space<vmem>> -> memref<128xi32, #tpu.memory_space<vmem>>
        %dma_start3A_311 = arith.constant 0 : i32
        %dma_start3A_312 = arith.constant 0 : i32
        %dma_start3A_313 = tpu.memref_slice %arg18[%dma_start3A_311, %dma_start3A_312] : memref<10000x32xf32, #tpu.memory_space<vmem_shared>> -> memref<10000x32xf32, #tpu.memory_space<vmem_shared>>
        tpu.enqueue_indirect_dma source(%dma_start3A_313 : memref<10000x32xf32, #tpu.memory_space<vmem_shared>>) target(%arg13 : memref<128x32xf32, #tpu.memory_space<vmem>>) offsets(%dma_start3A_310 : memref<128xi32, #tpu.memory_space<vmem>>) semaphore(%arg21 : memref<!tpu.dma_semaphore, #tpu.memory_space<semaphore_mem>>)
        %mul3A_314 = arith.constant 2 : i32
        %mul3A_315 = arith.muli %add3A_303, %mul3A_314 : i32
        %add3A_316 = arith.constant 1 : i32
        %add3A_317 = arith.addi %mul3A_315, %add3A_316 : i32
        %dma_start3A_318 = arith.constant 0 : i32
        %dma_start3A_319 = tpu.memref_slice %arg7[%add3A_317, %dma_start3A_318] : memref<160x128xi32, #tpu.memory_space<vmem>> -> memref<1x128xi32, #tpu.memory_space<vmem>>
        %dma_start3A_320 = tpu.memref_squeeze %dma_start3A_319 : memref<1x128xi32, #tpu.memory_space<vmem>> -> memref<128xi32, #tpu.memory_space<vmem>>
        %dma_start3A_321 = arith.constant 0 : i32
        %dma_start3A_322 = arith.constant 0 : i32
        %dma_start3A_323 = tpu.memref_slice %arg18[%dma_start3A_321, %dma_start3A_322] : memref<10000x32xf32, #tpu.memory_space<vmem_shared>> -> memref<10000x32xf32, #tpu.memory_space<vmem_shared>>
        tpu.enqueue_indirect_dma source(%dma_start3A_323 : memref<10000x32xf32, #tpu.memory_space<vmem_shared>>) target(%arg14 : memref<128x32xf32, #tpu.memory_space<vmem>>) offsets(%dma_start3A_320 : memref<128xi32, #tpu.memory_space<vmem>>) semaphore(%arg21 : memref<!tpu.dma_semaphore, #tpu.memory_space<semaphore_mem>>)
      } else {
      }
      %mul3A_94 = arith.constant 2 : i32
      %mul3A_95 = arith.muli %add3A_83, %mul3A_94 : i32
      %add3A_96 = arith.constant 0 : i32
      %add3A_97 = arith.addi %mul3A_95, %add3A_96 : i32
      %dma_wait3A_98 = arith.constant 0 : i32
      %dma_wait3A_99 = tpu.memref_slice %arg7[%add3A_97, %dma_wait3A_98] : memref<160x128xi32, #tpu.memory_space<vmem>> -> memref<1x128xi32, #tpu.memory_space<vmem>>
      %dma_wait3A_100 = tpu.memref_squeeze %dma_wait3A_99 : memref<1x128xi32, #tpu.memory_space<vmem>> -> memref<128xi32, #tpu.memory_space<vmem>>
      %dma_wait3A_101 = arith.constant 0 : i32
      %dma_wait3A_102 = arith.constant 0 : i32
      %dma_wait3A_103 = tpu.memref_slice %arg18[%dma_wait3A_101, %dma_wait3A_102] : memref<10000x32xf32, #tpu.memory_space<vmem_shared>> -> memref<10000x32xf32, #tpu.memory_space<vmem_shared>>
      tpu.wait_indirect_dma semaphore(%arg19 : memref<!tpu.dma_semaphore, #tpu.memory_space<semaphore_mem>>) src(%dma_wait3A_103 : memref<10000x32xf32, #tpu.memory_space<vmem_shared>>) dst(%arg9 : memref<128x32xf32, #tpu.memory_space<vmem>>)
      %mul3A_104 = arith.constant 2 : i32
      %mul3A_105 = arith.muli %add3A_83, %mul3A_104 : i32
      %add3A_106 = arith.constant 1 : i32
      %add3A_107 = arith.addi %mul3A_105, %add3A_106 : i32
      %dma_wait3A_108 = arith.constant 0 : i32
      %dma_wait3A_109 = tpu.memref_slice %arg7[%add3A_107, %dma_wait3A_108] : memref<160x128xi32, #tpu.memory_space<vmem>> -> memref<1x128xi32, #tpu.memory_space<vmem>>
      %dma_wait3A_110 = tpu.memref_squeeze %dma_wait3A_109 : memref<1x128xi32, #tpu.memory_space<vmem>> -> memref<128xi32, #tpu.memory_space<vmem>>
      %dma_wait3A_111 = arith.constant 0 : i32
      %dma_wait3A_112 = arith.constant 0 : i32
      %dma_wait3A_113 = tpu.memref_slice %arg18[%dma_wait3A_111, %dma_wait3A_112] : memref<10000x32xf32, #tpu.memory_space<vmem_shared>> -> memref<10000x32xf32, #tpu.memory_space<vmem_shared>>
      tpu.wait_indirect_dma semaphore(%arg19 : memref<!tpu.dma_semaphore, #tpu.memory_space<semaphore_mem>>) src(%dma_wait3A_113 : memref<10000x32xf32, #tpu.memory_space<vmem_shared>>) dst(%arg10 : memref<128x32xf32, #tpu.memory_space<vmem>>)
      %mul3A_114 = arith.constant 2 : i32
      %mul3A_115 = arith.muli %add3A_83, %mul3A_114 : i32
      %add3A_116 = arith.constant 0 : i32
      %add3A_117 = arith.addi %mul3A_115, %add3A_116 : i32
      %dma_start3A_118 = arith.constant 0 : i32
      %dma_start3A_119 = tpu.memref_slice %arg8[%add3A_117, %dma_start3A_118] : memref<160x128xi32, #tpu.memory_space<vmem>> -> memref<1x128xi32, #tpu.memory_space<vmem>>
      %dma_start3A_120 = tpu.memref_squeeze %dma_start3A_119 : memref<1x128xi32, #tpu.memory_space<vmem>> -> memref<128xi32, #tpu.memory_space<vmem>>
      %dma_start3A_121 = arith.constant 0 : i32
      %dma_start3A_122 = arith.constant 0 : i32
      %dma_start3A_123 = tpu.memref_slice %arg17[%dma_start3A_121, %dma_start3A_122] : memref<10112x32xf32, #tpu.memory_space<vmem_shared>> -> memref<10112x32xf32, #tpu.memory_space<vmem_shared>>
      tpu.enqueue_indirect_dma source(%arg9 : memref<128x32xf32, #tpu.memory_space<vmem>>) target(%dma_start3A_123 : memref<10112x32xf32, #tpu.memory_space<vmem_shared>>) offsets(%dma_start3A_120 : memref<128xi32, #tpu.memory_space<vmem>>) semaphore(%arg23 : memref<!tpu.dma_semaphore, #tpu.memory_space<semaphore_mem>>) {add = true}
      %mul3A_124 = arith.constant 2 : i32
      %mul3A_125 = arith.muli %add3A_83, %mul3A_124 : i32
      %add3A_126 = arith.constant 1 : i32
      %add3A_127 = arith.addi %mul3A_125, %add3A_126 : i32
      %dma_start3A_128 = arith.constant 0 : i32
      %dma_start3A_129 = tpu.memref_slice %arg8[%add3A_127, %dma_start3A_128] : memref<160x128xi32, #tpu.memory_space<vmem>> -> memref<1x128xi32, #tpu.memory_space<vmem>>
      %dma_start3A_130 = tpu.memref_squeeze %dma_start3A_129 : memref<1x128xi32, #tpu.memory_space<vmem>> -> memref<128xi32, #tpu.memory_space<vmem>>
      %dma_start3A_131 = arith.constant 0 : i32
      %dma_start3A_132 = arith.constant 0 : i32
      %dma_start3A_133 = tpu.memref_slice %arg17[%dma_start3A_131, %dma_start3A_132] : memref<10112x32xf32, #tpu.memory_space<vmem_shared>> -> memref<10112x32xf32, #tpu.memory_space<vmem_shared>>
      tpu.enqueue_indirect_dma source(%arg10 : memref<128x32xf32, #tpu.memory_space<vmem>>) target(%dma_start3A_133 : memref<10112x32xf32, #tpu.memory_space<vmem_shared>>) offsets(%dma_start3A_130 : memref<128xi32, #tpu.memory_space<vmem>>) semaphore(%arg23 : memref<!tpu.dma_semaphore, #tpu.memory_space<semaphore_mem>>) {add = true}
      %mul3A_134 = arith.constant 4 : i32
      %mul3A_135 = arith.muli %scan3A_80, %mul3A_134 : i32
      %add3A_136 = arith.constant 1 : i32
      %add3A_137 = arith.addi %mul3A_135, %add3A_136 : i32
      %ge3A_138 = arith.constant 2 : i32
      %ge3A_139 = arith.cmpi sge, %add3A_137, %ge3A_138 : i32
      %convert_element_type3A_140 = arith.extui %ge3A_139 : i1 to i32
      %cond3A_141 = arith.constant 0 : i32
      %cond3A_142 = arith.cmpi ne, %convert_element_type3A_140, %cond3A_141 : i32
      scf.if %cond3A_142 {
        %sub3A = arith.constant 2 : i32
        %sub3A_302 = arith.subi %add3A_137, %sub3A : i32
        %mul3A_303 = arith.constant 2 : i32
        %mul3A_304 = arith.muli %sub3A_302, %mul3A_303 : i32
        %add3A_305 = arith.constant 0 : i32
        %add3A_306 = arith.addi %mul3A_304, %add3A_305 : i32
        %dma_wait3A_307 = arith.constant 0 : i32
        %dma_wait3A_308 = tpu.memref_slice %arg8[%add3A_306, %dma_wait3A_307] : memref<160x128xi32, #tpu.memory_space<vmem>> -> memref<1x128xi32, #tpu.memory_space<vmem>>
        %dma_wait3A_309 = tpu.memref_squeeze %dma_wait3A_308 : memref<1x128xi32, #tpu.memory_space<vmem>> -> memref<128xi32, #tpu.memory_space<vmem>>
        %dma_wait3A_310 = arith.constant 0 : i32
        %dma_wait3A_311 = arith.constant 0 : i32
        %dma_wait3A_312 = tpu.memref_slice %arg17[%dma_wait3A_310, %dma_wait3A_311] : memref<10112x32xf32, #tpu.memory_space<vmem_shared>> -> memref<10112x32xf32, #tpu.memory_space<vmem_shared>>
        tpu.wait_indirect_dma semaphore(%arg26 : memref<!tpu.dma_semaphore, #tpu.memory_space<semaphore_mem>>) src(%arg15 : memref<128x32xf32, #tpu.memory_space<vmem>>) dst(%dma_wait3A_312 : memref<10112x32xf32, #tpu.memory_space<vmem_shared>>)
        %mul3A_313 = arith.constant 2 : i32
        %mul3A_314 = arith.muli %sub3A_302, %mul3A_313 : i32
        %add3A_315 = arith.constant 1 : i32
        %add3A_316 = arith.addi %mul3A_314, %add3A_315 : i32
        %dma_wait3A_317 = arith.constant 0 : i32
        %dma_wait3A_318 = tpu.memref_slice %arg8[%add3A_316, %dma_wait3A_317] : memref<160x128xi32, #tpu.memory_space<vmem>> -> memref<1x128xi32, #tpu.memory_space<vmem>>
        %dma_wait3A_319 = tpu.memref_squeeze %dma_wait3A_318 : memref<1x128xi32, #tpu.memory_space<vmem>> -> memref<128xi32, #tpu.memory_space<vmem>>
        %dma_wait3A_320 = arith.constant 0 : i32
        %dma_wait3A_321 = arith.constant 0 : i32
        %dma_wait3A_322 = tpu.memref_slice %arg17[%dma_wait3A_320, %dma_wait3A_321] : memref<10112x32xf32, #tpu.memory_space<vmem_shared>> -> memref<10112x32xf32, #tpu.memory_space<vmem_shared>>
        tpu.wait_indirect_dma semaphore(%arg26 : memref<!tpu.dma_semaphore, #tpu.memory_space<semaphore_mem>>) src(%arg16 : memref<128x32xf32, #tpu.memory_space<vmem>>) dst(%dma_wait3A_322 : memref<10112x32xf32, #tpu.memory_space<vmem_shared>>)
      } else {
      }
      %add3A_143 = arith.constant 2 : i32
      %add3A_144 = arith.addi %add3A_137, %add3A_143 : i32
      %lt3A_145 = arith.constant 80 : i32
      %lt3A_146 = arith.cmpi slt, %add3A_144, %lt3A_145 : i32
      %convert_element_type3A_147 = arith.extui %lt3A_146 : i1 to i32
      %cond3A_148 = arith.constant 0 : i32
      %cond3A_149 = arith.cmpi ne, %convert_element_type3A_147, %cond3A_148 : i32
      scf.if %cond3A_149 {
        %add3A_302 = arith.constant 2 : i32
        %add3A_303 = arith.addi %add3A_137, %add3A_302 : i32
        %mul3A_304 = arith.constant 2 : i32
        %mul3A_305 = arith.muli %add3A_303, %mul3A_304 : i32
        %add3A_306 = arith.constant 0 : i32
        %add3A_307 = arith.addi %mul3A_305, %add3A_306 : i32
        %dma_start3A_308 = arith.constant 0 : i32
        %dma_start3A_309 = tpu.memref_slice %arg7[%add3A_307, %dma_start3A_308] : memref<160x128xi32, #tpu.memory_space<vmem>> -> memref<1x128xi32, #tpu.memory_space<vmem>>
        %dma_start3A_310 = tpu.memref_squeeze %dma_start3A_309 : memref<1x128xi32, #tpu.memory_space<vmem>> -> memref<128xi32, #tpu.memory_space<vmem>>
        %dma_start3A_311 = arith.constant 0 : i32
        %dma_start3A_312 = arith.constant 0 : i32
        %dma_start3A_313 = tpu.memref_slice %arg18[%dma_start3A_311, %dma_start3A_312] : memref<10000x32xf32, #tpu.memory_space<vmem_shared>> -> memref<10000x32xf32, #tpu.memory_space<vmem_shared>>
        tpu.enqueue_indirect_dma source(%dma_start3A_313 : memref<10000x32xf32, #tpu.memory_space<vmem_shared>>) target(%arg15 : memref<128x32xf32, #tpu.memory_space<vmem>>) offsets(%dma_start3A_310 : memref<128xi32, #tpu.memory_space<vmem>>) semaphore(%arg22 : memref<!tpu.dma_semaphore, #tpu.memory_space<semaphore_mem>>)
        %mul3A_314 = arith.constant 2 : i32
        %mul3A_315 = arith.muli %add3A_303, %mul3A_314 : i32
        %add3A_316 = arith.constant 1 : i32
        %add3A_317 = arith.addi %mul3A_315, %add3A_316 : i32
        %dma_start3A_318 = arith.constant 0 : i32
        %dma_start3A_319 = tpu.memref_slice %arg7[%add3A_317, %dma_start3A_318] : memref<160x128xi32, #tpu.memory_space<vmem>> -> memref<1x128xi32, #tpu.memory_space<vmem>>
        %dma_start3A_320 = tpu.memref_squeeze %dma_start3A_319 : memref<1x128xi32, #tpu.memory_space<vmem>> -> memref<128xi32, #tpu.memory_space<vmem>>
        %dma_start3A_321 = arith.constant 0 : i32
        %dma_start3A_322 = arith.constant 0 : i32
        %dma_start3A_323 = tpu.memref_slice %arg18[%dma_start3A_321, %dma_start3A_322] : memref<10000x32xf32, #tpu.memory_space<vmem_shared>> -> memref<10000x32xf32, #tpu.memory_space<vmem_shared>>
        tpu.enqueue_indirect_dma source(%dma_start3A_323 : memref<10000x32xf32, #tpu.memory_space<vmem_shared>>) target(%arg16 : memref<128x32xf32, #tpu.memory_space<vmem>>) offsets(%dma_start3A_320 : memref<128xi32, #tpu.memory_space<vmem>>) semaphore(%arg22 : memref<!tpu.dma_semaphore, #tpu.memory_space<semaphore_mem>>)
      } else {
      }
      %mul3A_150 = arith.constant 2 : i32
      %mul3A_151 = arith.muli %add3A_137, %mul3A_150 : i32
      %add3A_152 = arith.constant 0 : i32
      %add3A_153 = arith.addi %mul3A_151, %add3A_152 : i32
      %dma_wait3A_154 = arith.constant 0 : i32
      %dma_wait3A_155 = tpu.memref_slice %arg7[%add3A_153, %dma_wait3A_154] : memref<160x128xi32, #tpu.memory_space<vmem>> -> memref<1x128xi32, #tpu.memory_space<vmem>>
      %dma_wait3A_156 = tpu.memref_squeeze %dma_wait3A_155 : memref<1x128xi32, #tpu.memory_space<vmem>> -> memref<128xi32, #tpu.memory_space<vmem>>
      %dma_wait3A_157 = arith.constant 0 : i32
      %dma_wait3A_158 = arith.constant 0 : i32
      %dma_wait3A_159 = tpu.memref_slice %arg18[%dma_wait3A_157, %dma_wait3A_158] : memref<10000x32xf32, #tpu.memory_space<vmem_shared>> -> memref<10000x32xf32, #tpu.memory_space<vmem_shared>>
      tpu.wait_indirect_dma semaphore(%arg20 : memref<!tpu.dma_semaphore, #tpu.memory_space<semaphore_mem>>) src(%dma_wait3A_159 : memref<10000x32xf32, #tpu.memory_space<vmem_shared>>) dst(%arg11 : memref<128x32xf32, #tpu.memory_space<vmem>>)
      %mul3A_160 = arith.constant 2 : i32
      %mul3A_161 = arith.muli %add3A_137, %mul3A_160 : i32
      %add3A_162 = arith.constant 1 : i32
      %add3A_163 = arith.addi %mul3A_161, %add3A_162 : i32
      %dma_wait3A_164 = arith.constant 0 : i32
      %dma_wait3A_165 = tpu.memref_slice %arg7[%add3A_163, %dma_wait3A_164] : memref<160x128xi32, #tpu.memory_space<vmem>> -> memref<1x128xi32, #tpu.memory_space<vmem>>
      %dma_wait3A_166 = tpu.memref_squeeze %dma_wait3A_165 : memref<1x128xi32, #tpu.memory_space<vmem>> -> memref<128xi32, #tpu.memory_space<vmem>>
      %dma_wait3A_167 = arith.constant 0 : i32
      %dma_wait3A_168 = arith.constant 0 : i32
      %dma_wait3A_169 = tpu.memref_slice %arg18[%dma_wait3A_167, %dma_wait3A_168] : memref<10000x32xf32, #tpu.memory_space<vmem_shared>> -> memref<10000x32xf32, #tpu.memory_space<vmem_shared>>
      tpu.wait_indirect_dma semaphore(%arg20 : memref<!tpu.dma_semaphore, #tpu.memory_space<semaphore_mem>>) src(%dma_wait3A_169 : memref<10000x32xf32, #tpu.memory_space<vmem_shared>>) dst(%arg12 : memref<128x32xf32, #tpu.memory_space<vmem>>)
      %mul3A_170 = arith.constant 2 : i32
      %mul3A_171 = arith.muli %add3A_137, %mul3A_170 : i32
      %add3A_172 = arith.constant 0 : i32
      %add3A_173 = arith.addi %mul3A_171, %add3A_172 : i32
      %dma_start3A_174 = arith.constant 0 : i32
      %dma_start3A_175 = tpu.memref_slice %arg8[%add3A_173, %dma_start3A_174] : memref<160x128xi32, #tpu.memory_space<vmem>> -> memref<1x128xi32, #tpu.memory_space<vmem>>
      %dma_start3A_176 = tpu.memref_squeeze %dma_start3A_175 : memref<1x128xi32, #tpu.memory_space<vmem>> -> memref<128xi32, #tpu.memory_space<vmem>>
      %dma_start3A_177 = arith.constant 0 : i32
      %dma_start3A_178 = arith.constant 0 : i32
      %dma_start3A_179 = tpu.memref_slice %arg17[%dma_start3A_177, %dma_start3A_178] : memref<10112x32xf32, #tpu.memory_space<vmem_shared>> -> memref<10112x32xf32, #tpu.memory_space<vmem_shared>>
      tpu.enqueue_indirect_dma source(%arg11 : memref<128x32xf32, #tpu.memory_space<vmem>>) target(%dma_start3A_179 : memref<10112x32xf32, #tpu.memory_space<vmem_shared>>) offsets(%dma_start3A_176 : memref<128xi32, #tpu.memory_space<vmem>>) semaphore(%arg24 : memref<!tpu.dma_semaphore, #tpu.memory_space<semaphore_mem>>) {add = true}
      %mul3A_180 = arith.constant 2 : i32
      %mul3A_181 = arith.muli %add3A_137, %mul3A_180 : i32
      %add3A_182 = arith.constant 1 : i32
      %add3A_183 = arith.addi %mul3A_181, %add3A_182 : i32
      %dma_start3A_184 = arith.constant 0 : i32
      %dma_start3A_185 = tpu.memref_slice %arg8[%add3A_183, %dma_start3A_184] : memref<160x128xi32, #tpu.memory_space<vmem>> -> memref<1x128xi32, #tpu.memory_space<vmem>>
      %dma_start3A_186 = tpu.memref_squeeze %dma_start3A_185 : memref<1x128xi32, #tpu.memory_space<vmem>> -> memref<128xi32, #tpu.memory_space<vmem>>
      %dma_start3A_187 = arith.constant 0 : i32
      %dma_start3A_188 = arith.constant 0 : i32
      %dma_start3A_189 = tpu.memref_slice %arg17[%dma_start3A_187, %dma_start3A_188] : memref<10112x32xf32, #tpu.memory_space<vmem_shared>> -> memref<10112x32xf32, #tpu.memory_space<vmem_shared>>
      tpu.enqueue_indirect_dma source(%arg12 : memref<128x32xf32, #tpu.memory_space<vmem>>) target(%dma_start3A_189 : memref<10112x32xf32, #tpu.memory_space<vmem_shared>>) offsets(%dma_start3A_186 : memref<128xi32, #tpu.memory_space<vmem>>) semaphore(%arg24 : memref<!tpu.dma_semaphore, #tpu.memory_space<semaphore_mem>>) {add = true}
      %mul3A_190 = arith.constant 4 : i32
      %mul3A_191 = arith.muli %scan3A_80, %mul3A_190 : i32
      %add3A_192 = arith.constant 2 : i32
      %add3A_193 = arith.addi %mul3A_191, %add3A_192 : i32
      %ge3A_194 = arith.constant 2 : i32
      %ge3A_195 = arith.cmpi sge, %add3A_193, %ge3A_194 : i32
      %convert_element_type3A_196 = arith.extui %ge3A_195 : i1 to i32
      %cond3A_197 = arith.constant 0 : i32
      %cond3A_198 = arith.cmpi ne, %convert_element_type3A_196, %cond3A_197 : i32
      scf.if %cond3A_198 {
        %sub3A = arith.constant 2 : i32
        %sub3A_302 = arith.subi %add3A_193, %sub3A : i32
        %mul3A_303 = arith.constant 2 : i32
        %mul3A_304 = arith.muli %sub3A_302, %mul3A_303 : i32
        %add3A_305 = arith.constant 0 : i32
        %add3A_306 = arith.addi %mul3A_304, %add3A_305 : i32
        %dma_wait3A_307 = arith.constant 0 : i32
        %dma_wait3A_308 = tpu.memref_slice %arg8[%add3A_306, %dma_wait3A_307] : memref<160x128xi32, #tpu.memory_space<vmem>> -> memref<1x128xi32, #tpu.memory_space<vmem>>
        %dma_wait3A_309 = tpu.memref_squeeze %dma_wait3A_308 : memref<1x128xi32, #tpu.memory_space<vmem>> -> memref<128xi32, #tpu.memory_space<vmem>>
        %dma_wait3A_310 = arith.constant 0 : i32
        %dma_wait3A_311 = arith.constant 0 : i32
        %dma_wait3A_312 = tpu.memref_slice %arg17[%dma_wait3A_310, %dma_wait3A_311] : memref<10112x32xf32, #tpu.memory_space<vmem_shared>> -> memref<10112x32xf32, #tpu.memory_space<vmem_shared>>
        tpu.wait_indirect_dma semaphore(%arg23 : memref<!tpu.dma_semaphore, #tpu.memory_space<semaphore_mem>>) src(%arg9 : memref<128x32xf32, #tpu.memory_space<vmem>>) dst(%dma_wait3A_312 : memref<10112x32xf32, #tpu.memory_space<vmem_shared>>)
        %mul3A_313 = arith.constant 2 : i32
        %mul3A_314 = arith.muli %sub3A_302, %mul3A_313 : i32
        %add3A_315 = arith.constant 1 : i32
        %add3A_316 = arith.addi %mul3A_314, %add3A_315 : i32
        %dma_wait3A_317 = arith.constant 0 : i32
        %dma_wait3A_318 = tpu.memref_slice %arg8[%add3A_316, %dma_wait3A_317] : memref<160x128xi32, #tpu.memory_space<vmem>> -> memref<1x128xi32, #tpu.memory_space<vmem>>
        %dma_wait3A_319 = tpu.memref_squeeze %dma_wait3A_318 : memref<1x128xi32, #tpu.memory_space<vmem>> -> memref<128xi32, #tpu.memory_space<vmem>>
        %dma_wait3A_320 = arith.constant 0 : i32
        %dma_wait3A_321 = arith.constant 0 : i32
        %dma_wait3A_322 = tpu.memref_slice %arg17[%dma_wait3A_320, %dma_wait3A_321] : memref<10112x32xf32, #tpu.memory_space<vmem_shared>> -> memref<10112x32xf32, #tpu.memory_space<vmem_shared>>
        tpu.wait_indirect_dma semaphore(%arg23 : memref<!tpu.dma_semaphore, #tpu.memory_space<semaphore_mem>>) src(%arg10 : memref<128x32xf32, #tpu.memory_space<vmem>>) dst(%dma_wait3A_322 : memref<10112x32xf32, #tpu.memory_space<vmem_shared>>)
      } else {
      }
      %add3A_199 = arith.constant 2 : i32
      %add3A_200 = arith.addi %add3A_193, %add3A_199 : i32
      %lt3A_201 = arith.constant 80 : i32
      %lt3A_202 = arith.cmpi slt, %add3A_200, %lt3A_201 : i32
      %convert_element_type3A_203 = arith.extui %lt3A_202 : i1 to i32
      %cond3A_204 = arith.constant 0 : i32
      %cond3A_205 = arith.cmpi ne, %convert_element_type3A_203, %cond3A_204 : i32
      scf.if %cond3A_205 {
        %add3A_302 = arith.constant 2 : i32
        %add3A_303 = arith.addi %add3A_193, %add3A_302 : i32
        %mul3A_304 = arith.constant 2 : i32
        %mul3A_305 = arith.muli %add3A_303, %mul3A_304 : i32
        %add3A_306 = arith.constant 0 : i32
        %add3A_307 = arith.addi %mul3A_305, %add3A_306 : i32
        %dma_start3A_308 = arith.constant 0 : i32
        %dma_start3A_309 = tpu.memref_slice %arg7[%add3A_307, %dma_start3A_308] : memref<160x128xi32, #tpu.memory_space<vmem>> -> memref<1x128xi32, #tpu.memory_space<vmem>>
        %dma_start3A_310 = tpu.memref_squeeze %dma_start3A_309 : memref<1x128xi32, #tpu.memory_space<vmem>> -> memref<128xi32, #tpu.memory_space<vmem>>
        %dma_start3A_311 = arith.constant 0 : i32
        %dma_start3A_312 = arith.constant 0 : i32
        %dma_start3A_313 = tpu.memref_slice %arg18[%dma_start3A_311, %dma_start3A_312] : memref<10000x32xf32, #tpu.memory_space<vmem_shared>> -> memref<10000x32xf32, #tpu.memory_space<vmem_shared>>
        tpu.enqueue_indirect_dma source(%dma_start3A_313 : memref<10000x32xf32, #tpu.memory_space<vmem_shared>>) target(%arg9 : memref<128x32xf32, #tpu.memory_space<vmem>>) offsets(%dma_start3A_310 : memref<128xi32, #tpu.memory_space<vmem>>) semaphore(%arg19 : memref<!tpu.dma_semaphore, #tpu.memory_space<semaphore_mem>>)
        %mul3A_314 = arith.constant 2 : i32
        %mul3A_315 = arith.muli %add3A_303, %mul3A_314 : i32
        %add3A_316 = arith.constant 1 : i32
        %add3A_317 = arith.addi %mul3A_315, %add3A_316 : i32
        %dma_start3A_318 = arith.constant 0 : i32
        %dma_start3A_319 = tpu.memref_slice %arg7[%add3A_317, %dma_start3A_318] : memref<160x128xi32, #tpu.memory_space<vmem>> -> memref<1x128xi32, #tpu.memory_space<vmem>>
        %dma_start3A_320 = tpu.memref_squeeze %dma_start3A_319 : memref<1x128xi32, #tpu.memory_space<vmem>> -> memref<128xi32, #tpu.memory_space<vmem>>
        %dma_start3A_321 = arith.constant 0 : i32
        %dma_start3A_322 = arith.constant 0 : i32
        %dma_start3A_323 = tpu.memref_slice %arg18[%dma_start3A_321, %dma_start3A_322] : memref<10000x32xf32, #tpu.memory_space<vmem_shared>> -> memref<10000x32xf32, #tpu.memory_space<vmem_shared>>
        tpu.enqueue_indirect_dma source(%dma_start3A_323 : memref<10000x32xf32, #tpu.memory_space<vmem_shared>>) target(%arg10 : memref<128x32xf32, #tpu.memory_space<vmem>>) offsets(%dma_start3A_320 : memref<128xi32, #tpu.memory_space<vmem>>) semaphore(%arg19 : memref<!tpu.dma_semaphore, #tpu.memory_space<semaphore_mem>>)
      } else {
      }
      %mul3A_206 = arith.constant 2 : i32
      %mul3A_207 = arith.muli %add3A_193, %mul3A_206 : i32
      %add3A_208 = arith.constant 0 : i32
      %add3A_209 = arith.addi %mul3A_207, %add3A_208 : i32
      %dma_wait3A_210 = arith.constant 0 : i32
      %dma_wait3A_211 = tpu.memref_slice %arg7[%add3A_209, %dma_wait3A_210] : memref<160x128xi32, #tpu.memory_space<vmem>> -> memref<1x128xi32, #tpu.memory_space<vmem>>
      %dma_wait3A_212 = tpu.memref_squeeze %dma_wait3A_211 : memref<1x128xi32, #tpu.memory_space<vmem>> -> memref<128xi32, #tpu.memory_space<vmem>>
      %dma_wait3A_213 = arith.constant 0 : i32
      %dma_wait3A_214 = arith.constant 0 : i32
      %dma_wait3A_215 = tpu.memref_slice %arg18[%dma_wait3A_213, %dma_wait3A_214] : memref<10000x32xf32, #tpu.memory_space<vmem_shared>> -> memref<10000x32xf32, #tpu.memory_space<vmem_shared>>
      tpu.wait_indirect_dma semaphore(%arg21 : memref<!tpu.dma_semaphore, #tpu.memory_space<semaphore_mem>>) src(%dma_wait3A_215 : memref<10000x32xf32, #tpu.memory_space<vmem_shared>>) dst(%arg13 : memref<128x32xf32, #tpu.memory_space<vmem>>)
      %mul3A_216 = arith.constant 2 : i32
      %mul3A_217 = arith.muli %add3A_193, %mul3A_216 : i32
      %add3A_218 = arith.constant 1 : i32
      %add3A_219 = arith.addi %mul3A_217, %add3A_218 : i32
      %dma_wait3A_220 = arith.constant 0 : i32
      %dma_wait3A_221 = tpu.memref_slice %arg7[%add3A_219, %dma_wait3A_220] : memref<160x128xi32, #tpu.memory_space<vmem>> -> memref<1x128xi32, #tpu.memory_space<vmem>>
      %dma_wait3A_222 = tpu.memref_squeeze %dma_wait3A_221 : memref<1x128xi32, #tpu.memory_space<vmem>> -> memref<128xi32, #tpu.memory_space<vmem>>
      %dma_wait3A_223 = arith.constant 0 : i32
      %dma_wait3A_224 = arith.constant 0 : i32
      %dma_wait3A_225 = tpu.memref_slice %arg18[%dma_wait3A_223, %dma_wait3A_224] : memref<10000x32xf32, #tpu.memory_space<vmem_shared>> -> memref<10000x32xf32, #tpu.memory_space<vmem_shared>>
      tpu.wait_indirect_dma semaphore(%arg21 : memref<!tpu.dma_semaphore, #tpu.memory_space<semaphore_mem>>) src(%dma_wait3A_225 : memref<10000x32xf32, #tpu.memory_space<vmem_shared>>) dst(%arg14 : memref<128x32xf32, #tpu.memory_space<vmem>>)
      %mul3A_226 = arith.constant 2 : i32
      %mul3A_227 = arith.muli %add3A_193, %mul3A_226 : i32
      %add3A_228 = arith.constant 0 : i32
      %add3A_229 = arith.addi %mul3A_227, %add3A_228 : i32
      %dma_start3A_230 = arith.constant 0 : i32
      %dma_start3A_231 = tpu.memref_slice %arg8[%add3A_229, %dma_start3A_230] : memref<160x128xi32, #tpu.memory_space<vmem>> -> memref<1x128xi32, #tpu.memory_space<vmem>>
      %dma_start3A_232 = tpu.memref_squeeze %dma_start3A_231 : memref<1x128xi32, #tpu.memory_space<vmem>> -> memref<128xi32, #tpu.memory_space<vmem>>
      %dma_start3A_233 = arith.constant 0 : i32
      %dma_start3A_234 = arith.constant 0 : i32
      %dma_start3A_235 = tpu.memref_slice %arg17[%dma_start3A_233, %dma_start3A_234] : memref<10112x32xf32, #tpu.memory_space<vmem_shared>> -> memref<10112x32xf32, #tpu.memory_space<vmem_shared>>
      tpu.enqueue_indirect_dma source(%arg13 : memref<128x32xf32, #tpu.memory_space<vmem>>) target(%dma_start3A_235 : memref<10112x32xf32, #tpu.memory_space<vmem_shared>>) offsets(%dma_start3A_232 : memref<128xi32, #tpu.memory_space<vmem>>) semaphore(%arg25 : memref<!tpu.dma_semaphore, #tpu.memory_space<semaphore_mem>>) {add = true}
      %mul3A_236 = arith.constant 2 : i32
      %mul3A_237 = arith.muli %add3A_193, %mul3A_236 : i32
      %add3A_238 = arith.constant 1 : i32
      %add3A_239 = arith.addi %mul3A_237, %add3A_238 : i32
      %dma_start3A_240 = arith.constant 0 : i32
      %dma_start3A_241 = tpu.memref_slice %arg8[%add3A_239, %dma_start3A_240] : memref<160x128xi32, #tpu.memory_space<vmem>> -> memref<1x128xi32, #tpu.memory_space<vmem>>
      %dma_start3A_242 = tpu.memref_squeeze %dma_start3A_241 : memref<1x128xi32, #tpu.memory_space<vmem>> -> memref<128xi32, #tpu.memory_space<vmem>>
      %dma_start3A_243 = arith.constant 0 : i32
      %dma_start3A_244 = arith.constant 0 : i32
      %dma_start3A_245 = tpu.memref_slice %arg17[%dma_start3A_243, %dma_start3A_244] : memref<10112x32xf32, #tpu.memory_space<vmem_shared>> -> memref<10112x32xf32, #tpu.memory_space<vmem_shared>>
      tpu.enqueue_indirect_dma source(%arg14 : memref<128x32xf32, #tpu.memory_space<vmem>>) target(%dma_start3A_245 : memref<10112x32xf32, #tpu.memory_space<vmem_shared>>) offsets(%dma_start3A_242 : memref<128xi32, #tpu.memory_space<vmem>>) semaphore(%arg25 : memref<!tpu.dma_semaphore, #tpu.memory_space<semaphore_mem>>) {add = true}
      %mul3A_246 = arith.constant 4 : i32
      %mul3A_247 = arith.muli %scan3A_80, %mul3A_246 : i32
      %add3A_248 = arith.constant 3 : i32
      %add3A_249 = arith.addi %mul3A_247, %add3A_248 : i32
      %ge3A_250 = arith.constant 2 : i32
      %ge3A_251 = arith.cmpi sge, %add3A_249, %ge3A_250 : i32
      %convert_element_type3A_252 = arith.extui %ge3A_251 : i1 to i32
      %cond3A_253 = arith.constant 0 : i32
      %cond3A_254 = arith.cmpi ne, %convert_element_type3A_252, %cond3A_253 : i32
      scf.if %cond3A_254 {
        %sub3A = arith.constant 2 : i32
        %sub3A_302 = arith.subi %add3A_249, %sub3A : i32
        %mul3A_303 = arith.constant 2 : i32
        %mul3A_304 = arith.muli %sub3A_302, %mul3A_303 : i32
        %add3A_305 = arith.constant 0 : i32
        %add3A_306 = arith.addi %mul3A_304, %add3A_305 : i32
        %dma_wait3A_307 = arith.constant 0 : i32
        %dma_wait3A_308 = tpu.memref_slice %arg8[%add3A_306, %dma_wait3A_307] : memref<160x128xi32, #tpu.memory_space<vmem>> -> memref<1x128xi32, #tpu.memory_space<vmem>>
        %dma_wait3A_309 = tpu.memref_squeeze %dma_wait3A_308 : memref<1x128xi32, #tpu.memory_space<vmem>> -> memref<128xi32, #tpu.memory_space<vmem>>
        %dma_wait3A_310 = arith.constant 0 : i32
        %dma_wait3A_311 = arith.constant 0 : i32
        %dma_wait3A_312 = tpu.memref_slice %arg17[%dma_wait3A_310, %dma_wait3A_311] : memref<10112x32xf32, #tpu.memory_space<vmem_shared>> -> memref<10112x32xf32, #tpu.memory_space<vmem_shared>>
        tpu.wait_indirect_dma semaphore(%arg24 : memref<!tpu.dma_semaphore, #tpu.memory_space<semaphore_mem>>) src(%arg11 : memref<128x32xf32, #tpu.memory_space<vmem>>) dst(%dma_wait3A_312 : memref<10112x32xf32, #tpu.memory_space<vmem_shared>>)
        %mul3A_313 = arith.constant 2 : i32
        %mul3A_314 = arith.muli %sub3A_302, %mul3A_313 : i32
        %add3A_315 = arith.constant 1 : i32
        %add3A_316 = arith.addi %mul3A_314, %add3A_315 : i32
        %dma_wait3A_317 = arith.constant 0 : i32
        %dma_wait3A_318 = tpu.memref_slice %arg8[%add3A_316, %dma_wait3A_317] : memref<160x128xi32, #tpu.memory_space<vmem>> -> memref<1x128xi32, #tpu.memory_space<vmem>>
        %dma_wait3A_319 = tpu.memref_squeeze %dma_wait3A_318 : memref<1x128xi32, #tpu.memory_space<vmem>> -> memref<128xi32, #tpu.memory_space<vmem>>
        %dma_wait3A_320 = arith.constant 0 : i32
        %dma_wait3A_321 = arith.constant 0 : i32
        %dma_wait3A_322 = tpu.memref_slice %arg17[%dma_wait3A_320, %dma_wait3A_321] : memref<10112x32xf32, #tpu.memory_space<vmem_shared>> -> memref<10112x32xf32, #tpu.memory_space<vmem_shared>>
        tpu.wait_indirect_dma semaphore(%arg24 : memref<!tpu.dma_semaphore, #tpu.memory_space<semaphore_mem>>) src(%arg12 : memref<128x32xf32, #tpu.memory_space<vmem>>) dst(%dma_wait3A_322 : memref<10112x32xf32, #tpu.memory_space<vmem_shared>>)
      } else {
      }
      %add3A_255 = arith.constant 2 : i32
      %add3A_256 = arith.addi %add3A_249, %add3A_255 : i32
      %lt3A_257 = arith.constant 80 : i32
      %lt3A_258 = arith.cmpi slt, %add3A_256, %lt3A_257 : i32
      %convert_element_type3A_259 = arith.extui %lt3A_258 : i1 to i32
      %cond3A_260 = arith.constant 0 : i32
      %cond3A_261 = arith.cmpi ne, %convert_element_type3A_259, %cond3A_260 : i32
      scf.if %cond3A_261 {
        %add3A_302 = arith.constant 2 : i32
        %add3A_303 = arith.addi %add3A_249, %add3A_302 : i32
        %mul3A_304 = arith.constant 2 : i32
        %mul3A_305 = arith.muli %add3A_303, %mul3A_304 : i32
        %add3A_306 = arith.constant 0 : i32
        %add3A_307 = arith.addi %mul3A_305, %add3A_306 : i32
        %dma_start3A_308 = arith.constant 0 : i32
        %dma_start3A_309 = tpu.memref_slice %arg7[%add3A_307, %dma_start3A_308] : memref<160x128xi32, #tpu.memory_space<vmem>> -> memref<1x128xi32, #tpu.memory_space<vmem>>
        %dma_start3A_310 = tpu.memref_squeeze %dma_start3A_309 : memref<1x128xi32, #tpu.memory_space<vmem>> -> memref<128xi32, #tpu.memory_space<vmem>>
        %dma_start3A_311 = arith.constant 0 : i32
        %dma_start3A_312 = arith.constant 0 : i32
        %dma_start3A_313 = tpu.memref_slice %arg18[%dma_start3A_311, %dma_start3A_312] : memref<10000x32xf32, #tpu.memory_space<vmem_shared>> -> memref<10000x32xf32, #tpu.memory_space<vmem_shared>>
        tpu.enqueue_indirect_dma source(%dma_start3A_313 : memref<10000x32xf32, #tpu.memory_space<vmem_shared>>) target(%arg11 : memref<128x32xf32, #tpu.memory_space<vmem>>) offsets(%dma_start3A_310 : memref<128xi32, #tpu.memory_space<vmem>>) semaphore(%arg20 : memref<!tpu.dma_semaphore, #tpu.memory_space<semaphore_mem>>)
        %mul3A_314 = arith.constant 2 : i32
        %mul3A_315 = arith.muli %add3A_303, %mul3A_314 : i32
        %add3A_316 = arith.constant 1 : i32
        %add3A_317 = arith.addi %mul3A_315, %add3A_316 : i32
        %dma_start3A_318 = arith.constant 0 : i32
        %dma_start3A_319 = tpu.memref_slice %arg7[%add3A_317, %dma_start3A_318] : memref<160x128xi32, #tpu.memory_space<vmem>> -> memref<1x128xi32, #tpu.memory_space<vmem>>
        %dma_start3A_320 = tpu.memref_squeeze %dma_start3A_319 : memref<1x128xi32, #tpu.memory_space<vmem>> -> memref<128xi32, #tpu.memory_space<vmem>>
        %dma_start3A_321 = arith.constant 0 : i32
        %dma_start3A_322 = arith.constant 0 : i32
        %dma_start3A_323 = tpu.memref_slice %arg18[%dma_start3A_321, %dma_start3A_322] : memref<10000x32xf32, #tpu.memory_space<vmem_shared>> -> memref<10000x32xf32, #tpu.memory_space<vmem_shared>>
        tpu.enqueue_indirect_dma source(%dma_start3A_323 : memref<10000x32xf32, #tpu.memory_space<vmem_shared>>) target(%arg12 : memref<128x32xf32, #tpu.memory_space<vmem>>) offsets(%dma_start3A_320 : memref<128xi32, #tpu.memory_space<vmem>>) semaphore(%arg20 : memref<!tpu.dma_semaphore, #tpu.memory_space<semaphore_mem>>)
      } else {
      }
      %mul3A_262 = arith.constant 2 : i32
      %mul3A_263 = arith.muli %add3A_249, %mul3A_262 : i32
      %add3A_264 = arith.constant 0 : i32
      %add3A_265 = arith.addi %mul3A_263, %add3A_264 : i32
      %dma_wait3A_266 = arith.constant 0 : i32
      %dma_wait3A_267 = tpu.memref_slice %arg7[%add3A_265, %dma_wait3A_266] : memref<160x128xi32, #tpu.memory_space<vmem>> -> memref<1x128xi32, #tpu.memory_space<vmem>>
      %dma_wait3A_268 = tpu.memref_squeeze %dma_wait3A_267 : memref<1x128xi32, #tpu.memory_space<vmem>> -> memref<128xi32, #tpu.memory_space<vmem>>
      %dma_wait3A_269 = arith.constant 0 : i32
      %dma_wait3A_270 = arith.constant 0 : i32
      %dma_wait3A_271 = tpu.memref_slice %arg18[%dma_wait3A_269, %dma_wait3A_270] : memref<10000x32xf32, #tpu.memory_space<vmem_shared>> -> memref<10000x32xf32, #tpu.memory_space<vmem_shared>>
      tpu.wait_indirect_dma semaphore(%arg22 : memref<!tpu.dma_semaphore, #tpu.memory_space<semaphore_mem>>) src(%dma_wait3A_271 : memref<10000x32xf32, #tpu.memory_space<vmem_shared>>) dst(%arg15 : memref<128x32xf32, #tpu.memory_space<vmem>>)
      %mul3A_272 = arith.constant 2 : i32
      %mul3A_273 = arith.muli %add3A_249, %mul3A_272 : i32
      %add3A_274 = arith.constant 1 : i32
      %add3A_275 = arith.addi %mul3A_273, %add3A_274 : i32
      %dma_wait3A_276 = arith.constant 0 : i32
      %dma_wait3A_277 = tpu.memref_slice %arg7[%add3A_275, %dma_wait3A_276] : memref<160x128xi32, #tpu.memory_space<vmem>> -> memref<1x128xi32, #tpu.memory_space<vmem>>
      %dma_wait3A_278 = tpu.memref_squeeze %dma_wait3A_277 : memref<1x128xi32, #tpu.memory_space<vmem>> -> memref<128xi32, #tpu.memory_space<vmem>>
      %dma_wait3A_279 = arith.constant 0 : i32
      %dma_wait3A_280 = arith.constant 0 : i32
      %dma_wait3A_281 = tpu.memref_slice %arg18[%dma_wait3A_279, %dma_wait3A_280] : memref<10000x32xf32, #tpu.memory_space<vmem_shared>> -> memref<10000x32xf32, #tpu.memory_space<vmem_shared>>
      tpu.wait_indirect_dma semaphore(%arg22 : memref<!tpu.dma_semaphore, #tpu.memory_space<semaphore_mem>>) src(%dma_wait3A_281 : memref<10000x32xf32, #tpu.memory_space<vmem_shared>>) dst(%arg16 : memref<128x32xf32, #tpu.memory_space<vmem>>)
      %mul3A_282 = arith.constant 2 : i32
      %mul3A_283 = arith.muli %add3A_249, %mul3A_282 : i32
      %add3A_284 = arith.constant 0 : i32
      %add3A_285 = arith.addi %mul3A_283, %add3A_284 : i32
      %dma_start3A_286 = arith.constant 0 : i32
      %dma_start3A_287 = tpu.memref_slice %arg8[%add3A_285, %dma_start3A_286] : memref<160x128xi32, #tpu.memory_space<vmem>> -> memref<1x128xi32, #tpu.memory_space<vmem>>
      %dma_start3A_288 = tpu.memref_squeeze %dma_start3A_287 : memref<1x128xi32, #tpu.memory_space<vmem>> -> memref<128xi32, #tpu.memory_space<vmem>>
      %dma_start3A_289 = arith.constant 0 : i32
      %dma_start3A_290 = arith.constant 0 : i32
      %dma_start3A_291 = tpu.memref_slice %arg17[%dma_start3A_289, %dma_start3A_290] : memref<10112x32xf32, #tpu.memory_space<vmem_shared>> -> memref<10112x32xf32, #tpu.memory_space<vmem_shared>>
      tpu.enqueue_indirect_dma source(%arg15 : memref<128x32xf32, #tpu.memory_space<vmem>>) target(%dma_start3A_291 : memref<10112x32xf32, #tpu.memory_space<vmem_shared>>) offsets(%dma_start3A_288 : memref<128xi32, #tpu.memory_space<vmem>>) semaphore(%arg26 : memref<!tpu.dma_semaphore, #tpu.memory_space<semaphore_mem>>) {add = true}
      %mul3A_292 = arith.constant 2 : i32
      %mul3A_293 = arith.muli %add3A_249, %mul3A_292 : i32
      %add3A_294 = arith.constant 1 : i32
      %add3A_295 = arith.addi %mul3A_293, %add3A_294 : i32
      %dma_start3A_296 = arith.constant 0 : i32
      %dma_start3A_297 = tpu.memref_slice %arg8[%add3A_295, %dma_start3A_296] : memref<160x128xi32, #tpu.memory_space<vmem>> -> memref<1x128xi32, #tpu.memory_space<vmem>>
      %dma_start3A_298 = tpu.memref_squeeze %dma_start3A_297 : memref<1x128xi32, #tpu.memory_space<vmem>> -> memref<128xi32, #tpu.memory_space<vmem>>
      %dma_start3A_299 = arith.constant 0 : i32
      %dma_start3A_300 = arith.constant 0 : i32
      %dma_start3A_301 = tpu.memref_slice %arg17[%dma_start3A_299, %dma_start3A_300] : memref<10112x32xf32, #tpu.memory_space<vmem_shared>> -> memref<10112x32xf32, #tpu.memory_space<vmem_shared>>
      tpu.enqueue_indirect_dma source(%arg16 : memref<128x32xf32, #tpu.memory_space<vmem>>) target(%dma_start3A_301 : memref<10112x32xf32, #tpu.memory_space<vmem_shared>>) offsets(%dma_start3A_298 : memref<128xi32, #tpu.memory_space<vmem>>) semaphore(%arg26 : memref<!tpu.dma_semaphore, #tpu.memory_space<semaphore_mem>>) {add = true}
    }
    %scan3A_42 = arith.constant 20 : i32
    %dma_wait3A = arith.constant 156 : i32
    %dma_wait3A_43 = arith.constant 0 : i32
    %dma_wait3A_44 = tpu.memref_slice %arg8[%dma_wait3A, %dma_wait3A_43] : memref<160x128xi32, #tpu.memory_space<vmem>> -> memref<1x128xi32, #tpu.memory_space<vmem>>
    %dma_wait3A_45 = tpu.memref_squeeze %dma_wait3A_44 : memref<1x128xi32, #tpu.memory_space<vmem>> -> memref<128xi32, #tpu.memory_space<vmem>>
    %dma_wait3A_46 = arith.constant 0 : i32
    %dma_wait3A_47 = arith.constant 0 : i32
    %dma_wait3A_48 = tpu.memref_slice %arg17[%dma_wait3A_46, %dma_wait3A_47] : memref<10112x32xf32, #tpu.memory_space<vmem_shared>> -> memref<10112x32xf32, #tpu.memory_space<vmem_shared>>
    tpu.wait_indirect_dma semaphore(%arg25 : memref<!tpu.dma_semaphore, #tpu.memory_space<semaphore_mem>>) src(%arg13 : memref<128x32xf32, #tpu.memory_space<vmem>>) dst(%dma_wait3A_48 : memref<10112x32xf32, #tpu.memory_space<vmem_shared>>)
    %dma_wait3A_49 = arith.constant 157 : i32
    %dma_wait3A_50 = arith.constant 0 : i32
    %dma_wait3A_51 = tpu.memref_slice %arg8[%dma_wait3A_49, %dma_wait3A_50] : memref<160x128xi32, #tpu.memory_space<vmem>> -> memref<1x128xi32, #tpu.memory_space<vmem>>
    %dma_wait3A_52 = tpu.memref_squeeze %dma_wait3A_51 : memref<1x128xi32, #tpu.memory_space<vmem>> -> memref<128xi32, #tpu.memory_space<vmem>>
    %dma_wait3A_53 = arith.constant 0 : i32
    %dma_wait3A_54 = arith.constant 0 : i32
    %dma_wait3A_55 = tpu.memref_slice %arg17[%dma_wait3A_53, %dma_wait3A_54] : memref<10112x32xf32, #tpu.memory_space<vmem_shared>> -> memref<10112x32xf32, #tpu.memory_space<vmem_shared>>
    tpu.wait_indirect_dma semaphore(%arg25 : memref<!tpu.dma_semaphore, #tpu.memory_space<semaphore_mem>>) src(%arg14 : memref<128x32xf32, #tpu.memory_space<vmem>>) dst(%dma_wait3A_55 : memref<10112x32xf32, #tpu.memory_space<vmem_shared>>)
    %dma_wait3A_56 = arith.constant 158 : i32
    %dma_wait3A_57 = arith.constant 0 : i32
    %dma_wait3A_58 = tpu.memref_slice %arg8[%dma_wait3A_56, %dma_wait3A_57] : memref<160x128xi32, #tpu.memory_space<vmem>> -> memref<1x128xi32, #tpu.memory_space<vmem>>
    %dma_wait3A_59 = tpu.memref_squeeze %dma_wait3A_58 : memref<1x128xi32, #tpu.memory_space<vmem>> -> memref<128xi32, #tpu.memory_space<vmem>>
    %dma_wait3A_60 = arith.constant 0 : i32
    %dma_wait3A_61 = arith.constant 0 : i32
    %dma_wait3A_62 = tpu.memref_slice %arg17[%dma_wait3A_60, %dma_wait3A_61] : memref<10112x32xf32, #tpu.memory_space<vmem_shared>> -> memref<10112x32xf32, #tpu.memory_space<vmem_shared>>
    tpu.wait_indirect_dma semaphore(%arg26 : memref<!tpu.dma_semaphore, #tpu.memory_space<semaphore_mem>>) src(%arg15 : memref<128x32xf32, #tpu.memory_space<vmem>>) dst(%dma_wait3A_62 : memref<10112x32xf32, #tpu.memory_space<vmem_shared>>)
    %dma_wait3A_63 = arith.constant 159 : i32
    %dma_wait3A_64 = arith.constant 0 : i32
    %dma_wait3A_65 = tpu.memref_slice %arg8[%dma_wait3A_63, %dma_wait3A_64] : memref<160x128xi32, #tpu.memory_space<vmem>> -> memref<1x128xi32, #tpu.memory_space<vmem>>
    %dma_wait3A_66 = tpu.memref_squeeze %dma_wait3A_65 : memref<1x128xi32, #tpu.memory_space<vmem>> -> memref<128xi32, #tpu.memory_space<vmem>>
    %dma_wait3A_67 = arith.constant 0 : i32
    %dma_wait3A_68 = arith.constant 0 : i32
    %dma_wait3A_69 = tpu.memref_slice %arg17[%dma_wait3A_67, %dma_wait3A_68] : memref<10112x32xf32, #tpu.memory_space<vmem_shared>> -> memref<10112x32xf32, #tpu.memory_space<vmem_shared>>
    tpu.wait_indirect_dma semaphore(%arg26 : memref<!tpu.dma_semaphore, #tpu.memory_space<semaphore_mem>>) src(%arg16 : memref<128x32xf32, #tpu.memory_space<vmem>>) dst(%dma_wait3A_69 : memref<10112x32xf32, #tpu.memory_space<vmem_shared>>)
    %barrier3A_70 = arith.constant 0 : index
    tpu.barrier barrier_id(%barrier3A_70)
    %mul3A_71 = arith.constant 624 : i32
    %mul3A_72 = arith.muli %arg1, %mul3A_71 : i32
    %mul3A_73 = arith.constant 624 : i32
    %mul3A_74 = arith.muli %arg1, %mul3A_73 : i32
    "tpu.region"() ({
      %run_scoped3A = tpu.sem_alloc : memref<!tpu.dma_semaphore, #tpu.memory_space<semaphore_mem>>
      %dma_start3A_80 = arith.constant 0 : i32
      %dma_start3A_81 = tpu.memref_slice %arg6[%arg0, %mul3A_74, %dma_start3A_80] : memref<2x10000x32xf32, #tpu.memory_space<hbm>> -> memref<1x624x32xf32, #tpu.memory_space<hbm>>
      %dma_start3A_82 = tpu.memref_squeeze %dma_start3A_81 : memref<1x624x32xf32, #tpu.memory_space<hbm>> -> memref<624x32xf32, #tpu.memory_space<hbm>>
      %dma_start3A_83 = arith.constant 0 : i32
      %dma_start3A_84 = tpu.memref_slice %arg17[%mul3A_72, %dma_start3A_83] : memref<10112x32xf32, #tpu.memory_space<vmem_shared>> -> memref<624x32xf32, #tpu.memory_space<vmem_shared>>
      tpu.enqueue_dma source(%dma_start3A_84 : memref<624x32xf32, #tpu.memory_space<vmem_shared>>) target(%dma_start3A_82 : memref<624x32xf32, #tpu.memory_space<hbm>>) target_semaphore(%run_scoped3A : memref<!tpu.dma_semaphore, #tpu.memory_space<semaphore_mem>>)
      %dma_wait3A_85 = arith.constant 0 : i32
      %dma_wait3A_86 = tpu.memref_slice %arg6[%arg0, %mul3A_74, %dma_wait3A_85] : memref<2x10000x32xf32, #tpu.memory_space<hbm>> -> memref<1x624x32xf32, #tpu.memory_space<hbm>>
      %dma_wait3A_87 = tpu.memref_squeeze %dma_wait3A_86 : memref<1x624x32xf32, #tpu.memory_space<hbm>> -> memref<624x32xf32, #tpu.memory_space<hbm>>
      %dma_wait3A_88 = arith.constant 0 : i32
      %dma_wait3A_89 = tpu.memref_slice %arg17[%mul3A_72, %dma_wait3A_88] : memref<10112x32xf32, #tpu.memory_space<vmem_shared>> -> memref<624x32xf32, #tpu.memory_space<vmem_shared>>
      tpu.wait_dma2 semaphore(%run_scoped3A : memref<!tpu.dma_semaphore, #tpu.memory_space<semaphore_mem>>) src(%dma_wait3A_89 : memref<624x32xf32, #tpu.memory_space<vmem_shared>>) dst(%dma_wait3A_87 : memref<624x32xf32, #tpu.memory_space<hbm>>)
      tpu.yield
    }) : () -> ()
    %eq3A_75 = arith.constant 15 : i32
    %eq3A_76 = arith.cmpi eq, %arg1, %eq3A_75 : i32
    %convert_element_type3A_77 = arith.extui %eq3A_76 : i1 to i32
    %cond3A_78 = arith.constant 0 : i32
    %cond3A_79 = arith.cmpi ne, %convert_element_type3A_77, %cond3A_78 : i32
    scf.if %cond3A_79 {
      "tpu.region"() ({
        %run_scoped3A = tpu.sem_alloc : memref<!tpu.dma_semaphore, #tpu.memory_space<semaphore_mem>>
        %dma_start3A_80 = arith.constant 9984 : i32
        %dma_start3A_81 = arith.constant 0 : i32
        %dma_start3A_82 = tpu.memref_slice %arg6[%arg0, %dma_start3A_80, %dma_start3A_81] : memref<2x10000x32xf32, #tpu.memory_space<hbm>> -> memref<1x16x32xf32, #tpu.memory_space<hbm>>
        %dma_start3A_83 = tpu.memref_squeeze %dma_start3A_82 : memref<1x16x32xf32, #tpu.memory_space<hbm>> -> memref<16x32xf32, #tpu.memory_space<hbm>>
        %dma_start3A_84 = arith.constant 9984 : i32
        %dma_start3A_85 = arith.constant 0 : i32
        %dma_start3A_86 = tpu.memref_slice %arg17[%dma_start3A_84, %dma_start3A_85] : memref<10112x32xf32, #tpu.memory_space<vmem_shared>> -> memref<16x32xf32, #tpu.memory_space<vmem_shared>>
        tpu.enqueue_dma source(%dma_start3A_86 : memref<16x32xf32, #tpu.memory_space<vmem_shared>>) target(%dma_start3A_83 : memref<16x32xf32, #tpu.memory_space<hbm>>) target_semaphore(%run_scoped3A : memref<!tpu.dma_semaphore, #tpu.memory_space<semaphore_mem>>)
        %dma_wait3A_87 = arith.constant 9984 : i32
        %dma_wait3A_88 = arith.constant 0 : i32
        %dma_wait3A_89 = tpu.memref_slice %arg6[%arg0, %dma_wait3A_87, %dma_wait3A_88] : memref<2x10000x32xf32, #tpu.memory_space<hbm>> -> memref<1x16x32xf32, #tpu.memory_space<hbm>>
        %dma_wait3A_90 = tpu.memref_squeeze %dma_wait3A_89 : memref<1x16x32xf32, #tpu.memory_space<hbm>> -> memref<16x32xf32, #tpu.memory_space<hbm>>
        %dma_wait3A_91 = arith.constant 9984 : i32
        %dma_wait3A_92 = arith.constant 0 : i32
        %dma_wait3A_93 = tpu.memref_slice %arg17[%dma_wait3A_91, %dma_wait3A_92] : memref<10112x32xf32, #tpu.memory_space<vmem_shared>> -> memref<16x32xf32, #tpu.memory_space<vmem_shared>>
        tpu.wait_dma2 semaphore(%run_scoped3A : memref<!tpu.dma_semaphore, #tpu.memory_space<semaphore_mem>>) src(%dma_wait3A_93 : memref<16x32xf32, #tpu.memory_space<vmem_shared>>) dst(%dma_wait3A_90 : memref<16x32xf32, #tpu.memory_space<hbm>>)
        tpu.yield
      }) : () -> ()
    } else {
    }
    return
  }
}

module attributes {stable_mosaic.version = 14 : i64} {
  func.func @_tc1_body(%arg0: i32, %arg1: memref<1000x128xf32, #tpu.memory_space<vmem>>, %arg2: memref<128x64xf32, #tpu.memory_space<vmem>>, %arg3: memref<2x1000x16xf32, #tpu.memory_space<vmem>>, %arg4: memref<2x1000x32xf32, #tpu.memory_space<vmem>>, %arg5: memref<1000x64xf32, #tpu.memory_space<vmem>>) attributes {dimension_semantics = [#tpu.dimension_semantics<arbitrary>], iteration_bounds = array<i64: 10>, scalar_prefetch = 0 : i64, scratch_operands = 0 : i64, tpu.core_type = #tpu.core_type<tc>, window_params = [{transform_indices = @transform_0, window_bounds = array<i64: 1000, 128>}, {pipeline_mode = #tpu.pipeline_mode<synchronous>, transform_indices = @transform_1, window_bounds = array<i64: 128, 64>}, {transform_indices = @transform_2, window_bounds = array<i64: 2, 1000, 16>}, {transform_indices = @transform_3, window_bounds = array<i64: 2, 1000, 32>}, {transform_indices = @transform_4, window_bounds = array<i64: 1000, 64>}]} {
    %get3A = arith.constant 0 : index
    %get3A_0 = arith.constant 0 : index
    %get3A_1 = arith.constant 0 : index
    %get3A_2 = vector.load %arg3[%get3A, %get3A_0, %get3A_1] : memref<2x1000x16xf32, #tpu.memory_space<vmem>>, vector<2x1000x16xf32>
    %slice3A = vector.extract_strided_slice %get3A_2 {offsets = [0, 0, 0], sizes = [1, 1000, 1], strides = [1, 1, 1]} : vector<2x1000x16xf32> to vector<1x1000x1xf32>
    %squeeze3A = vector.shape_cast %slice3A : vector<1x1000x1xf32> to vector<1000x1xf32>
    %slice3A_3 = vector.extract_strided_slice %get3A_2 {offsets = [1, 0, 0], sizes = [1, 1000, 1], strides = [1, 1, 1]} : vector<2x1000x16xf32> to vector<1x1000x1xf32>
    %squeeze3A_4 = vector.shape_cast %slice3A_3 : vector<1x1000x1xf32> to vector<1000x1xf32>
    %add3A = arith.addf %squeeze3A, %squeeze3A_4 : vector<1000x1xf32>
    %add3A_5 = arith.constant 1.000000e+00 : f32
    %add3A_6 = vector.broadcast %add3A_5 : f32 to vector<1000x1xf32>
    %add3A_7 = arith.addf %add3A, %add3A_6 : vector<1000x1xf32>
    %rsqrt3A = math.rsqrt %add3A_7 : vector<1000x1xf32>
    %get3A_8 = arith.constant 0 : index
    %get3A_9 = arith.constant 0 : index
    %get3A_10 = vector.load %arg1[%get3A_8, %get3A_9] : memref<1000x128xf32, #tpu.memory_space<vmem>>, vector<1000x128xf32>
    %get3A_11 = arith.constant 0 : index
    %get3A_12 = arith.constant 0 : index
    %get3A_13 = vector.load %arg2[%get3A_11, %get3A_12] : memref<128x64xf32, #tpu.memory_space<vmem>>, vector<128x64xf32>
    %dot_general3A = arith.constant dense<0.000000e+00> : vector<1000x64xf32>
    %dot_general3A_14 = tpu.matmul %get3A_10, %get3A_13, %dot_general3A {dimension_numbers = #tpu.dot_dimension_numbers<[1], [0], [0], [1], [0, 0, 1, 1], [], []>, transpose_lhs_hint = false} : vector<1000x128xf32>, vector<128x64xf32>, vector<1000x64xf32> -> vector<1000x64xf32>
    %mul3A = vector.broadcast %rsqrt3A : vector<1000x1xf32> to vector<1000x64xf32>
    %mul3A_15 = arith.mulf %dot_general3A_14, %mul3A : vector<1000x64xf32>
    %slice3A_16 = vector.extract_strided_slice %mul3A_15 {offsets = [0, 0], sizes = [1000, 32], strides = [1, 1]} : vector<1000x64xf32> to vector<1000x32xf32>
    %swap3A = arith.constant 0 : index
    %swap3A_17 = arith.constant 0 : index
    %swap3A_18 = arith.constant 0 : index
    %swap3A_19 = vector.load %arg4[%swap3A, %swap3A_17, %swap3A_18] : memref<2x1000x32xf32, #tpu.memory_space<vmem>>, vector<1x1000x32xf32>
    %swap3A_20 = vector.shape_cast %swap3A_19 : vector<1x1000x32xf32> to vector<1000x32xf32>
    %swap3A_21 = vector.shape_cast %slice3A_16 : vector<1000x32xf32> to vector<1x1000x32xf32>
    tpu.vector_store %arg4[%swap3A, %swap3A_17, %swap3A_18], %swap3A_21 {strides = array<i32>} : memref<2x1000x32xf32, #tpu.memory_space<vmem>>, vector<1x1000x32xf32>,
    %slice3A_22 = vector.extract_strided_slice %mul3A_15 {offsets = [0, 32], sizes = [1000, 32], strides = [1, 1]} : vector<1000x64xf32> to vector<1000x32xf32>
    %swap3A_23 = arith.constant 1 : index
    %swap3A_24 = arith.constant 0 : index
    %swap3A_25 = arith.constant 0 : index
    %swap3A_26 = vector.load %arg4[%swap3A_23, %swap3A_24, %swap3A_25] : memref<2x1000x32xf32, #tpu.memory_space<vmem>>, vector<1x1000x32xf32>
    %swap3A_27 = vector.shape_cast %swap3A_26 : vector<1x1000x32xf32> to vector<1000x32xf32>
    %swap3A_28 = vector.shape_cast %slice3A_22 : vector<1000x32xf32> to vector<1x1000x32xf32>
    tpu.vector_store %arg4[%swap3A_23, %swap3A_24, %swap3A_25], %swap3A_28 {strides = array<i32>} : memref<2x1000x32xf32, #tpu.memory_space<vmem>>, vector<1x1000x32xf32>,
    %broadcast_in_dim3A = vector.shape_cast %rsqrt3A : vector<1000x1xf32> to vector<1000x1xf32>
    %broadcast_in_dim3A_29 = vector.broadcast %broadcast_in_dim3A : vector<1000x1xf32> to vector<1000x64xf32>
    %swap3A_30 = arith.constant 0 : index
    %swap3A_31 = arith.constant 0 : index
    %swap3A_32 = vector.load %arg5[%swap3A_30, %swap3A_31] : memref<1000x64xf32, #tpu.memory_space<vmem>>, vector<1000x64xf32>
    tpu.vector_store %arg5[%swap3A_30, %swap3A_31], %broadcast_in_dim3A_29 {strides = array<i32>} : memref<1000x64xf32, #tpu.memory_space<vmem>>, vector<1000x64xf32>,
    return
  }
  func.func @transform_0(%arg0: i32) -> (i32, i32) {
    %c0_i32 = arith.constant 0 : i32
    %c0_i32_0 = arith.constant 0 : i32
    return %arg0, %c0_i32 : i32, i32
  }
  func.func @transform_1(%arg0: i32) -> (i32, i32) {
    %c0_i32 = arith.constant 0 : i32
    %c0_i32_0 = arith.constant 0 : i32
    %c0_i32_1 = arith.constant 0 : i32
    return %c0_i32, %c0_i32_0 : i32, i32
  }
  func.func @transform_2(%arg0: i32) -> (i32, i32, i32) {
    %c0_i32 = arith.constant 0 : i32
    %c0_i32_0 = arith.constant 0 : i32
    %c0_i32_1 = arith.constant 0 : i32
    return %c0_i32, %arg0, %c0_i32_0 : i32, i32, i32
  }
  func.func @transform_3(%arg0: i32) -> (i32, i32, i32) {
    %c0_i32 = arith.constant 0 : i32
    %c0_i32_0 = arith.constant 0 : i32
    %c0_i32_1 = arith.constant 0 : i32
    return %c0_i32, %arg0, %c0_i32_0 : i32, i32, i32
  }
  func.func @transform_4(%arg0: i32) -> (i32, i32) {
    %c0_i32 = arith.constant 0 : i32
    %c0_i32_0 = arith.constant 0 : i32
    return %arg0, %c0_i32 : i32, i32
  }
}

module attributes {stable_mosaic.version = 14 : i64} {
  func.func @_tc_mid_body(%arg0: i32, %arg1: memref<2x1000x32xf32, #tpu.memory_space<vmem>>, %arg2: memref<2x1000x32xf32, #tpu.memory_space<vmem>>, %arg3: memref<1000x64xf32, #tpu.memory_space<vmem>>, %arg4: memref<1x64xf32, #tpu.memory_space<vmem>>, %arg5: memref<64x64xf32, #tpu.memory_space<vmem>>, %arg6: memref<2x1000x32xf32, #tpu.memory_space<vmem>>) attributes {dimension_semantics = [#tpu.dimension_semantics<arbitrary>], iteration_bounds = array<i64: 10>, scalar_prefetch = 0 : i64, scratch_operands = 0 : i64, tpu.core_type = #tpu.core_type<tc>, window_params = [{transform_indices = @transform_0, window_bounds = array<i64: 2, 1000, 32>}, {transform_indices = @transform_1, window_bounds = array<i64: 2, 1000, 32>}, {transform_indices = @transform_2, window_bounds = array<i64: 1000, 64>}, {pipeline_mode = #tpu.pipeline_mode<synchronous>, transform_indices = @transform_3, window_bounds = array<i64: 1, 64>}, {pipeline_mode = #tpu.pipeline_mode<synchronous>, transform_indices = @transform_4, window_bounds = array<i64: 64, 64>}, {transform_indices = @transform_5, window_bounds = array<i64: 2, 1000, 32>}]} {
    %get3A = arith.constant 0 : index
    %get3A_0 = arith.constant 0 : index
    %get3A_1 = arith.constant 0 : index
    %get3A_2 = vector.load %arg1[%get3A, %get3A_0, %get3A_1] : memref<2x1000x32xf32, #tpu.memory_space<vmem>>, vector<2x1000x32xf32>
    %get3A_3 = arith.constant 0 : index
    %get3A_4 = arith.constant 0 : index
    %get3A_5 = arith.constant 0 : index
    %get3A_6 = vector.load %arg2[%get3A_3, %get3A_4, %get3A_5] : memref<2x1000x32xf32, #tpu.memory_space<vmem>>, vector<2x1000x32xf32>
    %slice3A = vector.extract_strided_slice %get3A_2 {offsets = [0, 0, 0], sizes = [1, 1000, 32], strides = [1, 1, 1]} : vector<2x1000x32xf32> to vector<1x1000x32xf32>
    %squeeze3A = vector.shape_cast %slice3A : vector<1x1000x32xf32> to vector<1000x32xf32>
    %slice3A_7 = vector.extract_strided_slice %get3A_6 {offsets = [0, 0, 0], sizes = [1, 1000, 32], strides = [1, 1, 1]} : vector<2x1000x32xf32> to vector<1x1000x32xf32>
    %squeeze3A_8 = vector.shape_cast %slice3A_7 : vector<1x1000x32xf32> to vector<1000x32xf32>
    %add3A = arith.addf %squeeze3A, %squeeze3A_8 : vector<1000x32xf32>
    %slice3A_9 = vector.extract_strided_slice %get3A_2 {offsets = [1, 0, 0], sizes = [1, 1000, 32], strides = [1, 1, 1]} : vector<2x1000x32xf32> to vector<1x1000x32xf32>
    %squeeze3A_10 = vector.shape_cast %slice3A_9 : vector<1x1000x32xf32> to vector<1000x32xf32>
    %slice3A_11 = vector.extract_strided_slice %get3A_6 {offsets = [1, 0, 0], sizes = [1, 1000, 32], strides = [1, 1, 1]} : vector<2x1000x32xf32> to vector<1x1000x32xf32>
    %squeeze3A_12 = vector.shape_cast %slice3A_11 : vector<1x1000x32xf32> to vector<1000x32xf32>
    %add3A_13 = arith.addf %squeeze3A_10, %squeeze3A_12 : vector<1000x32xf32>
    %concatenate3A = tpu.concatenate %add3A, %add3A_13 in 1 : vector<1000x32xf32>, vector<1000x32xf32> -> vector<1000x64xf32>
    %get3A_14 = arith.constant 0 : index
    %get3A_15 = arith.constant 0 : index
    %get3A_16 = vector.load %arg3[%get3A_14, %get3A_15] : memref<1000x64xf32, #tpu.memory_space<vmem>>, vector<1000x64xf32>
    %mul3A = arith.mulf %concatenate3A, %get3A_16 : vector<1000x64xf32>
    %get3A_17 = arith.constant 0 : index
    %get3A_18 = arith.constant 0 : index
    %get3A_19 = vector.load %arg4[%get3A_17, %get3A_18] : memref<1x64xf32, #tpu.memory_space<vmem>>, vector<1x64xf32>
    %add3A_20 = vector.broadcast %get3A_19 : vector<1x64xf32> to vector<1000x64xf32>
    %add3A_21 = arith.addf %mul3A, %add3A_20 : vector<1000x64xf32>
    %max3A = arith.constant 0.000000e+00 : f32
    %max3A_22 = vector.broadcast %max3A : f32 to vector<1000x64xf32>
    %max3A_23 = arith.maximumf %add3A_21, %max3A_22 : vector<1000x64xf32>
    %get3A_24 = arith.constant 0 : index
    %get3A_25 = arith.constant 0 : index
    %get3A_26 = vector.load %arg5[%get3A_24, %get3A_25] : memref<64x64xf32, #tpu.memory_space<vmem>>, vector<64x64xf32>
    %dot_general3A = arith.constant dense<0.000000e+00> : vector<1000x64xf32>
    %dot_general3A_27 = tpu.matmul %max3A_23, %get3A_26, %dot_general3A {dimension_numbers = #tpu.dot_dimension_numbers<[1], [0], [0], [1], [0, 0, 1, 1], [], []>, transpose_lhs_hint = false} : vector<1000x64xf32>, vector<64x64xf32>, vector<1000x64xf32> -> vector<1000x64xf32>
    %mul3A_28 = arith.mulf %dot_general3A_27, %get3A_16 : vector<1000x64xf32>
    %slice3A_29 = vector.extract_strided_slice %mul3A_28 {offsets = [0, 0], sizes = [1000, 32], strides = [1, 1]} : vector<1000x64xf32> to vector<1000x32xf32>
    %swap3A = arith.constant 0 : index
    %swap3A_30 = arith.constant 0 : index
    %swap3A_31 = arith.constant 0 : index
    %swap3A_32 = vector.load %arg6[%swap3A, %swap3A_30, %swap3A_31] : memref<2x1000x32xf32, #tpu.memory_space<vmem>>, vector<1x1000x32xf32>
    %swap3A_33 = vector.shape_cast %swap3A_32 : vector<1x1000x32xf32> to vector<1000x32xf32>
    %swap3A_34 = vector.shape_cast %slice3A_29 : vector<1000x32xf32> to vector<1x1000x32xf32>
    tpu.vector_store %arg6[%swap3A, %swap3A_30, %swap3A_31], %swap3A_34 {strides = array<i32>} : memref<2x1000x32xf32, #tpu.memory_space<vmem>>, vector<1x1000x32xf32>,
    %slice3A_35 = vector.extract_strided_slice %mul3A_28 {offsets = [0, 32], sizes = [1000, 32], strides = [1, 1]} : vector<1000x64xf32> to vector<1000x32xf32>
    %swap3A_36 = arith.constant 1 : index
    %swap3A_37 = arith.constant 0 : index
    %swap3A_38 = arith.constant 0 : index
    %swap3A_39 = vector.load %arg6[%swap3A_36, %swap3A_37, %swap3A_38] : memref<2x1000x32xf32, #tpu.memory_space<vmem>>, vector<1x1000x32xf32>
    %swap3A_40 = vector.shape_cast %swap3A_39 : vector<1x1000x32xf32> to vector<1000x32xf32>
    %swap3A_41 = vector.shape_cast %slice3A_35 : vector<1000x32xf32> to vector<1x1000x32xf32>
    tpu.vector_store %arg6[%swap3A_36, %swap3A_37, %swap3A_38], %swap3A_41 {strides = array<i32>} : memref<2x1000x32xf32, #tpu.memory_space<vmem>>, vector<1x1000x32xf32>,
    return
  }
  func.func @transform_0(%arg0: i32) -> (i32, i32, i32) {
    %c0_i32 = arith.constant 0 : i32
    %c0_i32_0 = arith.constant 0 : i32
    %c0_i32_1 = arith.constant 0 : i32
    return %c0_i32, %arg0, %c0_i32_0 : i32, i32, i32
  }
  func.func @transform_1(%arg0: i32) -> (i32, i32, i32) {
    %c0_i32 = arith.constant 0 : i32
    %c0_i32_0 = arith.constant 0 : i32
    %c0_i32_1 = arith.constant 0 : i32
    return %c0_i32, %arg0, %c0_i32_0 : i32, i32, i32
  }
  func.func @transform_2(%arg0: i32) -> (i32, i32) {
    %c0_i32 = arith.constant 0 : i32
    %c0_i32_0 = arith.constant 0 : i32
    return %arg0, %c0_i32 : i32, i32
  }
  func.func @transform_3(%arg0: i32) -> (i32, i32) {
    %c0_i32 = arith.constant 0 : i32
    %c0_i32_0 = arith.constant 0 : i32
    %c0_i32_1 = arith.constant 0 : i32
    return %c0_i32, %c0_i32_0 : i32, i32
  }
  func.func @transform_4(%arg0: i32) -> (i32, i32) {
    %c0_i32 = arith.constant 0 : i32
    %c0_i32_0 = arith.constant 0 : i32
    %c0_i32_1 = arith.constant 0 : i32
    return %c0_i32, %c0_i32_0 : i32, i32
  }
  func.func @transform_5(%arg0: i32) -> (i32, i32, i32) {
    %c0_i32 = arith.constant 0 : i32
    %c0_i32_0 = arith.constant 0 : i32
    %c0_i32_1 = arith.constant 0 : i32
    return %c0_i32, %arg0, %c0_i32_0 : i32, i32, i32
  }
}

module attributes {stable_mosaic.version = 14 : i64} {
  func.func @_tc4_body(%arg0: memref<2x10000x32xf32, #tpu.memory_space<vmem>>, %arg1: memref<2x10000x32xf32, #tpu.memory_space<vmem>>, %arg2: memref<10000x64xf32, #tpu.memory_space<vmem>>, %arg3: memref<1x64xf32, #tpu.memory_space<vmem>>, %arg4: memref<10000x1xi32, #tpu.memory_space<vmem>>, %arg5: memref<128x64xf32, #tpu.memory_space<vmem>>, %arg6: memref<1x64xf32, #tpu.memory_space<vmem>>, %arg7: memref<64x2xf32, #tpu.memory_space<vmem>>, %arg8: memref<1x2xf32, #tpu.memory_space<vmem>>, %arg9: memref<16x2xf32, #tpu.memory_space<vmem>>) attributes {dimension_semantics = [], scalar_prefetch = 0 : i64, scratch_operands = 0 : i64, tpu.core_type = #tpu.core_type<tc>} {
    %get3A = arith.constant 0 : index
    %get3A_0 = arith.constant 0 : index
    %get3A_1 = arith.constant 0 : index
    %get3A_2 = vector.load %arg0[%get3A, %get3A_0, %get3A_1] : memref<2x10000x32xf32, #tpu.memory_space<vmem>>, vector<2x10000x32xf32>
    %get3A_3 = arith.constant 0 : index
    %get3A_4 = arith.constant 0 : index
    %get3A_5 = arith.constant 0 : index
    %get3A_6 = vector.load %arg1[%get3A_3, %get3A_4, %get3A_5] : memref<2x10000x32xf32, #tpu.memory_space<vmem>>, vector<2x10000x32xf32>
    %slice3A = vector.extract_strided_slice %get3A_2 {offsets = [0, 0, 0], sizes = [1, 10000, 32], strides = [1, 1, 1]} : vector<2x10000x32xf32> to vector<1x10000x32xf32>
    %squeeze3A = vector.shape_cast %slice3A : vector<1x10000x32xf32> to vector<10000x32xf32>
    %slice3A_7 = vector.extract_strided_slice %get3A_6 {offsets = [0, 0, 0], sizes = [1, 10000, 32], strides = [1, 1, 1]} : vector<2x10000x32xf32> to vector<1x10000x32xf32>
    %squeeze3A_8 = vector.shape_cast %slice3A_7 : vector<1x10000x32xf32> to vector<10000x32xf32>
    %add3A = arith.addf %squeeze3A, %squeeze3A_8 : vector<10000x32xf32>
    %slice3A_9 = vector.extract_strided_slice %get3A_2 {offsets = [1, 0, 0], sizes = [1, 10000, 32], strides = [1, 1, 1]} : vector<2x10000x32xf32> to vector<1x10000x32xf32>
    %squeeze3A_10 = vector.shape_cast %slice3A_9 : vector<1x10000x32xf32> to vector<10000x32xf32>
    %slice3A_11 = vector.extract_strided_slice %get3A_6 {offsets = [1, 0, 0], sizes = [1, 10000, 32], strides = [1, 1, 1]} : vector<2x10000x32xf32> to vector<1x10000x32xf32>
    %squeeze3A_12 = vector.shape_cast %slice3A_11 : vector<1x10000x32xf32> to vector<10000x32xf32>
    %add3A_13 = arith.addf %squeeze3A_10, %squeeze3A_12 : vector<10000x32xf32>
    %concatenate3A = tpu.concatenate %add3A, %add3A_13 in 1 : vector<10000x32xf32>, vector<10000x32xf32> -> vector<10000x64xf32>
    %get3A_14 = arith.constant 0 : index
    %get3A_15 = arith.constant 0 : index
    %get3A_16 = vector.load %arg2[%get3A_14, %get3A_15] : memref<10000x64xf32, #tpu.memory_space<vmem>>, vector<10000x64xf32>
    %mul3A = arith.mulf %concatenate3A, %get3A_16 : vector<10000x64xf32>
    %get3A_17 = arith.constant 0 : index
    %get3A_18 = arith.constant 0 : index
    %get3A_19 = vector.load %arg3[%get3A_17, %get3A_18] : memref<1x64xf32, #tpu.memory_space<vmem>>, vector<1x64xf32>
    %add3A_20 = vector.broadcast %get3A_19 : vector<1x64xf32> to vector<10000x64xf32>
    %add3A_21 = arith.addf %mul3A, %add3A_20 : vector<10000x64xf32>
    %get3A_22 = arith.constant 0 : index
    %get3A_23 = arith.constant 0 : index
    %get3A_24 = vector.load %arg4[%get3A_22, %get3A_23] : memref<10000x1xi32, #tpu.memory_space<vmem>>, vector<10000x1xi32>
    %iota3A = tpu.iota {dimensions = array<i32: 1>} : vector<1x16xi32>
    %eq3A = vector.broadcast %get3A_24 : vector<10000x1xi32> to vector<10000x16xi32>
    %eq3A_25 = vector.broadcast %iota3A : vector<1x16xi32> to vector<10000x16xi32>
    %eq3A_26 = arith.cmpi eq, %eq3A, %eq3A_25 : vector<10000x16xi32>
    %convert_element_type3A = arith.extui %eq3A_26 : vector<10000x16xi1> to vector<10000x16xi32>
    %convert_element_type3A_27 = arith.sitofp %convert_element_type3A : vector<10000x16xi32> to vector<10000x16xf32>
    %dot_general3A = arith.constant dense<0.000000e+00> : vector<16x64xf32>
    %dot_general3A_28 = tpu.matmul %convert_element_type3A_27, %add3A_21, %dot_general3A {dimension_numbers = #tpu.dot_dimension_numbers<[0], [0], [1], [1], [0, 1, 1, 1], [], []>, transpose_lhs_hint = false} : vector<10000x16xf32>, vector<10000x64xf32>, vector<16x64xf32> -> vector<16x64xf32>
    %broadcast_in_dim3A = arith.constant 1.000000e+00 : f32
    %broadcast_in_dim3A_29 = vector.broadcast %broadcast_in_dim3A : f32 to vector<10000x1xf32>
    %dot_general3A_30 = arith.constant dense<0.000000e+00> : vector<16x1xf32>
    %dot_general3A_31 = tpu.matmul %convert_element_type3A_27, %broadcast_in_dim3A_29, %dot_general3A_30 {dimension_numbers = #tpu.dot_dimension_numbers<[0], [0], [1], [1], [0, 1, 1, 1], [], []>, transpose_lhs_hint = false} : vector<10000x16xf32>, vector<10000x1xf32>, vector<16x1xf32> -> vector<16x1xf32>
    %eq3A_32 = arith.constant 0 : i32
    %eq3A_33 = vector.broadcast %eq3A_32 : i32 to vector<10000x1xi32>
    %eq3A_34 = arith.cmpi eq, %get3A_24, %eq3A_33 : vector<10000x1xi32>
    %jit3A = arith.constant 0xFF800000 : f32
    %broadcast_in_dim3A_35 = vector.shape_cast %eq3A_34 : vector<10000x1xi1> to vector<10000x1xi1>
    %broadcast_in_dim3A_36 = vector.broadcast %broadcast_in_dim3A_35 : vector<10000x1xi1> to vector<10000x64xi1>
    %broadcast_in_dim3A_37 = vector.broadcast %jit3A : f32 to vector<10000x64xf32>
    %select_n3A = arith.select %broadcast_in_dim3A_36, %add3A_21, %broadcast_in_dim3A_37 : vector<10000x64xi1>, vector<10000x64xf32>
    %reduce_max3A = arith.constant dense<0xFF800000> : vector<64xf32>
    %reduce_max3A_38 = vector.multi_reduction <maximumf>, %select_n3A, %reduce_max3A [0] : vector<10000x64xf32> to vector<64xf32>
    %broadcast_in_dim3A_39 = vector.shape_cast %reduce_max3A_38 : vector<64xf32> to vector<1x64xf32>
    %eq3A_40 = arith.constant 1 : i32
    %eq3A_41 = vector.broadcast %eq3A_40 : i32 to vector<10000x1xi32>
    %eq3A_42 = arith.cmpi eq, %get3A_24, %eq3A_41 : vector<10000x1xi32>
    %jit3A_43 = arith.constant 0xFF800000 : f32
    %broadcast_in_dim3A_44 = vector.shape_cast %eq3A_42 : vector<10000x1xi1> to vector<10000x1xi1>
    %broadcast_in_dim3A_45 = vector.broadcast %broadcast_in_dim3A_44 : vector<10000x1xi1> to vector<10000x64xi1>
    %broadcast_in_dim3A_46 = vector.broadcast %jit3A_43 : f32 to vector<10000x64xf32>
    %select_n3A_47 = arith.select %broadcast_in_dim3A_45, %add3A_21, %broadcast_in_dim3A_46 : vector<10000x64xi1>, vector<10000x64xf32>
    %reduce_max3A_48 = arith.constant dense<0xFF800000> : vector<64xf32>
    %reduce_max3A_49 = vector.multi_reduction <maximumf>, %select_n3A_47, %reduce_max3A_48 [0] : vector<10000x64xf32> to vector<64xf32>
    %broadcast_in_dim3A_50 = vector.shape_cast %reduce_max3A_49 : vector<64xf32> to vector<1x64xf32>
    %eq3A_51 = arith.constant 2 : i32
    %eq3A_52 = vector.broadcast %eq3A_51 : i32 to vector<10000x1xi32>
    %eq3A_53 = arith.cmpi eq, %get3A_24, %eq3A_52 : vector<10000x1xi32>
    %jit3A_54 = arith.constant 0xFF800000 : f32
    %broadcast_in_dim3A_55 = vector.shape_cast %eq3A_53 : vector<10000x1xi1> to vector<10000x1xi1>
    %broadcast_in_dim3A_56 = vector.broadcast %broadcast_in_dim3A_55 : vector<10000x1xi1> to vector<10000x64xi1>
    %broadcast_in_dim3A_57 = vector.broadcast %jit3A_54 : f32 to vector<10000x64xf32>
    %select_n3A_58 = arith.select %broadcast_in_dim3A_56, %add3A_21, %broadcast_in_dim3A_57 : vector<10000x64xi1>, vector<10000x64xf32>
    %reduce_max3A_59 = arith.constant dense<0xFF800000> : vector<64xf32>
    %reduce_max3A_60 = vector.multi_reduction <maximumf>, %select_n3A_58, %reduce_max3A_59 [0] : vector<10000x64xf32> to vector<64xf32>
    %broadcast_in_dim3A_61 = vector.shape_cast %reduce_max3A_60 : vector<64xf32> to vector<1x64xf32>
    %eq3A_62 = arith.constant 3 : i32
    %eq3A_63 = vector.broadcast %eq3A_62 : i32 to vector<10000x1xi32>
    %eq3A_64 = arith.cmpi eq, %get3A_24, %eq3A_63 : vector<10000x1xi32>
    %jit3A_65 = arith.constant 0xFF800000 : f32
    %broadcast_in_dim3A_66 = vector.shape_cast %eq3A_64 : vector<10000x1xi1> to vector<10000x1xi1>
    %broadcast_in_dim3A_67 = vector.broadcast %broadcast_in_dim3A_66 : vector<10000x1xi1> to vector<10000x64xi1>
    %broadcast_in_dim3A_68 = vector.broadcast %jit3A_65 : f32 to vector<10000x64xf32>
    %select_n3A_69 = arith.select %broadcast_in_dim3A_67, %add3A_21, %broadcast_in_dim3A_68 : vector<10000x64xi1>, vector<10000x64xf32>
    %reduce_max3A_70 = arith.constant dense<0xFF800000> : vector<64xf32>
    %reduce_max3A_71 = vector.multi_reduction <maximumf>, %select_n3A_69, %reduce_max3A_70 [0] : vector<10000x64xf32> to vector<64xf32>
    %broadcast_in_dim3A_72 = vector.shape_cast %reduce_max3A_71 : vector<64xf32> to vector<1x64xf32>
    %eq3A_73 = arith.constant 4 : i32
    %eq3A_74 = vector.broadcast %eq3A_73 : i32 to vector<10000x1xi32>
    %eq3A_75 = arith.cmpi eq, %get3A_24, %eq3A_74 : vector<10000x1xi32>
    %jit3A_76 = arith.constant 0xFF800000 : f32
    %broadcast_in_dim3A_77 = vector.shape_cast %eq3A_75 : vector<10000x1xi1> to vector<10000x1xi1>
    %broadcast_in_dim3A_78 = vector.broadcast %broadcast_in_dim3A_77 : vector<10000x1xi1> to vector<10000x64xi1>
    %broadcast_in_dim3A_79 = vector.broadcast %jit3A_76 : f32 to vector<10000x64xf32>
    %select_n3A_80 = arith.select %broadcast_in_dim3A_78, %add3A_21, %broadcast_in_dim3A_79 : vector<10000x64xi1>, vector<10000x64xf32>
    %reduce_max3A_81 = arith.constant dense<0xFF800000> : vector<64xf32>
    %reduce_max3A_82 = vector.multi_reduction <maximumf>, %select_n3A_80, %reduce_max3A_81 [0] : vector<10000x64xf32> to vector<64xf32>
    %broadcast_in_dim3A_83 = vector.shape_cast %reduce_max3A_82 : vector<64xf32> to vector<1x64xf32>
    %eq3A_84 = arith.constant 5 : i32
    %eq3A_85 = vector.broadcast %eq3A_84 : i32 to vector<10000x1xi32>
    %eq3A_86 = arith.cmpi eq, %get3A_24, %eq3A_85 : vector<10000x1xi32>
    %jit3A_87 = arith.constant 0xFF800000 : f32
    %broadcast_in_dim3A_88 = vector.shape_cast %eq3A_86 : vector<10000x1xi1> to vector<10000x1xi1>
    %broadcast_in_dim3A_89 = vector.broadcast %broadcast_in_dim3A_88 : vector<10000x1xi1> to vector<10000x64xi1>
    %broadcast_in_dim3A_90 = vector.broadcast %jit3A_87 : f32 to vector<10000x64xf32>
    %select_n3A_91 = arith.select %broadcast_in_dim3A_89, %add3A_21, %broadcast_in_dim3A_90 : vector<10000x64xi1>, vector<10000x64xf32>
    %reduce_max3A_92 = arith.constant dense<0xFF800000> : vector<64xf32>
    %reduce_max3A_93 = vector.multi_reduction <maximumf>, %select_n3A_91, %reduce_max3A_92 [0] : vector<10000x64xf32> to vector<64xf32>
    %broadcast_in_dim3A_94 = vector.shape_cast %reduce_max3A_93 : vector<64xf32> to vector<1x64xf32>
    %eq3A_95 = arith.constant 6 : i32
    %eq3A_96 = vector.broadcast %eq3A_95 : i32 to vector<10000x1xi32>
    %eq3A_97 = arith.cmpi eq, %get3A_24, %eq3A_96 : vector<10000x1xi32>
    %jit3A_98 = arith.constant 0xFF800000 : f32
    %broadcast_in_dim3A_99 = vector.shape_cast %eq3A_97 : vector<10000x1xi1> to vector<10000x1xi1>
    %broadcast_in_dim3A_100 = vector.broadcast %broadcast_in_dim3A_99 : vector<10000x1xi1> to vector<10000x64xi1>
    %broadcast_in_dim3A_101 = vector.broadcast %jit3A_98 : f32 to vector<10000x64xf32>
    %select_n3A_102 = arith.select %broadcast_in_dim3A_100, %add3A_21, %broadcast_in_dim3A_101 : vector<10000x64xi1>, vector<10000x64xf32>
    %reduce_max3A_103 = arith.constant dense<0xFF800000> : vector<64xf32>
    %reduce_max3A_104 = vector.multi_reduction <maximumf>, %select_n3A_102, %reduce_max3A_103 [0] : vector<10000x64xf32> to vector<64xf32>
    %broadcast_in_dim3A_105 = vector.shape_cast %reduce_max3A_104 : vector<64xf32> to vector<1x64xf32>
    %eq3A_106 = arith.constant 7 : i32
    %eq3A_107 = vector.broadcast %eq3A_106 : i32 to vector<10000x1xi32>
    %eq3A_108 = arith.cmpi eq, %get3A_24, %eq3A_107 : vector<10000x1xi32>
    %jit3A_109 = arith.constant 0xFF800000 : f32
    %broadcast_in_dim3A_110 = vector.shape_cast %eq3A_108 : vector<10000x1xi1> to vector<10000x1xi1>
    %broadcast_in_dim3A_111 = vector.broadcast %broadcast_in_dim3A_110 : vector<10000x1xi1> to vector<10000x64xi1>
    %broadcast_in_dim3A_112 = vector.broadcast %jit3A_109 : f32 to vector<10000x64xf32>
    %select_n3A_113 = arith.select %broadcast_in_dim3A_111, %add3A_21, %broadcast_in_dim3A_112 : vector<10000x64xi1>, vector<10000x64xf32>
    %reduce_max3A_114 = arith.constant dense<0xFF800000> : vector<64xf32>
    %reduce_max3A_115 = vector.multi_reduction <maximumf>, %select_n3A_113, %reduce_max3A_114 [0] : vector<10000x64xf32> to vector<64xf32>
    %broadcast_in_dim3A_116 = vector.shape_cast %reduce_max3A_115 : vector<64xf32> to vector<1x64xf32>
    %eq3A_117 = arith.constant 8 : i32
    %eq3A_118 = vector.broadcast %eq3A_117 : i32 to vector<10000x1xi32>
    %eq3A_119 = arith.cmpi eq, %get3A_24, %eq3A_118 : vector<10000x1xi32>
    %jit3A_120 = arith.constant 0xFF800000 : f32
    %broadcast_in_dim3A_121 = vector.shape_cast %eq3A_119 : vector<10000x1xi1> to vector<10000x1xi1>
    %broadcast_in_dim3A_122 = vector.broadcast %broadcast_in_dim3A_121 : vector<10000x1xi1> to vector<10000x64xi1>
    %broadcast_in_dim3A_123 = vector.broadcast %jit3A_120 : f32 to vector<10000x64xf32>
    %select_n3A_124 = arith.select %broadcast_in_dim3A_122, %add3A_21, %broadcast_in_dim3A_123 : vector<10000x64xi1>, vector<10000x64xf32>
    %reduce_max3A_125 = arith.constant dense<0xFF800000> : vector<64xf32>
    %reduce_max3A_126 = vector.multi_reduction <maximumf>, %select_n3A_124, %reduce_max3A_125 [0] : vector<10000x64xf32> to vector<64xf32>
    %broadcast_in_dim3A_127 = vector.shape_cast %reduce_max3A_126 : vector<64xf32> to vector<1x64xf32>
    %eq3A_128 = arith.constant 9 : i32
    %eq3A_129 = vector.broadcast %eq3A_128 : i32 to vector<10000x1xi32>
    %eq3A_130 = arith.cmpi eq, %get3A_24, %eq3A_129 : vector<10000x1xi32>
    %jit3A_131 = arith.constant 0xFF800000 : f32
    %broadcast_in_dim3A_132 = vector.shape_cast %eq3A_130 : vector<10000x1xi1> to vector<10000x1xi1>
    %broadcast_in_dim3A_133 = vector.broadcast %broadcast_in_dim3A_132 : vector<10000x1xi1> to vector<10000x64xi1>
    %broadcast_in_dim3A_134 = vector.broadcast %jit3A_131 : f32 to vector<10000x64xf32>
    %select_n3A_135 = arith.select %broadcast_in_dim3A_133, %add3A_21, %broadcast_in_dim3A_134 : vector<10000x64xi1>, vector<10000x64xf32>
    %reduce_max3A_136 = arith.constant dense<0xFF800000> : vector<64xf32>
    %reduce_max3A_137 = vector.multi_reduction <maximumf>, %select_n3A_135, %reduce_max3A_136 [0] : vector<10000x64xf32> to vector<64xf32>
    %broadcast_in_dim3A_138 = vector.shape_cast %reduce_max3A_137 : vector<64xf32> to vector<1x64xf32>
    %eq3A_139 = arith.constant 10 : i32
    %eq3A_140 = vector.broadcast %eq3A_139 : i32 to vector<10000x1xi32>
    %eq3A_141 = arith.cmpi eq, %get3A_24, %eq3A_140 : vector<10000x1xi32>
    %jit3A_142 = arith.constant 0xFF800000 : f32
    %broadcast_in_dim3A_143 = vector.shape_cast %eq3A_141 : vector<10000x1xi1> to vector<10000x1xi1>
    %broadcast_in_dim3A_144 = vector.broadcast %broadcast_in_dim3A_143 : vector<10000x1xi1> to vector<10000x64xi1>
    %broadcast_in_dim3A_145 = vector.broadcast %jit3A_142 : f32 to vector<10000x64xf32>
    %select_n3A_146 = arith.select %broadcast_in_dim3A_144, %add3A_21, %broadcast_in_dim3A_145 : vector<10000x64xi1>, vector<10000x64xf32>
    %reduce_max3A_147 = arith.constant dense<0xFF800000> : vector<64xf32>
    %reduce_max3A_148 = vector.multi_reduction <maximumf>, %select_n3A_146, %reduce_max3A_147 [0] : vector<10000x64xf32> to vector<64xf32>
    %broadcast_in_dim3A_149 = vector.shape_cast %reduce_max3A_148 : vector<64xf32> to vector<1x64xf32>
    %eq3A_150 = arith.constant 11 : i32
    %eq3A_151 = vector.broadcast %eq3A_150 : i32 to vector<10000x1xi32>
    %eq3A_152 = arith.cmpi eq, %get3A_24, %eq3A_151 : vector<10000x1xi32>
    %jit3A_153 = arith.constant 0xFF800000 : f32
    %broadcast_in_dim3A_154 = vector.shape_cast %eq3A_152 : vector<10000x1xi1> to vector<10000x1xi1>
    %broadcast_in_dim3A_155 = vector.broadcast %broadcast_in_dim3A_154 : vector<10000x1xi1> to vector<10000x64xi1>
    %broadcast_in_dim3A_156 = vector.broadcast %jit3A_153 : f32 to vector<10000x64xf32>
    %select_n3A_157 = arith.select %broadcast_in_dim3A_155, %add3A_21, %broadcast_in_dim3A_156 : vector<10000x64xi1>, vector<10000x64xf32>
    %reduce_max3A_158 = arith.constant dense<0xFF800000> : vector<64xf32>
    %reduce_max3A_159 = vector.multi_reduction <maximumf>, %select_n3A_157, %reduce_max3A_158 [0] : vector<10000x64xf32> to vector<64xf32>
    %broadcast_in_dim3A_160 = vector.shape_cast %reduce_max3A_159 : vector<64xf32> to vector<1x64xf32>
    %eq3A_161 = arith.constant 12 : i32
    %eq3A_162 = vector.broadcast %eq3A_161 : i32 to vector<10000x1xi32>
    %eq3A_163 = arith.cmpi eq, %get3A_24, %eq3A_162 : vector<10000x1xi32>
    %jit3A_164 = arith.constant 0xFF800000 : f32
    %broadcast_in_dim3A_165 = vector.shape_cast %eq3A_163 : vector<10000x1xi1> to vector<10000x1xi1>
    %broadcast_in_dim3A_166 = vector.broadcast %broadcast_in_dim3A_165 : vector<10000x1xi1> to vector<10000x64xi1>
    %broadcast_in_dim3A_167 = vector.broadcast %jit3A_164 : f32 to vector<10000x64xf32>
    %select_n3A_168 = arith.select %broadcast_in_dim3A_166, %add3A_21, %broadcast_in_dim3A_167 : vector<10000x64xi1>, vector<10000x64xf32>
    %reduce_max3A_169 = arith.constant dense<0xFF800000> : vector<64xf32>
    %reduce_max3A_170 = vector.multi_reduction <maximumf>, %select_n3A_168, %reduce_max3A_169 [0] : vector<10000x64xf32> to vector<64xf32>
    %broadcast_in_dim3A_171 = vector.shape_cast %reduce_max3A_170 : vector<64xf32> to vector<1x64xf32>
    %eq3A_172 = arith.constant 13 : i32
    %eq3A_173 = vector.broadcast %eq3A_172 : i32 to vector<10000x1xi32>
    %eq3A_174 = arith.cmpi eq, %get3A_24, %eq3A_173 : vector<10000x1xi32>
    %jit3A_175 = arith.constant 0xFF800000 : f32
    %broadcast_in_dim3A_176 = vector.shape_cast %eq3A_174 : vector<10000x1xi1> to vector<10000x1xi1>
    %broadcast_in_dim3A_177 = vector.broadcast %broadcast_in_dim3A_176 : vector<10000x1xi1> to vector<10000x64xi1>
    %broadcast_in_dim3A_178 = vector.broadcast %jit3A_175 : f32 to vector<10000x64xf32>
    %select_n3A_179 = arith.select %broadcast_in_dim3A_177, %add3A_21, %broadcast_in_dim3A_178 : vector<10000x64xi1>, vector<10000x64xf32>
    %reduce_max3A_180 = arith.constant dense<0xFF800000> : vector<64xf32>
    %reduce_max3A_181 = vector.multi_reduction <maximumf>, %select_n3A_179, %reduce_max3A_180 [0] : vector<10000x64xf32> to vector<64xf32>
    %broadcast_in_dim3A_182 = vector.shape_cast %reduce_max3A_181 : vector<64xf32> to vector<1x64xf32>
    %eq3A_183 = arith.constant 14 : i32
    %eq3A_184 = vector.broadcast %eq3A_183 : i32 to vector<10000x1xi32>
    %eq3A_185 = arith.cmpi eq, %get3A_24, %eq3A_184 : vector<10000x1xi32>
    %jit3A_186 = arith.constant 0xFF800000 : f32
    %broadcast_in_dim3A_187 = vector.shape_cast %eq3A_185 : vector<10000x1xi1> to vector<10000x1xi1>
    %broadcast_in_dim3A_188 = vector.broadcast %broadcast_in_dim3A_187 : vector<10000x1xi1> to vector<10000x64xi1>
    %broadcast_in_dim3A_189 = vector.broadcast %jit3A_186 : f32 to vector<10000x64xf32>
    %select_n3A_190 = arith.select %broadcast_in_dim3A_188, %add3A_21, %broadcast_in_dim3A_189 : vector<10000x64xi1>, vector<10000x64xf32>
    %reduce_max3A_191 = arith.constant dense<0xFF800000> : vector<64xf32>
    %reduce_max3A_192 = vector.multi_reduction <maximumf>, %select_n3A_190, %reduce_max3A_191 [0] : vector<10000x64xf32> to vector<64xf32>
    %broadcast_in_dim3A_193 = vector.shape_cast %reduce_max3A_192 : vector<64xf32> to vector<1x64xf32>
    %eq3A_194 = arith.constant 15 : i32
    %eq3A_195 = vector.broadcast %eq3A_194 : i32 to vector<10000x1xi32>
    %eq3A_196 = arith.cmpi eq, %get3A_24, %eq3A_195 : vector<10000x1xi32>
    %jit3A_197 = arith.constant 0xFF800000 : f32
    %broadcast_in_dim3A_198 = vector.shape_cast %eq3A_196 : vector<10000x1xi1> to vector<10000x1xi1>
    %broadcast_in_dim3A_199 = vector.broadcast %broadcast_in_dim3A_198 : vector<10000x1xi1> to vector<10000x64xi1>
    %broadcast_in_dim3A_200 = vector.broadcast %jit3A_197 : f32 to vector<10000x64xf32>
    %select_n3A_201 = arith.select %broadcast_in_dim3A_199, %add3A_21, %broadcast_in_dim3A_200 : vector<10000x64xi1>, vector<10000x64xf32>
    %reduce_max3A_202 = arith.constant dense<0xFF800000> : vector<64xf32>
    %reduce_max3A_203 = vector.multi_reduction <maximumf>, %select_n3A_201, %reduce_max3A_202 [0] : vector<10000x64xf32> to vector<64xf32>
    %broadcast_in_dim3A_204 = vector.shape_cast %reduce_max3A_203 : vector<64xf32> to vector<1x64xf32>
    %concatenate3A_205 = tpu.concatenate %broadcast_in_dim3A_39, %broadcast_in_dim3A_50, %broadcast_in_dim3A_61, %broadcast_in_dim3A_72, %broadcast_in_dim3A_83, %broadcast_in_dim3A_94, %broadcast_in_dim3A_105, %broadcast_in_dim3A_116, %broadcast_in_dim3A_127, %broadcast_in_dim3A_138, %broadcast_in_dim3A_149, %broadcast_in_dim3A_160, %broadcast_in_dim3A_171, %broadcast_in_dim3A_182, %broadcast_in_dim3A_193, %broadcast_in_dim3A_204 in 0 : vector<1x64xf32>, vector<1x64xf32>, vector<1x64xf32>, vector<1x64xf32>, vector<1x64xf32>, vector<1x64xf32>, vector<1x64xf32>, vector<1x64xf32>, vector<1x64xf32>, vector<1x64xf32>, vector<1x64xf32>, vector<1x64xf32>, vector<1x64xf32>, vector<1x64xf32>, vector<1x64xf32>, vector<1x64xf32> -> vector<16x64xf32>
    %max3A = arith.constant 1.000000e+00 : f32
    %max3A_206 = vector.broadcast %max3A : f32 to vector<16x1xf32>
    %max3A_207 = arith.maximumf %dot_general3A_31, %max3A_206 : vector<16x1xf32>
    %div3A = vector.broadcast %max3A_207 : vector<16x1xf32> to vector<16x64xf32>
    %div3A_208 = arith.divf %dot_general3A_28, %div3A : vector<16x64xf32>
    %concatenate3A_209 = tpu.concatenate %div3A_208, %concatenate3A_205 in 1 : vector<16x64xf32>, vector<16x64xf32> -> vector<16x128xf32>
    %get3A_210 = arith.constant 0 : index
    %get3A_211 = arith.constant 0 : index
    %get3A_212 = vector.load %arg5[%get3A_210, %get3A_211] : memref<128x64xf32, #tpu.memory_space<vmem>>, vector<128x64xf32>
    %dot_general3A_213 = arith.constant dense<0.000000e+00> : vector<16x64xf32>
    %dot_general3A_214 = tpu.matmul %concatenate3A_209, %get3A_212, %dot_general3A_213 {dimension_numbers = #tpu.dot_dimension_numbers<[1], [0], [0], [1], [0, 0, 1, 1], [], []>, transpose_lhs_hint = false} : vector<16x128xf32>, vector<128x64xf32>, vector<16x64xf32> -> vector<16x64xf32>
    %get3A_215 = arith.constant 0 : index
    %get3A_216 = arith.constant 0 : index
    %get3A_217 = vector.load %arg6[%get3A_215, %get3A_216] : memref<1x64xf32, #tpu.memory_space<vmem>>, vector<1x64xf32>
    %add3A_218 = vector.broadcast %get3A_217 : vector<1x64xf32> to vector<16x64xf32>
    %add3A_219 = arith.addf %dot_general3A_214, %add3A_218 : vector<16x64xf32>
    %max3A_220 = arith.constant 0.000000e+00 : f32
    %max3A_221 = vector.broadcast %max3A_220 : f32 to vector<16x64xf32>
    %max3A_222 = arith.maximumf %add3A_219, %max3A_221 : vector<16x64xf32>
    %get3A_223 = arith.constant 0 : index
    %get3A_224 = arith.constant 0 : index
    %get3A_225 = vector.load %arg7[%get3A_223, %get3A_224] : memref<64x2xf32, #tpu.memory_space<vmem>>, vector<64x2xf32>
    %dot_general3A_226 = arith.constant dense<0.000000e+00> : vector<16x2xf32>
    %dot_general3A_227 = tpu.matmul %max3A_222, %get3A_225, %dot_general3A_226 {dimension_numbers = #tpu.dot_dimension_numbers<[1], [0], [0], [1], [0, 0, 1, 1], [], []>, transpose_lhs_hint = false} : vector<16x64xf32>, vector<64x2xf32>, vector<16x2xf32> -> vector<16x2xf32>
    %get3A_228 = arith.constant 0 : index
    %get3A_229 = arith.constant 0 : index
    %get3A_230 = vector.load %arg8[%get3A_228, %get3A_229] : memref<1x2xf32, #tpu.memory_space<vmem>>, vector<1x2xf32>
    %add3A_231 = vector.broadcast %get3A_230 : vector<1x2xf32> to vector<16x2xf32>
    %add3A_232 = arith.addf %dot_general3A_227, %add3A_231 : vector<16x2xf32>
    %swap3A = arith.constant 0 : index
    %swap3A_233 = arith.constant 0 : index
    %swap3A_234 = vector.load %arg9[%swap3A, %swap3A_233] : memref<16x2xf32, #tpu.memory_space<vmem>>, vector<16x2xf32>
    tpu.vector_store %arg9[%swap3A, %swap3A_233], %add3A_232 {strides = array<i32>} : memref<16x2xf32, #tpu.memory_space<vmem>>, vector<16x2xf32>,
    return
  }
}

</mosaic_0001>

<sc_bundles>
// kernel: kernel.10.cloned.1.call-start
scs
__scs_entry_jumppad:
0x0: {  	(pc) =	sbr.rel $0x88, $3  }
0x1: {  	(tag) =	ssettag $0x0;
	lr =	simm.s32 $0x1  }
0x2: {  	[smem:$0x3F94] =	sst lr;
	_ =	strace $0xD0000000  }
0x3: {  	_ = 	snop  }
0x4: {  	_ = 	snop  }
0x5: {  	_ = 	snop  }
0x6: {  	_ = 	snop  }
0x7: {  	_ = 	snop  }
__scs_overlays_trampoline_lowered:
0x8: {  	[smem:$0x3FA3] =	sst s0  }
0x9: {  	[smem:$0x3FA4] =	sst s1  }
0xa: {  	[smem:$0x3FA5] =	sst s2  }
0xb: {  	[smem:$0x3FA6] =	sst s3  }
0xc: {  	[smem:$0x3FA7] =	sst s4  }
0xd: {  	[smem:$0x3FA8] =	sst s5  }
0xe: {  	[smem:$0x3FA9] =	sst s6  }
0xf: {  	[smem:$0x3FAA] =	sst s7  }
0x10: {  	[smem:$0x3FAB] =	sst s8  }
0x11: {  	[smem:$0x3FAC] =	sst s9;
	s0 =	simm.s32 @!p0 $0x0  }
0x12: {  	s1 =	sld [smem:$0x3F92];
	s0 =	simm.s32 @p0 $0x1  }
0x13: {  	[smem:$0x3FAD] =	sst s0;
	s0 =	simm.s32 @!p1 $0x0  }
0x14: {  	s2 =	sld [smem:$0x3F91];
	s0 =	simm.s32 @p1 $0x1  }
0x15: {  	[smem:$0x3FAE] =	sst s0;
	s0 =	simm.s32 @!p2 $0x0  }
0x16: {  	s3 =	sld [smem:$0x3FDB];
	s0 =	simm.s32 @p2 $0x1  }
0x17: {  	s4 =	simm.s32 $0x1BF5;
	[smem:$0x3FB0] =	sst s0  }
0x18: {  	s0 =	sld [smem:$0x3F93];
	_ =	swait.ge [sflag:s4], $0x0  }
0x19: {  	s7 =	sld [smem:$0x3F94]  }
0x1a: {  	s8 =	sadd.s32 $0xFFFFE003, lr  }
0x1b: {  	s9 =	sadd.s32 $0xFFFFFEF7, lr;
	s5 =	simm.s32 $0xFFFFFFFF;
	p2 =	slt.u32 s8, $0xFFFFF086  }
0x1c: {  	p1 =	slt.u32 s9, $0xF7A;
	s5 =	simm.s32 @!p2 $0x0  }
0x1d: {  	s5 =	simm.s32 @p1 $0x1;
	p0 =	seq.s32 s7, s2  }
0x1e: {  	s7 =	smul.u32 @!p0 $0xF7A, s2;
	p2 =	seq.s32 @!p0 s5, $0x0  }
0x1f: {  	s9 =	smul.u32 $0xF7A, s1;
	s8 =	simm.s32 @!p0 $0x1BF5;
	p2 =	por !p2, p0  }
0x20: {  	[sflag:s8] =	ssyncset.s32 @!p0 $0xFFFFF086;
	s6 =	sadd.s32 @!p0 s3, s7;
	s7 =	simm.s32 @!p0 $0x108  }
0x21: {  	s3 =	sadd.s32 s3, s9;
	s6 =	sadd.s32 @!p0 $0x88, s6;
	s7 =	simm.s32 @p2 $0x1082  }
0x22: {  	[simem:s7], [sflag:s8] =	dma.local @!p0 [hbm:s6], $0xF7A  }
0x23: {  	s9 =	sor.u32 $0xD0000000, s2;
	s6 =	simm.s32 $0x108;
	_ =	swait.ge @!p0 [sflag:s8], $0x0  }
0x24: {  	s3 =	sadd.s32 $0x88, s3;
	s6 =	simm.s32 @!p1 $0x1082;
	[sflag:s4] =	ssyncset.s32 $0xFFFFF086  }
0x25: {  	[simem:s6], [sflag:s4] =	dma.local [hbm:s3], $0xF7A  }
0x26: {  	[smem:$0x3F94] =	sst s1;
	(tag) =	ssettag s2;
	_ =	strace s9  }
0x27: {  	s1 =	sld [smem:$0x3FA4]  }
0x28: {  	s2 =	sld [smem:$0x3FA5]  }
0x29: {  	s4 =	sld [smem:$0x3FA7]  }
0x2a: {  	p0 =	seq.s32 s5, $0x0;
	s5 =	sld [smem:$0x3FA8]  }
0x2b: {  	s6 =	sld [smem:$0x3FA9]  }
0x2c: {  	s7 =	sld [smem:$0x3FAA]  }
0x2d: {  	s3 =	simm.s32 $0x108;
	s8 =	sld [smem:$0x3FAB]  }
0x2e: {  	s3 =	simm.s32 @!p0 $0x1082;
	s9 =	sld [smem:$0x3FAC]  }
0x2f: {  	lr =	sadd.s32 s0, s3;
	s0 =	sld [smem:$0x3FA3]  }
0x30: {  	s3 =	sld [smem:$0x3FA6]  }
0x31: {  	[smem:$0x3FAF] =	sst s10  }
0x32: {  	s10 =	sld [smem:$0x3FAD];
	_ =	sdelay $0x3  }
0x33: {  	p0 =	seq.s32 s10, $0x1;
	s10 =	sld [smem:$0x3FAF];
	_ =	sdelay $0x3  }
0x34: {  	[smem:$0x3FAF] =	sst s10  }
0x35: {  	s10 =	sld [smem:$0x3FAE];
	_ =	sdelay $0x3  }
0x36: {  	p1 =	seq.s32 s10, $0x1;
	s10 =	sld [smem:$0x3FAF];
	_ =	sdelay $0x3  }
0x37: {  	[smem:$0x3FAF] =	sst s10  }
0x38: {  	s10 =	sld [smem:$0x3FB0]  }
0x39: {  	_ = 	snop;
	(pc) =	sbr.ind lr, $3  }
0x3a: {  	_ = 	snop  }
0x3b: {  	_ = 	snop  }
0x3c: {  	p2 =	seq.s32 s10, $0x1;
	s10 =	sld [smem:$0x3FAF]  }
0x3d: {  	_ =	shalt  }
0x3e: {  	_ =	shalt  }
0x3f: {  	_ =	shalt  }
0x40: {  	_ =	shalt  }
0x41: {  	_ =	shalt  }
0x42: {  	_ =	shalt  }
0x43: {  	_ =	shalt  }
0x44: {  	_ =	shalt  }
0x45: {  	_ =	shalt  }
0x46: {  	_ =	shalt  }
0x47: {  	_ =	shalt  }
0x48: {  	_ =	shalt  }
0x49: {  	_ =	shalt  }
0x4a: {  	_ =	shalt  }
0x4b: {  	_ =	shalt  }
0x4c: {  	_ =	shalt  }
0x4d: {  	_ =	shalt  }
0x4e: {  	_ =	shalt  }
0x4f: {  	_ =	shalt  }
0x50: {  	_ =	shalt  }
0x51: {  	_ =	shalt  }
0x52: {  	_ =	shalt  }
0x53: {  	_ =	shalt  }
0x54: {  	_ =	shalt  }
0x55: {  	_ =	shalt  }
0x56: {  	_ =	shalt  }
0x57: {  	_ =	shalt  }
0x58: {  	_ =	shalt  }
0x59: {  	_ =	shalt  }
0x5a: {  	_ =	shalt  }
0x5b: {  	_ =	shalt  }
0x5c: {  	_ =	shalt  }
0x5d: {  	_ =	shalt  }
0x5e: {  	_ =	shalt  }
0x5f: {  	_ =	shalt  }
0x60: {  	_ =	shalt  }
0x61: {  	_ =	shalt  }
0x62: {  	_ =	shalt  }
0x63: {  	_ =	shalt  }
0x64: {  	_ =	shalt  }
0x65: {  	_ =	shalt  }
0x66: {  	_ =	shalt  }
0x67: {  	_ =	shalt  }
0x68: {  	_ =	shalt  }
0x69: {  	_ =	shalt  }
0x6a: {  	_ =	shalt  }
0x6b: {  	_ =	shalt  }
0x6c: {  	_ =	shalt  }
0x6d: {  	_ =	shalt  }
0x6e: {  	_ =	shalt  }
0x6f: {  	_ =	shalt  }
0x70: {  	_ =	shalt  }
0x71: {  	_ =	shalt  }
0x72: {  	_ =	shalt  }
0x73: {  	_ =	shalt  }
0x74: {  	_ =	shalt  }
0x75: {  	_ =	shalt  }
0x76: {  	_ =	shalt  }
0x77: {  	_ =	shalt  }
0x78: {  	_ =	shalt  }
0x79: {  	_ =	shalt  }
0x7a: {  	_ =	shalt  }
0x7b: {  	_ =	shalt  }
0x7c: {  	_ =	shalt  }
0x7d: {  	_ =	shalt  }
0x7e: {  	_ =	shalt  }
0x7f: {  	_ =	shalt  }
0x80: {  	_ =	shalt  }
0x81: {  	_ =	shalt  }
0x82: {  	_ =	shalt  }
0x83: {  	_ =	shalt  }
0x84: {  	_ =	shalt  }
0x85: {  	_ =	shalt  }
0x86: {  	_ =	shalt  }
0x87: {  	_ =	shalt  }
.Lfunc_end0:
.L_simem_size_0:
called_computation_lowered:
.L_overlay_start_0:
0x88: {  	s2 =	sld [smem:$0x3FD9]  }
0x89: {  	s3 =	sld [smem:$0x3FFE];
	_ =	sdelay $0x1  }
0x8a: {  	s1 =	srdreg.scid  }
0x8b: {  	s0 =	sand.u32 $0x1, s1  }
0x8c: {  	s16 =	sshll.u32 s0, $0xA;
	s2 =	sadd.s32 s3, s2  }
0x8d: {  	s2 =	sadd.s32 s2, s16  }
0x8e: {  	[smem:$0x3FBB] =	sst s2  }
0x8f: {  	_ = 	snop  }
0x90: {  	(tm) =	ssettm $0x1  }
0x91: {  	s17 =	sld [smem:$0x3FFB];
	_ =	sdelay $0x3  }
0x92: {  	_ =	strace s17  }
0x93: {  	s2 =	sld [smem:$0x3FFC];
	_ =	sdelay $0x3  }
0x94: {  	_ =	strace s2  }
0x95: {  	s2 =	sld [smem:$0x3FFD];
	_ =	sdelay $0x3  }
0x96: {  	_ =	strace s2  }
0x97: {  	_ =	strace $0x8FFFFFFF  }
0x98: {  	s18 =	sld [smem:$0x3FDB];
	_ =	sdelay $0x1  }
0x99: {  	s19 =	simm.s32 $_scs_section_size  }
0x9a: {  	s4 =	simm.s32 $_size__tile_overlayer_lowered;
	s5 =	simm.s32 $_tile_overlayer_lowered  }
0x9b: {  	s22 =	simm.s32 $0x1BFF;
	s21 =	sshll.u32 s5, $0x1;
	s2 =	sadd.s32 s19, s18  }
0x9c: {  	s6 =	simm.s32 $0x0;
	s20 =	sshll.u32 s4, $0x1;
	s4 =	sadd.s32 s21, s2  }
0x9d: {  	[timem:s6], [sflag:s22] =	dma.local [hbm:s4], s20  }
0x9e: {  	_ =	swait.ge [sflag:s22], s20  }
0x9f: {  	s3 =	ssub.s32 $0x0, s20;
	[sflag:s22] =	ssyncset.done $0x0  }
0xa0: {  	[sflag:s22] =	ssyncadd.s32 s3;
	_ =	sdelay $0x1  }
0xa1: {  	s23 =	simm.s32 $0x1B8B  }
0xa2: {  	_ =	swait.ge [sflag:s23], $0x1  }
0xa3: {  	[sflag:s23] =	ssyncset.done $0x0  }
0xa4: {  	s25 =	simm.s32 $0x1B8E;
	s24 =	sld [smem:$0x3FFE];
	[sflag:s23] =	ssyncadd.s32 $0xFFFFFFFF  }
0xa5: {  	s26 =	simm.s32 $execute0_lowered;
	[smem:$0x3FD2] =	sst s25  }
0xa6: {  	s4 =	sshll.u32 s26, $0x1;
	_ =	strace $0x80000046;
	[dreg:$0x1] =	wrdreg $0xFFFFFFFF  }
0xa7: {  	s28 =	simm.s32 $_size_execute0_lowered;
	s2 =	sadd.s32 s2, s4;
	[dreg:$0x0] =	wrdreg $0x0  }
0xa8: {  	s4 =	sshll.u32 s28, $0x1;
	[dreg:$0x2] =	wrdreg s2  }
0xa9: {  	[dreg:$0x3] =	wrdreg s4  }
0xaa: {  	[dreg:$0x4] =	wrdreg $0xC0  }
0xab: {  	_ =	task [dreg:s6], $0x5FFFF  }
0xac: {  	[dreg:$0x1] =	wrdreg $0xFFFFFFFF  }
0xad: {  	[dreg:$0x0] =	wrdreg $0x60  }
0xae: {  	[dreg:$0x2] =	wrdreg s24  }
0xaf: {  	[dreg:$0x3] =	wrdreg $0x30000  }
0xb0: {  	[dreg:$0x4] =	wrdreg $0x9  }
0xb1: {  	_ =	task.clear_ibuf [dreg:s6], $0x5FFFF;
	_ =	strace $0x90000046  }
0xb2: {  	s29 =	simm.s32 $0x9;
	_ =	strace $0x80000048  }
0xb3: {  	_ =	swait.ge [sflag:s29], $0x1  }
0xb4: {  	[sflag:s29] =	ssyncadd.s32 $0xFFFFFFFF  }
0xb5: {  	_ =	strace $0x90000048  }
0xb6: {  	_ =	sfence  }
0xb7: {  	s30 =	sld [smem:$0x0];
	_ =	sdelay $0x2  }
0xb8: {  	s31 =	sshll.u32 s1, $0xD;
	s1 =	sshrl.u32 s1, $0x2  }
0xb9: {  	s3 =	sand.u32 $0x4000, s31;
	s1 =	sadd.s32 s1, s30  }
0xba: {  	s0 =	sor.u32 s3, s0;
	s1 =	sshll.u32 s1, $0x11  }
0xbb: {  	s0 =	sor.u32 s1, s0  }
0xbc: {  	s0 =	sadd.s32 $0x8F2B, s0  }
0xbd: {  	[sflag:s0] =	ssyncadd.remote.s32 $0x1  }
0xbe: {  	_ =	sfence.sel $0xFFFF  }
0xbf: {  	[dreg:$0x0] =	wrdreg $0xFFFFFFFF;
	(pc) =	sbr.abs _section_cstart, $3  }
0xc0: {  	[dreg:$0x1] =	wrdreg $0xFFFFFFFF  }
0xc1: {  	_ =	task.clear_ibuf [dreg:s6], $0x2FFFF;
	_ =	strace $0x9FFFFFFF  }
0xc2: {  	(tm) =	ssettm $0x7FFFFFFF  }
0xc3: {  	_ =	shalt  }
tec
execute0_lowered:
.L_overlay_start_1:
0x0: {  	(tag) =	ssettag $0x1  }
0x1: {  	s6 =	rddreg [dreg:$0x0]  }
0x2: {  	s1 =	srdreg.scid;
	s0 =	stileid.u32  }
0x3: {  	s2 =	rddreg [dreg:$0x1];
	s3 =	simm.s32 $0x0;
	s15 =	simm.s32 $0x1  }
0x4: {  	s18 =	simm.s32 $0x0;
	s7 =	sand.u32 $0x1, s1;
	s1 =	rddreg [dreg:$0x2]  }
0x5: {  	s4 =	sshll.u32 s0, $0x1;
	[smem:$0x7FF] =	sst s3;
	s9 =	smul.u32 $0xA000, s0  }
0x6: {  	s5 =	sadd.s32 $0xCA00, s6;
	s12 =	sadd.s32 $0xD200, s6;
	s13 =	smul.u32 $0x2700, s0  }
0x7: {  	s28 =	sshll.u32 s0, $0x6;
	s17 =	sadd.s32 $0x27000, s2;
	p0 =	sne.s32 s0, $0xF  }
0x8: {  	s4 =	sor.u32 s7, s4;
	_ =	strace $0x80000047;
	s11 =	smul.u32 $0x27100, s7  }
0x9: {  	s10 =	ssub.s32 $0x2, s7;
	s17 =	sshrl.u32 @!p0 s17, $0x3;
	s4 =	smul.u32 $0x500, s4  }
0xa: {  	s25 =	sshrl.u32 s10, $0x1;
	s26 =	sshrl.u32 s9, $0x2;
	s16 =	sadd.s32 s13, s2  }
0xb: {  	s10 =	ssub.s32 s10, s25;
	s14 =	sadd.s32 s26, s2;
	s29 =	sadd.s32 s13, s11  }
0xc: {  	s31 =	sshrl.u32 s11, $0x3;
	s13 =	simm.s32 $0x2800;
	s16 =	sshrl.u32 s16, $0x3  }
0xd: {  	s8 =	sadd.s32 s4, s6;
	s4 =	sadd.s32 $0xD000, s6;
	s6 =	sor.u32 $0x1C02, s28  }
0xe: {  	s30 =	sshrl.u32 s29, $0x3;
	s9 =	sadd.s32 s12, s31;
	s10 =	smax.u32 s10, $0x1  }
0xf: {  	s11 =	sshrl.u32 s14, $0x3;
	s14 =	simm.s32 $0x80;
	s7 =	sadd.s32 $0x2A00, s8  }
0x10: {  	s8 =	sadd.s32 s12, s30;
	s9 =	sadd.s32 $0x4E00, s9;
	s12 =	simm.s32 $0x2  }
.LBB2_1:
0x11: {  	[spmem:s11], [sflag:s6] =	dma.local [hbm:s5], $0x500  }
0x12: {  	_ =	swait.ge [sflag:s12], $0x500  }
0x13: {  	[sflag:s12] =	ssyncset.done $0x0  }
0x14: {  	[sflag:s12] =	ssyncadd.s32 $0xFFFFFB00  }
0x15: {  	[tilespmem:s13], [sflag:$0x2] =	stream.linear.gather [hbm4b:s4+s3], $0x800, $0x38;
	[tilespmem:$0x5800] =	vst v63  }
0x16: {  	_ =	swait.ge [sflag:s12], $0x800  }
0x17: {  	[sflag:s12] =	ssyncset.done $0x0  }
0x18: {  	[sflag:s12] =	ssyncadd.s32 $0xFFFFF800  }
0x19: {  	[tilespmem:s3], [sflag:$0x2] =	stream.linear.gather [hbm4b:s7+s3], $0x2800, $0x38;
	[tilespmem:$0x5800] =	vst v63  }
0x1a: {  	_ =	swait.ge [sflag:s12], $0x2800  }
0x1b: {  	[sflag:s12] =	ssyncset.done $0x0  }
0x1c: {  	[sflag:s12] =	ssyncadd.s32 $0xFFFFD800  }
0x1d: {  	s19 =	simm.s32 $0x0;
	[bflag:$0x0] =	sbarrier.arrive $0xFFFF  }
0x1e: {  	[spmem:s2] =	stream.indirect.scatter.add.f32 [tilespmem:s13], [sflag:$0x1], $0x10, s19, s14, $0xb8;
	[tilespmem:$0x5800] =	vst v63  }
0x1f: {  	s29 =	simm.s32 $0x80  }
0x20: {  	[spmem:s2] =	stream.indirect.scatter.add.f32 [tilespmem:s13], [sflag:$0x1], $0x10, s29, s14, $0xb8;
	[tilespmem:$0x5800] =	vst v63  }
0x21: {  	s30 =	simm.s32 $0x100  }
0x22: {  	[spmem:s2] =	stream.indirect.scatter.add.f32 [tilespmem:s13], [sflag:$0x1], $0x10, s30, s14, $0xb8;
	[tilespmem:$0x5800] =	vst v63  }
0x23: {  	s31 =	simm.s32 $0x180  }
0x24: {  	[spmem:s2] =	stream.indirect.scatter.add.f32 [tilespmem:s13], [sflag:$0x1], $0x10, s31, s14, $0xb8;
	[tilespmem:$0x5800] =	vst v63  }
0x25: {  	_ =	swait.ge [sflag:s15], $0x800  }
0x26: {  	[sflag:s15] =	ssyncset.done $0x0  }
0x27: {  	[sflag:s15] =	ssyncadd.s32 $0xFFFFF800  }
0x28: {  	_ =	swait.ge [sflag:s15], $0x800  }
0x29: {  	[sflag:s15] =	ssyncset.done $0x0  }
0x2a: {  	[sflag:s15] =	ssyncadd.s32 $0xFFFFF800  }
0x2b: {  	_ =	swait.ge [sflag:s15], $0x800  }
0x2c: {  	[sflag:s15] =	ssyncset.done $0x0  }
0x2d: {  	[sflag:s15] =	ssyncadd.s32 $0xFFFFF800  }
0x2e: {  	_ =	swait.ge [sflag:s15], $0x800  }
0x2f: {  	s20 =	simm.s32 $0x1000;
	s19 =	simm.s32 $0x800;
	[sflag:s15] =	ssyncset.done $0x0  }
.LBB2_2:
0x30: {  	s21 =	sshra.s32 s19, $0x2  }
0x31: {  	[sflag:s15] =	ssyncadd.s32 $0xFFFFF800;
	s19 =	smov.u32 s20;
	s22 =	sadd.s32 $0x800, s20  }
0x32: {  	[spmem:s2] =	stream.indirect.scatter.add.f32 [tilespmem:s13], [sflag:$0x1], $0x10, s21, s14, $0xb8;
	[tilespmem:$0x5800] =	vst v63  }
0x33: {  	p1 =	sne.s32 s20, $0x9800;
	s20 =	sadd.s32 $0x80, s21  }
0x34: {  	[spmem:s2] =	stream.indirect.scatter.add.f32 [tilespmem:s13], [sflag:$0x1], $0x10, s20, s14, $0xb8;
	[tilespmem:$0x5800] =	vst v63  }
0x35: {  	s20 =	sadd.s32 $0x100, s21  }
0x36: {  	[spmem:s2] =	stream.indirect.scatter.add.f32 [tilespmem:s13], [sflag:$0x1], $0x10, s20, s14, $0xb8;
	[tilespmem:$0x5800] =	vst v63  }
0x37: {  	s20 =	sadd.s32 $0x180, s21  }
0x38: {  	[spmem:s2] =	stream.indirect.scatter.add.f32 [tilespmem:s13], [sflag:$0x1], $0x10, s20, s14, $0xb8;
	[tilespmem:$0x5800] =	vst v63  }
0x39: {  	_ =	swait.ge [sflag:s15], $0x800  }
0x3a: {  	[sflag:s15] =	ssyncset.done $0x0  }
0x3b: {  	[sflag:s15] =	ssyncadd.s32 $0xFFFFF800  }
0x3c: {  	_ =	swait.ge [sflag:s15], $0x800  }
0x3d: {  	[sflag:s15] =	ssyncset.done $0x0  }
0x3e: {  	[sflag:s15] =	ssyncadd.s32 $0xFFFFF800  }
.Ltmp0:
0x3f: {  	_ =	swait.ge [sflag:s15], $0x800;
	(pc) =	sbr.rel @p1 .LBB2_2-.Ltmp0, $4  }
0x40: {  	[sflag:s15] =	ssyncset.done $0x0  }
0x41: {  	[sflag:s15] =	ssyncadd.s32 $0xFFFFF800  }
0x42: {  	_ =	swait.ge [sflag:s15], $0x800  }
0x43: {  	s20 =	smov.u32 s22;
	[sflag:s15] =	ssyncset.done $0x0  }
0x44: {  	s19 =	sshra.s32 s19, $0x2;
	[sflag:s15] =	ssyncadd.s32 $0xFFFFF800  }
0x45: {  	[spmem:s2] =	stream.indirect.scatter.add.f32 [tilespmem:s13], [sflag:$0x1], $0x10, s19, s14, $0xb8;
	[tilespmem:$0x5800] =	vst v63  }
0x46: {  	s20 =	sadd.s32 $0x80, s19  }
0x47: {  	[spmem:s2] =	stream.indirect.scatter.add.f32 [tilespmem:s13], [sflag:$0x1], $0x10, s20, s14, $0xb8;
	[tilespmem:$0x5800] =	vst v63  }
0x48: {  	s31 =	sadd.s32 $0x100, s19  }
0x49: {  	[spmem:s2] =	stream.indirect.scatter.add.f32 [tilespmem:s13], [sflag:$0x1], $0x10, s31, s14, $0xb8;
	[tilespmem:$0x5800] =	vst v63  }
0x4a: {  	s19 =	sadd.s32 $0x180, s19  }
0x4b: {  	[spmem:s2] =	stream.indirect.scatter.add.f32 [tilespmem:s13], [sflag:$0x1], $0x10, s19, s14, $0xb8;
	[tilespmem:$0x5800] =	vst v63  }
0x4c: {  	_ =	swait.ge [sflag:s15], $0x800  }
0x4d: {  	[sflag:s15] =	ssyncset.done $0x0  }
0x4e: {  	[sflag:s15] =	ssyncadd.s32 $0xFFFFF800  }
0x4f: {  	_ =	swait.ge [sflag:s15], $0x800  }
0x50: {  	[sflag:s15] =	ssyncset.done $0x0  }
0x51: {  	[sflag:s15] =	ssyncadd.s32 $0xFFFFF800  }
0x52: {  	_ =	swait.ge [sflag:s15], $0x800  }
0x53: {  	[sflag:s15] =	ssyncset.done $0x0  }
0x54: {  	[sflag:s15] =	ssyncadd.s32 $0xFFFFF800  }
0x55: {  	_ =	swait.ge [sflag:s15], $0x800  }
0x56: {  	[sflag:s15] =	ssyncset.done $0x0  }
0x57: {  	[sflag:s15] =	ssyncadd.s32 $0xFFFFF800  }
0x58: {  	[bflag:$0x0] =	sbarrier.arrive $0xFFFF  }
0x59: {  	[hbm:s8], [sflag:s6] =	dma.local [spmem:s16], $0x4E0  }
0x5a: {  	s18 =	sadd.s32 $0x1, s18;
	_ =	swait.ge [sflag:s12], $0x4E0  }
0x5b: {  	p1 =	sne.s32 s18, s10;
	[sflag:s12] =	ssyncset.done $0x0  }
.Ltmp1:
0x5c: {  	s19 =	simm.s32 @!p0 $0x2;
	[sflag:s12] =	ssyncadd.s32 $0xFFFFFB20;
	(pc) =	sbr.rel @p1 .LBB2_1-.Ltmp1, $4  }
0x5d: {  	[hbm:s9], [sflag:s6] =	dma.local @!p0 [spmem:s17], $0x20  }
0x5e: {  	_ =	swait.ge @!p0 [sflag:s19], $0x20  }
0x5f: {  	[sflag:s19] =	ssyncset.done @!p0 $0x0  }
0x60: {  	[sflag:s19] =	ssyncadd.s32 @!p0 $0xFFFFFFE0  }
0x61: {  	_ =	sfence.sel $0x180000  }
0x62: {  	[bflag:$0x0] =	sbarrier.arrive $0xFFFF  }
0x63: {  	p0 =	sne.s32 s0, $0x0;
	_ =	strace $0x90000047  }
0x64: {  	s0 =	sadd.s32 @!p0 $0x100000, s1;
	[bflag:$0x2] =	sbarrier.arrive $0xFFFF  }
0x65: {  	[sflag:s0] =	ssyncadd.tile.s32 @!p0 $0x1;
	_ =	shalt  }
.Lfunc_end2:
_tile_overlayer_lowered:
.L_overlay_start_2:
0x66: {  	(tag) =	ssettag $0x2  }
0x67: {  	s0 =	rddreg [dreg:$0x0];
	s2 =	stileid.u32  }
0x68: {  	s1 =	rddreg [dreg:$0x1];
	p0 =	sne.s32 s2, $0x0  }
0x69: {  	s3 =	rddreg [dreg:$0x2];
	[bflag:$0x3] =	sbarrier.arrive $0xFFFF;
	s2 =	simm.s32 @!p0 $0x1C02  }
0x6a: {  	[timem:s3], [sflag:s2] =	dma.local @!p0 [hbm:s0], s1  }
0x6b: {  	s0 =	simm.s32 @!p0 $0x2  }
0x6c: {  	_ =	swait.ge @!p0 [sflag:s0], s1  }
0x6d: {  	s1 =	ssub.s32 @!p0 $0x0, s1;
	[sflag:s0] =	ssyncset.done @!p0 $0x0  }
0x6e: {  	[sflag:s0] =	ssyncadd.s32 @!p0 s1  }
0x6f: {  	[bflag:$0x3] =	sbarrier.arrive $0xFFFF  }
0x70: {  	_ =	shalt  }

// kernel: kernel.13.cloned.1.call-start
scs
__scs_entry_jumppad:
0x0: {  	(pc) =	sbr.rel $0x88, $3  }
0x1: {  	(tag) =	ssettag $0x0;
	lr =	simm.s32 $0x1  }
0x2: {  	[smem:$0x3F94] =	sst lr;
	_ =	strace $0xD0000000  }
0x3: {  	_ = 	snop  }
0x4: {  	_ = 	snop  }
0x5: {  	_ = 	snop  }
0x6: {  	_ = 	snop  }
0x7: {  	_ = 	snop  }
__scs_overlays_trampoline_lowered:
0x8: {  	[smem:$0x3FA3] =	sst s0  }
0x9: {  	[smem:$0x3FA4] =	sst s1  }
0xa: {  	[smem:$0x3FA5] =	sst s2  }
0xb: {  	[smem:$0x3FA6] =	sst s3  }
0xc: {  	[smem:$0x3FA7] =	sst s4  }
0xd: {  	[smem:$0x3FA8] =	sst s5  }
0xe: {  	[smem:$0x3FA9] =	sst s6  }
0xf: {  	[smem:$0x3FAA] =	sst s7  }
0x10: {  	[smem:$0x3FAB] =	sst s8  }
0x11: {  	[smem:$0x3FAC] =	sst s9;
	s0 =	simm.s32 @!p0 $0x0  }
0x12: {  	s1 =	sld [smem:$0x3F92];
	s0 =	simm.s32 @p0 $0x1  }
0x13: {  	[smem:$0x3FAD] =	sst s0;
	s0 =	simm.s32 @!p1 $0x0  }
0x14: {  	s2 =	sld [smem:$0x3F91];
	s0 =	simm.s32 @p1 $0x1  }
0x15: {  	[smem:$0x3FAE] =	sst s0;
	s0 =	simm.s32 @!p2 $0x0  }
0x16: {  	s3 =	sld [smem:$0x3FDB];
	s0 =	simm.s32 @p2 $0x1  }
0x17: {  	s4 =	simm.s32 $0x1BF5;
	[smem:$0x3FB0] =	sst s0  }
0x18: {  	s0 =	sld [smem:$0x3F93];
	_ =	swait.ge [sflag:s4], $0x0  }
0x19: {  	s7 =	sld [smem:$0x3F94]  }
0x1a: {  	s8 =	sadd.s32 $0xFFFFE003, lr  }
0x1b: {  	s9 =	sadd.s32 $0xFFFFFEF7, lr;
	s5 =	simm.s32 $0xFFFFFFFF;
	p2 =	slt.u32 s8, $0xFFFFF086  }
0x1c: {  	p1 =	slt.u32 s9, $0xF7A;
	s5 =	simm.s32 @!p2 $0x0  }
0x1d: {  	s5 =	simm.s32 @p1 $0x1;
	p0 =	seq.s32 s7, s2  }
0x1e: {  	s7 =	smul.u32 @!p0 $0xF7A, s2;
	p2 =	seq.s32 @!p0 s5, $0x0  }
0x1f: {  	s9 =	smul.u32 $0xF7A, s1;
	s8 =	simm.s32 @!p0 $0x1BF5;
	p2 =	por !p2, p0  }
0x20: {  	[sflag:s8] =	ssyncset.s32 @!p0 $0xFFFFF086;
	s6 =	sadd.s32 @!p0 s3, s7;
	s7 =	simm.s32 @!p0 $0x108  }
0x21: {  	s3 =	sadd.s32 s3, s9;
	s6 =	sadd.s32 @!p0 $0x88, s6;
	s7 =	simm.s32 @p2 $0x1082  }
0x22: {  	[simem:s7], [sflag:s8] =	dma.local @!p0 [hbm:s6], $0xF7A  }
0x23: {  	s9 =	sor.u32 $0xD0000000, s2;
	s6 =	simm.s32 $0x108;
	_ =	swait.ge @!p0 [sflag:s8], $0x0  }
0x24: {  	s3 =	sadd.s32 $0x88, s3;
	s6 =	simm.s32 @!p1 $0x1082;
	[sflag:s4] =	ssyncset.s32 $0xFFFFF086  }
0x25: {  	[simem:s6], [sflag:s4] =	dma.local [hbm:s3], $0xF7A  }
0x26: {  	[smem:$0x3F94] =	sst s1;
	(tag) =	ssettag s2;
	_ =	strace s9  }
0x27: {  	s1 =	sld [smem:$0x3FA4]  }
0x28: {  	s2 =	sld [smem:$0x3FA5]  }
0x29: {  	s4 =	sld [smem:$0x3FA7]  }
0x2a: {  	p0 =	seq.s32 s5, $0x0;
	s5 =	sld [smem:$0x3FA8]  }
0x2b: {  	s6 =	sld [smem:$0x3FA9]  }
0x2c: {  	s7 =	sld [smem:$0x3FAA]  }
0x2d: {  	s3 =	simm.s32 $0x108;
	s8 =	sld [smem:$0x3FAB]  }
0x2e: {  	s3 =	simm.s32 @!p0 $0x1082;
	s9 =	sld [smem:$0x3FAC]  }
0x2f: {  	lr =	sadd.s32 s0, s3;
	s0 =	sld [smem:$0x3FA3]  }
0x30: {  	s3 =	sld [smem:$0x3FA6]  }
0x31: {  	[smem:$0x3FAF] =	sst s10  }
0x32: {  	s10 =	sld [smem:$0x3FAD];
	_ =	sdelay $0x3  }
0x33: {  	p0 =	seq.s32 s10, $0x1;
	s10 =	sld [smem:$0x3FAF];
	_ =	sdelay $0x3  }
0x34: {  	[smem:$0x3FAF] =	sst s10  }
0x35: {  	s10 =	sld [smem:$0x3FAE];
	_ =	sdelay $0x3  }
0x36: {  	p1 =	seq.s32 s10, $0x1;
	s10 =	sld [smem:$0x3FAF];
	_ =	sdelay $0x3  }
0x37: {  	[smem:$0x3FAF] =	sst s10  }
0x38: {  	s10 =	sld [smem:$0x3FB0]  }
0x39: {  	_ = 	snop;
	(pc) =	sbr.ind lr, $3  }
0x3a: {  	_ = 	snop  }
0x3b: {  	_ = 	snop  }
0x3c: {  	p2 =	seq.s32 s10, $0x1;
	s10 =	sld [smem:$0x3FAF]  }
0x3d: {  	_ =	shalt  }
0x3e: {  	_ =	shalt  }
0x3f: {  	_ =	shalt  }
0x40: {  	_ =	shalt  }
0x41: {  	_ =	shalt  }
0x42: {  	_ =	shalt  }
0x43: {  	_ =	shalt  }
0x44: {  	_ =	shalt  }
0x45: {  	_ =	shalt  }
0x46: {  	_ =	shalt  }
0x47: {  	_ =	shalt  }
0x48: {  	_ =	shalt  }
0x49: {  	_ =	shalt  }
0x4a: {  	_ =	shalt  }
0x4b: {  	_ =	shalt  }
0x4c: {  	_ =	shalt  }
0x4d: {  	_ =	shalt  }
0x4e: {  	_ =	shalt  }
0x4f: {  	_ =	shalt  }
0x50: {  	_ =	shalt  }
0x51: {  	_ =	shalt  }
0x52: {  	_ =	shalt  }
0x53: {  	_ =	shalt  }
0x54: {  	_ =	shalt  }
0x55: {  	_ =	shalt  }
0x56: {  	_ =	shalt  }
0x57: {  	_ =	shalt  }
0x58: {  	_ =	shalt  }
0x59: {  	_ =	shalt  }
0x5a: {  	_ =	shalt  }
0x5b: {  	_ =	shalt  }
0x5c: {  	_ =	shalt  }
0x5d: {  	_ =	shalt  }
0x5e: {  	_ =	shalt  }
0x5f: {  	_ =	shalt  }
0x60: {  	_ =	shalt  }
0x61: {  	_ =	shalt  }
0x62: {  	_ =	shalt  }
0x63: {  	_ =	shalt  }
0x64: {  	_ =	shalt  }
0x65: {  	_ =	shalt  }
0x66: {  	_ =	shalt  }
0x67: {  	_ =	shalt  }
0x68: {  	_ =	shalt  }
0x69: {  	_ =	shalt  }
0x6a: {  	_ =	shalt  }
0x6b: {  	_ =	shalt  }
0x6c: {  	_ =	shalt  }
0x6d: {  	_ =	shalt  }
0x6e: {  	_ =	shalt  }
0x6f: {  	_ =	shalt  }
0x70: {  	_ =	shalt  }
0x71: {  	_ =	shalt  }
0x72: {  	_ =	shalt  }
0x73: {  	_ =	shalt  }
0x74: {  	_ =	shalt  }
0x75: {  	_ =	shalt  }
0x76: {  	_ =	shalt  }
0x77: {  	_ =	shalt  }
0x78: {  	_ =	shalt  }
0x79: {  	_ =	shalt  }
0x7a: {  	_ =	shalt  }
0x7b: {  	_ =	shalt  }
0x7c: {  	_ =	shalt  }
0x7d: {  	_ =	shalt  }
0x7e: {  	_ =	shalt  }
0x7f: {  	_ =	shalt  }
0x80: {  	_ =	shalt  }
0x81: {  	_ =	shalt  }
0x82: {  	_ =	shalt  }
0x83: {  	_ =	shalt  }
0x84: {  	_ =	shalt  }
0x85: {  	_ =	shalt  }
0x86: {  	_ =	shalt  }
0x87: {  	_ =	shalt  }
.Lfunc_end0:
.L_simem_size_0:
called_computation.1_lowered:
.L_overlay_start_0:
0x88: {  	s2 =	sld [smem:$0x3FD9]  }
0x89: {  	s3 =	sld [smem:$0x3FFE];
	_ =	sdelay $0x1  }
0x8a: {  	s1 =	srdreg.scid  }
0x8b: {  	s0 =	sand.u32 $0x1, s1  }
0x8c: {  	s16 =	sshll.u32 s0, $0xA;
	s2 =	sadd.s32 s3, s2  }
0x8d: {  	s2 =	sadd.s32 s2, s16  }
0x8e: {  	[smem:$0x3FBB] =	sst s2  }
0x8f: {  	_ = 	snop  }
0x90: {  	(tm) =	ssettm $0x1  }
0x91: {  	s17 =	sld [smem:$0x3FFB];
	_ =	sdelay $0x3  }
0x92: {  	_ =	strace s17  }
0x93: {  	s2 =	sld [smem:$0x3FFC];
	_ =	sdelay $0x3  }
0x94: {  	_ =	strace s2  }
0x95: {  	s2 =	sld [smem:$0x3FFD];
	_ =	sdelay $0x3  }
0x96: {  	_ =	strace s2  }
0x97: {  	_ =	strace $0x8FFFFFFF  }
0x98: {  	s18 =	sld [smem:$0x3FDB];
	_ =	sdelay $0x1  }
0x99: {  	s19 =	simm.s32 $_scs_section_size  }
0x9a: {  	s4 =	simm.s32 $_size__tile_overlayer_lowered;
	s5 =	simm.s32 $_tile_overlayer_lowered  }
0x9b: {  	s22 =	simm.s32 $0x1BFF;
	s21 =	sshll.u32 s5, $0x1;
	s2 =	sadd.s32 s19, s18  }
0x9c: {  	s6 =	simm.s32 $0x0;
	s20 =	sshll.u32 s4, $0x1;
	s4 =	sadd.s32 s21, s2  }
0x9d: {  	[timem:s6], [sflag:s22] =	dma.local [hbm:s4], s20  }
0x9e: {  	_ =	swait.ge [sflag:s22], s20  }
0x9f: {  	s3 =	ssub.s32 $0x0, s20;
	[sflag:s22] =	ssyncset.done $0x0  }
0xa0: {  	[sflag:s22] =	ssyncadd.s32 s3;
	_ =	sdelay $0x1  }
0xa1: {  	s23 =	simm.s32 $0x1B8B  }
0xa2: {  	_ =	swait.ge [sflag:s23], $0x1  }
0xa3: {  	[sflag:s23] =	ssyncset.done $0x0  }
0xa4: {  	s25 =	simm.s32 $0x1B8E;
	s24 =	sld [smem:$0x3FFE];
	[sflag:s23] =	ssyncadd.s32 $0xFFFFFFFF  }
0xa5: {  	s26 =	simm.s32 $execute0_lowered;
	[smem:$0x3FD2] =	sst s25  }
0xa6: {  	s4 =	sshll.u32 s26, $0x1;
	_ =	strace $0x80000049;
	[dreg:$0x1] =	wrdreg $0xFFFFFFFF  }
0xa7: {  	s28 =	simm.s32 $_size_execute0_lowered;
	s2 =	sadd.s32 s2, s4;
	[dreg:$0x0] =	wrdreg $0x0  }
0xa8: {  	s4 =	sshll.u32 s28, $0x1;
	[dreg:$0x2] =	wrdreg s2  }
0xa9: {  	[dreg:$0x3] =	wrdreg s4  }
0xaa: {  	[dreg:$0x4] =	wrdreg $0xC0  }
0xab: {  	_ =	task [dreg:s6], $0x5FFFF  }
0xac: {  	[dreg:$0x1] =	wrdreg $0xFFFFFFFF  }
0xad: {  	[dreg:$0x0] =	wrdreg $0x60  }
0xae: {  	[dreg:$0x2] =	wrdreg s24  }
0xaf: {  	[dreg:$0x3] =	wrdreg $0x120000  }
0xb0: {  	[dreg:$0x4] =	wrdreg $0x16F000  }
0xb1: {  	[dreg:$0x5] =	wrdreg $0x9  }
0xb2: {  	_ =	task.clear_ibuf [dreg:s6], $0x6FFFF;
	_ =	strace $0x90000049  }
0xb3: {  	s29 =	simm.s32 $0x9;
	_ =	strace $0x8000004B  }
0xb4: {  	_ =	swait.ge [sflag:s29], $0x1  }
0xb5: {  	[sflag:s29] =	ssyncadd.s32 $0xFFFFFFFF  }
0xb6: {  	_ =	strace $0x9000004B  }
0xb7: {  	_ =	sfence  }
0xb8: {  	s30 =	sld [smem:$0x0];
	_ =	sdelay $0x2  }
0xb9: {  	s31 =	sshll.u32 s1, $0xD;
	s1 =	sshrl.u32 s1, $0x2  }
0xba: {  	s3 =	sand.u32 $0x4000, s31;
	s1 =	sadd.s32 s1, s30  }
0xbb: {  	s0 =	sor.u32 s3, s0;
	s1 =	sshll.u32 s1, $0x11  }
0xbc: {  	s0 =	sor.u32 s1, s0  }
0xbd: {  	s0 =	sadd.s32 $0x8F2B, s0  }
0xbe: {  	[sflag:s0] =	ssyncadd.remote.s32 $0x1  }
0xbf: {  	_ =	sfence.sel $0xFFFF  }
0xc0: {  	[dreg:$0x0] =	wrdreg $0xFFFFFFFF;
	(pc) =	sbr.abs _section_cstart, $3  }
0xc1: {  	[dreg:$0x1] =	wrdreg $0xFFFFFFFF  }
0xc2: {  	_ =	task.clear_ibuf [dreg:s6], $0x2FFFF;
	_ =	strace $0x9FFFFFFF  }
0xc3: {  	(tm) =	ssettm $0x7FFFFFFF  }
tec
execute0_lowered:
.L_overlay_start_1:
0x0: {  	(tag) =	ssettag $0x1  }
0x1: {  	s0 =	rddreg [dreg:$0x0]  }
0x2: {  	s1 =	rddreg [dreg:$0x1]  }
0x3: {  	s3 =	rddreg [dreg:$0x2];
	s4 =	simm.s32 $0x0;
	s13 =	stileid.u32  }
0x4: {  	s5 =	srdreg.scid;
	s15 =	simm.s32 $0x9;
	s23 =	simm.s32 $0xC000  }
0x5: {  	s28 =	simm.s32 $0xD000;
	s29 =	simm.s32 $0xE000;
	s30 =	simm.s32 $0xF000  }
0x6: {  	s31 =	simm.s32 $0x1;
	[smem:$0x7FF] =	sst s4;
	s2 =	smul.u32 $0xA00, s13  }
0x7: {  	s5 =	sand.u32 $0x1, s5;
	s7 =	sadd.s32 $0x96400, s0;
	s9 =	smul.u32 $0x13C00, s13  }
0x8: {  	s8 =	sadd.s32 $0xCA00, s0;
	s10 =	smul.u32 $0x4E00, s13;
	s18 =	sshll.u32 s13, $0x6  }
0x9: {  	p0 =	sne.s32 s13, $0xF;
	_ =	strace $0x8000004A;
	s6 =	ssub.s32 $0x2, s5  }
0xa: {  	[dreg:$0x4] =	wrdreg s8;
	s5 =	smul.u32 $0x4E200, s5;
	s2 =	sadd.s32 s2, s0  }
0xb: {  	s16 =	sshrl.u32 s6, $0x1;
	s0 =	sadd.s32 $0xA9E00, s0;
	s17 =	sshrl.u32 s9, $0x2  }
0xc: {  	s21 =	sadd.s32 s10, s3;
	s22 =	sadd.s32 s10, s1;
	s9 =	simm.s32 $0x8  }
0xd: {  	s8 =	ssub.s32 s6, s16;
	s11 =	sadd.s32 s17, s1;
	s6 =	sor.u32 $0x1C09, s18  }
0xe: {  	s19 =	sadd.s32 $0x17000, s2;
	s2 =	sadd.s32 $0x2A00, s2;
	s20 =	sadd.s32 s10, s5  }
0xf: {  	s5 =	sshrl.u32 s5, $0x3;
	s26 =	sshrl.u32 s21, $0x3;
	[dreg:$0x5] =	wrdreg s19  }
0x10: {  	s21 =	simm.s32 $0xB000;
	s16 =	simm.s32 $0x2;
	[dreg:$0x6] =	wrdreg s2  }
0x11: {  	s10 =	simm.s32 $0x0;
	s24 =	smax.u32 s8, $0x1;
	[dreg:$0xd] =	wrdreg s26  }
0x12: {  	s2 =	sshrl.u32 s20, $0x3;
	s25 =	sshrl.u32 s11, $0x3;
	[dreg:$0xb] =	wrdreg s24  }
0x13: {  	s5 =	sadd.s32 $0x9C00, s5;
	s12 =	sadd.s32 s7, s2;
	[dreg:$0xc] =	wrdreg s25  }
0x14: {  	s19 =	simm.s32 $0x80;
	s7 =	sadd.s32 s7, s5;
	[dreg:$0x7] =	wrdreg s12  }
0x15: {  	s20 =	simm.s32 $0xA000;
	s2 =	sadd.s32 s0, s2;
	[dreg:$0x8] =	wrdreg s7  }
0x16: {  	s26 =	simm.s32 $0x3;
	s0 =	sadd.s32 s0, s5;
	[dreg:$0x9] =	wrdreg s2  }
0x17: {  	s8 =	simm.s32 $0x7;
	s12 =	sadd.s32 $0x4E000, s3;
	[dreg:$0xa] =	wrdreg s0  }
0x18: {  	s0 =	sadd.s32 $0x4E000, s1;
	s2 =	sshrl.u32 s22, $0x3;
	s22 =	simm.s32 $0x5  }
0x19: {  	s7 =	simm.s32 $0x4;
	s5 =	sshrl.u32 @!p0 s12, $0x3;
	[dreg:$0xf] =	wrdreg s2  }
0x1a: {  	s0 =	sshrl.u32 @!p0 s0, $0x3;
	s2 =	simm.s32 $0x11000;
	[dreg:$0xe] =	wrdreg s5  }
0x1b: {  	[dreg:$0x10] =	wrdreg s0;
	s0 =	simm.s32 $0x10000;
	s5 =	simm.s32 $0x6  }
.LBB2_1:
0x1c: {  	s11 =	rddreg [dreg:$0x4]  }
0x1d: {  	s12 =	rddreg [dreg:$0xc]  }
0x1e: {  	[spmem:s12], [sflag:s6] =	dma.local [hbm:s11], $0x9E0  }
0x1f: {  	_ =	swait.ge [sflag:s15], $0x9E0  }
0x20: {  	[sflag:s15] =	ssyncset.done $0x0  }
0x21: {  	s14 =	rddreg [dreg:$0x5];
	[sflag:s15] =	ssyncadd.s32 $0xFFFFF620  }
0x22: {  	[tilespmem:s4], [sflag:$0x9] =	stream.linear.gather [hbm4b:s14+s4], $0x5000, $0x38;
	[tilespmem:$0x1BD20] =	vst v63  }
0x23: {  	_ =	swait.ge [sflag:s15], $0x5000  }
0x24: {  	[sflag:s15] =	ssyncset.done $0x0  }
0x25: {  	s18 =	simm.s32 $0x5000;
	s17 =	rddreg [dreg:$0x6];
	[sflag:s15] =	ssyncadd.s32 $0xFFFFB000  }
0x26: {  	[tilespmem:s18], [sflag:$0x9] =	stream.linear.gather [hbm4b:s17+s4], $0x5000, $0x38;
	[tilespmem:$0x1BD20] =	vst v63  }
0x27: {  	_ =	swait.ge [sflag:s15], $0x5000  }
0x28: {  	[sflag:s15] =	ssyncset.done $0x0;
	s24 =	rddreg [dreg:$0x7]  }
0x29: {  	s25 =	rddreg [dreg:$0xd];
	[sflag:s15] =	ssyncadd.s32 $0xFFFFB000  }
0x2a: {  	[spmem:s25], [sflag:s6] =	dma.local [hbm:s24], $0x9C0  }
0x2b: {  	_ =	swait.ge [sflag:s15], $0x9C0  }
0x2c: {  	[sflag:s15] =	ssyncset.done $0x0;
	s11 =	rddreg [dreg:$0x8]  }
0x2d: {  	s12 =	rddreg [dreg:$0xe];
	[sflag:s15] =	ssyncadd.s32 $0xFFFFF640  }
0x2e: {  	[spmem:s12], [sflag:s6] =	dma.local @!p0 [hbm:s11], $0x40  }
0x2f: {  	s11 =	simm.s32 @!p0 $0x9  }
0x30: {  	_ =	swait.ge @!p0 [sflag:s11], $0x40  }
0x31: {  	[sflag:s11] =	ssyncset.done @!p0 $0x0  }
0x32: {  	[sflag:s11] =	ssyncadd.s32 @!p0 $0xFFFFFFC0  }
0x33: {  	[bflag:$0x0] =	sbarrier.arrive $0xFFFF  }
0x34: {  	[tilespmem:s20], [sflag:$0x1] =	stream.indirect.gather [spmem:s3], $0x20, s4, s19, $0xb8;
	[tilespmem:$0x1BD20] =	vst v63  }
0x35: {  	_ = 	snop  }
0x36: {  	[tilespmem:s21], [sflag:$0x1] =	stream.indirect.gather [spmem:s3], $0x20, s19, s19, $0xb8;
	[tilespmem:$0x1BD20] =	vst v63  }
0x37: {  	s13 =	simm.s32 $0x100;
	p1 =	por $0x1, $0x1  }
0x38: {  	[tilespmem:s23], [sflag:$0x2] =	stream.indirect.gather [spmem:s3], $0x20, s13, s19, $0xb8;
	[tilespmem:$0x1BD20] =	vst v63  }
0x39: {  	s14 =	simm.s32 $0x180;
	s11 =	simm.s32 @!p1 $0x7  }
0x3a: {  	[tilespmem:s28], [sflag:$0x2] =	stream.indirect.gather [spmem:s3], $0x20, s14, s19, $0xb8;
	[tilespmem:$0x1BD20] =	vst v63  }
0x3b: {  	_ =	swait.ge @!p1 [sflag:s11], $0x1000  }
0x3c: {  	[sflag:s11] =	ssyncset.done @!p1 $0x0  }
0x3d: {  	[sflag:s11] =	ssyncadd.s32 @!p1 $0xFFFFF000  }
0x3e: {  	_ =	swait.ge @!p1 [sflag:s11], $0x1000  }
0x3f: {  	[sflag:s11] =	ssyncset.done @!p1 $0x0  }
0x40: {  	s17 =	simm.s32 $0x200;
	[sflag:s11] =	ssyncadd.s32 @!p1 $0xFFFFF000  }
0x41: {  	[tilespmem:s29], [sflag:$0x3] =	stream.indirect.gather [spmem:s3], $0x20, s17, s19, $0xb8;
	[tilespmem:$0x1BD20] =	vst v63  }
0x42: {  	s18 =	simm.s32 $0x280  }
0x43: {  	[tilespmem:s30], [sflag:$0x3] =	stream.indirect.gather [spmem:s3], $0x20, s18, s19, $0xb8;
	[tilespmem:$0x1BD20] =	vst v63  }
0x44: {  	_ =	swait.ge [sflag:s31], $0x1000  }
0x45: {  	[sflag:s31] =	ssyncset.done $0x0  }
0x46: {  	[sflag:s31] =	ssyncadd.s32 $0xFFFFF000  }
0x47: {  	_ =	swait.ge [sflag:s31], $0x1000  }
0x48: {  	[sflag:s31] =	ssyncset.done $0x0  }
0x49: {  	s24 =	simm.s32 $0x5000;
	[sflag:s31] =	ssyncadd.s32 $0xFFFFF000  }
0x4a: {  	[spmem:s1] =	stream.indirect.scatter.add.f32 [tilespmem:s20], [sflag:$0x5], $0x20, s24, s19, $0xb8;
	[tilespmem:$0x1BD20] =	vst v63  }
0x4b: {  	s25 =	simm.s32 $0x5080;
	s12 =	simm.s32 @!p1 $0x8  }
0x4c: {  	[spmem:s1] =	stream.indirect.scatter.add.f32 [tilespmem:s21], [sflag:$0x5], $0x20, s25, s19, $0xb8;
	[tilespmem:$0x1BD20] =	vst v63  }
0x4d: {  	_ =	swait.ge @!p1 [sflag:s12], $0x1000  }
0x4e: {  	[sflag:s12] =	ssyncset.done @!p1 $0x0  }
0x4f: {  	[sflag:s12] =	ssyncadd.s32 @!p1 $0xFFFFF000  }
0x50: {  	_ =	swait.ge @!p1 [sflag:s12], $0x1000  }
0x51: {  	[sflag:s12] =	ssyncset.done @!p1 $0x0  }
0x52: {  	[sflag:s12] =	ssyncadd.s32 @!p1 $0xFFFFF000;
	s12 =	simm.s32 $0x300  }
0x53: {  	[tilespmem:s0], [sflag:$0x4] =	stream.indirect.gather [spmem:s3], $0x20, s12, s19, $0xb8;
	[tilespmem:$0x1BD20] =	vst v63  }
0x54: {  	s13 =	simm.s32 $0x380  }
0x55: {  	[tilespmem:s2], [sflag:$0x4] =	stream.indirect.gather [spmem:s3], $0x20, s13, s19, $0xb8;
	[tilespmem:$0x1BD20] =	vst v63  }
0x56: {  	_ =	swait.ge [sflag:s16], $0x1000  }
0x57: {  	[sflag:s16] =	ssyncset.done $0x0  }
0x58: {  	[sflag:s16] =	ssyncadd.s32 $0xFFFFF000  }
0x59: {  	_ =	swait.ge [sflag:s16], $0x1000  }
0x5a: {  	[sflag:s16] =	ssyncset.done $0x0  }
0x5b: {  	s14 =	simm.s32 $0x5100;
	[sflag:s16] =	ssyncadd.s32 $0xFFFFF000  }
0x5c: {  	[spmem:s1] =	stream.indirect.scatter.add.f32 [tilespmem:s23], [sflag:$0x6], $0x20, s14, s19, $0xb8;
	[tilespmem:$0x1BD20] =	vst v63  }
0x5d: {  	s17 =	simm.s32 $0x5180  }
0x5e: {  	[spmem:s1] =	stream.indirect.scatter.add.f32 [tilespmem:s28], [sflag:$0x6], $0x20, s17, s19, $0xb8;
	[tilespmem:$0x1BD20] =	vst v63  }
0x5f: {  	_ =	swait.ge [sflag:s22], $0x1000  }
0x60: {  	[sflag:s22] =	ssyncset.done $0x0  }
0x61: {  	[sflag:s22] =	ssyncadd.s32 $0xFFFFF000  }
0x62: {  	p1 =	por $0x0, $0x0;
	_ =	swait.ge [sflag:s22], $0x1000  }
0x63: {  	s11 =	simm.s32 @!p1 $0x80;
	[sflag:s22] =	ssyncset.done $0x0  }
0x64: {  	s12 =	simm.s32 @!p1 $0x400;
	s13 =	simm.s32 @!p1 $0xA000;
	[sflag:s22] =	ssyncadd.s32 $0xFFFFF000  }
0x65: {  	[tilespmem:s13], [sflag:$0x1] =	stream.indirect.gather @!p1 [spmem:s3], $0x20, s12, s11, $0xb8;
	[tilespmem:$0x1BD20] =	vst v63  }
0x66: {  	s12 =	simm.s32 @!p1 $0x480;
	s13 =	simm.s32 @!p1 $0xB000  }
0x67: {  	[tilespmem:s13], [sflag:$0x1] =	stream.indirect.gather @!p1 [spmem:s3], $0x20, s12, s11, $0xb8;
	[tilespmem:$0x1BD20] =	vst v63  }
0x68: {  	_ =	swait.ge [sflag:s26], $0x1000  }
0x69: {  	[sflag:s26] =	ssyncset.done $0x0  }
0x6a: {  	[sflag:s26] =	ssyncadd.s32 $0xFFFFF000  }
0x6b: {  	_ =	swait.ge [sflag:s26], $0x1000  }
0x6c: {  	[sflag:s26] =	ssyncset.done $0x0  }
0x6d: {  	s18 =	simm.s32 $0x5200;
	[sflag:s26] =	ssyncadd.s32 $0xFFFFF000  }
0x6e: {  	[spmem:s1] =	stream.indirect.scatter.add.f32 [tilespmem:s29], [sflag:$0x7], $0x20, s18, s19, $0xb8;
	[tilespmem:$0x1BD20] =	vst v63  }
0x6f: {  	s24 =	simm.s32 $0x5280  }
0x70: {  	[spmem:s1] =	stream.indirect.scatter.add.f32 [tilespmem:s30], [sflag:$0x7], $0x20, s24, s19, $0xb8;
	[tilespmem:$0x1BD20] =	vst v63  }
0x71: {  	_ =	swait.ge [sflag:s5], $0x1000  }
0x72: {  	[sflag:s5] =	ssyncset.done $0x0  }
0x73: {  	[sflag:s5] =	ssyncadd.s32 $0xFFFFF000  }
0x74: {  	_ =	swait.ge [sflag:s5], $0x1000  }
0x75: {  	[sflag:s5] =	ssyncset.done $0x0  }
0x76: {  	s12 =	simm.s32 @!p1 $0x500;
	s13 =	simm.s32 @!p1 $0xC000;
	[sflag:s5] =	ssyncadd.s32 $0xFFFFF000  }
0x77: {  	[tilespmem:s13], [sflag:$0x2] =	stream.indirect.gather @!p1 [spmem:s3], $0x20, s12, s11, $0xb8;
	[tilespmem:$0x1BD20] =	vst v63  }
0x78: {  	s12 =	simm.s32 @!p1 $0x580;
	s13 =	simm.s32 @!p1 $0xD000  }
0x79: {  	[tilespmem:s13], [sflag:$0x2] =	stream.indirect.gather @!p1 [spmem:s3], $0x20, s12, s11, $0xb8;
	[tilespmem:$0x1BD20] =	vst v63  }
0x7a: {  	_ =	swait.ge [sflag:s7], $0x1000  }
0x7b: {  	[sflag:s7] =	ssyncset.done $0x0  }
0x7c: {  	[sflag:s7] =	ssyncadd.s32 $0xFFFFF000  }
0x7d: {  	p2 =	por $0x0, $0x0;
	_ =	swait.ge [sflag:s7], $0x1000  }
0x7e: {  	s25 =	simm.s32 $0x5300;
	s11 =	simm.s32 $0x1000;
	[sflag:s7] =	ssyncset.done $0x0  }
0x7f: {  	s12 =	simm.s32 $0x2000;
	s13 =	simm.s32 $0x5380;
	[sflag:s7] =	ssyncadd.s32 $0xFFFFF000  }
0x80: {  	[spmem:s1] =	stream.indirect.scatter.add.f32 [tilespmem:s0], [sflag:$0x8], $0x20, s25, s19, $0xb8;
	[tilespmem:$0x1BD20] =	vst v63  }
.LBB2_2:
0x81: {  	s17 =	simm.s32 @!p2 $0x7;
	s14 =	smov.u32 s12;
	s12 =	sadd.s32 $0x1000, s12  }
0x82: {  	[spmem:s1] =	stream.indirect.scatter.add.f32 [tilespmem:s2], [sflag:$0x8], $0x20, s13, s19, $0xb8;
	[tilespmem:$0x1BD20] =	vst v63  }
0x83: {  	p1 =	sne.s32 s12, $0x14000;
	_ =	swait.ge @!p2 [sflag:s17], $0x1000  }
0x84: {  	[sflag:s17] =	ssyncset.done @!p2 $0x0  }
0x85: {  	[sflag:s17] =	ssyncadd.s32 @!p2 $0xFFFFF000  }
0x86: {  	_ =	swait.ge @!p2 [sflag:s17], $0x1000  }
0x87: {  	s13 =	sshra.s32 s11, $0x2;
	[sflag:s17] =	ssyncset.done @!p2 $0x0  }
0x88: {  	[sflag:s17] =	ssyncadd.s32 @!p2 $0xFFFFF000;
	s17 =	sadd.s32 $0x200, s13  }
0x89: {  	[tilespmem:s29], [sflag:$0x3] =	stream.indirect.gather [spmem:s3], $0x20, s17, s19, $0xb8;
	[tilespmem:$0x1BD20] =	vst v63  }
0x8a: {  	s17 =	sadd.s32 $0x280, s13  }
0x8b: {  	[tilespmem:s30], [sflag:$0x3] =	stream.indirect.gather [spmem:s3], $0x20, s17, s19, $0xb8;
	[tilespmem:$0x1BD20] =	vst v63  }
0x8c: {  	_ =	swait.ge [sflag:s31], $0x1000  }
0x8d: {  	[sflag:s31] =	ssyncset.done $0x0  }
0x8e: {  	[sflag:s31] =	ssyncadd.s32 $0xFFFFF000  }
0x8f: {  	_ =	swait.ge [sflag:s31], $0x1000  }
0x90: {  	[sflag:s31] =	ssyncset.done $0x0  }
0x91: {  	s17 =	sadd.s32 $0x5000, s13;
	[sflag:s31] =	ssyncadd.s32 $0xFFFFF000  }
0x92: {  	[spmem:s1] =	stream.indirect.scatter.add.f32 [tilespmem:s20], [sflag:$0x5], $0x20, s17, s19, $0xb8;
	[tilespmem:$0x1BD20] =	vst v63  }
0x93: {  	s18 =	simm.s32 @!p2 $0x8;
	s17 =	sadd.s32 $0x5080, s13  }
0x94: {  	[spmem:s1] =	stream.indirect.scatter.add.f32 [tilespmem:s21], [sflag:$0x5], $0x20, s17, s19, $0xb8;
	[tilespmem:$0x1BD20] =	vst v63  }
0x95: {  	_ =	swait.ge @!p2 [sflag:s18], $0x1000  }
0x96: {  	[sflag:s18] =	ssyncset.done @!p2 $0x0  }
0x97: {  	[sflag:s18] =	ssyncadd.s32 @!p2 $0xFFFFF000  }
0x98: {  	_ =	swait.ge @!p2 [sflag:s18], $0x1000  }
0x99: {  	[sflag:s18] =	ssyncset.done @!p2 $0x0  }
0x9a: {  	s17 =	sadd.s32 $0x300, s13;
	[sflag:s18] =	ssyncadd.s32 @!p2 $0xFFFFF000  }
0x9b: {  	[tilespmem:s0], [sflag:$0x4] =	stream.indirect.gather [spmem:s3], $0x20, s17, s19, $0xb8;
	[tilespmem:$0x1BD20] =	vst v63  }
0x9c: {  	s17 =	sadd.s32 $0x380, s13  }
0x9d: {  	[tilespmem:s2], [sflag:$0x4] =	stream.indirect.gather [spmem:s3], $0x20, s17, s19, $0xb8;
	[tilespmem:$0x1BD20] =	vst v63  }
0x9e: {  	_ =	swait.ge [sflag:s16], $0x1000  }
0x9f: {  	[sflag:s16] =	ssyncset.done $0x0  }
0xa0: {  	[sflag:s16] =	ssyncadd.s32 $0xFFFFF000  }
0xa1: {  	_ =	swait.ge [sflag:s16], $0x1000  }
0xa2: {  	[sflag:s16] =	ssyncset.done $0x0  }
0xa3: {  	s17 =	sadd.s32 $0x5100, s13;
	[sflag:s16] =	ssyncadd.s32 $0xFFFFF000  }
0xa4: {  	[spmem:s1] =	stream.indirect.scatter.add.f32 [tilespmem:s23], [sflag:$0x6], $0x20, s17, s19, $0xb8;
	[tilespmem:$0x1BD20] =	vst v63  }
0xa5: {  	s17 =	sadd.s32 $0x5180, s13  }
0xa6: {  	[spmem:s1] =	stream.indirect.scatter.add.f32 [tilespmem:s28], [sflag:$0x6], $0x20, s17, s19, $0xb8;
	[tilespmem:$0x1BD20] =	vst v63  }
0xa7: {  	_ =	swait.ge [sflag:s22], $0x1000  }
0xa8: {  	[sflag:s22] =	ssyncset.done $0x0  }
0xa9: {  	[sflag:s22] =	ssyncadd.s32 $0xFFFFF000  }
0xaa: {  	p2 =	seq.s32 s11, $0x13000;
	_ =	swait.ge [sflag:s22], $0x1000  }
0xab: {  	s18 =	simm.s32 @!p2 $0x80;
	s17 =	sshra.s32 @!p2 s11, $0x2;
	[sflag:s22] =	ssyncset.done $0x0  }
0xac: {  	s24 =	simm.s32 @!p2 $0xA000;
	s11 =	sadd.s32 @!p2 $0x400, s17;
	[sflag:s22] =	ssyncadd.s32 $0xFFFFF000  }
0xad: {  	[tilespmem:s24], [sflag:$0x1] =	stream.indirect.gather @!p2 [spmem:s3], $0x20, s11, s18, $0xb8;
	[tilespmem:$0x1BD20] =	vst v63  }
0xae: {  	s25 =	simm.s32 @!p2 $0xB000;
	s24 =	sadd.s32 @!p2 $0x480, s17;
	s11 =	smov.u32 s14  }
0xaf: {  	[tilespmem:s25], [sflag:$0x1] =	stream.indirect.gather @!p2 [spmem:s3], $0x20, s24, s18, $0xb8;
	[tilespmem:$0x1BD20] =	vst v63  }
0xb0: {  	_ =	swait.ge [sflag:s26], $0x1000  }
0xb1: {  	[sflag:s26] =	ssyncset.done $0x0  }
0xb2: {  	[sflag:s26] =	ssyncadd.s32 $0xFFFFF000  }
0xb3: {  	_ =	swait.ge [sflag:s26], $0x1000  }
0xb4: {  	[sflag:s26] =	ssyncset.done $0x0  }
0xb5: {  	s14 =	sadd.s32 $0x5200, s13;
	[sflag:s26] =	ssyncadd.s32 $0xFFFFF000  }
0xb6: {  	[spmem:s1] =	stream.indirect.scatter.add.f32 [tilespmem:s29], [sflag:$0x7], $0x20, s14, s19, $0xb8;
	[tilespmem:$0x1BD20] =	vst v63  }
0xb7: {  	s14 =	sadd.s32 $0x5280, s13  }
0xb8: {  	[spmem:s1] =	stream.indirect.scatter.add.f32 [tilespmem:s30], [sflag:$0x7], $0x20, s14, s19, $0xb8;
	[tilespmem:$0x1BD20] =	vst v63  }
0xb9: {  	_ =	swait.ge [sflag:s5], $0x1000  }
0xba: {  	[sflag:s5] =	ssyncset.done $0x0  }
0xbb: {  	[sflag:s5] =	ssyncadd.s32 $0xFFFFF000  }
0xbc: {  	_ =	swait.ge [sflag:s5], $0x1000  }
0xbd: {  	[sflag:s5] =	ssyncset.done $0x0  }
0xbe: {  	s24 =	simm.s32 @!p2 $0xC000;
	s14 =	sadd.s32 @!p2 $0x500, s17;
	[sflag:s5] =	ssyncadd.s32 $0xFFFFF000  }
0xbf: {  	[tilespmem:s24], [sflag:$0x2] =	stream.indirect.gather @!p2 [spmem:s3], $0x20, s14, s18, $0xb8;
	[tilespmem:$0x1BD20] =	vst v63  }
0xc0: {  	s14 =	sadd.s32 @!p2 $0x580, s17;
	s17 =	simm.s32 @!p2 $0xD000  }
0xc1: {  	[tilespmem:s17], [sflag:$0x2] =	stream.indirect.gather @!p2 [spmem:s3], $0x20, s14, s18, $0xb8;
	[tilespmem:$0x1BD20] =	vst v63  }
0xc2: {  	_ =	swait.ge [sflag:s7], $0x1000  }
0xc3: {  	[sflag:s7] =	ssyncset.done $0x0  }
.Ltmp0:
0xc4: {  	[sflag:s7] =	ssyncadd.s32 $0xFFFFF000;
	(pc) =	sbr.rel @p1 .LBB2_2-.Ltmp0, $4  }
0xc5: {  	_ =	swait.ge [sflag:s7], $0x1000  }
0xc6: {  	s14 =	sadd.s32 $0x5300, s13;
	[sflag:s7] =	ssyncset.done $0x0  }
0xc7: {  	p2 =	seq.s32 s11, $0x0;
	s13 =	sadd.s32 $0x5380, s13;
	[sflag:s7] =	ssyncadd.s32 $0xFFFFF000  }
0xc8: {  	[spmem:s1] =	stream.indirect.scatter.add.f32 [tilespmem:s0], [sflag:$0x8], $0x20, s14, s19, $0xb8;
	[tilespmem:$0x1BD20] =	vst v63  }
0xc9: {  	s14 =	simm.s32 @!p2 $0x7  }
0xca: {  	[spmem:s1] =	stream.indirect.scatter.add.f32 [tilespmem:s2], [sflag:$0x8], $0x20, s13, s19, $0xb8;
	[tilespmem:$0x1BD20] =	vst v63  }
0xcb: {  	_ =	swait.ge @!p2 [sflag:s14], $0x1000  }
0xcc: {  	[sflag:s14] =	ssyncset.done @!p2 $0x0  }
0xcd: {  	[sflag:s14] =	ssyncadd.s32 @!p2 $0xFFFFF000  }
0xce: {  	_ =	swait.ge @!p2 [sflag:s14], $0x1000  }
0xcf: {  	s12 =	sshra.s32 s11, $0x2;
	[sflag:s14] =	ssyncset.done @!p2 $0x0  }
0xd0: {  	[sflag:s14] =	ssyncadd.s32 @!p2 $0xFFFFF000;
	s14 =	sadd.s32 $0x200, s12  }
0xd1: {  	[tilespmem:s29], [sflag:$0x3] =	stream.indirect.gather [spmem:s3], $0x20, s14, s19, $0xb8;
	[tilespmem:$0x1BD20] =	vst v63  }
0xd2: {  	s17 =	sadd.s32 $0x280, s12  }
0xd3: {  	[tilespmem:s30], [sflag:$0x3] =	stream.indirect.gather [spmem:s3], $0x20, s17, s19, $0xb8;
	[tilespmem:$0x1BD20] =	vst v63  }
0xd4: {  	_ =	swait.ge [sflag:s31], $0x1000  }
0xd5: {  	[sflag:s31] =	ssyncset.done $0x0  }
0xd6: {  	[sflag:s31] =	ssyncadd.s32 $0xFFFFF000  }
0xd7: {  	_ =	swait.ge [sflag:s31], $0x1000  }
0xd8: {  	[sflag:s31] =	ssyncset.done $0x0  }
0xd9: {  	s18 =	sadd.s32 $0x5000, s12;
	[sflag:s31] =	ssyncadd.s32 $0xFFFFF000  }
0xda: {  	[spmem:s1] =	stream.indirect.scatter.add.f32 [tilespmem:s20], [sflag:$0x5], $0x20, s18, s19, $0xb8;
	[tilespmem:$0x1BD20] =	vst v63  }
0xdb: {  	s24 =	sadd.s32 $0x5080, s12;
	s14 =	simm.s32 @!p2 $0x8  }
0xdc: {  	[spmem:s1] =	stream.indirect.scatter.add.f32 [tilespmem:s21], [sflag:$0x5], $0x20, s24, s19, $0xb8;
	[tilespmem:$0x1BD20] =	vst v63  }
0xdd: {  	_ =	swait.ge @!p2 [sflag:s14], $0x1000  }
0xde: {  	[sflag:s14] =	ssyncset.done @!p2 $0x0  }
0xdf: {  	[sflag:s14] =	ssyncadd.s32 @!p2 $0xFFFFF000  }
0xe0: {  	_ =	swait.ge @!p2 [sflag:s14], $0x1000  }
0xe1: {  	[sflag:s14] =	ssyncset.done @!p2 $0x0  }
0xe2: {  	s25 =	sadd.s32 $0x300, s12;
	[sflag:s14] =	ssyncadd.s32 @!p2 $0xFFFFF000  }
0xe3: {  	[tilespmem:s0], [sflag:$0x4] =	stream.indirect.gather [spmem:s3], $0x20, s25, s19, $0xb8;
	[tilespmem:$0x1BD20] =	vst v63  }
0xe4: {  	s14 =	sadd.s32 $0x380, s12  }
0xe5: {  	[tilespmem:s2], [sflag:$0x4] =	stream.indirect.gather [spmem:s3], $0x20, s14, s19, $0xb8;
	[tilespmem:$0x1BD20] =	vst v63  }
0xe6: {  	_ =	swait.ge [sflag:s16], $0x1000  }
0xe7: {  	[sflag:s16] =	ssyncset.done $0x0  }
0xe8: {  	[sflag:s16] =	ssyncadd.s32 $0xFFFFF000  }
0xe9: {  	_ =	swait.ge [sflag:s16], $0x1000  }
0xea: {  	[sflag:s16] =	ssyncset.done $0x0  }
0xeb: {  	s17 =	sadd.s32 $0x5100, s12;
	[sflag:s16] =	ssyncadd.s32 $0xFFFFF000  }
0xec: {  	[spmem:s1] =	stream.indirect.scatter.add.f32 [tilespmem:s23], [sflag:$0x6], $0x20, s17, s19, $0xb8;
	[tilespmem:$0x1BD20] =	vst v63  }
0xed: {  	s18 =	sadd.s32 $0x5180, s12  }
0xee: {  	[spmem:s1] =	stream.indirect.scatter.add.f32 [tilespmem:s28], [sflag:$0x6], $0x20, s18, s19, $0xb8;
	[tilespmem:$0x1BD20] =	vst v63  }
0xef: {  	_ =	swait.ge [sflag:s22], $0x1000  }
0xf0: {  	[sflag:s22] =	ssyncset.done $0x0  }
0xf1: {  	[sflag:s22] =	ssyncadd.s32 $0xFFFFF000  }
0xf2: {  	p1 =	seq.s32 s11, $0x13000;
	_ =	swait.ge [sflag:s22], $0x1000  }
0xf3: {  	s11 =	sshra.s32 @!p1 s11, $0x2;
	s13 =	simm.s32 @!p1 $0x80;
	[sflag:s22] =	ssyncset.done $0x0  }
0xf4: {  	s14 =	sadd.s32 @!p1 $0x400, s11;
	s17 =	simm.s32 @!p1 $0xA000;
	[sflag:s22] =	ssyncadd.s32 $0xFFFFF000  }
0xf5: {  	[tilespmem:s17], [sflag:$0x1] =	stream.indirect.gather @!p1 [spmem:s3], $0x20, s14, s13, $0xb8;
	[tilespmem:$0x1BD20] =	vst v63  }
0xf6: {  	s14 =	sadd.s32 @!p1 $0x480, s11;
	s17 =	simm.s32 @!p1 $0xB000  }
0xf7: {  	[tilespmem:s17], [sflag:$0x1] =	stream.indirect.gather @!p1 [spmem:s3], $0x20, s14, s13, $0xb8;
	[tilespmem:$0x1BD20] =	vst v63  }
0xf8: {  	_ =	swait.ge [sflag:s26], $0x1000  }
0xf9: {  	[sflag:s26] =	ssyncset.done $0x0  }
0xfa: {  	[sflag:s26] =	ssyncadd.s32 $0xFFFFF000  }
0xfb: {  	_ =	swait.ge [sflag:s26], $0x1000  }
0xfc: {  	[sflag:s26] =	ssyncset.done $0x0  }
0xfd: {  	s24 =	sadd.s32 $0x5200, s12;
	[sflag:s26] =	ssyncadd.s32 $0xFFFFF000  }
0xfe: {  	[spmem:s1] =	stream.indirect.scatter.add.f32 [tilespmem:s29], [sflag:$0x7], $0x20, s24, s19, $0xb8;
	[tilespmem:$0x1BD20] =	vst v63  }
0xff: {  	s25 =	sadd.s32 $0x5280, s12  }
0x100: {  	[spmem:s1] =	stream.indirect.scatter.add.f32 [tilespmem:s30], [sflag:$0x7], $0x20, s25, s19, $0xb8;
	[tilespmem:$0x1BD20] =	vst v63  }
0x101: {  	_ =	swait.ge [sflag:s5], $0x1000  }
0x102: {  	[sflag:s5] =	ssyncset.done $0x0  }
0x103: {  	[sflag:s5] =	ssyncadd.s32 $0xFFFFF000  }
0x104: {  	_ =	swait.ge [sflag:s5], $0x1000  }
0x105: {  	[sflag:s5] =	ssyncset.done $0x0  }
0x106: {  	s14 =	sadd.s32 @!p1 $0x500, s11;
	s17 =	simm.s32 @!p1 $0xC000;
	[sflag:s5] =	ssyncadd.s32 $0xFFFFF000  }
0x107: {  	[tilespmem:s17], [sflag:$0x2] =	stream.indirect.gather @!p1 [spmem:s3], $0x20, s14, s13, $0xb8;
	[tilespmem:$0x1BD20] =	vst v63  }
0x108: {  	s11 =	sadd.s32 @!p1 $0x580, s11;
	s14 =	simm.s32 @!p1 $0xD000  }
0x109: {  	[tilespmem:s14], [sflag:$0x2] =	stream.indirect.gather @!p1 [spmem:s3], $0x20, s11, s13, $0xb8;
	[tilespmem:$0x1BD20] =	vst v63  }
0x10a: {  	_ =	swait.ge [sflag:s7], $0x1000  }
0x10b: {  	[sflag:s7] =	ssyncset.done $0x0  }
0x10c: {  	[sflag:s7] =	ssyncadd.s32 $0xFFFFF000  }
0x10d: {  	_ =	swait.ge [sflag:s7], $0x1000  }
0x10e: {  	[sflag:s7] =	ssyncset.done $0x0  }
0x10f: {  	s14 =	sadd.s32 $0x5300, s12;
	[sflag:s7] =	ssyncadd.s32 $0xFFFFF000  }
0x110: {  	[spmem:s1] =	stream.indirect.scatter.add.f32 [tilespmem:s0], [sflag:$0x8], $0x20, s14, s19, $0xb8;
	[tilespmem:$0x1BD20] =	vst v63  }
0x111: {  	s17 =	sadd.s32 $0x5380, s12  }
0x112: {  	[spmem:s1] =	stream.indirect.scatter.add.f32 [tilespmem:s2], [sflag:$0x8], $0x20, s17, s19, $0xb8;
	[tilespmem:$0x1BD20] =	vst v63  }
0x113: {  	_ =	swait.ge [sflag:s8], $0x1000  }
0x114: {  	[sflag:s8] =	ssyncset.done $0x0  }
0x115: {  	[sflag:s8] =	ssyncadd.s32 $0xFFFFF000  }
0x116: {  	_ =	swait.ge [sflag:s8], $0x1000  }
0x117: {  	[sflag:s8] =	ssyncset.done $0x0  }
0x118: {  	[sflag:s8] =	ssyncadd.s32 $0xFFFFF000  }
0x119: {  	_ =	swait.ge [sflag:s9], $0x1000  }
0x11a: {  	[sflag:s9] =	ssyncset.done $0x0  }
0x11b: {  	[sflag:s9] =	ssyncadd.s32 $0xFFFFF000  }
0x11c: {  	_ =	swait.ge [sflag:s9], $0x1000  }
0x11d: {  	[sflag:s9] =	ssyncset.done $0x0  }
0x11e: {  	[sflag:s9] =	ssyncadd.s32 $0xFFFFF000  }
0x11f: {  	[bflag:$0x0] =	sbarrier.arrive $0xFFFF  }
0x120: {  	s18 =	rddreg [dreg:$0x9]  }
0x121: {  	s24 =	rddreg [dreg:$0xf]  }
0x122: {  	[hbm:s18], [sflag:s6] =	dma.local [spmem:s24], $0x9C0  }
0x123: {  	_ =	swait.ge [sflag:s15], $0x9C0  }
0x124: {  	[sflag:s15] =	ssyncset.done $0x0;
	s11 =	rddreg [dreg:$0xa]  }
0x125: {  	s12 =	rddreg [dreg:$0x10];
	[sflag:s15] =	ssyncadd.s32 $0xFFFFF640  }
0x126: {  	[hbm:s11], [sflag:s6] =	dma.local @!p0 [spmem:s12], $0x40  }
0x127: {  	s11 =	simm.s32 @!p0 $0x9  }
0x128: {  	_ =	swait.ge @!p0 [sflag:s11], $0x40  }
0x129: {  	s10 =	sadd.s32 $0x1, s10;
	s25 =	rddreg [dreg:$0xb]  }
0x12a: {  	p1 =	sne.s32 s10, s25  }
.Ltmp1:
0x12b: {  	_ = 	snop;
	(pc) =	sbr.rel @p1 .LBB2_1-.Ltmp1, $3  }
0x12c: {  	_ =	sdelay $0x1  }
0x12d: {  	[sflag:s11] =	ssyncset.done @!p0 $0x0  }
0x12e: {  	[sflag:s11] =	ssyncadd.s32 @!p0 $0xFFFFFFC0  }
0x12f: {  	_ =	sfence.sel $0x180000  }
0x130: {  	[bflag:$0x0] =	sbarrier.arrive $0xFFFF  }
0x131: {  	_ =	strace $0x9000004A  }
0x132: {  	s0 =	stileid.u32;
	[bflag:$0x2] =	sbarrier.arrive $0xFFFF  }
0x133: {  	p0 =	sne.s32 s0, $0x0;
	s0 =	rddreg [dreg:$0x3]  }
0x134: {  	s0 =	sadd.s32 @!p0 $0x100000, s0  }
0x135: {  	[sflag:s0] =	ssyncadd.tile.s32 @!p0 $0x1;
	_ =	shalt  }
.Lfunc_end2:
_tile_overlayer_lowered:
.L_overlay_start_2:
0x136: {  	(tag) =	ssettag $0x2  }
0x137: {  	s0 =	rddreg [dreg:$0x0];
	s2 =	stileid.u32  }
0x138: {  	s1 =	rddreg [dreg:$0x1];
	p0 =	sne.s32 s2, $0x0  }
0x139: {  	s3 =	rddreg [dreg:$0x2];
	[bflag:$0x3] =	sbarrier.arrive $0xFFFF;
	s2 =	simm.s32 @!p0 $0x1C09  }
0x13a: {  	[timem:s3], [sflag:s2] =	dma.local @!p0 [hbm:s0], s1  }
0x13b: {  	s0 =	simm.s32 @!p0 $0x9  }
0x13c: {  	_ =	swait.ge @!p0 [sflag:s0], s1  }
0x13d: {  	s1 =	ssub.s32 @!p0 $0x0, s1;
	[sflag:s0] =	ssyncset.done @!p0 $0x0  }
0x13e: {  	[sflag:s0] =	ssyncadd.s32 @!p0 s1  }
0x13f: {  	[bflag:$0x3] =	sbarrier.arrive $0xFFFF  }
0x140: {  	_ =	shalt  }

// kernel: kernel.16.cloned.1.call-start
scs
__scs_entry_jumppad:
0x0: {  	(pc) =	sbr.rel $0x88, $3  }
0x1: {  	(tag) =	ssettag $0x0;
	lr =	simm.s32 $0x1  }
0x2: {  	[smem:$0x3F94] =	sst lr;
	_ =	strace $0xD0000000  }
0x3: {  	_ = 	snop  }
0x4: {  	_ = 	snop  }
0x5: {  	_ = 	snop  }
0x6: {  	_ = 	snop  }
0x7: {  	_ = 	snop  }
__scs_overlays_trampoline_lowered:
0x8: {  	[smem:$0x3FA3] =	sst s0  }
0x9: {  	[smem:$0x3FA4] =	sst s1  }
0xa: {  	[smem:$0x3FA5] =	sst s2  }
0xb: {  	[smem:$0x3FA6] =	sst s3  }
0xc: {  	[smem:$0x3FA7] =	sst s4  }
0xd: {  	[smem:$0x3FA8] =	sst s5  }
0xe: {  	[smem:$0x3FA9] =	sst s6  }
0xf: {  	[smem:$0x3FAA] =	sst s7  }
0x10: {  	[smem:$0x3FAB] =	sst s8  }
0x11: {  	[smem:$0x3FAC] =	sst s9;
	s0 =	simm.s32 @!p0 $0x0  }
0x12: {  	s1 =	sld [smem:$0x3F92];
	s0 =	simm.s32 @p0 $0x1  }
0x13: {  	[smem:$0x3FAD] =	sst s0;
	s0 =	simm.s32 @!p1 $0x0  }
0x14: {  	s2 =	sld [smem:$0x3F91];
	s0 =	simm.s32 @p1 $0x1  }
0x15: {  	[smem:$0x3FAE] =	sst s0;
	s0 =	simm.s32 @!p2 $0x0  }
0x16: {  	s3 =	sld [smem:$0x3FDB];
	s0 =	simm.s32 @p2 $0x1  }
0x17: {  	s4 =	simm.s32 $0x1BF5;
	[smem:$0x3FB0] =	sst s0  }
0x18: {  	s0 =	sld [smem:$0x3F93];
	_ =	swait.ge [sflag:s4], $0x0  }
0x19: {  	s7 =	sld [smem:$0x3F94]  }
0x1a: {  	s8 =	sadd.s32 $0xFFFFE003, lr  }
0x1b: {  	s9 =	sadd.s32 $0xFFFFFEF7, lr;
	s5 =	simm.s32 $0xFFFFFFFF;
	p2 =	slt.u32 s8, $0xFFFFF086  }
0x1c: {  	p1 =	slt.u32 s9, $0xF7A;
	s5 =	simm.s32 @!p2 $0x0  }
0x1d: {  	s5 =	simm.s32 @p1 $0x1;
	p0 =	seq.s32 s7, s2  }
0x1e: {  	s7 =	smul.u32 @!p0 $0xF7A, s2;
	p2 =	seq.s32 @!p0 s5, $0x0  }
0x1f: {  	s9 =	smul.u32 $0xF7A, s1;
	s8 =	simm.s32 @!p0 $0x1BF5;
	p2 =	por !p2, p0  }
0x20: {  	[sflag:s8] =	ssyncset.s32 @!p0 $0xFFFFF086;
	s6 =	sadd.s32 @!p0 s3, s7;
	s7 =	simm.s32 @!p0 $0x108  }
0x21: {  	s3 =	sadd.s32 s3, s9;
	s6 =	sadd.s32 @!p0 $0x88, s6;
	s7 =	simm.s32 @p2 $0x1082  }
0x22: {  	[simem:s7], [sflag:s8] =	dma.local @!p0 [hbm:s6], $0xF7A  }
0x23: {  	s9 =	sor.u32 $0xD0000000, s2;
	s6 =	simm.s32 $0x108;
	_ =	swait.ge @!p0 [sflag:s8], $0x0  }
0x24: {  	s3 =	sadd.s32 $0x88, s3;
	s6 =	simm.s32 @!p1 $0x1082;
	[sflag:s4] =	ssyncset.s32 $0xFFFFF086  }
0x25: {  	[simem:s6], [sflag:s4] =	dma.local [hbm:s3], $0xF7A  }
0x26: {  	[smem:$0x3F94] =	sst s1;
	(tag) =	ssettag s2;
	_ =	strace s9  }
0x27: {  	s1 =	sld [smem:$0x3FA4]  }
0x28: {  	s2 =	sld [smem:$0x3FA5]  }
0x29: {  	s4 =	sld [smem:$0x3FA7]  }
0x2a: {  	p0 =	seq.s32 s5, $0x0;
	s5 =	sld [smem:$0x3FA8]  }
0x2b: {  	s6 =	sld [smem:$0x3FA9]  }
0x2c: {  	s7 =	sld [smem:$0x3FAA]  }
0x2d: {  	s3 =	simm.s32 $0x108;
	s8 =	sld [smem:$0x3FAB]  }
0x2e: {  	s3 =	simm.s32 @!p0 $0x1082;
	s9 =	sld [smem:$0x3FAC]  }
0x2f: {  	lr =	sadd.s32 s0, s3;
	s0 =	sld [smem:$0x3FA3]  }
0x30: {  	s3 =	sld [smem:$0x3FA6]  }
0x31: {  	[smem:$0x3FAF] =	sst s10  }
0x32: {  	s10 =	sld [smem:$0x3FAD];
	_ =	sdelay $0x3  }
0x33: {  	p0 =	seq.s32 s10, $0x1;
	s10 =	sld [smem:$0x3FAF];
	_ =	sdelay $0x3  }
0x34: {  	[smem:$0x3FAF] =	sst s10  }
0x35: {  	s10 =	sld [smem:$0x3FAE];
	_ =	sdelay $0x3  }
0x36: {  	p1 =	seq.s32 s10, $0x1;
	s10 =	sld [smem:$0x3FAF];
	_ =	sdelay $0x3  }
0x37: {  	[smem:$0x3FAF] =	sst s10  }
0x38: {  	s10 =	sld [smem:$0x3FB0]  }
0x39: {  	_ = 	snop;
	(pc) =	sbr.ind lr, $3  }
0x3a: {  	_ = 	snop  }
0x3b: {  	_ = 	snop  }
0x3c: {  	p2 =	seq.s32 s10, $0x1;
	s10 =	sld [smem:$0x3FAF]  }
0x3d: {  	_ =	shalt  }
0x3e: {  	_ =	shalt  }
0x3f: {  	_ =	shalt  }
0x40: {  	_ =	shalt  }
0x41: {  	_ =	shalt  }
0x42: {  	_ =	shalt  }
0x43: {  	_ =	shalt  }
0x44: {  	_ =	shalt  }
0x45: {  	_ =	shalt  }
0x46: {  	_ =	shalt  }
0x47: {  	_ =	shalt  }
0x48: {  	_ =	shalt  }
0x49: {  	_ =	shalt  }
0x4a: {  	_ =	shalt  }
0x4b: {  	_ =	shalt  }
0x4c: {  	_ =	shalt  }
0x4d: {  	_ =	shalt  }
0x4e: {  	_ =	shalt  }
0x4f: {  	_ =	shalt  }
0x50: {  	_ =	shalt  }
0x51: {  	_ =	shalt  }
0x52: {  	_ =	shalt  }
0x53: {  	_ =	shalt  }
0x54: {  	_ =	shalt  }
0x55: {  	_ =	shalt  }
0x56: {  	_ =	shalt  }
0x57: {  	_ =	shalt  }
0x58: {  	_ =	shalt  }
0x59: {  	_ =	shalt  }
0x5a: {  	_ =	shalt  }
0x5b: {  	_ =	shalt  }
0x5c: {  	_ =	shalt  }
0x5d: {  	_ =	shalt  }
0x5e: {  	_ =	shalt  }
0x5f: {  	_ =	shalt  }
0x60: {  	_ =	shalt  }
0x61: {  	_ =	shalt  }
0x62: {  	_ =	shalt  }
0x63: {  	_ =	shalt  }
0x64: {  	_ =	shalt  }
0x65: {  	_ =	shalt  }
0x66: {  	_ =	shalt  }
0x67: {  	_ =	shalt  }
0x68: {  	_ =	shalt  }
0x69: {  	_ =	shalt  }
0x6a: {  	_ =	shalt  }
0x6b: {  	_ =	shalt  }
0x6c: {  	_ =	shalt  }
0x6d: {  	_ =	shalt  }
0x6e: {  	_ =	shalt  }
0x6f: {  	_ =	shalt  }
0x70: {  	_ =	shalt  }
0x71: {  	_ =	shalt  }
0x72: {  	_ =	shalt  }
0x73: {  	_ =	shalt  }
0x74: {  	_ =	shalt  }
0x75: {  	_ =	shalt  }
0x76: {  	_ =	shalt  }
0x77: {  	_ =	shalt  }
0x78: {  	_ =	shalt  }
0x79: {  	_ =	shalt  }
0x7a: {  	_ =	shalt  }
0x7b: {  	_ =	shalt  }
0x7c: {  	_ =	shalt  }
0x7d: {  	_ =	shalt  }
0x7e: {  	_ =	shalt  }
0x7f: {  	_ =	shalt  }
0x80: {  	_ =	shalt  }
0x81: {  	_ =	shalt  }
0x82: {  	_ =	shalt  }
0x83: {  	_ =	shalt  }
0x84: {  	_ =	shalt  }
0x85: {  	_ =	shalt  }
0x86: {  	_ =	shalt  }
0x87: {  	_ =	shalt  }
.Lfunc_end0:
.L_simem_size_0:
called_computation.2_lowered:
.L_overlay_start_0:
0x88: {  	s2 =	sld [smem:$0x3FD9]  }
0x89: {  	s3 =	sld [smem:$0x3FFE];
	_ =	sdelay $0x1  }
0x8a: {  	s1 =	srdreg.scid  }
0x8b: {  	s0 =	sand.u32 $0x1, s1  }
0x8c: {  	s16 =	sshll.u32 s0, $0xA;
	s2 =	sadd.s32 s3, s2  }
0x8d: {  	s2 =	sadd.s32 s2, s16  }
0x8e: {  	[smem:$0x3FBB] =	sst s2  }
0x8f: {  	_ = 	snop  }
0x90: {  	(tm) =	ssettm $0x1  }
0x91: {  	s17 =	sld [smem:$0x3FFB];
	_ =	sdelay $0x3  }
0x92: {  	_ =	strace s17  }
0x93: {  	s2 =	sld [smem:$0x3FFC];
	_ =	sdelay $0x3  }
0x94: {  	_ =	strace s2  }
0x95: {  	s2 =	sld [smem:$0x3FFD];
	_ =	sdelay $0x3  }
0x96: {  	_ =	strace s2  }
0x97: {  	_ =	strace $0x8FFFFFFF  }
0x98: {  	s18 =	sld [smem:$0x3FDB];
	_ =	sdelay $0x1  }
0x99: {  	s19 =	simm.s32 $_scs_section_size  }
0x9a: {  	s4 =	simm.s32 $_size__tile_overlayer_lowered;
	s5 =	simm.s32 $_tile_overlayer_lowered  }
0x9b: {  	s22 =	simm.s32 $0x1BFF;
	s21 =	sshll.u32 s5, $0x1;
	s2 =	sadd.s32 s19, s18  }
0x9c: {  	s6 =	simm.s32 $0x0;
	s20 =	sshll.u32 s4, $0x1;
	s4 =	sadd.s32 s21, s2  }
0x9d: {  	[timem:s6], [sflag:s22] =	dma.local [hbm:s4], s20  }
0x9e: {  	_ =	swait.ge [sflag:s22], s20  }
0x9f: {  	s3 =	ssub.s32 $0x0, s20;
	[sflag:s22] =	ssyncset.done $0x0  }
0xa0: {  	[sflag:s22] =	ssyncadd.s32 s3;
	_ =	sdelay $0x1  }
0xa1: {  	s23 =	simm.s32 $0x1B8B  }
0xa2: {  	_ =	swait.ge [sflag:s23], $0x1  }
0xa3: {  	[sflag:s23] =	ssyncset.done $0x0  }
0xa4: {  	s25 =	simm.s32 $0x1B8E;
	s24 =	sld [smem:$0x3FFE];
	[sflag:s23] =	ssyncadd.s32 $0xFFFFFFFF  }
0xa5: {  	s26 =	simm.s32 $execute0_lowered;
	[smem:$0x3FD2] =	sst s25  }
0xa6: {  	s4 =	sshll.u32 s26, $0x1;
	_ =	strace $0x8000004C;
	[dreg:$0x1] =	wrdreg $0xFFFFFFFF  }
0xa7: {  	s28 =	simm.s32 $_size_execute0_lowered;
	s2 =	sadd.s32 s2, s4;
	[dreg:$0x0] =	wrdreg $0x0  }
0xa8: {  	s4 =	sshll.u32 s28, $0x1;
	[dreg:$0x2] =	wrdreg s2  }
0xa9: {  	[dreg:$0x3] =	wrdreg s4  }
0xaa: {  	[dreg:$0x4] =	wrdreg $0xC0  }
0xab: {  	_ =	task [dreg:s6], $0x5FFFF  }
0xac: {  	[dreg:$0x1] =	wrdreg $0xFFFFFFFF  }
0xad: {  	[dreg:$0x0] =	wrdreg $0x60  }
0xae: {  	[dreg:$0x2] =	wrdreg s24  }
0xaf: {  	[dreg:$0x3] =	wrdreg $0x120000  }
0xb0: {  	[dreg:$0x4] =	wrdreg $0x16F000  }
0xb1: {  	[dreg:$0x5] =	wrdreg $0x9  }
0xb2: {  	_ =	task.clear_ibuf [dreg:s6], $0x6FFFF;
	_ =	strace $0x9000004C  }
0xb3: {  	s29 =	simm.s32 $0x9;
	_ =	strace $0x8000004E  }
0xb4: {  	_ =	swait.ge [sflag:s29], $0x1  }
0xb5: {  	[sflag:s29] =	ssyncadd.s32 $0xFFFFFFFF  }
0xb6: {  	_ =	strace $0x9000004E  }
0xb7: {  	_ =	sfence  }
0xb8: {  	s30 =	sld [smem:$0x0];
	_ =	sdelay $0x2  }
0xb9: {  	s31 =	sshll.u32 s1, $0xD;
	s1 =	sshrl.u32 s1, $0x2  }
0xba: {  	s3 =	sand.u32 $0x4000, s31;
	s1 =	sadd.s32 s1, s30  }
0xbb: {  	s0 =	sor.u32 s3, s0;
	s1 =	sshll.u32 s1, $0x11  }
0xbc: {  	s0 =	sor.u32 s1, s0  }
0xbd: {  	s0 =	sadd.s32 $0x8F2B, s0  }
0xbe: {  	[sflag:s0] =	ssyncadd.remote.s32 $0x1  }
0xbf: {  	_ =	sfence.sel $0xFFFF  }
0xc0: {  	[dreg:$0x0] =	wrdreg $0xFFFFFFFF;
	(pc) =	sbr.abs _section_cstart, $3  }
0xc1: {  	[dreg:$0x1] =	wrdreg $0xFFFFFFFF  }
0xc2: {  	_ =	task.clear_ibuf [dreg:s6], $0x2FFFF;
	_ =	strace $0x9FFFFFFF  }
0xc3: {  	(tm) =	ssettm $0x7FFFFFFF  }
tec
execute0_lowered:
.L_overlay_start_1:
0x0: {  	(tag) =	ssettag $0x1  }
0x1: {  	s0 =	rddreg [dreg:$0x0]  }
0x2: {  	s1 =	rddreg [dreg:$0x1]  }
0x3: {  	s3 =	rddreg [dreg:$0x2];
	s4 =	simm.s32 $0x0;
	s13 =	stileid.u32  }
0x4: {  	s5 =	srdreg.scid;
	s15 =	simm.s32 $0x9;
	s23 =	simm.s32 $0xC000  }
0x5: {  	s28 =	simm.s32 $0xD000;
	s29 =	simm.s32 $0xE000;
	s30 =	simm.s32 $0xF000  }
0x6: {  	s31 =	simm.s32 $0x1;
	[smem:$0x7FF] =	sst s4;
	s2 =	smul.u32 $0xA00, s13  }
0x7: {  	s5 =	sand.u32 $0x1, s5;
	s7 =	sadd.s32 $0x96400, s0;
	s9 =	smul.u32 $0x13C00, s13  }
0x8: {  	s8 =	sadd.s32 $0xCA00, s0;
	s10 =	smul.u32 $0x4E00, s13;
	s18 =	sshll.u32 s13, $0x6  }
0x9: {  	p0 =	sne.s32 s13, $0xF;
	_ =	strace $0x8000004D;
	s6 =	ssub.s32 $0x2, s5  }
0xa: {  	[dreg:$0x4] =	wrdreg s8;
	s5 =	smul.u32 $0x4E200, s5;
	s2 =	sadd.s32 s2, s0  }
0xb: {  	s16 =	sshrl.u32 s6, $0x1;
	s0 =	sadd.s32 $0xA9E00, s0;
	s17 =	sshrl.u32 s9, $0x2  }
0xc: {  	s21 =	sadd.s32 s10, s3;
	s22 =	sadd.s32 s10, s1;
	s9 =	simm.s32 $0x8  }
0xd: {  	s8 =	ssub.s32 s6, s16;
	s11 =	sadd.s32 s17, s1;
	s6 =	sor.u32 $0x1C09, s18  }
0xe: {  	s19 =	sadd.s32 $0x17000, s2;
	s2 =	sadd.s32 $0x2A00, s2;
	s20 =	sadd.s32 s10, s5  }
0xf: {  	s5 =	sshrl.u32 s5, $0x3;
	s26 =	sshrl.u32 s21, $0x3;
	[dreg:$0x5] =	wrdreg s19  }
0x10: {  	s21 =	simm.s32 $0xB000;
	s16 =	simm.s32 $0x2;
	[dreg:$0x6] =	wrdreg s2  }
0x11: {  	s10 =	simm.s32 $0x0;
	s24 =	smax.u32 s8, $0x1;
	[dreg:$0xd] =	wrdreg s26  }
0x12: {  	s2 =	sshrl.u32 s20, $0x3;
	s25 =	sshrl.u32 s11, $0x3;
	[dreg:$0xb] =	wrdreg s24  }
0x13: {  	s5 =	sadd.s32 $0x9C00, s5;
	s12 =	sadd.s32 s7, s2;
	[dreg:$0xc] =	wrdreg s25  }
0x14: {  	s19 =	simm.s32 $0x80;
	s7 =	sadd.s32 s7, s5;
	[dreg:$0x7] =	wrdreg s12  }
0x15: {  	s20 =	simm.s32 $0xA000;
	s2 =	sadd.s32 s0, s2;
	[dreg:$0x8] =	wrdreg s7  }
0x16: {  	s26 =	simm.s32 $0x3;
	s0 =	sadd.s32 s0, s5;
	[dreg:$0x9] =	wrdreg s2  }
0x17: {  	s8 =	simm.s32 $0x7;
	s12 =	sadd.s32 $0x4E000, s3;
	[dreg:$0xa] =	wrdreg s0  }
0x18: {  	s0 =	sadd.s32 $0x4E000, s1;
	s2 =	sshrl.u32 s22, $0x3;
	s22 =	simm.s32 $0x5  }
0x19: {  	s7 =	simm.s32 $0x4;
	s5 =	sshrl.u32 @!p0 s12, $0x3;
	[dreg:$0xf] =	wrdreg s2  }
0x1a: {  	s0 =	sshrl.u32 @!p0 s0, $0x3;
	s2 =	simm.s32 $0x11000;
	[dreg:$0xe] =	wrdreg s5  }
0x1b: {  	[dreg:$0x10] =	wrdreg s0;
	s0 =	simm.s32 $0x10000;
	s5 =	simm.s32 $0x6  }
.LBB2_1:
0x1c: {  	s11 =	rddreg [dreg:$0x4]  }
0x1d: {  	s12 =	rddreg [dreg:$0xc]  }
0x1e: {  	[spmem:s12], [sflag:s6] =	dma.local [hbm:s11], $0x9E0  }
0x1f: {  	_ =	swait.ge [sflag:s15], $0x9E0  }
0x20: {  	[sflag:s15] =	ssyncset.done $0x0  }
0x21: {  	s14 =	rddreg [dreg:$0x5];
	[sflag:s15] =	ssyncadd.s32 $0xFFFFF620  }
0x22: {  	[tilespmem:s4], [sflag:$0x9] =	stream.linear.gather [hbm4b:s14+s4], $0x5000, $0x38;
	[tilespmem:$0x1BD20] =	vst v63  }
0x23: {  	_ =	swait.ge [sflag:s15], $0x5000  }
0x24: {  	[sflag:s15] =	ssyncset.done $0x0  }
0x25: {  	s18 =	simm.s32 $0x5000;
	s17 =	rddreg [dreg:$0x6];
	[sflag:s15] =	ssyncadd.s32 $0xFFFFB000  }
0x26: {  	[tilespmem:s18], [sflag:$0x9] =	stream.linear.gather [hbm4b:s17+s4], $0x5000, $0x38;
	[tilespmem:$0x1BD20] =	vst v63  }
0x27: {  	_ =	swait.ge [sflag:s15], $0x5000  }
0x28: {  	[sflag:s15] =	ssyncset.done $0x0;
	s24 =	rddreg [dreg:$0x7]  }
0x29: {  	s25 =	rddreg [dreg:$0xd];
	[sflag:s15] =	ssyncadd.s32 $0xFFFFB000  }
0x2a: {  	[spmem:s25], [sflag:s6] =	dma.local [hbm:s24], $0x9C0  }
0x2b: {  	_ =	swait.ge [sflag:s15], $0x9C0  }
0x2c: {  	[sflag:s15] =	ssyncset.done $0x0;
	s11 =	rddreg [dreg:$0x8]  }
0x2d: {  	s12 =	rddreg [dreg:$0xe];
	[sflag:s15] =	ssyncadd.s32 $0xFFFFF640  }
0x2e: {  	[spmem:s12], [sflag:s6] =	dma.local @!p0 [hbm:s11], $0x40  }
0x2f: {  	s11 =	simm.s32 @!p0 $0x9  }
0x30: {  	_ =	swait.ge @!p0 [sflag:s11], $0x40  }
0x31: {  	[sflag:s11] =	ssyncset.done @!p0 $0x0  }
0x32: {  	[sflag:s11] =	ssyncadd.s32 @!p0 $0xFFFFFFC0  }
0x33: {  	[bflag:$0x0] =	sbarrier.arrive $0xFFFF  }
0x34: {  	[tilespmem:s20], [sflag:$0x1] =	stream.indirect.gather [spmem:s3], $0x20, s4, s19, $0xb8;
	[tilespmem:$0x1BD20] =	vst v63  }
0x35: {  	_ = 	snop  }
0x36: {  	[tilespmem:s21], [sflag:$0x1] =	stream.indirect.gather [spmem:s3], $0x20, s19, s19, $0xb8;
	[tilespmem:$0x1BD20] =	vst v63  }
0x37: {  	s13 =	simm.s32 $0x100;
	p1 =	por $0x1, $0x1  }
0x38: {  	[tilespmem:s23], [sflag:$0x2] =	stream.indirect.gather [spmem:s3], $0x20, s13, s19, $0xb8;
	[tilespmem:$0x1BD20] =	vst v63  }
0x39: {  	s14 =	simm.s32 $0x180;
	s11 =	simm.s32 @!p1 $0x7  }
0x3a: {  	[tilespmem:s28], [sflag:$0x2] =	stream.indirect.gather [spmem:s3], $0x20, s14, s19, $0xb8;
	[tilespmem:$0x1BD20] =	vst v63  }
0x3b: {  	_ =	swait.ge @!p1 [sflag:s11], $0x1000  }
0x3c: {  	[sflag:s11] =	ssyncset.done @!p1 $0x0  }
0x3d: {  	[sflag:s11] =	ssyncadd.s32 @!p1 $0xFFFFF000  }
0x3e: {  	_ =	swait.ge @!p1 [sflag:s11], $0x1000  }
0x3f: {  	[sflag:s11] =	ssyncset.done @!p1 $0x0  }
0x40: {  	s17 =	simm.s32 $0x200;
	[sflag:s11] =	ssyncadd.s32 @!p1 $0xFFFFF000  }
0x41: {  	[tilespmem:s29], [sflag:$0x3] =	stream.indirect.gather [spmem:s3], $0x20, s17, s19, $0xb8;
	[tilespmem:$0x1BD20] =	vst v63  }
0x42: {  	s18 =	simm.s32 $0x280  }
0x43: {  	[tilespmem:s30], [sflag:$0x3] =	stream.indirect.gather [spmem:s3], $0x20, s18, s19, $0xb8;
	[tilespmem:$0x1BD20] =	vst v63  }
0x44: {  	_ =	swait.ge [sflag:s31], $0x1000  }
0x45: {  	[sflag:s31] =	ssyncset.done $0x0  }
0x46: {  	[sflag:s31] =	ssyncadd.s32 $0xFFFFF000  }
0x47: {  	_ =	swait.ge [sflag:s31], $0x1000  }
0x48: {  	[sflag:s31] =	ssyncset.done $0x0  }
0x49: {  	s24 =	simm.s32 $0x5000;
	[sflag:s31] =	ssyncadd.s32 $0xFFFFF000  }
0x4a: {  	[spmem:s1] =	stream.indirect.scatter.add.f32 [tilespmem:s20], [sflag:$0x5], $0x20, s24, s19, $0xb8;
	[tilespmem:$0x1BD20] =	vst v63  }
0x4b: {  	s25 =	simm.s32 $0x5080;
	s12 =	simm.s32 @!p1 $0x8  }
0x4c: {  	[spmem:s1] =	stream.indirect.scatter.add.f32 [tilespmem:s21], [sflag:$0x5], $0x20, s25, s19, $0xb8;
	[tilespmem:$0x1BD20] =	vst v63  }
0x4d: {  	_ =	swait.ge @!p1 [sflag:s12], $0x1000  }
0x4e: {  	[sflag:s12] =	ssyncset.done @!p1 $0x0  }
0x4f: {  	[sflag:s12] =	ssyncadd.s32 @!p1 $0xFFFFF000  }
0x50: {  	_ =	swait.ge @!p1 [sflag:s12], $0x1000  }
0x51: {  	[sflag:s12] =	ssyncset.done @!p1 $0x0  }
0x52: {  	[sflag:s12] =	ssyncadd.s32 @!p1 $0xFFFFF000;
	s12 =	simm.s32 $0x300  }
0x53: {  	[tilespmem:s0], [sflag:$0x4] =	stream.indirect.gather [spmem:s3], $0x20, s12, s19, $0xb8;
	[tilespmem:$0x1BD20] =	vst v63  }
0x54: {  	s13 =	simm.s32 $0x380  }
0x55: {  	[tilespmem:s2], [sflag:$0x4] =	stream.indirect.gather [spmem:s3], $0x20, s13, s19, $0xb8;
	[tilespmem:$0x1BD20] =	vst v63  }
0x56: {  	_ =	swait.ge [sflag:s16], $0x1000  }
0x57: {  	[sflag:s16] =	ssyncset.done $0x0  }
0x58: {  	[sflag:s16] =	ssyncadd.s32 $0xFFFFF000  }
0x59: {  	_ =	swait.ge [sflag:s16], $0x1000  }
0x5a: {  	[sflag:s16] =	ssyncset.done $0x0  }
0x5b: {  	s14 =	simm.s32 $0x5100;
	[sflag:s16] =	ssyncadd.s32 $0xFFFFF000  }
0x5c: {  	[spmem:s1] =	stream.indirect.scatter.add.f32 [tilespmem:s23], [sflag:$0x6], $0x20, s14, s19, $0xb8;
	[tilespmem:$0x1BD20] =	vst v63  }
0x5d: {  	s17 =	simm.s32 $0x5180  }
0x5e: {  	[spmem:s1] =	stream.indirect.scatter.add.f32 [tilespmem:s28], [sflag:$0x6], $0x20, s17, s19, $0xb8;
	[tilespmem:$0x1BD20] =	vst v63  }
0x5f: {  	_ =	swait.ge [sflag:s22], $0x1000  }
0x60: {  	[sflag:s22] =	ssyncset.done $0x0  }
0x61: {  	[sflag:s22] =	ssyncadd.s32 $0xFFFFF000  }
0x62: {  	p1 =	por $0x0, $0x0;
	_ =	swait.ge [sflag:s22], $0x1000  }
0x63: {  	s11 =	simm.s32 @!p1 $0x80;
	[sflag:s22] =	ssyncset.done $0x0  }
0x64: {  	s12 =	simm.s32 @!p1 $0x400;
	s13 =	simm.s32 @!p1 $0xA000;
	[sflag:s22] =	ssyncadd.s32 $0xFFFFF000  }
0x65: {  	[tilespmem:s13], [sflag:$0x1] =	stream.indirect.gather @!p1 [spmem:s3], $0x20, s12, s11, $0xb8;
	[tilespmem:$0x1BD20] =	vst v63  }
0x66: {  	s12 =	simm.s32 @!p1 $0x480;
	s13 =	simm.s32 @!p1 $0xB000  }
0x67: {  	[tilespmem:s13], [sflag:$0x1] =	stream.indirect.gather @!p1 [spmem:s3], $0x20, s12, s11, $0xb8;
	[tilespmem:$0x1BD20] =	vst v63  }
0x68: {  	_ =	swait.ge [sflag:s26], $0x1000  }
0x69: {  	[sflag:s26] =	ssyncset.done $0x0  }
0x6a: {  	[sflag:s26] =	ssyncadd.s32 $0xFFFFF000  }
0x6b: {  	_ =	swait.ge [sflag:s26], $0x1000  }
0x6c: {  	[sflag:s26] =	ssyncset.done $0x0  }
0x6d: {  	s18 =	simm.s32 $0x5200;
	[sflag:s26] =	ssyncadd.s32 $0xFFFFF000  }
0x6e: {  	[spmem:s1] =	stream.indirect.scatter.add.f32 [tilespmem:s29], [sflag:$0x7], $0x20, s18, s19, $0xb8;
	[tilespmem:$0x1BD20] =	vst v63  }
0x6f: {  	s24 =	simm.s32 $0x5280  }
0x70: {  	[spmem:s1] =	stream.indirect.scatter.add.f32 [tilespmem:s30], [sflag:$0x7], $0x20, s24, s19, $0xb8;
	[tilespmem:$0x1BD20] =	vst v63  }
0x71: {  	_ =	swait.ge [sflag:s5], $0x1000  }
0x72: {  	[sflag:s5] =	ssyncset.done $0x0  }
0x73: {  	[sflag:s5] =	ssyncadd.s32 $0xFFFFF000  }
0x74: {  	_ =	swait.ge [sflag:s5], $0x1000  }
0x75: {  	[sflag:s5] =	ssyncset.done $0x0  }
0x76: {  	s12 =	simm.s32 @!p1 $0x500;
	s13 =	simm.s32 @!p1 $0xC000;
	[sflag:s5] =	ssyncadd.s32 $0xFFFFF000  }
0x77: {  	[tilespmem:s13], [sflag:$0x2] =	stream.indirect.gather @!p1 [spmem:s3], $0x20, s12, s11, $0xb8;
	[tilespmem:$0x1BD20] =	vst v63  }
0x78: {  	s12 =	simm.s32 @!p1 $0x580;
	s13 =	simm.s32 @!p1 $0xD000  }
0x79: {  	[tilespmem:s13], [sflag:$0x2] =	stream.indirect.gather @!p1 [spmem:s3], $0x20, s12, s11, $0xb8;
	[tilespmem:$0x1BD20] =	vst v63  }
0x7a: {  	_ =	swait.ge [sflag:s7], $0x1000  }
0x7b: {  	[sflag:s7] =	ssyncset.done $0x0  }
0x7c: {  	[sflag:s7] =	ssyncadd.s32 $0xFFFFF000  }
0x7d: {  	p2 =	por $0x0, $0x0;
	_ =	swait.ge [sflag:s7], $0x1000  }
0x7e: {  	s25 =	simm.s32 $0x5300;
	s11 =	simm.s32 $0x1000;
	[sflag:s7] =	ssyncset.done $0x0  }
0x7f: {  	s12 =	simm.s32 $0x2000;
	s13 =	simm.s32 $0x5380;
	[sflag:s7] =	ssyncadd.s32 $0xFFFFF000  }
0x80: {  	[spmem:s1] =	stream.indirect.scatter.add.f32 [tilespmem:s0], [sflag:$0x8], $0x20, s25, s19, $0xb8;
	[tilespmem:$0x1BD20] =	vst v63  }
.LBB2_2:
0x81: {  	s17 =	simm.s32 @!p2 $0x7;
	s14 =	smov.u32 s12;
	s12 =	sadd.s32 $0x1000, s12  }
0x82: {  	[spmem:s1] =	stream.indirect.scatter.add.f32 [tilespmem:s2], [sflag:$0x8], $0x20, s13, s19, $0xb8;
	[tilespmem:$0x1BD20] =	vst v63  }
0x83: {  	p1 =	sne.s32 s12, $0x14000;
	_ =	swait.ge @!p2 [sflag:s17], $0x1000  }
0x84: {  	[sflag:s17] =	ssyncset.done @!p2 $0x0  }
0x85: {  	[sflag:s17] =	ssyncadd.s32 @!p2 $0xFFFFF000  }
0x86: {  	_ =	swait.ge @!p2 [sflag:s17], $0x1000  }
0x87: {  	s13 =	sshra.s32 s11, $0x2;
	[sflag:s17] =	ssyncset.done @!p2 $0x0  }
0x88: {  	[sflag:s17] =	ssyncadd.s32 @!p2 $0xFFFFF000;
	s17 =	sadd.s32 $0x200, s13  }
0x89: {  	[tilespmem:s29], [sflag:$0x3] =	stream.indirect.gather [spmem:s3], $0x20, s17, s19, $0xb8;
	[tilespmem:$0x1BD20] =	vst v63  }
0x8a: {  	s17 =	sadd.s32 $0x280, s13  }
0x8b: {  	[tilespmem:s30], [sflag:$0x3] =	stream.indirect.gather [spmem:s3], $0x20, s17, s19, $0xb8;
	[tilespmem:$0x1BD20] =	vst v63  }
0x8c: {  	_ =	swait.ge [sflag:s31], $0x1000  }
0x8d: {  	[sflag:s31] =	ssyncset.done $0x0  }
0x8e: {  	[sflag:s31] =	ssyncadd.s32 $0xFFFFF000  }
0x8f: {  	_ =	swait.ge [sflag:s31], $0x1000  }
0x90: {  	[sflag:s31] =	ssyncset.done $0x0  }
0x91: {  	s17 =	sadd.s32 $0x5000, s13;
	[sflag:s31] =	ssyncadd.s32 $0xFFFFF000  }
0x92: {  	[spmem:s1] =	stream.indirect.scatter.add.f32 [tilespmem:s20], [sflag:$0x5], $0x20, s17, s19, $0xb8;
	[tilespmem:$0x1BD20] =	vst v63  }
0x93: {  	s18 =	simm.s32 @!p2 $0x8;
	s17 =	sadd.s32 $0x5080, s13  }
0x94: {  	[spmem:s1] =	stream.indirect.scatter.add.f32 [tilespmem:s21], [sflag:$0x5], $0x20, s17, s19, $0xb8;
	[tilespmem:$0x1BD20] =	vst v63  }
0x95: {  	_ =	swait.ge @!p2 [sflag:s18], $0x1000  }
0x96: {  	[sflag:s18] =	ssyncset.done @!p2 $0x0  }
0x97: {  	[sflag:s18] =	ssyncadd.s32 @!p2 $0xFFFFF000  }
0x98: {  	_ =	swait.ge @!p2 [sflag:s18], $0x1000  }
0x99: {  	[sflag:s18] =	ssyncset.done @!p2 $0x0  }
0x9a: {  	s17 =	sadd.s32 $0x300, s13;
	[sflag:s18] =	ssyncadd.s32 @!p2 $0xFFFFF000  }
0x9b: {  	[tilespmem:s0], [sflag:$0x4] =	stream.indirect.gather [spmem:s3], $0x20, s17, s19, $0xb8;
	[tilespmem:$0x1BD20] =	vst v63  }
0x9c: {  	s17 =	sadd.s32 $0x380, s13  }
0x9d: {  	[tilespmem:s2], [sflag:$0x4] =	stream.indirect.gather [spmem:s3], $0x20, s17, s19, $0xb8;
	[tilespmem:$0x1BD20] =	vst v63  }
0x9e: {  	_ =	swait.ge [sflag:s16], $0x1000  }
0x9f: {  	[sflag:s16] =	ssyncset.done $0x0  }
0xa0: {  	[sflag:s16] =	ssyncadd.s32 $0xFFFFF000  }
0xa1: {  	_ =	swait.ge [sflag:s16], $0x1000  }
0xa2: {  	[sflag:s16] =	ssyncset.done $0x0  }
0xa3: {  	s17 =	sadd.s32 $0x5100, s13;
	[sflag:s16] =	ssyncadd.s32 $0xFFFFF000  }
0xa4: {  	[spmem:s1] =	stream.indirect.scatter.add.f32 [tilespmem:s23], [sflag:$0x6], $0x20, s17, s19, $0xb8;
	[tilespmem:$0x1BD20] =	vst v63  }
0xa5: {  	s17 =	sadd.s32 $0x5180, s13  }
0xa6: {  	[spmem:s1] =	stream.indirect.scatter.add.f32 [tilespmem:s28], [sflag:$0x6], $0x20, s17, s19, $0xb8;
	[tilespmem:$0x1BD20] =	vst v63  }
0xa7: {  	_ =	swait.ge [sflag:s22], $0x1000  }
0xa8: {  	[sflag:s22] =	ssyncset.done $0x0  }
0xa9: {  	[sflag:s22] =	ssyncadd.s32 $0xFFFFF000  }
0xaa: {  	p2 =	seq.s32 s11, $0x13000;
	_ =	swait.ge [sflag:s22], $0x1000  }
0xab: {  	s18 =	simm.s32 @!p2 $0x80;
	s17 =	sshra.s32 @!p2 s11, $0x2;
	[sflag:s22] =	ssyncset.done $0x0  }
0xac: {  	s24 =	simm.s32 @!p2 $0xA000;
	s11 =	sadd.s32 @!p2 $0x400, s17;
	[sflag:s22] =	ssyncadd.s32 $0xFFFFF000  }
0xad: {  	[tilespmem:s24], [sflag:$0x1] =	stream.indirect.gather @!p2 [spmem:s3], $0x20, s11, s18, $0xb8;
	[tilespmem:$0x1BD20] =	vst v63  }
0xae: {  	s25 =	simm.s32 @!p2 $0xB000;
	s24 =	sadd.s32 @!p2 $0x480, s17;
	s11 =	smov.u32 s14  }
0xaf: {  	[tilespmem:s25], [sflag:$0x1] =	stream.indirect.gather @!p2 [spmem:s3], $0x20, s24, s18, $0xb8;
	[tilespmem:$0x1BD20] =	vst v63  }
0xb0: {  	_ =	swait.ge [sflag:s26], $0x1000  }
0xb1: {  	[sflag:s26] =	ssyncset.done $0x0  }
0xb2: {  	[sflag:s26] =	ssyncadd.s32 $0xFFFFF000  }
0xb3: {  	_ =	swait.ge [sflag:s26], $0x1000  }
0xb4: {  	[sflag:s26] =	ssyncset.done $0x0  }
0xb5: {  	s14 =	sadd.s32 $0x5200, s13;
	[sflag:s26] =	ssyncadd.s32 $0xFFFFF000  }
0xb6: {  	[spmem:s1] =	stream.indirect.scatter.add.f32 [tilespmem:s29], [sflag:$0x7], $0x20, s14, s19, $0xb8;
	[tilespmem:$0x1BD20] =	vst v63  }
0xb7: {  	s14 =	sadd.s32 $0x5280, s13  }
0xb8: {  	[spmem:s1] =	stream.indirect.scatter.add.f32 [tilespmem:s30], [sflag:$0x7], $0x20, s14, s19, $0xb8;
	[tilespmem:$0x1BD20] =	vst v63  }
0xb9: {  	_ =	swait.ge [sflag:s5], $0x1000  }
0xba: {  	[sflag:s5] =	ssyncset.done $0x0  }
0xbb: {  	[sflag:s5] =	ssyncadd.s32 $0xFFFFF000  }
0xbc: {  	_ =	swait.ge [sflag:s5], $0x1000  }
0xbd: {  	[sflag:s5] =	ssyncset.done $0x0  }
0xbe: {  	s24 =	simm.s32 @!p2 $0xC000;
	s14 =	sadd.s32 @!p2 $0x500, s17;
	[sflag:s5] =	ssyncadd.s32 $0xFFFFF000  }
0xbf: {  	[tilespmem:s24], [sflag:$0x2] =	stream.indirect.gather @!p2 [spmem:s3], $0x20, s14, s18, $0xb8;
	[tilespmem:$0x1BD20] =	vst v63  }
0xc0: {  	s14 =	sadd.s32 @!p2 $0x580, s17;
	s17 =	simm.s32 @!p2 $0xD000  }
0xc1: {  	[tilespmem:s17], [sflag:$0x2] =	stream.indirect.gather @!p2 [spmem:s3], $0x20, s14, s18, $0xb8;
	[tilespmem:$0x1BD20] =	vst v63  }
0xc2: {  	_ =	swait.ge [sflag:s7], $0x1000  }
0xc3: {  	[sflag:s7] =	ssyncset.done $0x0  }
.Ltmp0:
0xc4: {  	[sflag:s7] =	ssyncadd.s32 $0xFFFFF000;
	(pc) =	sbr.rel @p1 .LBB2_2-.Ltmp0, $4  }
0xc5: {  	_ =	swait.ge [sflag:s7], $0x1000  }
0xc6: {  	s14 =	sadd.s32 $0x5300, s13;
	[sflag:s7] =	ssyncset.done $0x0  }
0xc7: {  	p2 =	seq.s32 s11, $0x0;
	s13 =	sadd.s32 $0x5380, s13;
	[sflag:s7] =	ssyncadd.s32 $0xFFFFF000  }
0xc8: {  	[spmem:s1] =	stream.indirect.scatter.add.f32 [tilespmem:s0], [sflag:$0x8], $0x20, s14, s19, $0xb8;
	[tilespmem:$0x1BD20] =	vst v63  }
0xc9: {  	s14 =	simm.s32 @!p2 $0x7  }
0xca: {  	[spmem:s1] =	stream.indirect.scatter.add.f32 [tilespmem:s2], [sflag:$0x8], $0x20, s13, s19, $0xb8;
	[tilespmem:$0x1BD20] =	vst v63  }
0xcb: {  	_ =	swait.ge @!p2 [sflag:s14], $0x1000  }
0xcc: {  	[sflag:s14] =	ssyncset.done @!p2 $0x0  }
0xcd: {  	[sflag:s14] =	ssyncadd.s32 @!p2 $0xFFFFF000  }
0xce: {  	_ =	swait.ge @!p2 [sflag:s14], $0x1000  }
0xcf: {  	s12 =	sshra.s32 s11, $0x2;
	[sflag:s14] =	ssyncset.done @!p2 $0x0  }
0xd0: {  	[sflag:s14] =	ssyncadd.s32 @!p2 $0xFFFFF000;
	s14 =	sadd.s32 $0x200, s12  }
0xd1: {  	[tilespmem:s29], [sflag:$0x3] =	stream.indirect.gather [spmem:s3], $0x20, s14, s19, $0xb8;
	[tilespmem:$0x1BD20] =	vst v63  }
0xd2: {  	s17 =	sadd.s32 $0x280, s12  }
0xd3: {  	[tilespmem:s30], [sflag:$0x3] =	stream.indirect.gather [spmem:s3], $0x20, s17, s19, $0xb8;
	[tilespmem:$0x1BD20] =	vst v63  }
0xd4: {  	_ =	swait.ge [sflag:s31], $0x1000  }
0xd5: {  	[sflag:s31] =	ssyncset.done $0x0  }
0xd6: {  	[sflag:s31] =	ssyncadd.s32 $0xFFFFF000  }
0xd7: {  	_ =	swait.ge [sflag:s31], $0x1000  }
0xd8: {  	[sflag:s31] =	ssyncset.done $0x0  }
0xd9: {  	s18 =	sadd.s32 $0x5000, s12;
	[sflag:s31] =	ssyncadd.s32 $0xFFFFF000  }
0xda: {  	[spmem:s1] =	stream.indirect.scatter.add.f32 [tilespmem:s20], [sflag:$0x5], $0x20, s18, s19, $0xb8;
	[tilespmem:$0x1BD20] =	vst v63  }
0xdb: {  	s24 =	sadd.s32 $0x5080, s12;
	s14 =	simm.s32 @!p2 $0x8  }
0xdc: {  	[spmem:s1] =	stream.indirect.scatter.add.f32 [tilespmem:s21], [sflag:$0x5], $0x20, s24, s19, $0xb8;
	[tilespmem:$0x1BD20] =	vst v63  }
0xdd: {  	_ =	swait.ge @!p2 [sflag:s14], $0x1000  }
0xde: {  	[sflag:s14] =	ssyncset.done @!p2 $0x0  }
0xdf: {  	[sflag:s14] =	ssyncadd.s32 @!p2 $0xFFFFF000  }
0xe0: {  	_ =	swait.ge @!p2 [sflag:s14], $0x1000  }
0xe1: {  	[sflag:s14] =	ssyncset.done @!p2 $0x0  }
0xe2: {  	s25 =	sadd.s32 $0x300, s12;
	[sflag:s14] =	ssyncadd.s32 @!p2 $0xFFFFF000  }
0xe3: {  	[tilespmem:s0], [sflag:$0x4] =	stream.indirect.gather [spmem:s3], $0x20, s25, s19, $0xb8;
	[tilespmem:$0x1BD20] =	vst v63  }
0xe4: {  	s14 =	sadd.s32 $0x380, s12  }
0xe5: {  	[tilespmem:s2], [sflag:$0x4] =	stream.indirect.gather [spmem:s3], $0x20, s14, s19, $0xb8;
	[tilespmem:$0x1BD20] =	vst v63  }
0xe6: {  	_ =	swait.ge [sflag:s16], $0x1000  }
0xe7: {  	[sflag:s16] =	ssyncset.done $0x0  }
0xe8: {  	[sflag:s16] =	ssyncadd.s32 $0xFFFFF000  }
0xe9: {  	_ =	swait.ge [sflag:s16], $0x1000  }
0xea: {  	[sflag:s16] =	ssyncset.done $0x0  }
0xeb: {  	s17 =	sadd.s32 $0x5100, s12;
	[sflag:s16] =	ssyncadd.s32 $0xFFFFF000  }
0xec: {  	[spmem:s1] =	stream.indirect.scatter.add.f32 [tilespmem:s23], [sflag:$0x6], $0x20, s17, s19, $0xb8;
	[tilespmem:$0x1BD20] =	vst v63  }
0xed: {  	s18 =	sadd.s32 $0x5180, s12  }
0xee: {  	[spmem:s1] =	stream.indirect.scatter.add.f32 [tilespmem:s28], [sflag:$0x6], $0x20, s18, s19, $0xb8;
	[tilespmem:$0x1BD20] =	vst v63  }
0xef: {  	_ =	swait.ge [sflag:s22], $0x1000  }
0xf0: {  	[sflag:s22] =	ssyncset.done $0x0  }
0xf1: {  	[sflag:s22] =	ssyncadd.s32 $0xFFFFF000  }
0xf2: {  	p1 =	seq.s32 s11, $0x13000;
	_ =	swait.ge [sflag:s22], $0x1000  }
0xf3: {  	s11 =	sshra.s32 @!p1 s11, $0x2;
	s13 =	simm.s32 @!p1 $0x80;
	[sflag:s22] =	ssyncset.done $0x0  }
0xf4: {  	s14 =	sadd.s32 @!p1 $0x400, s11;
	s17 =	simm.s32 @!p1 $0xA000;
	[sflag:s22] =	ssyncadd.s32 $0xFFFFF000  }
0xf5: {  	[tilespmem:s17], [sflag:$0x1] =	stream.indirect.gather @!p1 [spmem:s3], $0x20, s14, s13, $0xb8;
	[tilespmem:$0x1BD20] =	vst v63  }
0xf6: {  	s14 =	sadd.s32 @!p1 $0x480, s11;
	s17 =	simm.s32 @!p1 $0xB000  }
0xf7: {  	[tilespmem:s17], [sflag:$0x1] =	stream.indirect.gather @!p1 [spmem:s3], $0x20, s14, s13, $0xb8;
	[tilespmem:$0x1BD20] =	vst v63  }
0xf8: {  	_ =	swait.ge [sflag:s26], $0x1000  }
0xf9: {  	[sflag:s26] =	ssyncset.done $0x0  }
0xfa: {  	[sflag:s26] =	ssyncadd.s32 $0xFFFFF000  }
0xfb: {  	_ =	swait.ge [sflag:s26], $0x1000  }
0xfc: {  	[sflag:s26] =	ssyncset.done $0x0  }
0xfd: {  	s24 =	sadd.s32 $0x5200, s12;
	[sflag:s26] =	ssyncadd.s32 $0xFFFFF000  }
0xfe: {  	[spmem:s1] =	stream.indirect.scatter.add.f32 [tilespmem:s29], [sflag:$0x7], $0x20, s24, s19, $0xb8;
	[tilespmem:$0x1BD20] =	vst v63  }
0xff: {  	s25 =	sadd.s32 $0x5280, s12  }
0x100: {  	[spmem:s1] =	stream.indirect.scatter.add.f32 [tilespmem:s30], [sflag:$0x7], $0x20, s25, s19, $0xb8;
	[tilespmem:$0x1BD20] =	vst v63  }
0x101: {  	_ =	swait.ge [sflag:s5], $0x1000  }
0x102: {  	[sflag:s5] =	ssyncset.done $0x0  }
0x103: {  	[sflag:s5] =	ssyncadd.s32 $0xFFFFF000  }
0x104: {  	_ =	swait.ge [sflag:s5], $0x1000  }
0x105: {  	[sflag:s5] =	ssyncset.done $0x0  }
0x106: {  	s14 =	sadd.s32 @!p1 $0x500, s11;
	s17 =	simm.s32 @!p1 $0xC000;
	[sflag:s5] =	ssyncadd.s32 $0xFFFFF000  }
0x107: {  	[tilespmem:s17], [sflag:$0x2] =	stream.indirect.gather @!p1 [spmem:s3], $0x20, s14, s13, $0xb8;
	[tilespmem:$0x1BD20] =	vst v63  }
0x108: {  	s11 =	sadd.s32 @!p1 $0x580, s11;
	s14 =	simm.s32 @!p1 $0xD000  }
0x109: {  	[tilespmem:s14], [sflag:$0x2] =	stream.indirect.gather @!p1 [spmem:s3], $0x20, s11, s13, $0xb8;
	[tilespmem:$0x1BD20] =	vst v63  }
0x10a: {  	_ =	swait.ge [sflag:s7], $0x1000  }
0x10b: {  	[sflag:s7] =	ssyncset.done $0x0  }
0x10c: {  	[sflag:s7] =	ssyncadd.s32 $0xFFFFF000  }
0x10d: {  	_ =	swait.ge [sflag:s7], $0x1000  }
0x10e: {  	[sflag:s7] =	ssyncset.done $0x0  }
0x10f: {  	s14 =	sadd.s32 $0x5300, s12;
	[sflag:s7] =	ssyncadd.s32 $0xFFFFF000  }
0x110: {  	[spmem:s1] =	stream.indirect.scatter.add.f32 [tilespmem:s0], [sflag:$0x8], $0x20, s14, s19, $0xb8;
	[tilespmem:$0x1BD20] =	vst v63  }
0x111: {  	s17 =	sadd.s32 $0x5380, s12  }
0x112: {  	[spmem:s1] =	stream.indirect.scatter.add.f32 [tilespmem:s2], [sflag:$0x8], $0x20, s17, s19, $0xb8;
	[tilespmem:$0x1BD20] =	vst v63  }
0x113: {  	_ =	swait.ge [sflag:s8], $0x1000  }
0x114: {  	[sflag:s8] =	ssyncset.done $0x0  }
0x115: {  	[sflag:s8] =	ssyncadd.s32 $0xFFFFF000  }
0x116: {  	_ =	swait.ge [sflag:s8], $0x1000  }
0x117: {  	[sflag:s8] =	ssyncset.done $0x0  }
0x118: {  	[sflag:s8] =	ssyncadd.s32 $0xFFFFF000  }
0x119: {  	_ =	swait.ge [sflag:s9], $0x1000  }
0x11a: {  	[sflag:s9] =	ssyncset.done $0x0  }
0x11b: {  	[sflag:s9] =	ssyncadd.s32 $0xFFFFF000  }
0x11c: {  	_ =	swait.ge [sflag:s9], $0x1000  }
0x11d: {  	[sflag:s9] =	ssyncset.done $0x0  }
0x11e: {  	[sflag:s9] =	ssyncadd.s32 $0xFFFFF000  }
0x11f: {  	[bflag:$0x0] =	sbarrier.arrive $0xFFFF  }
0x120: {  	s18 =	rddreg [dreg:$0x9]  }
0x121: {  	s24 =	rddreg [dreg:$0xf]  }
0x122: {  	[hbm:s18], [sflag:s6] =	dma.local [spmem:s24], $0x9C0  }
0x123: {  	_ =	swait.ge [sflag:s15], $0x9C0  }
0x124: {  	[sflag:s15] =	ssyncset.done $0x0;
	s11 =	rddreg [dreg:$0xa]  }
0x125: {  	s12 =	rddreg [dreg:$0x10];
	[sflag:s15] =	ssyncadd.s32 $0xFFFFF640  }
0x126: {  	[hbm:s11], [sflag:s6] =	dma.local @!p0 [spmem:s12], $0x40  }
0x127: {  	s11 =	simm.s32 @!p0 $0x9  }
0x128: {  	_ =	swait.ge @!p0 [sflag:s11], $0x40  }
0x129: {  	s10 =	sadd.s32 $0x1, s10;
	s25 =	rddreg [dreg:$0xb]  }
0x12a: {  	p1 =	sne.s32 s10, s25  }
.Ltmp1:
0x12b: {  	_ = 	snop;
	(pc) =	sbr.rel @p1 .LBB2_1-.Ltmp1, $3  }
0x12c: {  	_ =	sdelay $0x1  }
0x12d: {  	[sflag:s11] =	ssyncset.done @!p0 $0x0  }
0x12e: {  	[sflag:s11] =	ssyncadd.s32 @!p0 $0xFFFFFFC0  }
0x12f: {  	_ =	sfence.sel $0x180000  }
0x130: {  	[bflag:$0x0] =	sbarrier.arrive $0xFFFF  }
0x131: {  	_ =	strace $0x9000004D  }
0x132: {  	s0 =	stileid.u32;
	[bflag:$0x2] =	sbarrier.arrive $0xFFFF  }
0x133: {  	p0 =	sne.s32 s0, $0x0;
	s0 =	rddreg [dreg:$0x3]  }
0x134: {  	s0 =	sadd.s32 @!p0 $0x100000, s0  }
0x135: {  	[sflag:s0] =	ssyncadd.tile.s32 @!p0 $0x1;
	_ =	shalt  }
.Lfunc_end2:
_tile_overlayer_lowered:
.L_overlay_start_2:
0x136: {  	(tag) =	ssettag $0x2  }
0x137: {  	s0 =	rddreg [dreg:$0x0];
	s2 =	stileid.u32  }
0x138: {  	s1 =	rddreg [dreg:$0x1];
	p0 =	sne.s32 s2, $0x0  }
0x139: {  	s3 =	rddreg [dreg:$0x2];
	[bflag:$0x3] =	sbarrier.arrive $0xFFFF;
	s2 =	simm.s32 @!p0 $0x1C09  }
0x13a: {  	[timem:s3], [sflag:s2] =	dma.local @!p0 [hbm:s0], s1  }
0x13b: {  	s0 =	simm.s32 @!p0 $0x9  }
0x13c: {  	_ =	swait.ge @!p0 [sflag:s0], s1  }
0x13d: {  	s1 =	ssub.s32 @!p0 $0x0, s1;
	[sflag:s0] =	ssyncset.done @!p0 $0x0  }
0x13e: {  	[sflag:s0] =	ssyncadd.s32 @!p0 s1  }
0x13f: {  	[bflag:$0x3] =	sbarrier.arrive $0xFFFF  }
0x140: {  	_ =	shalt  }

// kernel: kernel.19.cloned.1.call-start
scs
__scs_entry_jumppad:
0x0: {  	(pc) =	sbr.rel $0x88, $3  }
0x1: {  	(tag) =	ssettag $0x0;
	lr =	simm.s32 $0x1  }
0x2: {  	[smem:$0x3F94] =	sst lr;
	_ =	strace $0xD0000000  }
0x3: {  	_ = 	snop  }
0x4: {  	_ = 	snop  }
0x5: {  	_ = 	snop  }
0x6: {  	_ = 	snop  }
0x7: {  	_ = 	snop  }
__scs_overlays_trampoline_lowered:
0x8: {  	[smem:$0x3FA3] =	sst s0  }
0x9: {  	[smem:$0x3FA4] =	sst s1  }
0xa: {  	[smem:$0x3FA5] =	sst s2  }
0xb: {  	[smem:$0x3FA6] =	sst s3  }
0xc: {  	[smem:$0x3FA7] =	sst s4  }
0xd: {  	[smem:$0x3FA8] =	sst s5  }
0xe: {  	[smem:$0x3FA9] =	sst s6  }
0xf: {  	[smem:$0x3FAA] =	sst s7  }
0x10: {  	[smem:$0x3FAB] =	sst s8  }
0x11: {  	[smem:$0x3FAC] =	sst s9;
	s0 =	simm.s32 @!p0 $0x0  }
0x12: {  	s1 =	sld [smem:$0x3F92];
	s0 =	simm.s32 @p0 $0x1  }
0x13: {  	[smem:$0x3FAD] =	sst s0;
	s0 =	simm.s32 @!p1 $0x0  }
0x14: {  	s2 =	sld [smem:$0x3F91];
	s0 =	simm.s32 @p1 $0x1  }
0x15: {  	[smem:$0x3FAE] =	sst s0;
	s0 =	simm.s32 @!p2 $0x0  }
0x16: {  	s3 =	sld [smem:$0x3FDB];
	s0 =	simm.s32 @p2 $0x1  }
0x17: {  	s4 =	simm.s32 $0x1BF5;
	[smem:$0x3FB0] =	sst s0  }
0x18: {  	s0 =	sld [smem:$0x3F93];
	_ =	swait.ge [sflag:s4], $0x0  }
0x19: {  	s7 =	sld [smem:$0x3F94]  }
0x1a: {  	s8 =	sadd.s32 $0xFFFFE003, lr  }
0x1b: {  	s9 =	sadd.s32 $0xFFFFFEF7, lr;
	s5 =	simm.s32 $0xFFFFFFFF;
	p2 =	slt.u32 s8, $0xFFFFF086  }
0x1c: {  	p1 =	slt.u32 s9, $0xF7A;
	s5 =	simm.s32 @!p2 $0x0  }
0x1d: {  	s5 =	simm.s32 @p1 $0x1;
	p0 =	seq.s32 s7, s2  }
0x1e: {  	s7 =	smul.u32 @!p0 $0xF7A, s2;
	p2 =	seq.s32 @!p0 s5, $0x0  }
0x1f: {  	s9 =	smul.u32 $0xF7A, s1;
	s8 =	simm.s32 @!p0 $0x1BF5;
	p2 =	por !p2, p0  }
0x20: {  	[sflag:s8] =	ssyncset.s32 @!p0 $0xFFFFF086;
	s6 =	sadd.s32 @!p0 s3, s7;
	s7 =	simm.s32 @!p0 $0x108  }
0x21: {  	s3 =	sadd.s32 s3, s9;
	s6 =	sadd.s32 @!p0 $0x88, s6;
	s7 =	simm.s32 @p2 $0x1082  }
0x22: {  	[simem:s7], [sflag:s8] =	dma.local @!p0 [hbm:s6], $0xF7A  }
0x23: {  	s9 =	sor.u32 $0xD0000000, s2;
	s6 =	simm.s32 $0x108;
	_ =	swait.ge @!p0 [sflag:s8], $0x0  }
0x24: {  	s3 =	sadd.s32 $0x88, s3;
	s6 =	simm.s32 @!p1 $0x1082;
	[sflag:s4] =	ssyncset.s32 $0xFFFFF086  }
0x25: {  	[simem:s6], [sflag:s4] =	dma.local [hbm:s3], $0xF7A  }
0x26: {  	[smem:$0x3F94] =	sst s1;
	(tag) =	ssettag s2;
	_ =	strace s9  }
0x27: {  	s1 =	sld [smem:$0x3FA4]  }
0x28: {  	s2 =	sld [smem:$0x3FA5]  }
0x29: {  	s4 =	sld [smem:$0x3FA7]  }
0x2a: {  	p0 =	seq.s32 s5, $0x0;
	s5 =	sld [smem:$0x3FA8]  }
0x2b: {  	s6 =	sld [smem:$0x3FA9]  }
0x2c: {  	s7 =	sld [smem:$0x3FAA]  }
0x2d: {  	s3 =	simm.s32 $0x108;
	s8 =	sld [smem:$0x3FAB]  }
0x2e: {  	s3 =	simm.s32 @!p0 $0x1082;
	s9 =	sld [smem:$0x3FAC]  }
0x2f: {  	lr =	sadd.s32 s0, s3;
	s0 =	sld [smem:$0x3FA3]  }
0x30: {  	s3 =	sld [smem:$0x3FA6]  }
0x31: {  	[smem:$0x3FAF] =	sst s10  }
0x32: {  	s10 =	sld [smem:$0x3FAD];
	_ =	sdelay $0x3  }
0x33: {  	p0 =	seq.s32 s10, $0x1;
	s10 =	sld [smem:$0x3FAF];
	_ =	sdelay $0x3  }
0x34: {  	[smem:$0x3FAF] =	sst s10  }
0x35: {  	s10 =	sld [smem:$0x3FAE];
	_ =	sdelay $0x3  }
0x36: {  	p1 =	seq.s32 s10, $0x1;
	s10 =	sld [smem:$0x3FAF];
	_ =	sdelay $0x3  }
0x37: {  	[smem:$0x3FAF] =	sst s10  }
0x38: {  	s10 =	sld [smem:$0x3FB0]  }
0x39: {  	_ = 	snop;
	(pc) =	sbr.ind lr, $3  }
0x3a: {  	_ = 	snop  }
0x3b: {  	_ = 	snop  }
0x3c: {  	p2 =	seq.s32 s10, $0x1;
	s10 =	sld [smem:$0x3FAF]  }
0x3d: {  	_ =	shalt  }
0x3e: {  	_ =	shalt  }
0x3f: {  	_ =	shalt  }
0x40: {  	_ =	shalt  }
0x41: {  	_ =	shalt  }
0x42: {  	_ =	shalt  }
0x43: {  	_ =	shalt  }
0x44: {  	_ =	shalt  }
0x45: {  	_ =	shalt  }
0x46: {  	_ =	shalt  }
0x47: {  	_ =	shalt  }
0x48: {  	_ =	shalt  }
0x49: {  	_ =	shalt  }
0x4a: {  	_ =	shalt  }
0x4b: {  	_ =	shalt  }
0x4c: {  	_ =	shalt  }
0x4d: {  	_ =	shalt  }
0x4e: {  	_ =	shalt  }
0x4f: {  	_ =	shalt  }
0x50: {  	_ =	shalt  }
0x51: {  	_ =	shalt  }
0x52: {  	_ =	shalt  }
0x53: {  	_ =	shalt  }
0x54: {  	_ =	shalt  }
0x55: {  	_ =	shalt  }
0x56: {  	_ =	shalt  }
0x57: {  	_ =	shalt  }
0x58: {  	_ =	shalt  }
0x59: {  	_ =	shalt  }
0x5a: {  	_ =	shalt  }
0x5b: {  	_ =	shalt  }
0x5c: {  	_ =	shalt  }
0x5d: {  	_ =	shalt  }
0x5e: {  	_ =	shalt  }
0x5f: {  	_ =	shalt  }
0x60: {  	_ =	shalt  }
0x61: {  	_ =	shalt  }
0x62: {  	_ =	shalt  }
0x63: {  	_ =	shalt  }
0x64: {  	_ =	shalt  }
0x65: {  	_ =	shalt  }
0x66: {  	_ =	shalt  }
0x67: {  	_ =	shalt  }
0x68: {  	_ =	shalt  }
0x69: {  	_ =	shalt  }
0x6a: {  	_ =	shalt  }
0x6b: {  	_ =	shalt  }
0x6c: {  	_ =	shalt  }
0x6d: {  	_ =	shalt  }
0x6e: {  	_ =	shalt  }
0x6f: {  	_ =	shalt  }
0x70: {  	_ =	shalt  }
0x71: {  	_ =	shalt  }
0x72: {  	_ =	shalt  }
0x73: {  	_ =	shalt  }
0x74: {  	_ =	shalt  }
0x75: {  	_ =	shalt  }
0x76: {  	_ =	shalt  }
0x77: {  	_ =	shalt  }
0x78: {  	_ =	shalt  }
0x79: {  	_ =	shalt  }
0x7a: {  	_ =	shalt  }
0x7b: {  	_ =	shalt  }
0x7c: {  	_ =	shalt  }
0x7d: {  	_ =	shalt  }
0x7e: {  	_ =	shalt  }
0x7f: {  	_ =	shalt  }
0x80: {  	_ =	shalt  }
0x81: {  	_ =	shalt  }
0x82: {  	_ =	shalt  }
0x83: {  	_ =	shalt  }
0x84: {  	_ =	shalt  }
0x85: {  	_ =	shalt  }
0x86: {  	_ =	shalt  }
0x87: {  	_ =	shalt  }
.Lfunc_end0:
.L_simem_size_0:
called_computation.3_lowered:
.L_overlay_start_0:
0x88: {  	s2 =	sld [smem:$0x3FD9]  }
0x89: {  	s3 =	sld [smem:$0x3FFE];
	_ =	sdelay $0x1  }
0x8a: {  	s1 =	srdreg.scid  }
0x8b: {  	s0 =	sand.u32 $0x1, s1  }
0x8c: {  	s16 =	sshll.u32 s0, $0xA;
	s2 =	sadd.s32 s3, s2  }
0x8d: {  	s2 =	sadd.s32 s2, s16  }
0x8e: {  	[smem:$0x3FBB] =	sst s2  }
0x8f: {  	_ = 	snop  }
0x90: {  	(tm) =	ssettm $0x1  }
0x91: {  	s17 =	sld [smem:$0x3FFB];
	_ =	sdelay $0x3  }
0x92: {  	_ =	strace s17  }
0x93: {  	s2 =	sld [smem:$0x3FFC];
	_ =	sdelay $0x3  }
0x94: {  	_ =	strace s2  }
0x95: {  	s2 =	sld [smem:$0x3FFD];
	_ =	sdelay $0x3  }
0x96: {  	_ =	strace s2  }
0x97: {  	_ =	strace $0x8FFFFFFF  }
0x98: {  	s18 =	sld [smem:$0x3FDB];
	_ =	sdelay $0x1  }
0x99: {  	s19 =	simm.s32 $_scs_section_size  }
0x9a: {  	s4 =	simm.s32 $_size__tile_overlayer_lowered;
	s5 =	simm.s32 $_tile_overlayer_lowered  }
0x9b: {  	s22 =	simm.s32 $0x1BFF;
	s21 =	sshll.u32 s5, $0x1;
	s2 =	sadd.s32 s19, s18  }
0x9c: {  	s6 =	simm.s32 $0x0;
	s20 =	sshll.u32 s4, $0x1;
	s4 =	sadd.s32 s21, s2  }
0x9d: {  	[timem:s6], [sflag:s22] =	dma.local [hbm:s4], s20  }
0x9e: {  	_ =	swait.ge [sflag:s22], s20  }
0x9f: {  	s3 =	ssub.s32 $0x0, s20;
	[sflag:s22] =	ssyncset.done $0x0  }
0xa0: {  	[sflag:s22] =	ssyncadd.s32 s3;
	_ =	sdelay $0x1  }
0xa1: {  	s23 =	simm.s32 $0x1B8B  }
0xa2: {  	_ =	swait.ge [sflag:s23], $0x1  }
0xa3: {  	[sflag:s23] =	ssyncset.done $0x0  }
0xa4: {  	s25 =	simm.s32 $0x1B8E;
	s24 =	sld [smem:$0x3FFE];
	[sflag:s23] =	ssyncadd.s32 $0xFFFFFFFF  }
0xa5: {  	s26 =	simm.s32 $execute0_lowered;
	[smem:$0x3FD2] =	sst s25  }
0xa6: {  	s4 =	sshll.u32 s26, $0x1;
	_ =	strace $0x8000004F;
	[dreg:$0x1] =	wrdreg $0xFFFFFFFF  }
0xa7: {  	s28 =	simm.s32 $_size_execute0_lowered;
	s2 =	sadd.s32 s2, s4;
	[dreg:$0x0] =	wrdreg $0x0  }
0xa8: {  	s4 =	sshll.u32 s28, $0x1;
	[dreg:$0x2] =	wrdreg s2  }
0xa9: {  	[dreg:$0x3] =	wrdreg s4  }
0xaa: {  	[dreg:$0x4] =	wrdreg $0xC0  }
0xab: {  	_ =	task [dreg:s6], $0x5FFFF  }
0xac: {  	[dreg:$0x1] =	wrdreg $0xFFFFFFFF  }
0xad: {  	[dreg:$0x0] =	wrdreg $0x60  }
0xae: {  	[dreg:$0x2] =	wrdreg s24  }
0xaf: {  	[dreg:$0x3] =	wrdreg $0x120000  }
0xb0: {  	[dreg:$0x4] =	wrdreg $0x16F000  }
0xb1: {  	[dreg:$0x5] =	wrdreg $0x9  }
0xb2: {  	_ =	task.clear_ibuf [dreg:s6], $0x6FFFF;
	_ =	strace $0x9000004F  }
0xb3: {  	s29 =	simm.s32 $0x9;
	_ =	strace $0x80000051  }
0xb4: {  	_ =	swait.ge [sflag:s29], $0x1  }
0xb5: {  	[sflag:s29] =	ssyncadd.s32 $0xFFFFFFFF  }
0xb6: {  	_ =	strace $0x90000051  }
0xb7: {  	_ =	sfence  }
0xb8: {  	s30 =	sld [smem:$0x0];
	_ =	sdelay $0x2  }
0xb9: {  	s31 =	sshll.u32 s1, $0xD;
	s1 =	sshrl.u32 s1, $0x2  }
0xba: {  	s3 =	sand.u32 $0x4000, s31;
	s1 =	sadd.s32 s1, s30  }
0xbb: {  	s0 =	sor.u32 s3, s0;
	s1 =	sshll.u32 s1, $0x11  }
0xbc: {  	s0 =	sor.u32 s1, s0  }
0xbd: {  	s0 =	sadd.s32 $0x8F2B, s0  }
0xbe: {  	[sflag:s0] =	ssyncadd.remote.s32 $0x1  }
0xbf: {  	_ =	sfence.sel $0xFFFF  }
0xc0: {  	[dreg:$0x0] =	wrdreg $0xFFFFFFFF;
	(pc) =	sbr.abs _section_cstart, $3  }
0xc1: {  	[dreg:$0x1] =	wrdreg $0xFFFFFFFF  }
0xc2: {  	_ =	task.clear_ibuf [dreg:s6], $0x2FFFF;
	_ =	strace $0x9FFFFFFF  }
0xc3: {  	(tm) =	ssettm $0x7FFFFFFF  }
tec
execute0_lowered:
.L_overlay_start_1:
0x0: {  	(tag) =	ssettag $0x1  }
0x1: {  	s0 =	rddreg [dreg:$0x0]  }
0x2: {  	s1 =	rddreg [dreg:$0x1]  }
0x3: {  	s3 =	rddreg [dreg:$0x2];
	s4 =	simm.s32 $0x0;
	s13 =	stileid.u32  }
0x4: {  	s5 =	srdreg.scid;
	s15 =	simm.s32 $0x9;
	s23 =	simm.s32 $0xC000  }
0x5: {  	s28 =	simm.s32 $0xD000;
	s29 =	simm.s32 $0xE000;
	s30 =	simm.s32 $0xF000  }
0x6: {  	s31 =	simm.s32 $0x1;
	[smem:$0x7FF] =	sst s4;
	s2 =	smul.u32 $0xA00, s13  }
0x7: {  	s5 =	sand.u32 $0x1, s5;
	s7 =	sadd.s32 $0x96400, s0;
	s9 =	smul.u32 $0x13C00, s13  }
0x8: {  	s8 =	sadd.s32 $0xCA00, s0;
	s10 =	smul.u32 $0x4E00, s13;
	s18 =	sshll.u32 s13, $0x6  }
0x9: {  	p0 =	sne.s32 s13, $0xF;
	_ =	strace $0x80000050;
	s6 =	ssub.s32 $0x2, s5  }
0xa: {  	[dreg:$0x4] =	wrdreg s8;
	s5 =	smul.u32 $0x4E200, s5;
	s2 =	sadd.s32 s2, s0  }
0xb: {  	s16 =	sshrl.u32 s6, $0x1;
	s0 =	sadd.s32 $0xA9E00, s0;
	s17 =	sshrl.u32 s9, $0x2  }
0xc: {  	s21 =	sadd.s32 s10, s3;
	s22 =	sadd.s32 s10, s1;
	s9 =	simm.s32 $0x8  }
0xd: {  	s8 =	ssub.s32 s6, s16;
	s11 =	sadd.s32 s17, s1;
	s6 =	sor.u32 $0x1C09, s18  }
0xe: {  	s19 =	sadd.s32 $0x17000, s2;
	s2 =	sadd.s32 $0x2A00, s2;
	s20 =	sadd.s32 s10, s5  }
0xf: {  	s5 =	sshrl.u32 s5, $0x3;
	s26 =	sshrl.u32 s21, $0x3;
	[dreg:$0x5] =	wrdreg s19  }
0x10: {  	s21 =	simm.s32 $0xB000;
	s16 =	simm.s32 $0x2;
	[dreg:$0x6] =	wrdreg s2  }
0x11: {  	s10 =	simm.s32 $0x0;
	s24 =	smax.u32 s8, $0x1;
	[dreg:$0xd] =	wrdreg s26  }
0x12: {  	s2 =	sshrl.u32 s20, $0x3;
	s25 =	sshrl.u32 s11, $0x3;
	[dreg:$0xb] =	wrdreg s24  }
0x13: {  	s5 =	sadd.s32 $0x9C00, s5;
	s12 =	sadd.s32 s7, s2;
	[dreg:$0xc] =	wrdreg s25  }
0x14: {  	s19 =	simm.s32 $0x80;
	s7 =	sadd.s32 s7, s5;
	[dreg:$0x7] =	wrdreg s12  }
0x15: {  	s20 =	simm.s32 $0xA000;
	s2 =	sadd.s32 s0, s2;
	[dreg:$0x8] =	wrdreg s7  }
0x16: {  	s26 =	simm.s32 $0x3;
	s0 =	sadd.s32 s0, s5;
	[dreg:$0x9] =	wrdreg s2  }
0x17: {  	s8 =	simm.s32 $0x7;
	s12 =	sadd.s32 $0x4E000, s3;
	[dreg:$0xa] =	wrdreg s0  }
0x18: {  	s0 =	sadd.s32 $0x4E000, s1;
	s2 =	sshrl.u32 s22, $0x3;
	s22 =	simm.s32 $0x5  }
0x19: {  	s7 =	simm.s32 $0x4;
	s5 =	sshrl.u32 @!p0 s12, $0x3;
	[dreg:$0xf] =	wrdreg s2  }
0x1a: {  	s0 =	sshrl.u32 @!p0 s0, $0x3;
	s2 =	simm.s32 $0x11000;
	[dreg:$0xe] =	wrdreg s5  }
0x1b: {  	[dreg:$0x10] =	wrdreg s0;
	s0 =	simm.s32 $0x10000;
	s5 =	simm.s32 $0x6  }
.LBB2_1:
0x1c: {  	s11 =	rddreg [dreg:$0x4]  }
0x1d: {  	s12 =	rddreg [dreg:$0xc]  }
0x1e: {  	[spmem:s12], [sflag:s6] =	dma.local [hbm:s11], $0x9E0  }
0x1f: {  	_ =	swait.ge [sflag:s15], $0x9E0  }
0x20: {  	[sflag:s15] =	ssyncset.done $0x0  }
0x21: {  	s14 =	rddreg [dreg:$0x5];
	[sflag:s15] =	ssyncadd.s32 $0xFFFFF620  }
0x22: {  	[tilespmem:s4], [sflag:$0x9] =	stream.linear.gather [hbm4b:s14+s4], $0x5000, $0x38;
	[tilespmem:$0x1BD20] =	vst v63  }
0x23: {  	_ =	swait.ge [sflag:s15], $0x5000  }
0x24: {  	[sflag:s15] =	ssyncset.done $0x0  }
0x25: {  	s18 =	simm.s32 $0x5000;
	s17 =	rddreg [dreg:$0x6];
	[sflag:s15] =	ssyncadd.s32 $0xFFFFB000  }
0x26: {  	[tilespmem:s18], [sflag:$0x9] =	stream.linear.gather [hbm4b:s17+s4], $0x5000, $0x38;
	[tilespmem:$0x1BD20] =	vst v63  }
0x27: {  	_ =	swait.ge [sflag:s15], $0x5000  }
0x28: {  	[sflag:s15] =	ssyncset.done $0x0;
	s24 =	rddreg [dreg:$0x7]  }
0x29: {  	s25 =	rddreg [dreg:$0xd];
	[sflag:s15] =	ssyncadd.s32 $0xFFFFB000  }
0x2a: {  	[spmem:s25], [sflag:s6] =	dma.local [hbm:s24], $0x9C0  }
0x2b: {  	_ =	swait.ge [sflag:s15], $0x9C0  }
0x2c: {  	[sflag:s15] =	ssyncset.done $0x0;
	s11 =	rddreg [dreg:$0x8]  }
0x2d: {  	s12 =	rddreg [dreg:$0xe];
	[sflag:s15] =	ssyncadd.s32 $0xFFFFF640  }
0x2e: {  	[spmem:s12], [sflag:s6] =	dma.local @!p0 [hbm:s11], $0x40  }
0x2f: {  	s11 =	simm.s32 @!p0 $0x9  }
0x30: {  	_ =	swait.ge @!p0 [sflag:s11], $0x40  }
0x31: {  	[sflag:s11] =	ssyncset.done @!p0 $0x0  }
0x32: {  	[sflag:s11] =	ssyncadd.s32 @!p0 $0xFFFFFFC0  }
0x33: {  	[bflag:$0x0] =	sbarrier.arrive $0xFFFF  }
0x34: {  	[tilespmem:s20], [sflag:$0x1] =	stream.indirect.gather [spmem:s3], $0x20, s4, s19, $0xb8;
	[tilespmem:$0x1BD20] =	vst v63  }
0x35: {  	_ = 	snop  }
0x36: {  	[tilespmem:s21], [sflag:$0x1] =	stream.indirect.gather [spmem:s3], $0x20, s19, s19, $0xb8;
	[tilespmem:$0x1BD20] =	vst v63  }
0x37: {  	s13 =	simm.s32 $0x100;
	p1 =	por $0x1, $0x1  }
0x38: {  	[tilespmem:s23], [sflag:$0x2] =	stream.indirect.gather [spmem:s3], $0x20, s13, s19, $0xb8;
	[tilespmem:$0x1BD20] =	vst v63  }
0x39: {  	s14 =	simm.s32 $0x180;
	s11 =	simm.s32 @!p1 $0x7  }
0x3a: {  	[tilespmem:s28], [sflag:$0x2] =	stream.indirect.gather [spmem:s3], $0x20, s14, s19, $0xb8;
	[tilespmem:$0x1BD20] =	vst v63  }
0x3b: {  	_ =	swait.ge @!p1 [sflag:s11], $0x1000  }
0x3c: {  	[sflag:s11] =	ssyncset.done @!p1 $0x0  }
0x3d: {  	[sflag:s11] =	ssyncadd.s32 @!p1 $0xFFFFF000  }
0x3e: {  	_ =	swait.ge @!p1 [sflag:s11], $0x1000  }
0x3f: {  	[sflag:s11] =	ssyncset.done @!p1 $0x0  }
0x40: {  	s17 =	simm.s32 $0x200;
	[sflag:s11] =	ssyncadd.s32 @!p1 $0xFFFFF000  }
0x41: {  	[tilespmem:s29], [sflag:$0x3] =	stream.indirect.gather [spmem:s3], $0x20, s17, s19, $0xb8;
	[tilespmem:$0x1BD20] =	vst v63  }
0x42: {  	s18 =	simm.s32 $0x280  }
0x43: {  	[tilespmem:s30], [sflag:$0x3] =	stream.indirect.gather [spmem:s3], $0x20, s18, s19, $0xb8;
	[tilespmem:$0x1BD20] =	vst v63  }
0x44: {  	_ =	swait.ge [sflag:s31], $0x1000  }
0x45: {  	[sflag:s31] =	ssyncset.done $0x0  }
0x46: {  	[sflag:s31] =	ssyncadd.s32 $0xFFFFF000  }
0x47: {  	_ =	swait.ge [sflag:s31], $0x1000  }
0x48: {  	[sflag:s31] =	ssyncset.done $0x0  }
0x49: {  	s24 =	simm.s32 $0x5000;
	[sflag:s31] =	ssyncadd.s32 $0xFFFFF000  }
0x4a: {  	[spmem:s1] =	stream.indirect.scatter.add.f32 [tilespmem:s20], [sflag:$0x5], $0x20, s24, s19, $0xb8;
	[tilespmem:$0x1BD20] =	vst v63  }
0x4b: {  	s25 =	simm.s32 $0x5080;
	s12 =	simm.s32 @!p1 $0x8  }
0x4c: {  	[spmem:s1] =	stream.indirect.scatter.add.f32 [tilespmem:s21], [sflag:$0x5], $0x20, s25, s19, $0xb8;
	[tilespmem:$0x1BD20] =	vst v63  }
0x4d: {  	_ =	swait.ge @!p1 [sflag:s12], $0x1000  }
0x4e: {  	[sflag:s12] =	ssyncset.done @!p1 $0x0  }
0x4f: {  	[sflag:s12] =	ssyncadd.s32 @!p1 $0xFFFFF000  }
0x50: {  	_ =	swait.ge @!p1 [sflag:s12], $0x1000  }
0x51: {  	[sflag:s12] =	ssyncset.done @!p1 $0x0  }
0x52: {  	[sflag:s12] =	ssyncadd.s32 @!p1 $0xFFFFF000;
	s12 =	simm.s32 $0x300  }
0x53: {  	[tilespmem:s0], [sflag:$0x4] =	stream.indirect.gather [spmem:s3], $0x20, s12, s19, $0xb8;
	[tilespmem:$0x1BD20] =	vst v63  }
0x54: {  	s13 =	simm.s32 $0x380  }
0x55: {  	[tilespmem:s2], [sflag:$0x4] =	stream.indirect.gather [spmem:s3], $0x20, s13, s19, $0xb8;
	[tilespmem:$0x1BD20] =	vst v63  }
0x56: {  	_ =	swait.ge [sflag:s16], $0x1000  }
0x57: {  	[sflag:s16] =	ssyncset.done $0x0  }
0x58: {  	[sflag:s16] =	ssyncadd.s32 $0xFFFFF000  }
0x59: {  	_ =	swait.ge [sflag:s16], $0x1000  }
0x5a: {  	[sflag:s16] =	ssyncset.done $0x0  }
0x5b: {  	s14 =	simm.s32 $0x5100;
	[sflag:s16] =	ssyncadd.s32 $0xFFFFF000  }
0x5c: {  	[spmem:s1] =	stream.indirect.scatter.add.f32 [tilespmem:s23], [sflag:$0x6], $0x20, s14, s19, $0xb8;
	[tilespmem:$0x1BD20] =	vst v63  }
0x5d: {  	s17 =	simm.s32 $0x5180  }
0x5e: {  	[spmem:s1] =	stream.indirect.scatter.add.f32 [tilespmem:s28], [sflag:$0x6], $0x20, s17, s19, $0xb8;
	[tilespmem:$0x1BD20] =	vst v63  }
0x5f: {  	_ =	swait.ge [sflag:s22], $0x1000  }
0x60: {  	[sflag:s22] =	ssyncset.done $0x0  }
0x61: {  	[sflag:s22] =	ssyncadd.s32 $0xFFFFF000  }
0x62: {  	p1 =	por $0x0, $0x0;
	_ =	swait.ge [sflag:s22], $0x1000  }
0x63: {  	s11 =	simm.s32 @!p1 $0x80;
	[sflag:s22] =	ssyncset.done $0x0  }
0x64: {  	s12 =	simm.s32 @!p1 $0x400;
	s13 =	simm.s32 @!p1 $0xA000;
	[sflag:s22] =	ssyncadd.s32 $0xFFFFF000  }
0x65: {  	[tilespmem:s13], [sflag:$0x1] =	stream.indirect.gather @!p1 [spmem:s3], $0x20, s12, s11, $0xb8;
	[tilespmem:$0x1BD20] =	vst v63  }
0x66: {  	s12 =	simm.s32 @!p1 $0x480;
	s13 =	simm.s32 @!p1 $0xB000  }
0x67: {  	[tilespmem:s13], [sflag:$0x1] =	stream.indirect.gather @!p1 [spmem:s3], $0x20, s12, s11, $0xb8;
	[tilespmem:$0x1BD20] =	vst v63  }
0x68: {  	_ =	swait.ge [sflag:s26], $0x1000  }
0x69: {  	[sflag:s26] =	ssyncset.done $0x0  }
0x6a: {  	[sflag:s26] =	ssyncadd.s32 $0xFFFFF000  }
0x6b: {  	_ =	swait.ge [sflag:s26], $0x1000  }
0x6c: {  	[sflag:s26] =	ssyncset.done $0x0  }
0x6d: {  	s18 =	simm.s32 $0x5200;
	[sflag:s26] =	ssyncadd.s32 $0xFFFFF000  }
0x6e: {  	[spmem:s1] =	stream.indirect.scatter.add.f32 [tilespmem:s29], [sflag:$0x7], $0x20, s18, s19, $0xb8;
	[tilespmem:$0x1BD20] =	vst v63  }
0x6f: {  	s24 =	simm.s32 $0x5280  }
0x70: {  	[spmem:s1] =	stream.indirect.scatter.add.f32 [tilespmem:s30], [sflag:$0x7], $0x20, s24, s19, $0xb8;
	[tilespmem:$0x1BD20] =	vst v63  }
0x71: {  	_ =	swait.ge [sflag:s5], $0x1000  }
0x72: {  	[sflag:s5] =	ssyncset.done $0x0  }
0x73: {  	[sflag:s5] =	ssyncadd.s32 $0xFFFFF000  }
0x74: {  	_ =	swait.ge [sflag:s5], $0x1000  }
0x75: {  	[sflag:s5] =	ssyncset.done $0x0  }
0x76: {  	s12 =	simm.s32 @!p1 $0x500;
	s13 =	simm.s32 @!p1 $0xC000;
	[sflag:s5] =	ssyncadd.s32 $0xFFFFF000  }
0x77: {  	[tilespmem:s13], [sflag:$0x2] =	stream.indirect.gather @!p1 [spmem:s3], $0x20, s12, s11, $0xb8;
	[tilespmem:$0x1BD20] =	vst v63  }
0x78: {  	s12 =	simm.s32 @!p1 $0x580;
	s13 =	simm.s32 @!p1 $0xD000  }
0x79: {  	[tilespmem:s13], [sflag:$0x2] =	stream.indirect.gather @!p1 [spmem:s3], $0x20, s12, s11, $0xb8;
	[tilespmem:$0x1BD20] =	vst v63  }
0x7a: {  	_ =	swait.ge [sflag:s7], $0x1000  }
0x7b: {  	[sflag:s7] =	ssyncset.done $0x0  }
0x7c: {  	[sflag:s7] =	ssyncadd.s32 $0xFFFFF000  }
0x7d: {  	p2 =	por $0x0, $0x0;
	_ =	swait.ge [sflag:s7], $0x1000  }
0x7e: {  	s25 =	simm.s32 $0x5300;
	s11 =	simm.s32 $0x1000;
	[sflag:s7] =	ssyncset.done $0x0  }
0x7f: {  	s12 =	simm.s32 $0x2000;
	s13 =	simm.s32 $0x5380;
	[sflag:s7] =	ssyncadd.s32 $0xFFFFF000  }
0x80: {  	[spmem:s1] =	stream.indirect.scatter.add.f32 [tilespmem:s0], [sflag:$0x8], $0x20, s25, s19, $0xb8;
	[tilespmem:$0x1BD20] =	vst v63  }
.LBB2_2:
0x81: {  	s17 =	simm.s32 @!p2 $0x7;
	s14 =	smov.u32 s12;
	s12 =	sadd.s32 $0x1000, s12  }
0x82: {  	[spmem:s1] =	stream.indirect.scatter.add.f32 [tilespmem:s2], [sflag:$0x8], $0x20, s13, s19, $0xb8;
	[tilespmem:$0x1BD20] =	vst v63  }
0x83: {  	p1 =	sne.s32 s12, $0x14000;
	_ =	swait.ge @!p2 [sflag:s17], $0x1000  }
0x84: {  	[sflag:s17] =	ssyncset.done @!p2 $0x0  }
0x85: {  	[sflag:s17] =	ssyncadd.s32 @!p2 $0xFFFFF000  }
0x86: {  	_ =	swait.ge @!p2 [sflag:s17], $0x1000  }
0x87: {  	s13 =	sshra.s32 s11, $0x2;
	[sflag:s17] =	ssyncset.done @!p2 $0x0  }
0x88: {  	[sflag:s17] =	ssyncadd.s32 @!p2 $0xFFFFF000;
	s17 =	sadd.s32 $0x200, s13  }
0x89: {  	[tilespmem:s29], [sflag:$0x3] =	stream.indirect.gather [spmem:s3], $0x20, s17, s19, $0xb8;
	[tilespmem:$0x1BD20] =	vst v63  }
0x8a: {  	s17 =	sadd.s32 $0x280, s13  }
0x8b: {  	[tilespmem:s30], [sflag:$0x3] =	stream.indirect.gather [spmem:s3], $0x20, s17, s19, $0xb8;
	[tilespmem:$0x1BD20] =	vst v63  }
0x8c: {  	_ =	swait.ge [sflag:s31], $0x1000  }
0x8d: {  	[sflag:s31] =	ssyncset.done $0x0  }
0x8e: {  	[sflag:s31] =	ssyncadd.s32 $0xFFFFF000  }
0x8f: {  	_ =	swait.ge [sflag:s31], $0x1000  }
0x90: {  	[sflag:s31] =	ssyncset.done $0x0  }
0x91: {  	s17 =	sadd.s32 $0x5000, s13;
	[sflag:s31] =	ssyncadd.s32 $0xFFFFF000  }
0x92: {  	[spmem:s1] =	stream.indirect.scatter.add.f32 [tilespmem:s20], [sflag:$0x5], $0x20, s17, s19, $0xb8;
	[tilespmem:$0x1BD20] =	vst v63  }
0x93: {  	s18 =	simm.s32 @!p2 $0x8;
	s17 =	sadd.s32 $0x5080, s13  }
0x94: {  	[spmem:s1] =	stream.indirect.scatter.add.f32 [tilespmem:s21], [sflag:$0x5], $0x20, s17, s19, $0xb8;
	[tilespmem:$0x1BD20] =	vst v63  }
0x95: {  	_ =	swait.ge @!p2 [sflag:s18], $0x1000  }
0x96: {  	[sflag:s18] =	ssyncset.done @!p2 $0x0  }
0x97: {  	[sflag:s18] =	ssyncadd.s32 @!p2 $0xFFFFF000  }
0x98: {  	_ =	swait.ge @!p2 [sflag:s18], $0x1000  }
0x99: {  	[sflag:s18] =	ssyncset.done @!p2 $0x0  }
0x9a: {  	s17 =	sadd.s32 $0x300, s13;
	[sflag:s18] =	ssyncadd.s32 @!p2 $0xFFFFF000  }
0x9b: {  	[tilespmem:s0], [sflag:$0x4] =	stream.indirect.gather [spmem:s3], $0x20, s17, s19, $0xb8;
	[tilespmem:$0x1BD20] =	vst v63  }
0x9c: {  	s17 =	sadd.s32 $0x380, s13  }
0x9d: {  	[tilespmem:s2], [sflag:$0x4] =	stream.indirect.gather [spmem:s3], $0x20, s17, s19, $0xb8;
	[tilespmem:$0x1BD20] =	vst v63  }
0x9e: {  	_ =	swait.ge [sflag:s16], $0x1000  }
0x9f: {  	[sflag:s16] =	ssyncset.done $0x0  }
0xa0: {  	[sflag:s16] =	ssyncadd.s32 $0xFFFFF000  }
0xa1: {  	_ =	swait.ge [sflag:s16], $0x1000  }
0xa2: {  	[sflag:s16] =	ssyncset.done $0x0  }
0xa3: {  	s17 =	sadd.s32 $0x5100, s13;
	[sflag:s16] =	ssyncadd.s32 $0xFFFFF000  }
0xa4: {  	[spmem:s1] =	stream.indirect.scatter.add.f32 [tilespmem:s23], [sflag:$0x6], $0x20, s17, s19, $0xb8;
	[tilespmem:$0x1BD20] =	vst v63  }
0xa5: {  	s17 =	sadd.s32 $0x5180, s13  }
0xa6: {  	[spmem:s1] =	stream.indirect.scatter.add.f32 [tilespmem:s28], [sflag:$0x6], $0x20, s17, s19, $0xb8;
	[tilespmem:$0x1BD20] =	vst v63  }
0xa7: {  	_ =	swait.ge [sflag:s22], $0x1000  }
0xa8: {  	[sflag:s22] =	ssyncset.done $0x0  }
0xa9: {  	[sflag:s22] =	ssyncadd.s32 $0xFFFFF000  }
0xaa: {  	p2 =	seq.s32 s11, $0x13000;
	_ =	swait.ge [sflag:s22], $0x1000  }
0xab: {  	s18 =	simm.s32 @!p2 $0x80;
	s17 =	sshra.s32 @!p2 s11, $0x2;
	[sflag:s22] =	ssyncset.done $0x0  }
0xac: {  	s24 =	simm.s32 @!p2 $0xA000;
	s11 =	sadd.s32 @!p2 $0x400, s17;
	[sflag:s22] =	ssyncadd.s32 $0xFFFFF000  }
0xad: {  	[tilespmem:s24], [sflag:$0x1] =	stream.indirect.gather @!p2 [spmem:s3], $0x20, s11, s18, $0xb8;
	[tilespmem:$0x1BD20] =	vst v63  }
0xae: {  	s25 =	simm.s32 @!p2 $0xB000;
	s24 =	sadd.s32 @!p2 $0x480, s17;
	s11 =	smov.u32 s14  }
0xaf: {  	[tilespmem:s25], [sflag:$0x1] =	stream.indirect.gather @!p2 [spmem:s3], $0x20, s24, s18, $0xb8;
	[tilespmem:$0x1BD20] =	vst v63  }
0xb0: {  	_ =	swait.ge [sflag:s26], $0x1000  }
0xb1: {  	[sflag:s26] =	ssyncset.done $0x0  }
0xb2: {  	[sflag:s26] =	ssyncadd.s32 $0xFFFFF000  }
0xb3: {  	_ =	swait.ge [sflag:s26], $0x1000  }
0xb4: {  	[sflag:s26] =	ssyncset.done $0x0  }
0xb5: {  	s14 =	sadd.s32 $0x5200, s13;
	[sflag:s26] =	ssyncadd.s32 $0xFFFFF000  }
0xb6: {  	[spmem:s1] =	stream.indirect.scatter.add.f32 [tilespmem:s29], [sflag:$0x7], $0x20, s14, s19, $0xb8;
	[tilespmem:$0x1BD20] =	vst v63  }
0xb7: {  	s14 =	sadd.s32 $0x5280, s13  }
0xb8: {  	[spmem:s1] =	stream.indirect.scatter.add.f32 [tilespmem:s30], [sflag:$0x7], $0x20, s14, s19, $0xb8;
	[tilespmem:$0x1BD20] =	vst v63  }
0xb9: {  	_ =	swait.ge [sflag:s5], $0x1000  }
0xba: {  	[sflag:s5] =	ssyncset.done $0x0  }
0xbb: {  	[sflag:s5] =	ssyncadd.s32 $0xFFFFF000  }
0xbc: {  	_ =	swait.ge [sflag:s5], $0x1000  }
0xbd: {  	[sflag:s5] =	ssyncset.done $0x0  }
0xbe: {  	s24 =	simm.s32 @!p2 $0xC000;
	s14 =	sadd.s32 @!p2 $0x500, s17;
	[sflag:s5] =	ssyncadd.s32 $0xFFFFF000  }
0xbf: {  	[tilespmem:s24], [sflag:$0x2] =	stream.indirect.gather @!p2 [spmem:s3], $0x20, s14, s18, $0xb8;
	[tilespmem:$0x1BD20] =	vst v63  }
0xc0: {  	s14 =	sadd.s32 @!p2 $0x580, s17;
	s17 =	simm.s32 @!p2 $0xD000  }
0xc1: {  	[tilespmem:s17], [sflag:$0x2] =	stream.indirect.gather @!p2 [spmem:s3], $0x20, s14, s18, $0xb8;
	[tilespmem:$0x1BD20] =	vst v63  }
0xc2: {  	_ =	swait.ge [sflag:s7], $0x1000  }
0xc3: {  	[sflag:s7] =	ssyncset.done $0x0  }
.Ltmp0:
0xc4: {  	[sflag:s7] =	ssyncadd.s32 $0xFFFFF000;
	(pc) =	sbr.rel @p1 .LBB2_2-.Ltmp0, $4  }
0xc5: {  	_ =	swait.ge [sflag:s7], $0x1000  }
0xc6: {  	s14 =	sadd.s32 $0x5300, s13;
	[sflag:s7] =	ssyncset.done $0x0  }
0xc7: {  	p2 =	seq.s32 s11, $0x0;
	s13 =	sadd.s32 $0x5380, s13;
	[sflag:s7] =	ssyncadd.s32 $0xFFFFF000  }
0xc8: {  	[spmem:s1] =	stream.indirect.scatter.add.f32 [tilespmem:s0], [sflag:$0x8], $0x20, s14, s19, $0xb8;
	[tilespmem:$0x1BD20] =	vst v63  }
0xc9: {  	s14 =	simm.s32 @!p2 $0x7  }
0xca: {  	[spmem:s1] =	stream.indirect.scatter.add.f32 [tilespmem:s2], [sflag:$0x8], $0x20, s13, s19, $0xb8;
	[tilespmem:$0x1BD20] =	vst v63  }
0xcb: {  	_ =	swait.ge @!p2 [sflag:s14], $0x1000  }
0xcc: {  	[sflag:s14] =	ssyncset.done @!p2 $0x0  }
0xcd: {  	[sflag:s14] =	ssyncadd.s32 @!p2 $0xFFFFF000  }
0xce: {  	_ =	swait.ge @!p2 [sflag:s14], $0x1000  }
0xcf: {  	s12 =	sshra.s32 s11, $0x2;
	[sflag:s14] =	ssyncset.done @!p2 $0x0  }
0xd0: {  	[sflag:s14] =	ssyncadd.s32 @!p2 $0xFFFFF000;
	s14 =	sadd.s32 $0x200, s12  }
0xd1: {  	[tilespmem:s29], [sflag:$0x3] =	stream.indirect.gather [spmem:s3], $0x20, s14, s19, $0xb8;
	[tilespmem:$0x1BD20] =	vst v63  }
0xd2: {  	s17 =	sadd.s32 $0x280, s12  }
0xd3: {  	[tilespmem:s30], [sflag:$0x3] =	stream.indirect.gather [spmem:s3], $0x20, s17, s19, $0xb8;
	[tilespmem:$0x1BD20] =	vst v63  }
0xd4: {  	_ =	swait.ge [sflag:s31], $0x1000  }
0xd5: {  	[sflag:s31] =	ssyncset.done $0x0  }
0xd6: {  	[sflag:s31] =	ssyncadd.s32 $0xFFFFF000  }
0xd7: {  	_ =	swait.ge [sflag:s31], $0x1000  }
0xd8: {  	[sflag:s31] =	ssyncset.done $0x0  }
0xd9: {  	s18 =	sadd.s32 $0x5000, s12;
	[sflag:s31] =	ssyncadd.s32 $0xFFFFF000  }
0xda: {  	[spmem:s1] =	stream.indirect.scatter.add.f32 [tilespmem:s20], [sflag:$0x5], $0x20, s18, s19, $0xb8;
	[tilespmem:$0x1BD20] =	vst v63  }
0xdb: {  	s24 =	sadd.s32 $0x5080, s12;
	s14 =	simm.s32 @!p2 $0x8  }
0xdc: {  	[spmem:s1] =	stream.indirect.scatter.add.f32 [tilespmem:s21], [sflag:$0x5], $0x20, s24, s19, $0xb8;
	[tilespmem:$0x1BD20] =	vst v63  }
0xdd: {  	_ =	swait.ge @!p2 [sflag:s14], $0x1000  }
0xde: {  	[sflag:s14] =	ssyncset.done @!p2 $0x0  }
0xdf: {  	[sflag:s14] =	ssyncadd.s32 @!p2 $0xFFFFF000  }
0xe0: {  	_ =	swait.ge @!p2 [sflag:s14], $0x1000  }
0xe1: {  	[sflag:s14] =	ssyncset.done @!p2 $0x0  }
0xe2: {  	s25 =	sadd.s32 $0x300, s12;
	[sflag:s14] =	ssyncadd.s32 @!p2 $0xFFFFF000  }
0xe3: {  	[tilespmem:s0], [sflag:$0x4] =	stream.indirect.gather [spmem:s3], $0x20, s25, s19, $0xb8;
	[tilespmem:$0x1BD20] =	vst v63  }
0xe4: {  	s14 =	sadd.s32 $0x380, s12  }
0xe5: {  	[tilespmem:s2], [sflag:$0x4] =	stream.indirect.gather [spmem:s3], $0x20, s14, s19, $0xb8;
	[tilespmem:$0x1BD20] =	vst v63  }
0xe6: {  	_ =	swait.ge [sflag:s16], $0x1000  }
0xe7: {  	[sflag:s16] =	ssyncset.done $0x0  }
0xe8: {  	[sflag:s16] =	ssyncadd.s32 $0xFFFFF000  }
0xe9: {  	_ =	swait.ge [sflag:s16], $0x1000  }
0xea: {  	[sflag:s16] =	ssyncset.done $0x0  }
0xeb: {  	s17 =	sadd.s32 $0x5100, s12;
	[sflag:s16] =	ssyncadd.s32 $0xFFFFF000  }
0xec: {  	[spmem:s1] =	stream.indirect.scatter.add.f32 [tilespmem:s23], [sflag:$0x6], $0x20, s17, s19, $0xb8;
	[tilespmem:$0x1BD20] =	vst v63  }
0xed: {  	s18 =	sadd.s32 $0x5180, s12  }
0xee: {  	[spmem:s1] =	stream.indirect.scatter.add.f32 [tilespmem:s28], [sflag:$0x6], $0x20, s18, s19, $0xb8;
	[tilespmem:$0x1BD20] =	vst v63  }
0xef: {  	_ =	swait.ge [sflag:s22], $0x1000  }
0xf0: {  	[sflag:s22] =	ssyncset.done $0x0  }
0xf1: {  	[sflag:s22] =	ssyncadd.s32 $0xFFFFF000  }
0xf2: {  	p1 =	seq.s32 s11, $0x13000;
	_ =	swait.ge [sflag:s22], $0x1000  }
0xf3: {  	s11 =	sshra.s32 @!p1 s11, $0x2;
	s13 =	simm.s32 @!p1 $0x80;
	[sflag:s22] =	ssyncset.done $0x0  }
0xf4: {  	s14 =	sadd.s32 @!p1 $0x400, s11;
	s17 =	simm.s32 @!p1 $0xA000;
	[sflag:s22] =	ssyncadd.s32 $0xFFFFF000  }
0xf5: {  	[tilespmem:s17], [sflag:$0x1] =	stream.indirect.gather @!p1 [spmem:s3], $0x20, s14, s13, $0xb8;
	[tilespmem:$0x1BD20] =	vst v63  }
0xf6: {  	s14 =	sadd.s32 @!p1 $0x480, s11;
	s17 =	simm.s32 @!p1 $0xB000  }
0xf7: {  	[tilespmem:s17], [sflag:$0x1] =	stream.indirect.gather @!p1 [spmem:s3], $0x20, s14, s13, $0xb8;
	[tilespmem:$0x1BD20] =	vst v63  }
0xf8: {  	_ =	swait.ge [sflag:s26], $0x1000  }
0xf9: {  	[sflag:s26] =	ssyncset.done $0x0  }
0xfa: {  	[sflag:s26] =	ssyncadd.s32 $0xFFFFF000  }
0xfb: {  	_ =	swait.ge [sflag:s26], $0x1000  }
0xfc: {  	[sflag:s26] =	ssyncset.done $0x0  }
0xfd: {  	s24 =	sadd.s32 $0x5200, s12;
	[sflag:s26] =	ssyncadd.s32 $0xFFFFF000  }
0xfe: {  	[spmem:s1] =	stream.indirect.scatter.add.f32 [tilespmem:s29], [sflag:$0x7], $0x20, s24, s19, $0xb8;
	[tilespmem:$0x1BD20] =	vst v63  }
0xff: {  	s25 =	sadd.s32 $0x5280, s12  }
0x100: {  	[spmem:s1] =	stream.indirect.scatter.add.f32 [tilespmem:s30], [sflag:$0x7], $0x20, s25, s19, $0xb8;
	[tilespmem:$0x1BD20] =	vst v63  }
0x101: {  	_ =	swait.ge [sflag:s5], $0x1000  }
0x102: {  	[sflag:s5] =	ssyncset.done $0x0  }
0x103: {  	[sflag:s5] =	ssyncadd.s32 $0xFFFFF000  }
0x104: {  	_ =	swait.ge [sflag:s5], $0x1000  }
0x105: {  	[sflag:s5] =	ssyncset.done $0x0  }
0x106: {  	s14 =	sadd.s32 @!p1 $0x500, s11;
	s17 =	simm.s32 @!p1 $0xC000;
	[sflag:s5] =	ssyncadd.s32 $0xFFFFF000  }
0x107: {  	[tilespmem:s17], [sflag:$0x2] =	stream.indirect.gather @!p1 [spmem:s3], $0x20, s14, s13, $0xb8;
	[tilespmem:$0x1BD20] =	vst v63  }
0x108: {  	s11 =	sadd.s32 @!p1 $0x580, s11;
	s14 =	simm.s32 @!p1 $0xD000  }
0x109: {  	[tilespmem:s14], [sflag:$0x2] =	stream.indirect.gather @!p1 [spmem:s3], $0x20, s11, s13, $0xb8;
	[tilespmem:$0x1BD20] =	vst v63  }
0x10a: {  	_ =	swait.ge [sflag:s7], $0x1000  }
0x10b: {  	[sflag:s7] =	ssyncset.done $0x0  }
0x10c: {  	[sflag:s7] =	ssyncadd.s32 $0xFFFFF000  }
0x10d: {  	_ =	swait.ge [sflag:s7], $0x1000  }
0x10e: {  	[sflag:s7] =	ssyncset.done $0x0  }
0x10f: {  	s14 =	sadd.s32 $0x5300, s12;
	[sflag:s7] =	ssyncadd.s32 $0xFFFFF000  }
0x110: {  	[spmem:s1] =	stream.indirect.scatter.add.f32 [tilespmem:s0], [sflag:$0x8], $0x20, s14, s19, $0xb8;
	[tilespmem:$0x1BD20] =	vst v63  }
0x111: {  	s17 =	sadd.s32 $0x5380, s12  }
0x112: {  	[spmem:s1] =	stream.indirect.scatter.add.f32 [tilespmem:s2], [sflag:$0x8], $0x20, s17, s19, $0xb8;
	[tilespmem:$0x1BD20] =	vst v63  }
0x113: {  	_ =	swait.ge [sflag:s8], $0x1000  }
0x114: {  	[sflag:s8] =	ssyncset.done $0x0  }
0x115: {  	[sflag:s8] =	ssyncadd.s32 $0xFFFFF000  }
0x116: {  	_ =	swait.ge [sflag:s8], $0x1000  }
0x117: {  	[sflag:s8] =	ssyncset.done $0x0  }
0x118: {  	[sflag:s8] =	ssyncadd.s32 $0xFFFFF000  }
0x119: {  	_ =	swait.ge [sflag:s9], $0x1000  }
0x11a: {  	[sflag:s9] =	ssyncset.done $0x0  }
0x11b: {  	[sflag:s9] =	ssyncadd.s32 $0xFFFFF000  }
0x11c: {  	_ =	swait.ge [sflag:s9], $0x1000  }
0x11d: {  	[sflag:s9] =	ssyncset.done $0x0  }
0x11e: {  	[sflag:s9] =	ssyncadd.s32 $0xFFFFF000  }
0x11f: {  	[bflag:$0x0] =	sbarrier.arrive $0xFFFF  }
0x120: {  	s18 =	rddreg [dreg:$0x9]  }
0x121: {  	s24 =	rddreg [dreg:$0xf]  }
0x122: {  	[hbm:s18], [sflag:s6] =	dma.local [spmem:s24], $0x9C0  }
0x123: {  	_ =	swait.ge [sflag:s15], $0x9C0  }
0x124: {  	[sflag:s15] =	ssyncset.done $0x0;
	s11 =	rddreg [dreg:$0xa]  }
0x125: {  	s12 =	rddreg [dreg:$0x10];
	[sflag:s15] =	ssyncadd.s32 $0xFFFFF640  }
0x126: {  	[hbm:s11], [sflag:s6] =	dma.local @!p0 [spmem:s12], $0x40  }
0x127: {  	s11 =	simm.s32 @!p0 $0x9  }
0x128: {  	_ =	swait.ge @!p0 [sflag:s11], $0x40  }
0x129: {  	s10 =	sadd.s32 $0x1, s10;
	s25 =	rddreg [dreg:$0xb]  }
0x12a: {  	p1 =	sne.s32 s10, s25  }
.Ltmp1:
0x12b: {  	_ = 	snop;
	(pc) =	sbr.rel @p1 .LBB2_1-.Ltmp1, $3  }
0x12c: {  	_ =	sdelay $0x1  }
0x12d: {  	[sflag:s11] =	ssyncset.done @!p0 $0x0  }
0x12e: {  	[sflag:s11] =	ssyncadd.s32 @!p0 $0xFFFFFFC0  }
0x12f: {  	_ =	sfence.sel $0x180000  }
0x130: {  	[bflag:$0x0] =	sbarrier.arrive $0xFFFF  }
0x131: {  	_ =	strace $0x90000050  }
0x132: {  	s0 =	stileid.u32;
	[bflag:$0x2] =	sbarrier.arrive $0xFFFF  }
0x133: {  	p0 =	sne.s32 s0, $0x0;
	s0 =	rddreg [dreg:$0x3]  }
0x134: {  	s0 =	sadd.s32 @!p0 $0x100000, s0  }
0x135: {  	[sflag:s0] =	ssyncadd.tile.s32 @!p0 $0x1;
	_ =	shalt  }
.Lfunc_end2:
_tile_overlayer_lowered:
.L_overlay_start_2:
0x136: {  	(tag) =	ssettag $0x2  }
0x137: {  	s0 =	rddreg [dreg:$0x0];
	s2 =	stileid.u32  }
0x138: {  	s1 =	rddreg [dreg:$0x1];
	p0 =	sne.s32 s2, $0x0  }
0x139: {  	s3 =	rddreg [dreg:$0x2];
	[bflag:$0x3] =	sbarrier.arrive $0xFFFF;
	s2 =	simm.s32 @!p0 $0x1C09  }
0x13a: {  	[timem:s3], [sflag:s2] =	dma.local @!p0 [hbm:s0], s1  }
0x13b: {  	s0 =	simm.s32 @!p0 $0x9  }
0x13c: {  	_ =	swait.ge @!p0 [sflag:s0], s1  }
0x13d: {  	s1 =	ssub.s32 @!p0 $0x0, s1;
	[sflag:s0] =	ssyncset.done @!p0 $0x0  }
0x13e: {  	[sflag:s0] =	ssyncadd.s32 @!p0 s1  }
0x13f: {  	[bflag:$0x3] =	sbarrier.arrive $0xFFFF  }
0x140: {  	_ =	shalt  }

</sc_bundles>
